<compile_context>
chip_gen: v7x
topology: tpu7x:2x2x1
jax: 0.10.2.dev20260603
libtpu: 0.0.44.dev20260713+nightly
codegen_flags: <defaults>
</compile_context>

<pallas_src>
import functools

import jax
import jax.numpy as jnp
from jax import lax
from jax.experimental import pallas as pl
from jax.experimental.pallas import tpu as pltpu
from jax.experimental.pallas import tpu_sc as plsc

_NC = 2
_NS = 16
_NW = _NC * _NS

def _dot(x, w):
    return jnp.dot(x, w, preferred_element_type=jnp.float32)




def _sc_gather(slate2d, users2d, items2d, uhi2d, ihi2d,
               user_emb, item_emb, ulin16, ilin16, item_slate_emb,
               B, S, D):
    n_big = (S * B) // _NW
    n_sm = B // _NW
    big_chunks = n_big // 128
    sm_chunks = n_sm // 128
    GROUP = 8
    n_groups = big_chunks // GROUP

    mesh = plsc.VectorSubcoreMesh(core_axis_name="c", subcore_axis_name="s")

    @functools.partial(
        pl.kernel,
        mesh=mesh,
        compiler_params=pltpu.CompilerParams(use_tc_tiling_on_sc=False),
        out_type=[
            jax.ShapeDtypeStruct((S * B, D), jnp.float32),
            jax.ShapeDtypeStruct((B, D), jnp.float32),
            jax.ShapeDtypeStruct((B, D), jnp.float32),
            jax.ShapeDtypeStruct((B, D), jnp.float32),
            jax.ShapeDtypeStruct((B, 16), jnp.float32),
            jax.ShapeDtypeStruct((B, 16), jnp.float32),
        ],
        scratch_types=[
            pltpu.VMEM((big_chunks, 128), jnp.int32),
            pltpu.VMEM((sm_chunks, 128), jnp.int32),
            pltpu.VMEM((sm_chunks, 128), jnp.int32),
            pltpu.VMEM((GROUP * 128, D), jnp.float32),
            pltpu.VMEM((n_sm, D), jnp.float32),
            pltpu.SemaphoreType.DMA,
        ],
    )
    def k(slate_idx_hbm, uidx_hbm, iidx_hbm, uhidx_hbm, ihidx_hbm,
          uemb_hbm, iemb_hbm, ulin_hbm, ilin_hbm, semb_hbm,
          big_out, ue_out, ie_out, ts_out, ul_out, il_out,
          bidx_v, uidx_v, iidx_v, rows_v, rows_sm, sem):
        wid = lax.axis_index("s") * _NC + lax.axis_index("c")
        base_b = wid * n_sm
        base_r = wid * n_big

        pltpu.sync_copy(slate_idx_hbm.at[pl.ds(wid * big_chunks, big_chunks)],
                        bidx_v)
        pltpu.sync_copy(uidx_hbm.at[pl.ds(wid * sm_chunks, sm_chunks)], uidx_v)
        pltpu.sync_copy(iidx_hbm.at[pl.ds(wid * sm_chunks, sm_chunks)], iidx_v)

        def small_gather(table_hbm, idx_v, buf, out_hbm):
            cps = []
            for j in range(sm_chunks):
                cps.append(pltpu.async_copy(
                    table_hbm.at[idx_v.at[j]],
                    buf.at[pl.ds(j * 128, 128)], sem))
            for cp in cps:
                cp.wait()
            pltpu.sync_copy(buf, out_hbm.at[pl.ds(base_b, n_sm)])

        small_gather(uemb_hbm, uidx_v, rows_sm, ue_out)
        small_gather(iemb_hbm, iidx_v, rows_sm, ie_out)
        small_gather(semb_hbm, iidx_v, rows_sm, ts_out)
        pltpu.sync_copy(uhidx_hbm.at[pl.ds(wid * sm_chunks, sm_chunks)],
                        uidx_v)
        pltpu.sync_copy(ihidx_hbm.at[pl.ds(wid * sm_chunks, sm_chunks)],
                        iidx_v)
        small_gather(ulin_hbm, uidx_v, rows_sm, ul_out)
        small_gather(ilin_hbm, iidx_v, rows_sm, il_out)

        for g in range(n_groups):
            cps = []
            for j in range(GROUP):
                cps.append(pltpu.async_copy(
                    semb_hbm.at[bidx_v.at[g * GROUP + j]],
                    rows_v.at[pl.ds(j * 128, 128)], sem))
            for cp in cps:
                cp.wait()
            pltpu.sync_copy(
                rows_v, big_out.at[pl.ds(base_r + g * GROUP * 128,
                                         GROUP * 128)])

    return k(slate2d, users2d, items2d, uhi2d, ihi2d,
             user_emb, item_emb, ulin16, ilin16, item_slate_emb)




def _make_consts(S, D, k_w, v_w, k_b, v_b):
    nh, hd = 4, D // 4
    s_ar = jnp.arange(S)
    d_ar = jnp.arange(D)
    eye_s = (s_ar[:, None] == s_ar[None, :]).astype(jnp.float32)

    def bd(w):
        return jnp.einsum("st,de->sdte", eye_s, w).reshape(S * D, S * D)

    tile16 = jnp.tile(jnp.eye(D, dtype=jnp.float32), (1, S))
    row = jnp.arange(S * D)
    col = jnp.arange(S * nh)
    hsum_w = ((row[:, None] // D == col[None, :] // nh) &
              ((row[:, None] % D) // hd == col[None, :] % nh)
              ).astype(jnp.float32)
    hd_w = (col[:, None] % nh ==
            jnp.arange(nh)[None, :]).astype(jnp.float32)
    hexp_w = hsum_w.T
    htile = (row[:, None] % D == d_ar[None, :]).astype(jnp.float32)
    hexp4 = (jnp.arange(nh)[:, None] == d_ar[None, :] // hd
             ).astype(jnp.float32)
    return (bd(k_w), bd(v_w),
            jnp.tile(k_b.reshape(1, D), (1, S)),
            jnp.tile(v_b.reshape(1, D), (1, S)),
            tile16, hsum_w, hd_w, hexp_w, htile, hexp4)


def _tc_body(S, D, R, nblk, B,
             isw_ref, ue_ref, ie_ref, ts_ref, ul_ref, il_ref,
             ulo_ref, ilo_ref,
             es_w1, es_b1, es_w2, es_b2,
             et_w1, et_b1, et_w2, et_b2,
             dec_w1, dec_b1, dec_w2, dec_b2,
             q_w, q_b, st_w, st_b,
             bdk_ref, bdv_ref, kb_w_ref, vb_w_ref,
             tile16_ref, hsum_ref, hd_ref, hexp_ref, htile_ref, hexp4_ref,
             out_ref, loss_ref, acc_ref):
    i = pl.program_id(0)

    @pl.when(i == 0)
    def _():
        acc_ref[0] = 0.0
        acc_ref[1] = 0.0

    uE = ue_ref[...]
    iE = ie_ref[...]
    tS = ts_ref[...]
    isw = isw_ref[...]

    q = _dot(tS, q_w[...]) + q_b[...]
    qrep = _dot(q, tile16_ref[...])
    kw_wide = _dot(isw, bdk_ref[...]) + kb_w_ref[...]
    scores = _dot(qrep * kw_wide, hsum_ref[...]) * 0.5
    e = jnp.exp(scores)
    denom = _dot(e, hd_ref[...])
    u = _dot(e, hexp_ref[...])
    vw_wide = _dot(isw, bdv_ref[...]) + vb_w_ref[...]
    att = _dot(u * vw_wide, htile_ref[...])
    att = att / _dot(denom, hexp4_ref[...])

    student = _dot(jax.nn.relu(_dot(uE, es_w1[...]) + es_b1[...]),
                   es_w2[...]) + es_b2[...]
    teacher_h = jax.nn.relu(_dot(uE, et_w1[pl.ds(0, D), :]) +
                            _dot(att, et_w1[pl.ds(D, D), :]) + et_b1[...])
    teacher = _dot(teacher_h, et_w2[...]) + et_b2[...]

    dec_h = jax.nn.relu(_dot(uE, dec_w1[pl.ds(0, D), :]) +
                        _dot(teacher, dec_w1[pl.ds(D, D), :]) + dec_b1[...])
    input_slate = _dot(dec_h, dec_w2[...]) + dec_b2[...]

    fm = jnp.sum(uE * iE, axis=1, keepdims=True)
    slate = _dot(input_slate, st_w[...]) + st_b[...]
    lanes = jax.lax.broadcasted_iota(jnp.int32, (R, 16), 1)
    uL = jnp.sum(jnp.where(lanes == ulo_ref[...], ul_ref[...], 0.0),
                 axis=1, keepdims=True)
    iL = jnp.sum(jnp.where(lanes == ilo_ref[...], il_ref[...], 0.0),
                 axis=1, keepdims=True)
    logit = uL + iL + fm + slate
    out_ref[...] = jax.nn.sigmoid(logit)

    acc_ref[0] += jnp.sum((student - teacher) ** 2)
    acc_ref[1] += jnp.sum((fm + slate) ** 2)

    @pl.when(i == nblk - 1)
    def _():
        loss_ref[...] = jnp.full(
            (1, 1), (acc_ref[0] + 0.1 * acc_ref[1]) / B, jnp.float32)


def _tc_dense(iSw, uE, iE, tS, uL16, iL16, ulo, ilo, params, B, S, D, R):
    (es_w1, es_b1, es_w2, es_b2, et_w1, et_b1, et_w2, et_b2,
     dec_w1, dec_b1, dec_w2, dec_b2, q_w, q_b, k_w, k_b, v_w, v_b,
     st_w, st_b) = params
    small = (es_w1, es_b1.reshape(1, -1), es_w2, es_b2.reshape(1, -1),
             et_w1, et_b1.reshape(1, -1), et_w2, et_b2.reshape(1, -1),
             dec_w1, dec_b1.reshape(1, -1), dec_w2, dec_b2.reshape(1, -1),
             q_w, q_b.reshape(1, -1), st_w, st_b.reshape(1, -1))
    consts = _make_consts(S, D, k_w, v_w, k_b, v_b)

    nblk = B // R
    full = lambda shape: pl.BlockSpec(shape, lambda i: (0,) * len(shape))
    in_specs = [
        pl.BlockSpec((R, S * D), lambda i: (i, 0)),
        pl.BlockSpec((R, D), lambda i: (i, 0)),
        pl.BlockSpec((R, D), lambda i: (i, 0)),
        pl.BlockSpec((R, D), lambda i: (i, 0)),
        pl.BlockSpec((R, 16), lambda i: (i, 0)),
        pl.BlockSpec((R, 16), lambda i: (i, 0)),
        pl.BlockSpec((R, 1), lambda i: (i, 0)),
        pl.BlockSpec((R, 1), lambda i: (i, 0)),
    ] + [full(w.shape) for w in small] + [full(c.shape) for c in consts]
    out_shape = [
        jax.ShapeDtypeStruct((B, 1), jnp.float32),
        jax.ShapeDtypeStruct((1, 1), jnp.float32),
    ]
    out_specs = [
        pl.BlockSpec((R, 1), lambda i: (i, 0)),
        pl.BlockSpec((1, 1), lambda i: (0, 0)),
    ]
    body = functools.partial(_tc_body, S, D, R, nblk, B)
    return pl.pallas_call(
        body,
        grid=(nblk,),
        in_specs=in_specs,
        out_specs=out_specs,
        out_shape=out_shape,
        scratch_shapes=[pltpu.SMEM((2,), jnp.float32)],
    )(iSw, uE, iE, tS, uL16, iL16, ulo, ilo, *small, *consts)


def kernel(users, items, slate_ids, slate_poses, slate_ratings,
           user_emb, item_emb, user_lin_t, item_lin_t, item_slate_emb,
           es_w1, es_b1, es_w2, es_b2,
           et_w1, et_b1, et_w2, et_b2,
           dec_w1, dec_b1, dec_w2, dec_b2,
           q_w, q_b, k_w, k_b, v_w, v_b,
           st_w, st_b):
    B, S = slate_ids.shape
    D = user_emb.shape[1]

    slate2d = slate_ids.reshape(S * B // 128, 128).astype(jnp.int32)
    uflat = users.reshape(-1).astype(jnp.int32)
    iflat = items.reshape(-1).astype(jnp.int32)
    users2d = uflat.reshape(B // 128, 128)
    items2d = iflat.reshape(B // 128, 128)
    uhi2d = (uflat // 16).reshape(B // 128, 128)
    ihi2d = (iflat // 16).reshape(B // 128, 128)
    ulin16 = user_lin_t.reshape(-1, 16)
    ilin16 = item_lin_t.reshape(-1, 16)

    iS_flat, uE, iE, tS, uL16, iL16 = _sc_gather(
        slate2d, users2d, items2d, uhi2d, ihi2d,
        user_emb, item_emb, ulin16, ilin16, item_slate_emb,
        B, S, D)
    ulo = (uflat % 16).reshape(B, 1)
    ilo = (iflat % 16).reshape(B, 1)

    params = (es_w1, es_b1, es_w2, es_b2, et_w1, et_b1, et_w2, et_b2,
              dec_w1, dec_b1, dec_w2, dec_b2, q_w, q_b, k_w, k_b, v_w, v_b,
              st_w, st_b)
    R = 512
    sig, loss = _tc_dense(iS_flat.reshape(B, S * D), uE, iE, tS,
                          uL16, iL16, ulo, ilo, params, B, S, D, R)
    return sig, loss.reshape(())

# --- scband reference (transcript-rebuilt; emitter-appended) ---
"""Pipeline reference for scband-fmslate-39659728011358 (READ-ONLY COPY).

The authoritative reference and input builder live on the scoring server;
editing this copy changes nothing except your own understanding.
"""

import jax, jax.numpy as jnp
import numpy as np

B = 16384
S = 20
D = 16
VOC = 1000000


def _linear(x, w, b):
    return x @ w + b


def setup_inputs(seed: int = 0):
    key = jax.random.key(seed)
    ks = jax.random.split(key, 40)
    sc = 0.05
    inp = {}
    inp["users"] = jax.random.randint(ks[0], (B, 1), 0, VOC)
    inp["items"] = jax.random.randint(ks[1], (B, 1), 0, VOC)
    inp["slate_ids"] = jax.random.randint(ks[2], (B, S), 0, VOC)
    inp["slate_poses"] = jax.random.randint(ks[3], (B, S), 0, S)
    inp["slate_ratings"] = jax.random.uniform(ks[4], (B, S), dtype=jnp.float32)
    inp["user_emb"] = jax.random.normal(ks[5], (VOC, D), dtype=jnp.float32) * sc
    inp["item_emb"] = jax.random.normal(ks[6], (VOC, D), dtype=jnp.float32) * sc
    inp["user_lin_t"] = jax.random.normal(ks[7], (VOC, 1), dtype=jnp.float32) * sc
    inp["item_lin_t"] = jax.random.normal(ks[8], (VOC, 1), dtype=jnp.float32) * sc
    inp["item_slate_emb"] = jax.random.normal(ks[9], (VOC, D), dtype=jnp.float32) * sc
    inp["es_w1"] = jax.random.normal(ks[10], (D, 16), dtype=jnp.float32) * sc
    inp["es_b1"] = jnp.zeros((16,), jnp.float32)
    inp["es_w2"] = jax.random.normal(ks[11], (16, 16), dtype=jnp.float32) * sc
    inp["es_b2"] = jnp.zeros((16,), jnp.float32)
    inp["et_w1"] = jax.random.normal(ks[12], (2 * D, 16), dtype=jnp.float32) * sc
    inp["et_b1"] = jnp.zeros((16,), jnp.float32)
    inp["et_w2"] = jax.random.normal(ks[13], (16, 16), dtype=jnp.float32) * sc
    inp["et_b2"] = jnp.zeros((16,), jnp.float32)
    inp["dec_w1"] = jax.random.normal(ks[14], (D + 16, D), dtype=jnp.float32) * sc
    inp["dec_b1"] = jnp.zeros((D,), jnp.float32)
    inp["dec_w2"] = jax.random.normal(ks[15], (16, 16), dtype=jnp.float32) * sc
    inp["dec_b2"] = jnp.zeros((16,), jnp.float32)
    inp["q_w"] = jax.random.normal(ks[16], (D, 16), dtype=jnp.float32) * sc
    inp["q_b"] = jnp.zeros((16,), jnp.float32)
    inp["k_w"] = jax.random.normal(ks[17], (D, 16), dtype=jnp.float32) * sc
    inp["k_b"] = jnp.zeros((16,), jnp.float32)
    inp["v_w"] = jax.random.normal(ks[18], (D, 16), dtype=jnp.float32) * sc
    inp["v_b"] = jnp.zeros((16,), jnp.float32)
    inp["st_w"] = jax.random.normal(ks[19], (16, 1), dtype=jnp.float32) * sc
    inp["st_b"] = jnp.zeros((1,), jnp.float32)
    return inp


def reference(users, items, slate_ids, slate_poses, slate_ratings,
              user_emb, item_emb, user_lin_t, item_lin_t, item_slate_emb,
              es_w1, es_b1, es_w2, es_b2,
              et_w1, et_b1, et_w2, et_b2,
              dec_w1, dec_b1, dec_w2, dec_b2,
              q_w, q_b, k_w, k_b, v_w, v_b,
              st_w, st_b):
    uE = user_emb[users.reshape(-1)]
    uL = user_lin_t[users.reshape(-1)]
    iE = item_emb[items.reshape(-1)]
    iL = item_lin_t[items.reshape(-1)]
    iS = item_slate_emb[slate_ids]            # [B, S, D]
    targetS = item_slate_emb[items]           # [B, 1, D]
    bsz = uE.shape[0]
    output_student = _linear(jax.nn.relu(_linear(uE, es_w1, es_b1)), es_w2, es_b2)
    query = jnp.stack(jnp.split(_linear(targetS, q_w, q_b), 4, axis=-1), axis=1)   # [B, 4, 1, 4]
    key_ = jnp.stack(jnp.split(_linear(iS, k_w, k_b), 4, axis=-1), axis=1)         # [B, 4, S, 4]
    value = jnp.stack(jnp.split(_linear(iS, v_w, v_b), 4, axis=-1), axis=1)        # [B, 4, S, 4]
    weight = jnp.matmul(query, jnp.swapaxes(key_, 2, 3)) / 2
    weight = jax.nn.softmax(weight, axis=-1)
    iS_att = jnp.matmul(weight, value).reshape(bsz, -1)                            # [B, 16]
    input_teacher = jnp.concatenate([uE, iS_att], axis=1)
    output_teacher = _linear(jax.nn.relu(_linear(input_teacher, et_w1, et_b1)), et_w2, et_b2)
    reg_loss = jnp.mean(jnp.sum(jnp.square(output_student - output_teacher), axis=-1))
    # torch modules default to training=True -> teacher branch
    input_decoder = jnp.concatenate([uE, output_teacher], axis=1)
    input_slate = _linear(jax.nn.relu(_linear(input_decoder, dec_w1, dec_b1)), dec_w2, dec_b2)
    dense_input = jnp.stack([uE, iE], axis=1)                                      # [B, 2, D]
    square_of_sum = jnp.sum(dense_input, axis=1) ** 2
    sum_of_square = jnp.sum(dense_input ** 2, axis=1)
    fm_term = 0.5 * jnp.sum(square_of_sum - sum_of_square, axis=1, keepdims=True)
    slate_term = _linear(input_slate, st_w, st_b)
    output = uL + iL + fm_term + slate_term
    return jax.nn.sigmoid(output), reg_loss + 0.1 * jnp.mean((fm_term + slate_term) ** 2)

if __name__ == "__main__":
    import jax
    _d = setup_inputs()
    print(jax.jit(kernel)(*tuple(_d.values())))

</pallas_src>

<mosaic_0001>
#map = affine_map<(d0, d1) -> (0, 0)>
module attributes {stable_mosaic.version = 14 : i64} {
  func.func @k(%arg0: i32, %arg1: i32, %arg2: memref<2560x128xi32, #tpu.memory_space<hbm>>, %arg3: memref<128x128xi32, #tpu.memory_space<hbm>>, %arg4: memref<128x128xi32, #tpu.memory_space<hbm>>, %arg5: memref<128x128xi32, #tpu.memory_space<hbm>>, %arg6: memref<128x128xi32, #tpu.memory_space<hbm>>, %arg7: memref<1000000x16xf32, #tpu.memory_space<hbm>>, %arg8: memref<1000000x16xf32, #tpu.memory_space<hbm>>, %arg9: memref<62500x16xf32, #tpu.memory_space<hbm>>, %arg10: memref<62500x16xf32, #tpu.memory_space<hbm>>, %arg11: memref<1000000x16xf32, #tpu.memory_space<hbm>>, %arg12: memref<327680x16xf32, #tpu.memory_space<hbm>>, %arg13: memref<16384x16xf32, #tpu.memory_space<hbm>>, %arg14: memref<16384x16xf32, #tpu.memory_space<hbm>>, %arg15: memref<16384x16xf32, #tpu.memory_space<hbm>>, %arg16: memref<16384x16xf32, #tpu.memory_space<hbm>>, %arg17: memref<16384x16xf32, #tpu.memory_space<hbm>>, %arg18: memref<80x128xi32, #tpu.memory_space<vmem>>, %arg19: memref<4x128xi32, #tpu.memory_space<vmem>>, %arg20: memref<4x128xi32, #tpu.memory_space<vmem>>, %arg21: memref<1024x16xf32, #tpu.memory_space<vmem>>, %arg22: memref<512x16xf32, #tpu.memory_space<vmem>>, %arg23: memref<!tpu.dma_semaphore, #tpu.memory_space<semaphore_mem>>) attributes {dimension_semantics = [#tpu.dimension_semantics<core_parallel>, #tpu.dimension_semantics<subcore_parallel>], iteration_bounds = array<i64: 2, 16>, scalar_prefetch = 0 : i64, scratch_operands = 6 : i64, tpu.core_type = #tpu.core_type<sc_vector_subcore>, window_params = [{transform_indices = #map}, {transform_indices = #map}, {transform_indices = #map}, {transform_indices = #map}, {transform_indices = #map}, {transform_indices = #map}, {transform_indices = #map}, {transform_indices = #map}, {transform_indices = #map}, {transform_indices = #map}, {transform_indices = #map}, {transform_indices = #map}, {transform_indices = #map}, {transform_indices = #map}, {transform_indices = #map}, {transform_indices = #map}]} {
    %mul3A = arith.constant 2 : i32
    %mul3A_0 = arith.muli %arg1, %mul3A : i32
    %add3A = arith.addi %mul3A_0, %arg0 : i32
    %mul3A_1 = arith.constant 512 : i32
    %mul3A_2 = arith.muli %add3A, %mul3A_1 : i32
    %mul3A_3 = arith.constant 10240 : i32
    %mul3A_4 = arith.muli %add3A, %mul3A_3 : i32
    %mul3A_5 = arith.constant 80 : i32
    %mul3A_6 = arith.muli %add3A, %mul3A_5 : i32
    "tpu.region"() ({
      %run_scoped3A = tpu.sem_alloc : memref<!tpu.dma_semaphore, #tpu.memory_space<semaphore_mem>>
      %dma_start3A_2033 = arith.constant 0 : i32
      %dma_start3A_2034 = tpu.memref_slice %arg2[%mul3A_6, %dma_start3A_2033] : memref<2560x128xi32, #tpu.memory_space<hbm>> -> memref<80x128xi32, #tpu.memory_space<hbm>>
      %dma_start3A_2035 = arith.constant 0 : i32
      %dma_start3A_2036 = tpu.memref_slice %arg2[%mul3A_6, %dma_start3A_2035] : memref<2560x128xi32, #tpu.memory_space<hbm>> -> memref<80x128xi32, #tpu.memory_space<hbm>>
      tpu.enqueue_dma source(%dma_start3A_2036 : memref<80x128xi32, #tpu.memory_space<hbm>>) target(%arg18 : memref<80x128xi32, #tpu.memory_space<vmem>>) target_semaphore(%run_scoped3A : memref<!tpu.dma_semaphore, #tpu.memory_space<semaphore_mem>>)
      %dma_wait3A_2037 = arith.constant 0 : i32
      %dma_wait3A_2038 = tpu.memref_slice %arg2[%mul3A_6, %dma_wait3A_2037] : memref<2560x128xi32, #tpu.memory_space<hbm>> -> memref<80x128xi32, #tpu.memory_space<hbm>>
      %dma_wait3A_2039 = arith.constant 0 : i32
      %dma_wait3A_2040 = tpu.memref_slice %arg2[%mul3A_6, %dma_wait3A_2039] : memref<2560x128xi32, #tpu.memory_space<hbm>> -> memref<80x128xi32, #tpu.memory_space<hbm>>
      tpu.wait_dma2 semaphore(%run_scoped3A : memref<!tpu.dma_semaphore, #tpu.memory_space<semaphore_mem>>) src(%dma_wait3A_2040 : memref<80x128xi32, #tpu.memory_space<hbm>>) dst(%arg18 : memref<80x128xi32, #tpu.memory_space<vmem>>)
      tpu.yield
    }) : () -> ()
    %mul3A_7 = arith.constant 4 : i32
    %mul3A_8 = arith.muli %add3A, %mul3A_7 : i32
    "tpu.region"() ({
      %run_scoped3A = tpu.sem_alloc : memref<!tpu.dma_semaphore, #tpu.memory_space<semaphore_mem>>
      %dma_start3A_2033 = arith.constant 0 : i32
      %dma_start3A_2034 = tpu.memref_slice %arg3[%mul3A_8, %dma_start3A_2033] : memref<128x128xi32, #tpu.memory_space<hbm>> -> memref<4x128xi32, #tpu.memory_space<hbm>>
      %dma_start3A_2035 = arith.constant 0 : i32
      %dma_start3A_2036 = tpu.memref_slice %arg3[%mul3A_8, %dma_start3A_2035] : memref<128x128xi32, #tpu.memory_space<hbm>> -> memref<4x128xi32, #tpu.memory_space<hbm>>
      tpu.enqueue_dma source(%dma_start3A_2036 : memref<4x128xi32, #tpu.memory_space<hbm>>) target(%arg19 : memref<4x128xi32, #tpu.memory_space<vmem>>) target_semaphore(%run_scoped3A : memref<!tpu.dma_semaphore, #tpu.memory_space<semaphore_mem>>)
      %dma_wait3A_2037 = arith.constant 0 : i32
      %dma_wait3A_2038 = tpu.memref_slice %arg3[%mul3A_8, %dma_wait3A_2037] : memref<128x128xi32, #tpu.memory_space<hbm>> -> memref<4x128xi32, #tpu.memory_space<hbm>>
      %dma_wait3A_2039 = arith.constant 0 : i32
      %dma_wait3A_2040 = tpu.memref_slice %arg3[%mul3A_8, %dma_wait3A_2039] : memref<128x128xi32, #tpu.memory_space<hbm>> -> memref<4x128xi32, #tpu.memory_space<hbm>>
      tpu.wait_dma2 semaphore(%run_scoped3A : memref<!tpu.dma_semaphore, #tpu.memory_space<semaphore_mem>>) src(%dma_wait3A_2040 : memref<4x128xi32, #tpu.memory_space<hbm>>) dst(%arg19 : memref<4x128xi32, #tpu.memory_space<vmem>>)
      tpu.yield
    }) : () -> ()
    %mul3A_9 = arith.constant 4 : i32
    %mul3A_10 = arith.muli %add3A, %mul3A_9 : i32
    "tpu.region"() ({
      %run_scoped3A = tpu.sem_alloc : memref<!tpu.dma_semaphore, #tpu.memory_space<semaphore_mem>>
      %dma_start3A_2033 = arith.constant 0 : i32
      %dma_start3A_2034 = tpu.memref_slice %arg4[%mul3A_10, %dma_start3A_2033] : memref<128x128xi32, #tpu.memory_space<hbm>> -> memref<4x128xi32, #tpu.memory_space<hbm>>
      %dma_start3A_2035 = arith.constant 0 : i32
      %dma_start3A_2036 = tpu.memref_slice %arg4[%mul3A_10, %dma_start3A_2035] : memref<128x128xi32, #tpu.memory_space<hbm>> -> memref<4x128xi32, #tpu.memory_space<hbm>>
      tpu.enqueue_dma source(%dma_start3A_2036 : memref<4x128xi32, #tpu.memory_space<hbm>>) target(%arg20 : memref<4x128xi32, #tpu.memory_space<vmem>>) target_semaphore(%run_scoped3A : memref<!tpu.dma_semaphore, #tpu.memory_space<semaphore_mem>>)
      %dma_wait3A_2037 = arith.constant 0 : i32
      %dma_wait3A_2038 = tpu.memref_slice %arg4[%mul3A_10, %dma_wait3A_2037] : memref<128x128xi32, #tpu.memory_space<hbm>> -> memref<4x128xi32, #tpu.memory_space<hbm>>
      %dma_wait3A_2039 = arith.constant 0 : i32
      %dma_wait3A_2040 = tpu.memref_slice %arg4[%mul3A_10, %dma_wait3A_2039] : memref<128x128xi32, #tpu.memory_space<hbm>> -> memref<4x128xi32, #tpu.memory_space<hbm>>
      tpu.wait_dma2 semaphore(%run_scoped3A : memref<!tpu.dma_semaphore, #tpu.memory_space<semaphore_mem>>) src(%dma_wait3A_2040 : memref<4x128xi32, #tpu.memory_space<hbm>>) dst(%arg20 : memref<4x128xi32, #tpu.memory_space<vmem>>)
      tpu.yield
    }) : () -> ()
    %dma_start3A = arith.constant 0 : i32
    %dma_start3A_11 = arith.constant 0 : i32
    %dma_start3A_12 = arith.constant 0 : i32
    %dma_start3A_13 = tpu.memref_slice %arg22[%dma_start3A_11, %dma_start3A_12] : memref<512x16xf32, #tpu.memory_space<vmem>> -> memref<128x16xf32, #tpu.memory_space<vmem>>
    %dma_start3A_14 = arith.constant 0 : i32
    %dma_start3A_15 = tpu.memref_slice %arg19[%dma_start3A, %dma_start3A_14] : memref<4x128xi32, #tpu.memory_space<vmem>> -> memref<1x128xi32, #tpu.memory_space<vmem>>
    %dma_start3A_16 = tpu.memref_squeeze %dma_start3A_15 : memref<1x128xi32, #tpu.memory_space<vmem>> -> memref<128xi32, #tpu.memory_space<vmem>>
    %dma_start3A_17 = arith.constant 0 : i32
    %dma_start3A_18 = arith.constant 0 : i32
    %dma_start3A_19 = tpu.memref_slice %arg7[%dma_start3A_17, %dma_start3A_18] : memref<1000000x16xf32, #tpu.memory_space<hbm>> -> memref<1000000x16xf32, #tpu.memory_space<hbm>>
    tpu.enqueue_indirect_dma source(%dma_start3A_19 : memref<1000000x16xf32, #tpu.memory_space<hbm>>) target(%dma_start3A_13 : memref<128x16xf32, #tpu.memory_space<vmem>>) offsets(%dma_start3A_16 : memref<128xi32, #tpu.memory_space<vmem>>) semaphore(%arg23 : memref<!tpu.dma_semaphore, #tpu.memory_space<semaphore_mem>>)
    %dma_start3A_20 = arith.constant 1 : i32
    %dma_start3A_21 = arith.constant 128 : i32
    %dma_start3A_22 = arith.constant 0 : i32
    %dma_start3A_23 = tpu.memref_slice %arg22[%dma_start3A_21, %dma_start3A_22] : memref<512x16xf32, #tpu.memory_space<vmem>> -> memref<128x16xf32, #tpu.memory_space<vmem>>
    %dma_start3A_24 = arith.constant 0 : i32
    %dma_start3A_25 = tpu.memref_slice %arg19[%dma_start3A_20, %dma_start3A_24] : memref<4x128xi32, #tpu.memory_space<vmem>> -> memref<1x128xi32, #tpu.memory_space<vmem>>
    %dma_start3A_26 = tpu.memref_squeeze %dma_start3A_25 : memref<1x128xi32, #tpu.memory_space<vmem>> -> memref<128xi32, #tpu.memory_space<vmem>>
    %dma_start3A_27 = arith.constant 0 : i32
    %dma_start3A_28 = arith.constant 0 : i32
    %dma_start3A_29 = tpu.memref_slice %arg7[%dma_start3A_27, %dma_start3A_28] : memref<1000000x16xf32, #tpu.memory_space<hbm>> -> memref<1000000x16xf32, #tpu.memory_space<hbm>>
    tpu.enqueue_indirect_dma source(%dma_start3A_29 : memref<1000000x16xf32, #tpu.memory_space<hbm>>) target(%dma_start3A_23 : memref<128x16xf32, #tpu.memory_space<vmem>>) offsets(%dma_start3A_26 : memref<128xi32, #tpu.memory_space<vmem>>) semaphore(%arg23 : memref<!tpu.dma_semaphore, #tpu.memory_space<semaphore_mem>>)
    %dma_start3A_30 = arith.constant 2 : i32
    %dma_start3A_31 = arith.constant 256 : i32
    %dma_start3A_32 = arith.constant 0 : i32
    %dma_start3A_33 = tpu.memref_slice %arg22[%dma_start3A_31, %dma_start3A_32] : memref<512x16xf32, #tpu.memory_space<vmem>> -> memref<128x16xf32, #tpu.memory_space<vmem>>
    %dma_start3A_34 = arith.constant 0 : i32
    %dma_start3A_35 = tpu.memref_slice %arg19[%dma_start3A_30, %dma_start3A_34] : memref<4x128xi32, #tpu.memory_space<vmem>> -> memref<1x128xi32, #tpu.memory_space<vmem>>
    %dma_start3A_36 = tpu.memref_squeeze %dma_start3A_35 : memref<1x128xi32, #tpu.memory_space<vmem>> -> memref<128xi32, #tpu.memory_space<vmem>>
    %dma_start3A_37 = arith.constant 0 : i32
    %dma_start3A_38 = arith.constant 0 : i32
    %dma_start3A_39 = tpu.memref_slice %arg7[%dma_start3A_37, %dma_start3A_38] : memref<1000000x16xf32, #tpu.memory_space<hbm>> -> memref<1000000x16xf32, #tpu.memory_space<hbm>>
    tpu.enqueue_indirect_dma source(%dma_start3A_39 : memref<1000000x16xf32, #tpu.memory_space<hbm>>) target(%dma_start3A_33 : memref<128x16xf32, #tpu.memory_space<vmem>>) offsets(%dma_start3A_36 : memref<128xi32, #tpu.memory_space<vmem>>) semaphore(%arg23 : memref<!tpu.dma_semaphore, #tpu.memory_space<semaphore_mem>>)
    %dma_start3A_40 = arith.constant 3 : i32
    %dma_start3A_41 = arith.constant 384 : i32
    %dma_start3A_42 = arith.constant 0 : i32
    %dma_start3A_43 = tpu.memref_slice %arg22[%dma_start3A_41, %dma_start3A_42] : memref<512x16xf32, #tpu.memory_space<vmem>> -> memref<128x16xf32, #tpu.memory_space<vmem>>
    %dma_start3A_44 = arith.constant 0 : i32
    %dma_start3A_45 = tpu.memref_slice %arg19[%dma_start3A_40, %dma_start3A_44] : memref<4x128xi32, #tpu.memory_space<vmem>> -> memref<1x128xi32, #tpu.memory_space<vmem>>
    %dma_start3A_46 = tpu.memref_squeeze %dma_start3A_45 : memref<1x128xi32, #tpu.memory_space<vmem>> -> memref<128xi32, #tpu.memory_space<vmem>>
    %dma_start3A_47 = arith.constant 0 : i32
    %dma_start3A_48 = arith.constant 0 : i32
    %dma_start3A_49 = tpu.memref_slice %arg7[%dma_start3A_47, %dma_start3A_48] : memref<1000000x16xf32, #tpu.memory_space<hbm>> -> memref<1000000x16xf32, #tpu.memory_space<hbm>>
    tpu.enqueue_indirect_dma source(%dma_start3A_49 : memref<1000000x16xf32, #tpu.memory_space<hbm>>) target(%dma_start3A_43 : memref<128x16xf32, #tpu.memory_space<vmem>>) offsets(%dma_start3A_46 : memref<128xi32, #tpu.memory_space<vmem>>) semaphore(%arg23 : memref<!tpu.dma_semaphore, #tpu.memory_space<semaphore_mem>>)
    %dma_wait3A = arith.constant 0 : i32
    %dma_wait3A_50 = arith.constant 0 : i32
    %dma_wait3A_51 = arith.constant 0 : i32
    %dma_wait3A_52 = tpu.memref_slice %arg22[%dma_wait3A_50, %dma_wait3A_51] : memref<512x16xf32, #tpu.memory_space<vmem>> -> memref<128x16xf32, #tpu.memory_space<vmem>>
    %dma_wait3A_53 = arith.constant 0 : i32
    %dma_wait3A_54 = tpu.memref_slice %arg19[%dma_wait3A, %dma_wait3A_53] : memref<4x128xi32, #tpu.memory_space<vmem>> -> memref<1x128xi32, #tpu.memory_space<vmem>>
    %dma_wait3A_55 = tpu.memref_squeeze %dma_wait3A_54 : memref<1x128xi32, #tpu.memory_space<vmem>> -> memref<128xi32, #tpu.memory_space<vmem>>
    %dma_wait3A_56 = arith.constant 0 : i32
    %dma_wait3A_57 = arith.constant 0 : i32
    %dma_wait3A_58 = tpu.memref_slice %arg7[%dma_wait3A_56, %dma_wait3A_57] : memref<1000000x16xf32, #tpu.memory_space<hbm>> -> memref<1000000x16xf32, #tpu.memory_space<hbm>>
    tpu.wait_indirect_dma semaphore(%arg23 : memref<!tpu.dma_semaphore, #tpu.memory_space<semaphore_mem>>) src(%dma_wait3A_58 : memref<1000000x16xf32, #tpu.memory_space<hbm>>) dst(%dma_wait3A_52 : memref<128x16xf32, #tpu.memory_space<vmem>>)
    %dma_wait3A_59 = arith.constant 1 : i32
    %dma_wait3A_60 = arith.constant 128 : i32
    %dma_wait3A_61 = arith.constant 0 : i32
    %dma_wait3A_62 = tpu.memref_slice %arg22[%dma_wait3A_60, %dma_wait3A_61] : memref<512x16xf32, #tpu.memory_space<vmem>> -> memref<128x16xf32, #tpu.memory_space<vmem>>
    %dma_wait3A_63 = arith.constant 0 : i32
    %dma_wait3A_64 = tpu.memref_slice %arg19[%dma_wait3A_59, %dma_wait3A_63] : memref<4x128xi32, #tpu.memory_space<vmem>> -> memref<1x128xi32, #tpu.memory_space<vmem>>
    %dma_wait3A_65 = tpu.memref_squeeze %dma_wait3A_64 : memref<1x128xi32, #tpu.memory_space<vmem>> -> memref<128xi32, #tpu.memory_space<vmem>>
    %dma_wait3A_66 = arith.constant 0 : i32
    %dma_wait3A_67 = arith.constant 0 : i32
    %dma_wait3A_68 = tpu.memref_slice %arg7[%dma_wait3A_66, %dma_wait3A_67] : memref<1000000x16xf32, #tpu.memory_space<hbm>> -> memref<1000000x16xf32, #tpu.memory_space<hbm>>
    tpu.wait_indirect_dma semaphore(%arg23 : memref<!tpu.dma_semaphore, #tpu.memory_space<semaphore_mem>>) src(%dma_wait3A_68 : memref<1000000x16xf32, #tpu.memory_space<hbm>>) dst(%dma_wait3A_62 : memref<128x16xf32, #tpu.memory_space<vmem>>)
    %dma_wait3A_69 = arith.constant 2 : i32
    %dma_wait3A_70 = arith.constant 256 : i32
    %dma_wait3A_71 = arith.constant 0 : i32
    %dma_wait3A_72 = tpu.memref_slice %arg22[%dma_wait3A_70, %dma_wait3A_71] : memref<512x16xf32, #tpu.memory_space<vmem>> -> memref<128x16xf32, #tpu.memory_space<vmem>>
    %dma_wait3A_73 = arith.constant 0 : i32
    %dma_wait3A_74 = tpu.memref_slice %arg19[%dma_wait3A_69, %dma_wait3A_73] : memref<4x128xi32, #tpu.memory_space<vmem>> -> memref<1x128xi32, #tpu.memory_space<vmem>>
    %dma_wait3A_75 = tpu.memref_squeeze %dma_wait3A_74 : memref<1x128xi32, #tpu.memory_space<vmem>> -> memref<128xi32, #tpu.memory_space<vmem>>
    %dma_wait3A_76 = arith.constant 0 : i32
    %dma_wait3A_77 = arith.constant 0 : i32
    %dma_wait3A_78 = tpu.memref_slice %arg7[%dma_wait3A_76, %dma_wait3A_77] : memref<1000000x16xf32, #tpu.memory_space<hbm>> -> memref<1000000x16xf32, #tpu.memory_space<hbm>>
    tpu.wait_indirect_dma semaphore(%arg23 : memref<!tpu.dma_semaphore, #tpu.memory_space<semaphore_mem>>) src(%dma_wait3A_78 : memref<1000000x16xf32, #tpu.memory_space<hbm>>) dst(%dma_wait3A_72 : memref<128x16xf32, #tpu.memory_space<vmem>>)
    %dma_wait3A_79 = arith.constant 3 : i32
    %dma_wait3A_80 = arith.constant 384 : i32
    %dma_wait3A_81 = arith.constant 0 : i32
    %dma_wait3A_82 = tpu.memref_slice %arg22[%dma_wait3A_80, %dma_wait3A_81] : memref<512x16xf32, #tpu.memory_space<vmem>> -> memref<128x16xf32, #tpu.memory_space<vmem>>
    %dma_wait3A_83 = arith.constant 0 : i32
    %dma_wait3A_84 = tpu.memref_slice %arg19[%dma_wait3A_79, %dma_wait3A_83] : memref<4x128xi32, #tpu.memory_space<vmem>> -> memref<1x128xi32, #tpu.memory_space<vmem>>
    %dma_wait3A_85 = tpu.memref_squeeze %dma_wait3A_84 : memref<1x128xi32, #tpu.memory_space<vmem>> -> memref<128xi32, #tpu.memory_space<vmem>>
    %dma_wait3A_86 = arith.constant 0 : i32
    %dma_wait3A_87 = arith.constant 0 : i32
    %dma_wait3A_88 = tpu.memref_slice %arg7[%dma_wait3A_86, %dma_wait3A_87] : memref<1000000x16xf32, #tpu.memory_space<hbm>> -> memref<1000000x16xf32, #tpu.memory_space<hbm>>
    tpu.wait_indirect_dma semaphore(%arg23 : memref<!tpu.dma_semaphore, #tpu.memory_space<semaphore_mem>>) src(%dma_wait3A_88 : memref<1000000x16xf32, #tpu.memory_space<hbm>>) dst(%dma_wait3A_82 : memref<128x16xf32, #tpu.memory_space<vmem>>)
    "tpu.region"() ({
      %run_scoped3A = tpu.sem_alloc : memref<!tpu.dma_semaphore, #tpu.memory_space<semaphore_mem>>
      %dma_start3A_2033 = arith.constant 0 : i32
      %dma_start3A_2034 = tpu.memref_slice %arg13[%mul3A_2, %dma_start3A_2033] : memref<16384x16xf32, #tpu.memory_space<hbm>> -> memref<512x16xf32, #tpu.memory_space<hbm>>
      %dma_start3A_2035 = arith.constant 0 : i32
      %dma_start3A_2036 = tpu.memref_slice %arg13[%mul3A_2, %dma_start3A_2035] : memref<16384x16xf32, #tpu.memory_space<hbm>> -> memref<512x16xf32, #tpu.memory_space<hbm>>
      tpu.enqueue_dma source(%arg22 : memref<512x16xf32, #tpu.memory_space<vmem>>) target(%dma_start3A_2036 : memref<512x16xf32, #tpu.memory_space<hbm>>) target_semaphore(%run_scoped3A : memref<!tpu.dma_semaphore, #tpu.memory_space<semaphore_mem>>)
      %dma_wait3A_2037 = arith.constant 0 : i32
      %dma_wait3A_2038 = tpu.memref_slice %arg13[%mul3A_2, %dma_wait3A_2037] : memref<16384x16xf32, #tpu.memory_space<hbm>> -> memref<512x16xf32, #tpu.memory_space<hbm>>
      %dma_wait3A_2039 = arith.constant 0 : i32
      %dma_wait3A_2040 = tpu.memref_slice %arg13[%mul3A_2, %dma_wait3A_2039] : memref<16384x16xf32, #tpu.memory_space<hbm>> -> memref<512x16xf32, #tpu.memory_space<hbm>>
      tpu.wait_dma2 semaphore(%run_scoped3A : memref<!tpu.dma_semaphore, #tpu.memory_space<semaphore_mem>>) src(%arg22 : memref<512x16xf32, #tpu.memory_space<vmem>>) dst(%dma_wait3A_2040 : memref<512x16xf32, #tpu.memory_space<hbm>>)
      tpu.yield
    }) : () -> ()
    %dma_start3A_89 = arith.constant 0 : i32
    %dma_start3A_90 = arith.constant 0 : i32
    %dma_start3A_91 = arith.constant 0 : i32
    %dma_start3A_92 = tpu.memref_slice %arg22[%dma_start3A_90, %dma_start3A_91] : memref<512x16xf32, #tpu.memory_space<vmem>> -> memref<128x16xf32, #tpu.memory_space<vmem>>
    %dma_start3A_93 = arith.constant 0 : i32
    %dma_start3A_94 = tpu.memref_slice %arg20[%dma_start3A_89, %dma_start3A_93] : memref<4x128xi32, #tpu.memory_space<vmem>> -> memref<1x128xi32, #tpu.memory_space<vmem>>
    %dma_start3A_95 = tpu.memref_squeeze %dma_start3A_94 : memref<1x128xi32, #tpu.memory_space<vmem>> -> memref<128xi32, #tpu.memory_space<vmem>>
    %dma_start3A_96 = arith.constant 0 : i32
    %dma_start3A_97 = arith.constant 0 : i32
    %dma_start3A_98 = tpu.memref_slice %arg8[%dma_start3A_96, %dma_start3A_97] : memref<1000000x16xf32, #tpu.memory_space<hbm>> -> memref<1000000x16xf32, #tpu.memory_space<hbm>>
    tpu.enqueue_indirect_dma source(%dma_start3A_98 : memref<1000000x16xf32, #tpu.memory_space<hbm>>) target(%dma_start3A_92 : memref<128x16xf32, #tpu.memory_space<vmem>>) offsets(%dma_start3A_95 : memref<128xi32, #tpu.memory_space<vmem>>) semaphore(%arg23 : memref<!tpu.dma_semaphore, #tpu.memory_space<semaphore_mem>>)
    %dma_start3A_99 = arith.constant 1 : i32
    %dma_start3A_100 = arith.constant 128 : i32
    %dma_start3A_101 = arith.constant 0 : i32
    %dma_start3A_102 = tpu.memref_slice %arg22[%dma_start3A_100, %dma_start3A_101] : memref<512x16xf32, #tpu.memory_space<vmem>> -> memref<128x16xf32, #tpu.memory_space<vmem>>
    %dma_start3A_103 = arith.constant 0 : i32
    %dma_start3A_104 = tpu.memref_slice %arg20[%dma_start3A_99, %dma_start3A_103] : memref<4x128xi32, #tpu.memory_space<vmem>> -> memref<1x128xi32, #tpu.memory_space<vmem>>
    %dma_start3A_105 = tpu.memref_squeeze %dma_start3A_104 : memref<1x128xi32, #tpu.memory_space<vmem>> -> memref<128xi32, #tpu.memory_space<vmem>>
    %dma_start3A_106 = arith.constant 0 : i32
    %dma_start3A_107 = arith.constant 0 : i32
    %dma_start3A_108 = tpu.memref_slice %arg8[%dma_start3A_106, %dma_start3A_107] : memref<1000000x16xf32, #tpu.memory_space<hbm>> -> memref<1000000x16xf32, #tpu.memory_space<hbm>>
    tpu.enqueue_indirect_dma source(%dma_start3A_108 : memref<1000000x16xf32, #tpu.memory_space<hbm>>) target(%dma_start3A_102 : memref<128x16xf32, #tpu.memory_space<vmem>>) offsets(%dma_start3A_105 : memref<128xi32, #tpu.memory_space<vmem>>) semaphore(%arg23 : memref<!tpu.dma_semaphore, #tpu.memory_space<semaphore_mem>>)
    %dma_start3A_109 = arith.constant 2 : i32
    %dma_start3A_110 = arith.constant 256 : i32
    %dma_start3A_111 = arith.constant 0 : i32
    %dma_start3A_112 = tpu.memref_slice %arg22[%dma_start3A_110, %dma_start3A_111] : memref<512x16xf32, #tpu.memory_space<vmem>> -> memref<128x16xf32, #tpu.memory_space<vmem>>
    %dma_start3A_113 = arith.constant 0 : i32
    %dma_start3A_114 = tpu.memref_slice %arg20[%dma_start3A_109, %dma_start3A_113] : memref<4x128xi32, #tpu.memory_space<vmem>> -> memref<1x128xi32, #tpu.memory_space<vmem>>
    %dma_start3A_115 = tpu.memref_squeeze %dma_start3A_114 : memref<1x128xi32, #tpu.memory_space<vmem>> -> memref<128xi32, #tpu.memory_space<vmem>>
    %dma_start3A_116 = arith.constant 0 : i32
    %dma_start3A_117 = arith.constant 0 : i32
    %dma_start3A_118 = tpu.memref_slice %arg8[%dma_start3A_116, %dma_start3A_117] : memref<1000000x16xf32, #tpu.memory_space<hbm>> -> memref<1000000x16xf32, #tpu.memory_space<hbm>>
    tpu.enqueue_indirect_dma source(%dma_start3A_118 : memref<1000000x16xf32, #tpu.memory_space<hbm>>) target(%dma_start3A_112 : memref<128x16xf32, #tpu.memory_space<vmem>>) offsets(%dma_start3A_115 : memref<128xi32, #tpu.memory_space<vmem>>) semaphore(%arg23 : memref<!tpu.dma_semaphore, #tpu.memory_space<semaphore_mem>>)
    %dma_start3A_119 = arith.constant 3 : i32
    %dma_start3A_120 = arith.constant 384 : i32
    %dma_start3A_121 = arith.constant 0 : i32
    %dma_start3A_122 = tpu.memref_slice %arg22[%dma_start3A_120, %dma_start3A_121] : memref<512x16xf32, #tpu.memory_space<vmem>> -> memref<128x16xf32, #tpu.memory_space<vmem>>
    %dma_start3A_123 = arith.constant 0 : i32
    %dma_start3A_124 = tpu.memref_slice %arg20[%dma_start3A_119, %dma_start3A_123] : memref<4x128xi32, #tpu.memory_space<vmem>> -> memref<1x128xi32, #tpu.memory_space<vmem>>
    %dma_start3A_125 = tpu.memref_squeeze %dma_start3A_124 : memref<1x128xi32, #tpu.memory_space<vmem>> -> memref<128xi32, #tpu.memory_space<vmem>>
    %dma_start3A_126 = arith.constant 0 : i32
    %dma_start3A_127 = arith.constant 0 : i32
    %dma_start3A_128 = tpu.memref_slice %arg8[%dma_start3A_126, %dma_start3A_127] : memref<1000000x16xf32, #tpu.memory_space<hbm>> -> memref<1000000x16xf32, #tpu.memory_space<hbm>>
    tpu.enqueue_indirect_dma source(%dma_start3A_128 : memref<1000000x16xf32, #tpu.memory_space<hbm>>) target(%dma_start3A_122 : memref<128x16xf32, #tpu.memory_space<vmem>>) offsets(%dma_start3A_125 : memref<128xi32, #tpu.memory_space<vmem>>) semaphore(%arg23 : memref<!tpu.dma_semaphore, #tpu.memory_space<semaphore_mem>>)
    %dma_wait3A_129 = arith.constant 0 : i32
    %dma_wait3A_130 = arith.constant 0 : i32
    %dma_wait3A_131 = arith.constant 0 : i32
    %dma_wait3A_132 = tpu.memref_slice %arg22[%dma_wait3A_130, %dma_wait3A_131] : memref<512x16xf32, #tpu.memory_space<vmem>> -> memref<128x16xf32, #tpu.memory_space<vmem>>
    %dma_wait3A_133 = arith.constant 0 : i32
    %dma_wait3A_134 = tpu.memref_slice %arg20[%dma_wait3A_129, %dma_wait3A_133] : memref<4x128xi32, #tpu.memory_space<vmem>> -> memref<1x128xi32, #tpu.memory_space<vmem>>
    %dma_wait3A_135 = tpu.memref_squeeze %dma_wait3A_134 : memref<1x128xi32, #tpu.memory_space<vmem>> -> memref<128xi32, #tpu.memory_space<vmem>>
    %dma_wait3A_136 = arith.constant 0 : i32
    %dma_wait3A_137 = arith.constant 0 : i32
    %dma_wait3A_138 = tpu.memref_slice %arg8[%dma_wait3A_136, %dma_wait3A_137] : memref<1000000x16xf32, #tpu.memory_space<hbm>> -> memref<1000000x16xf32, #tpu.memory_space<hbm>>
    tpu.wait_indirect_dma semaphore(%arg23 : memref<!tpu.dma_semaphore, #tpu.memory_space<semaphore_mem>>) src(%dma_wait3A_138 : memref<1000000x16xf32, #tpu.memory_space<hbm>>) dst(%dma_wait3A_132 : memref<128x16xf32, #tpu.memory_space<vmem>>)
    %dma_wait3A_139 = arith.constant 1 : i32
    %dma_wait3A_140 = arith.constant 128 : i32
    %dma_wait3A_141 = arith.constant 0 : i32
    %dma_wait3A_142 = tpu.memref_slice %arg22[%dma_wait3A_140, %dma_wait3A_141] : memref<512x16xf32, #tpu.memory_space<vmem>> -> memref<128x16xf32, #tpu.memory_space<vmem>>
    %dma_wait3A_143 = arith.constant 0 : i32
    %dma_wait3A_144 = tpu.memref_slice %arg20[%dma_wait3A_139, %dma_wait3A_143] : memref<4x128xi32, #tpu.memory_space<vmem>> -> memref<1x128xi32, #tpu.memory_space<vmem>>
    %dma_wait3A_145 = tpu.memref_squeeze %dma_wait3A_144 : memref<1x128xi32, #tpu.memory_space<vmem>> -> memref<128xi32, #tpu.memory_space<vmem>>
    %dma_wait3A_146 = arith.constant 0 : i32
    %dma_wait3A_147 = arith.constant 0 : i32
    %dma_wait3A_148 = tpu.memref_slice %arg8[%dma_wait3A_146, %dma_wait3A_147] : memref<1000000x16xf32, #tpu.memory_space<hbm>> -> memref<1000000x16xf32, #tpu.memory_space<hbm>>
    tpu.wait_indirect_dma semaphore(%arg23 : memref<!tpu.dma_semaphore, #tpu.memory_space<semaphore_mem>>) src(%dma_wait3A_148 : memref<1000000x16xf32, #tpu.memory_space<hbm>>) dst(%dma_wait3A_142 : memref<128x16xf32, #tpu.memory_space<vmem>>)
    %dma_wait3A_149 = arith.constant 2 : i32
    %dma_wait3A_150 = arith.constant 256 : i32
    %dma_wait3A_151 = arith.constant 0 : i32
    %dma_wait3A_152 = tpu.memref_slice %arg22[%dma_wait3A_150, %dma_wait3A_151] : memref<512x16xf32, #tpu.memory_space<vmem>> -> memref<128x16xf32, #tpu.memory_space<vmem>>
    %dma_wait3A_153 = arith.constant 0 : i32
    %dma_wait3A_154 = tpu.memref_slice %arg20[%dma_wait3A_149, %dma_wait3A_153] : memref<4x128xi32, #tpu.memory_space<vmem>> -> memref<1x128xi32, #tpu.memory_space<vmem>>
    %dma_wait3A_155 = tpu.memref_squeeze %dma_wait3A_154 : memref<1x128xi32, #tpu.memory_space<vmem>> -> memref<128xi32, #tpu.memory_space<vmem>>
    %dma_wait3A_156 = arith.constant 0 : i32
    %dma_wait3A_157 = arith.constant 0 : i32
    %dma_wait3A_158 = tpu.memref_slice %arg8[%dma_wait3A_156, %dma_wait3A_157] : memref<1000000x16xf32, #tpu.memory_space<hbm>> -> memref<1000000x16xf32, #tpu.memory_space<hbm>>
    tpu.wait_indirect_dma semaphore(%arg23 : memref<!tpu.dma_semaphore, #tpu.memory_space<semaphore_mem>>) src(%dma_wait3A_158 : memref<1000000x16xf32, #tpu.memory_space<hbm>>) dst(%dma_wait3A_152 : memref<128x16xf32, #tpu.memory_space<vmem>>)
    %dma_wait3A_159 = arith.constant 3 : i32
    %dma_wait3A_160 = arith.constant 384 : i32
    %dma_wait3A_161 = arith.constant 0 : i32
    %dma_wait3A_162 = tpu.memref_slice %arg22[%dma_wait3A_160, %dma_wait3A_161] : memref<512x16xf32, #tpu.memory_space<vmem>> -> memref<128x16xf32, #tpu.memory_space<vmem>>
    %dma_wait3A_163 = arith.constant 0 : i32
    %dma_wait3A_164 = tpu.memref_slice %arg20[%dma_wait3A_159, %dma_wait3A_163] : memref<4x128xi32, #tpu.memory_space<vmem>> -> memref<1x128xi32, #tpu.memory_space<vmem>>
    %dma_wait3A_165 = tpu.memref_squeeze %dma_wait3A_164 : memref<1x128xi32, #tpu.memory_space<vmem>> -> memref<128xi32, #tpu.memory_space<vmem>>
    %dma_wait3A_166 = arith.constant 0 : i32
    %dma_wait3A_167 = arith.constant 0 : i32
    %dma_wait3A_168 = tpu.memref_slice %arg8[%dma_wait3A_166, %dma_wait3A_167] : memref<1000000x16xf32, #tpu.memory_space<hbm>> -> memref<1000000x16xf32, #tpu.memory_space<hbm>>
    tpu.wait_indirect_dma semaphore(%arg23 : memref<!tpu.dma_semaphore, #tpu.memory_space<semaphore_mem>>) src(%dma_wait3A_168 : memref<1000000x16xf32, #tpu.memory_space<hbm>>) dst(%dma_wait3A_162 : memref<128x16xf32, #tpu.memory_space<vmem>>)
    "tpu.region"() ({
      %run_scoped3A = tpu.sem_alloc : memref<!tpu.dma_semaphore, #tpu.memory_space<semaphore_mem>>
      %dma_start3A_2033 = arith.constant 0 : i32
      %dma_start3A_2034 = tpu.memref_slice %arg14[%mul3A_2, %dma_start3A_2033] : memref<16384x16xf32, #tpu.memory_space<hbm>> -> memref<512x16xf32, #tpu.memory_space<hbm>>
      %dma_start3A_2035 = arith.constant 0 : i32
      %dma_start3A_2036 = tpu.memref_slice %arg14[%mul3A_2, %dma_start3A_2035] : memref<16384x16xf32, #tpu.memory_space<hbm>> -> memref<512x16xf32, #tpu.memory_space<hbm>>
      tpu.enqueue_dma source(%arg22 : memref<512x16xf32, #tpu.memory_space<vmem>>) target(%dma_start3A_2036 : memref<512x16xf32, #tpu.memory_space<hbm>>) target_semaphore(%run_scoped3A : memref<!tpu.dma_semaphore, #tpu.memory_space<semaphore_mem>>)
      %dma_wait3A_2037 = arith.constant 0 : i32
      %dma_wait3A_2038 = tpu.memref_slice %arg14[%mul3A_2, %dma_wait3A_2037] : memref<16384x16xf32, #tpu.memory_space<hbm>> -> memref<512x16xf32, #tpu.memory_space<hbm>>
      %dma_wait3A_2039 = arith.constant 0 : i32
      %dma_wait3A_2040 = tpu.memref_slice %arg14[%mul3A_2, %dma_wait3A_2039] : memref<16384x16xf32, #tpu.memory_space<hbm>> -> memref<512x16xf32, #tpu.memory_space<hbm>>
      tpu.wait_dma2 semaphore(%run_scoped3A : memref<!tpu.dma_semaphore, #tpu.memory_space<semaphore_mem>>) src(%arg22 : memref<512x16xf32, #tpu.memory_space<vmem>>) dst(%dma_wait3A_2040 : memref<512x16xf32, #tpu.memory_space<hbm>>)
      tpu.yield
    }) : () -> ()
    %dma_start3A_169 = arith.constant 0 : i32
    %dma_start3A_170 = arith.constant 0 : i32
    %dma_start3A_171 = arith.constant 0 : i32
    %dma_start3A_172 = tpu.memref_slice %arg22[%dma_start3A_170, %dma_start3A_171] : memref<512x16xf32, #tpu.memory_space<vmem>> -> memref<128x16xf32, #tpu.memory_space<vmem>>
    %dma_start3A_173 = arith.constant 0 : i32
    %dma_start3A_174 = tpu.memref_slice %arg20[%dma_start3A_169, %dma_start3A_173] : memref<4x128xi32, #tpu.memory_space<vmem>> -> memref<1x128xi32, #tpu.memory_space<vmem>>
    %dma_start3A_175 = tpu.memref_squeeze %dma_start3A_174 : memref<1x128xi32, #tpu.memory_space<vmem>> -> memref<128xi32, #tpu.memory_space<vmem>>
    %dma_start3A_176 = arith.constant 0 : i32
    %dma_start3A_177 = arith.constant 0 : i32
    %dma_start3A_178 = tpu.memref_slice %arg11[%dma_start3A_176, %dma_start3A_177] : memref<1000000x16xf32, #tpu.memory_space<hbm>> -> memref<1000000x16xf32, #tpu.memory_space<hbm>>
    tpu.enqueue_indirect_dma source(%dma_start3A_178 : memref<1000000x16xf32, #tpu.memory_space<hbm>>) target(%dma_start3A_172 : memref<128x16xf32, #tpu.memory_space<vmem>>) offsets(%dma_start3A_175 : memref<128xi32, #tpu.memory_space<vmem>>) semaphore(%arg23 : memref<!tpu.dma_semaphore, #tpu.memory_space<semaphore_mem>>)
    %dma_start3A_179 = arith.constant 1 : i32
    %dma_start3A_180 = arith.constant 128 : i32
    %dma_start3A_181 = arith.constant 0 : i32
    %dma_start3A_182 = tpu.memref_slice %arg22[%dma_start3A_180, %dma_start3A_181] : memref<512x16xf32, #tpu.memory_space<vmem>> -> memref<128x16xf32, #tpu.memory_space<vmem>>
    %dma_start3A_183 = arith.constant 0 : i32
    %dma_start3A_184 = tpu.memref_slice %arg20[%dma_start3A_179, %dma_start3A_183] : memref<4x128xi32, #tpu.memory_space<vmem>> -> memref<1x128xi32, #tpu.memory_space<vmem>>
    %dma_start3A_185 = tpu.memref_squeeze %dma_start3A_184 : memref<1x128xi32, #tpu.memory_space<vmem>> -> memref<128xi32, #tpu.memory_space<vmem>>
    %dma_start3A_186 = arith.constant 0 : i32
    %dma_start3A_187 = arith.constant 0 : i32
    %dma_start3A_188 = tpu.memref_slice %arg11[%dma_start3A_186, %dma_start3A_187] : memref<1000000x16xf32, #tpu.memory_space<hbm>> -> memref<1000000x16xf32, #tpu.memory_space<hbm>>
    tpu.enqueue_indirect_dma source(%dma_start3A_188 : memref<1000000x16xf32, #tpu.memory_space<hbm>>) target(%dma_start3A_182 : memref<128x16xf32, #tpu.memory_space<vmem>>) offsets(%dma_start3A_185 : memref<128xi32, #tpu.memory_space<vmem>>) semaphore(%arg23 : memref<!tpu.dma_semaphore, #tpu.memory_space<semaphore_mem>>)
    %dma_start3A_189 = arith.constant 2 : i32
    %dma_start3A_190 = arith.constant 256 : i32
    %dma_start3A_191 = arith.constant 0 : i32
    %dma_start3A_192 = tpu.memref_slice %arg22[%dma_start3A_190, %dma_start3A_191] : memref<512x16xf32, #tpu.memory_space<vmem>> -> memref<128x16xf32, #tpu.memory_space<vmem>>
    %dma_start3A_193 = arith.constant 0 : i32
    %dma_start3A_194 = tpu.memref_slice %arg20[%dma_start3A_189, %dma_start3A_193] : memref<4x128xi32, #tpu.memory_space<vmem>> -> memref<1x128xi32, #tpu.memory_space<vmem>>
    %dma_start3A_195 = tpu.memref_squeeze %dma_start3A_194 : memref<1x128xi32, #tpu.memory_space<vmem>> -> memref<128xi32, #tpu.memory_space<vmem>>
    %dma_start3A_196 = arith.constant 0 : i32
    %dma_start3A_197 = arith.constant 0 : i32
    %dma_start3A_198 = tpu.memref_slice %arg11[%dma_start3A_196, %dma_start3A_197] : memref<1000000x16xf32, #tpu.memory_space<hbm>> -> memref<1000000x16xf32, #tpu.memory_space<hbm>>
    tpu.enqueue_indirect_dma source(%dma_start3A_198 : memref<1000000x16xf32, #tpu.memory_space<hbm>>) target(%dma_start3A_192 : memref<128x16xf32, #tpu.memory_space<vmem>>) offsets(%dma_start3A_195 : memref<128xi32, #tpu.memory_space<vmem>>) semaphore(%arg23 : memref<!tpu.dma_semaphore, #tpu.memory_space<semaphore_mem>>)
    %dma_start3A_199 = arith.constant 3 : i32
    %dma_start3A_200 = arith.constant 384 : i32
    %dma_start3A_201 = arith.constant 0 : i32
    %dma_start3A_202 = tpu.memref_slice %arg22[%dma_start3A_200, %dma_start3A_201] : memref<512x16xf32, #tpu.memory_space<vmem>> -> memref<128x16xf32, #tpu.memory_space<vmem>>
    %dma_start3A_203 = arith.constant 0 : i32
    %dma_start3A_204 = tpu.memref_slice %arg20[%dma_start3A_199, %dma_start3A_203] : memref<4x128xi32, #tpu.memory_space<vmem>> -> memref<1x128xi32, #tpu.memory_space<vmem>>
    %dma_start3A_205 = tpu.memref_squeeze %dma_start3A_204 : memref<1x128xi32, #tpu.memory_space<vmem>> -> memref<128xi32, #tpu.memory_space<vmem>>
    %dma_start3A_206 = arith.constant 0 : i32
    %dma_start3A_207 = arith.constant 0 : i32
    %dma_start3A_208 = tpu.memref_slice %arg11[%dma_start3A_206, %dma_start3A_207] : memref<1000000x16xf32, #tpu.memory_space<hbm>> -> memref<1000000x16xf32, #tpu.memory_space<hbm>>
    tpu.enqueue_indirect_dma source(%dma_start3A_208 : memref<1000000x16xf32, #tpu.memory_space<hbm>>) target(%dma_start3A_202 : memref<128x16xf32, #tpu.memory_space<vmem>>) offsets(%dma_start3A_205 : memref<128xi32, #tpu.memory_space<vmem>>) semaphore(%arg23 : memref<!tpu.dma_semaphore, #tpu.memory_space<semaphore_mem>>)
    %dma_wait3A_209 = arith.constant 0 : i32
    %dma_wait3A_210 = arith.constant 0 : i32
    %dma_wait3A_211 = arith.constant 0 : i32
    %dma_wait3A_212 = tpu.memref_slice %arg22[%dma_wait3A_210, %dma_wait3A_211] : memref<512x16xf32, #tpu.memory_space<vmem>> -> memref<128x16xf32, #tpu.memory_space<vmem>>
    %dma_wait3A_213 = arith.constant 0 : i32
    %dma_wait3A_214 = tpu.memref_slice %arg20[%dma_wait3A_209, %dma_wait3A_213] : memref<4x128xi32, #tpu.memory_space<vmem>> -> memref<1x128xi32, #tpu.memory_space<vmem>>
    %dma_wait3A_215 = tpu.memref_squeeze %dma_wait3A_214 : memref<1x128xi32, #tpu.memory_space<vmem>> -> memref<128xi32, #tpu.memory_space<vmem>>
    %dma_wait3A_216 = arith.constant 0 : i32
    %dma_wait3A_217 = arith.constant 0 : i32
    %dma_wait3A_218 = tpu.memref_slice %arg11[%dma_wait3A_216, %dma_wait3A_217] : memref<1000000x16xf32, #tpu.memory_space<hbm>> -> memref<1000000x16xf32, #tpu.memory_space<hbm>>
    tpu.wait_indirect_dma semaphore(%arg23 : memref<!tpu.dma_semaphore, #tpu.memory_space<semaphore_mem>>) src(%dma_wait3A_218 : memref<1000000x16xf32, #tpu.memory_space<hbm>>) dst(%dma_wait3A_212 : memref<128x16xf32, #tpu.memory_space<vmem>>)
    %dma_wait3A_219 = arith.constant 1 : i32
    %dma_wait3A_220 = arith.constant 128 : i32
    %dma_wait3A_221 = arith.constant 0 : i32
    %dma_wait3A_222 = tpu.memref_slice %arg22[%dma_wait3A_220, %dma_wait3A_221] : memref<512x16xf32, #tpu.memory_space<vmem>> -> memref<128x16xf32, #tpu.memory_space<vmem>>
    %dma_wait3A_223 = arith.constant 0 : i32
    %dma_wait3A_224 = tpu.memref_slice %arg20[%dma_wait3A_219, %dma_wait3A_223] : memref<4x128xi32, #tpu.memory_space<vmem>> -> memref<1x128xi32, #tpu.memory_space<vmem>>
    %dma_wait3A_225 = tpu.memref_squeeze %dma_wait3A_224 : memref<1x128xi32, #tpu.memory_space<vmem>> -> memref<128xi32, #tpu.memory_space<vmem>>
    %dma_wait3A_226 = arith.constant 0 : i32
    %dma_wait3A_227 = arith.constant 0 : i32
    %dma_wait3A_228 = tpu.memref_slice %arg11[%dma_wait3A_226, %dma_wait3A_227] : memref<1000000x16xf32, #tpu.memory_space<hbm>> -> memref<1000000x16xf32, #tpu.memory_space<hbm>>
    tpu.wait_indirect_dma semaphore(%arg23 : memref<!tpu.dma_semaphore, #tpu.memory_space<semaphore_mem>>) src(%dma_wait3A_228 : memref<1000000x16xf32, #tpu.memory_space<hbm>>) dst(%dma_wait3A_222 : memref<128x16xf32, #tpu.memory_space<vmem>>)
    %dma_wait3A_229 = arith.constant 2 : i32
    %dma_wait3A_230 = arith.constant 256 : i32
    %dma_wait3A_231 = arith.constant 0 : i32
    %dma_wait3A_232 = tpu.memref_slice %arg22[%dma_wait3A_230, %dma_wait3A_231] : memref<512x16xf32, #tpu.memory_space<vmem>> -> memref<128x16xf32, #tpu.memory_space<vmem>>
    %dma_wait3A_233 = arith.constant 0 : i32
    %dma_wait3A_234 = tpu.memref_slice %arg20[%dma_wait3A_229, %dma_wait3A_233] : memref<4x128xi32, #tpu.memory_space<vmem>> -> memref<1x128xi32, #tpu.memory_space<vmem>>
    %dma_wait3A_235 = tpu.memref_squeeze %dma_wait3A_234 : memref<1x128xi32, #tpu.memory_space<vmem>> -> memref<128xi32, #tpu.memory_space<vmem>>
    %dma_wait3A_236 = arith.constant 0 : i32
    %dma_wait3A_237 = arith.constant 0 : i32
    %dma_wait3A_238 = tpu.memref_slice %arg11[%dma_wait3A_236, %dma_wait3A_237] : memref<1000000x16xf32, #tpu.memory_space<hbm>> -> memref<1000000x16xf32, #tpu.memory_space<hbm>>
    tpu.wait_indirect_dma semaphore(%arg23 : memref<!tpu.dma_semaphore, #tpu.memory_space<semaphore_mem>>) src(%dma_wait3A_238 : memref<1000000x16xf32, #tpu.memory_space<hbm>>) dst(%dma_wait3A_232 : memref<128x16xf32, #tpu.memory_space<vmem>>)
    %dma_wait3A_239 = arith.constant 3 : i32
    %dma_wait3A_240 = arith.constant 384 : i32
    %dma_wait3A_241 = arith.constant 0 : i32
    %dma_wait3A_242 = tpu.memref_slice %arg22[%dma_wait3A_240, %dma_wait3A_241] : memref<512x16xf32, #tpu.memory_space<vmem>> -> memref<128x16xf32, #tpu.memory_space<vmem>>
    %dma_wait3A_243 = arith.constant 0 : i32
    %dma_wait3A_244 = tpu.memref_slice %arg20[%dma_wait3A_239, %dma_wait3A_243] : memref<4x128xi32, #tpu.memory_space<vmem>> -> memref<1x128xi32, #tpu.memory_space<vmem>>
    %dma_wait3A_245 = tpu.memref_squeeze %dma_wait3A_244 : memref<1x128xi32, #tpu.memory_space<vmem>> -> memref<128xi32, #tpu.memory_space<vmem>>
    %dma_wait3A_246 = arith.constant 0 : i32
    %dma_wait3A_247 = arith.constant 0 : i32
    %dma_wait3A_248 = tpu.memref_slice %arg11[%dma_wait3A_246, %dma_wait3A_247] : memref<1000000x16xf32, #tpu.memory_space<hbm>> -> memref<1000000x16xf32, #tpu.memory_space<hbm>>
    tpu.wait_indirect_dma semaphore(%arg23 : memref<!tpu.dma_semaphore, #tpu.memory_space<semaphore_mem>>) src(%dma_wait3A_248 : memref<1000000x16xf32, #tpu.memory_space<hbm>>) dst(%dma_wait3A_242 : memref<128x16xf32, #tpu.memory_space<vmem>>)
    "tpu.region"() ({
      %run_scoped3A = tpu.sem_alloc : memref<!tpu.dma_semaphore, #tpu.memory_space<semaphore_mem>>
      %dma_start3A_2033 = arith.constant 0 : i32
      %dma_start3A_2034 = tpu.memref_slice %arg15[%mul3A_2, %dma_start3A_2033] : memref<16384x16xf32, #tpu.memory_space<hbm>> -> memref<512x16xf32, #tpu.memory_space<hbm>>
      %dma_start3A_2035 = arith.constant 0 : i32
      %dma_start3A_2036 = tpu.memref_slice %arg15[%mul3A_2, %dma_start3A_2035] : memref<16384x16xf32, #tpu.memory_space<hbm>> -> memref<512x16xf32, #tpu.memory_space<hbm>>
      tpu.enqueue_dma source(%arg22 : memref<512x16xf32, #tpu.memory_space<vmem>>) target(%dma_start3A_2036 : memref<512x16xf32, #tpu.memory_space<hbm>>) target_semaphore(%run_scoped3A : memref<!tpu.dma_semaphore, #tpu.memory_space<semaphore_mem>>)
      %dma_wait3A_2037 = arith.constant 0 : i32
      %dma_wait3A_2038 = tpu.memref_slice %arg15[%mul3A_2, %dma_wait3A_2037] : memref<16384x16xf32, #tpu.memory_space<hbm>> -> memref<512x16xf32, #tpu.memory_space<hbm>>
      %dma_wait3A_2039 = arith.constant 0 : i32
      %dma_wait3A_2040 = tpu.memref_slice %arg15[%mul3A_2, %dma_wait3A_2039] : memref<16384x16xf32, #tpu.memory_space<hbm>> -> memref<512x16xf32, #tpu.memory_space<hbm>>
      tpu.wait_dma2 semaphore(%run_scoped3A : memref<!tpu.dma_semaphore, #tpu.memory_space<semaphore_mem>>) src(%arg22 : memref<512x16xf32, #tpu.memory_space<vmem>>) dst(%dma_wait3A_2040 : memref<512x16xf32, #tpu.memory_space<hbm>>)
      tpu.yield
    }) : () -> ()
    %mul3A_249 = arith.constant 4 : i32
    %mul3A_250 = arith.muli %add3A, %mul3A_249 : i32
    "tpu.region"() ({
      %run_scoped3A = tpu.sem_alloc : memref<!tpu.dma_semaphore, #tpu.memory_space<semaphore_mem>>
      %dma_start3A_2033 = arith.constant 0 : i32
      %dma_start3A_2034 = tpu.memref_slice %arg5[%mul3A_250, %dma_start3A_2033] : memref<128x128xi32, #tpu.memory_space<hbm>> -> memref<4x128xi32, #tpu.memory_space<hbm>>
      %dma_start3A_2035 = arith.constant 0 : i32
      %dma_start3A_2036 = tpu.memref_slice %arg5[%mul3A_250, %dma_start3A_2035] : memref<128x128xi32, #tpu.memory_space<hbm>> -> memref<4x128xi32, #tpu.memory_space<hbm>>
      tpu.enqueue_dma source(%dma_start3A_2036 : memref<4x128xi32, #tpu.memory_space<hbm>>) target(%arg19 : memref<4x128xi32, #tpu.memory_space<vmem>>) target_semaphore(%run_scoped3A : memref<!tpu.dma_semaphore, #tpu.memory_space<semaphore_mem>>)
      %dma_wait3A_2037 = arith.constant 0 : i32
      %dma_wait3A_2038 = tpu.memref_slice %arg5[%mul3A_250, %dma_wait3A_2037] : memref<128x128xi32, #tpu.memory_space<hbm>> -> memref<4x128xi32, #tpu.memory_space<hbm>>
      %dma_wait3A_2039 = arith.constant 0 : i32
      %dma_wait3A_2040 = tpu.memref_slice %arg5[%mul3A_250, %dma_wait3A_2039] : memref<128x128xi32, #tpu.memory_space<hbm>> -> memref<4x128xi32, #tpu.memory_space<hbm>>
      tpu.wait_dma2 semaphore(%run_scoped3A : memref<!tpu.dma_semaphore, #tpu.memory_space<semaphore_mem>>) src(%dma_wait3A_2040 : memref<4x128xi32, #tpu.memory_space<hbm>>) dst(%arg19 : memref<4x128xi32, #tpu.memory_space<vmem>>)
      tpu.yield
    }) : () -> ()
    %mul3A_251 = arith.constant 4 : i32
    %mul3A_252 = arith.muli %add3A, %mul3A_251 : i32
    "tpu.region"() ({
      %run_scoped3A = tpu.sem_alloc : memref<!tpu.dma_semaphore, #tpu.memory_space<semaphore_mem>>
      %dma_start3A_2033 = arith.constant 0 : i32
      %dma_start3A_2034 = tpu.memref_slice %arg6[%mul3A_252, %dma_start3A_2033] : memref<128x128xi32, #tpu.memory_space<hbm>> -> memref<4x128xi32, #tpu.memory_space<hbm>>
      %dma_start3A_2035 = arith.constant 0 : i32
      %dma_start3A_2036 = tpu.memref_slice %arg6[%mul3A_252, %dma_start3A_2035] : memref<128x128xi32, #tpu.memory_space<hbm>> -> memref<4x128xi32, #tpu.memory_space<hbm>>
      tpu.enqueue_dma source(%dma_start3A_2036 : memref<4x128xi32, #tpu.memory_space<hbm>>) target(%arg20 : memref<4x128xi32, #tpu.memory_space<vmem>>) target_semaphore(%run_scoped3A : memref<!tpu.dma_semaphore, #tpu.memory_space<semaphore_mem>>)
      %dma_wait3A_2037 = arith.constant 0 : i32
      %dma_wait3A_2038 = tpu.memref_slice %arg6[%mul3A_252, %dma_wait3A_2037] : memref<128x128xi32, #tpu.memory_space<hbm>> -> memref<4x128xi32, #tpu.memory_space<hbm>>
      %dma_wait3A_2039 = arith.constant 0 : i32
      %dma_wait3A_2040 = tpu.memref_slice %arg6[%mul3A_252, %dma_wait3A_2039] : memref<128x128xi32, #tpu.memory_space<hbm>> -> memref<4x128xi32, #tpu.memory_space<hbm>>
      tpu.wait_dma2 semaphore(%run_scoped3A : memref<!tpu.dma_semaphore, #tpu.memory_space<semaphore_mem>>) src(%dma_wait3A_2040 : memref<4x128xi32, #tpu.memory_space<hbm>>) dst(%arg20 : memref<4x128xi32, #tpu.memory_space<vmem>>)
      tpu.yield
    }) : () -> ()
    %dma_start3A_253 = arith.constant 0 : i32
    %dma_start3A_254 = arith.constant 0 : i32
    %dma_start3A_255 = arith.constant 0 : i32
    %dma_start3A_256 = tpu.memref_slice %arg22[%dma_start3A_254, %dma_start3A_255] : memref<512x16xf32, #tpu.memory_space<vmem>> -> memref<128x16xf32, #tpu.memory_space<vmem>>
    %dma_start3A_257 = arith.constant 0 : i32
    %dma_start3A_258 = tpu.memref_slice %arg19[%dma_start3A_253, %dma_start3A_257] : memref<4x128xi32, #tpu.memory_space<vmem>> -> memref<1x128xi32, #tpu.memory_space<vmem>>
    %dma_start3A_259 = tpu.memref_squeeze %dma_start3A_258 : memref<1x128xi32, #tpu.memory_space<vmem>> -> memref<128xi32, #tpu.memory_space<vmem>>
    %dma_start3A_260 = arith.constant 0 : i32
    %dma_start3A_261 = arith.constant 0 : i32
    %dma_start3A_262 = tpu.memref_slice %arg9[%dma_start3A_260, %dma_start3A_261] : memref<62500x16xf32, #tpu.memory_space<hbm>> -> memref<62500x16xf32, #tpu.memory_space<hbm>>
    tpu.enqueue_indirect_dma source(%dma_start3A_262 : memref<62500x16xf32, #tpu.memory_space<hbm>>) target(%dma_start3A_256 : memref<128x16xf32, #tpu.memory_space<vmem>>) offsets(%dma_start3A_259 : memref<128xi32, #tpu.memory_space<vmem>>) semaphore(%arg23 : memref<!tpu.dma_semaphore, #tpu.memory_space<semaphore_mem>>)
    %dma_start3A_263 = arith.constant 1 : i32
    %dma_start3A_264 = arith.constant 128 : i32
    %dma_start3A_265 = arith.constant 0 : i32
    %dma_start3A_266 = tpu.memref_slice %arg22[%dma_start3A_264, %dma_start3A_265] : memref<512x16xf32, #tpu.memory_space<vmem>> -> memref<128x16xf32, #tpu.memory_space<vmem>>
    %dma_start3A_267 = arith.constant 0 : i32
    %dma_start3A_268 = tpu.memref_slice %arg19[%dma_start3A_263, %dma_start3A_267] : memref<4x128xi32, #tpu.memory_space<vmem>> -> memref<1x128xi32, #tpu.memory_space<vmem>>
    %dma_start3A_269 = tpu.memref_squeeze %dma_start3A_268 : memref<1x128xi32, #tpu.memory_space<vmem>> -> memref<128xi32, #tpu.memory_space<vmem>>
    %dma_start3A_270 = arith.constant 0 : i32
    %dma_start3A_271 = arith.constant 0 : i32
    %dma_start3A_272 = tpu.memref_slice %arg9[%dma_start3A_270, %dma_start3A_271] : memref<62500x16xf32, #tpu.memory_space<hbm>> -> memref<62500x16xf32, #tpu.memory_space<hbm>>
    tpu.enqueue_indirect_dma source(%dma_start3A_272 : memref<62500x16xf32, #tpu.memory_space<hbm>>) target(%dma_start3A_266 : memref<128x16xf32, #tpu.memory_space<vmem>>) offsets(%dma_start3A_269 : memref<128xi32, #tpu.memory_space<vmem>>) semaphore(%arg23 : memref<!tpu.dma_semaphore, #tpu.memory_space<semaphore_mem>>)
    %dma_start3A_273 = arith.constant 2 : i32
    %dma_start3A_274 = arith.constant 256 : i32
    %dma_start3A_275 = arith.constant 0 : i32
    %dma_start3A_276 = tpu.memref_slice %arg22[%dma_start3A_274, %dma_start3A_275] : memref<512x16xf32, #tpu.memory_space<vmem>> -> memref<128x16xf32, #tpu.memory_space<vmem>>
    %dma_start3A_277 = arith.constant 0 : i32
    %dma_start3A_278 = tpu.memref_slice %arg19[%dma_start3A_273, %dma_start3A_277] : memref<4x128xi32, #tpu.memory_space<vmem>> -> memref<1x128xi32, #tpu.memory_space<vmem>>
    %dma_start3A_279 = tpu.memref_squeeze %dma_start3A_278 : memref<1x128xi32, #tpu.memory_space<vmem>> -> memref<128xi32, #tpu.memory_space<vmem>>
    %dma_start3A_280 = arith.constant 0 : i32
    %dma_start3A_281 = arith.constant 0 : i32
    %dma_start3A_282 = tpu.memref_slice %arg9[%dma_start3A_280, %dma_start3A_281] : memref<62500x16xf32, #tpu.memory_space<hbm>> -> memref<62500x16xf32, #tpu.memory_space<hbm>>
    tpu.enqueue_indirect_dma source(%dma_start3A_282 : memref<62500x16xf32, #tpu.memory_space<hbm>>) target(%dma_start3A_276 : memref<128x16xf32, #tpu.memory_space<vmem>>) offsets(%dma_start3A_279 : memref<128xi32, #tpu.memory_space<vmem>>) semaphore(%arg23 : memref<!tpu.dma_semaphore, #tpu.memory_space<semaphore_mem>>)
    %dma_start3A_283 = arith.constant 3 : i32
    %dma_start3A_284 = arith.constant 384 : i32
    %dma_start3A_285 = arith.constant 0 : i32
    %dma_start3A_286 = tpu.memref_slice %arg22[%dma_start3A_284, %dma_start3A_285] : memref<512x16xf32, #tpu.memory_space<vmem>> -> memref<128x16xf32, #tpu.memory_space<vmem>>
    %dma_start3A_287 = arith.constant 0 : i32
    %dma_start3A_288 = tpu.memref_slice %arg19[%dma_start3A_283, %dma_start3A_287] : memref<4x128xi32, #tpu.memory_space<vmem>> -> memref<1x128xi32, #tpu.memory_space<vmem>>
    %dma_start3A_289 = tpu.memref_squeeze %dma_start3A_288 : memref<1x128xi32, #tpu.memory_space<vmem>> -> memref<128xi32, #tpu.memory_space<vmem>>
    %dma_start3A_290 = arith.constant 0 : i32
    %dma_start3A_291 = arith.constant 0 : i32
    %dma_start3A_292 = tpu.memref_slice %arg9[%dma_start3A_290, %dma_start3A_291] : memref<62500x16xf32, #tpu.memory_space<hbm>> -> memref<62500x16xf32, #tpu.memory_space<hbm>>
    tpu.enqueue_indirect_dma source(%dma_start3A_292 : memref<62500x16xf32, #tpu.memory_space<hbm>>) target(%dma_start3A_286 : memref<128x16xf32, #tpu.memory_space<vmem>>) offsets(%dma_start3A_289 : memref<128xi32, #tpu.memory_space<vmem>>) semaphore(%arg23 : memref<!tpu.dma_semaphore, #tpu.memory_space<semaphore_mem>>)
    %dma_wait3A_293 = arith.constant 0 : i32
    %dma_wait3A_294 = arith.constant 0 : i32
    %dma_wait3A_295 = arith.constant 0 : i32
    %dma_wait3A_296 = tpu.memref_slice %arg22[%dma_wait3A_294, %dma_wait3A_295] : memref<512x16xf32, #tpu.memory_space<vmem>> -> memref<128x16xf32, #tpu.memory_space<vmem>>
    %dma_wait3A_297 = arith.constant 0 : i32
    %dma_wait3A_298 = tpu.memref_slice %arg19[%dma_wait3A_293, %dma_wait3A_297] : memref<4x128xi32, #tpu.memory_space<vmem>> -> memref<1x128xi32, #tpu.memory_space<vmem>>
    %dma_wait3A_299 = tpu.memref_squeeze %dma_wait3A_298 : memref<1x128xi32, #tpu.memory_space<vmem>> -> memref<128xi32, #tpu.memory_space<vmem>>
    %dma_wait3A_300 = arith.constant 0 : i32
    %dma_wait3A_301 = arith.constant 0 : i32
    %dma_wait3A_302 = tpu.memref_slice %arg9[%dma_wait3A_300, %dma_wait3A_301] : memref<62500x16xf32, #tpu.memory_space<hbm>> -> memref<62500x16xf32, #tpu.memory_space<hbm>>
    tpu.wait_indirect_dma semaphore(%arg23 : memref<!tpu.dma_semaphore, #tpu.memory_space<semaphore_mem>>) src(%dma_wait3A_302 : memref<62500x16xf32, #tpu.memory_space<hbm>>) dst(%dma_wait3A_296 : memref<128x16xf32, #tpu.memory_space<vmem>>)
    %dma_wait3A_303 = arith.constant 1 : i32
    %dma_wait3A_304 = arith.constant 128 : i32
    %dma_wait3A_305 = arith.constant 0 : i32
    %dma_wait3A_306 = tpu.memref_slice %arg22[%dma_wait3A_304, %dma_wait3A_305] : memref<512x16xf32, #tpu.memory_space<vmem>> -> memref<128x16xf32, #tpu.memory_space<vmem>>
    %dma_wait3A_307 = arith.constant 0 : i32
    %dma_wait3A_308 = tpu.memref_slice %arg19[%dma_wait3A_303, %dma_wait3A_307] : memref<4x128xi32, #tpu.memory_space<vmem>> -> memref<1x128xi32, #tpu.memory_space<vmem>>
    %dma_wait3A_309 = tpu.memref_squeeze %dma_wait3A_308 : memref<1x128xi32, #tpu.memory_space<vmem>> -> memref<128xi32, #tpu.memory_space<vmem>>
    %dma_wait3A_310 = arith.constant 0 : i32
    %dma_wait3A_311 = arith.constant 0 : i32
    %dma_wait3A_312 = tpu.memref_slice %arg9[%dma_wait3A_310, %dma_wait3A_311] : memref<62500x16xf32, #tpu.memory_space<hbm>> -> memref<62500x16xf32, #tpu.memory_space<hbm>>
    tpu.wait_indirect_dma semaphore(%arg23 : memref<!tpu.dma_semaphore, #tpu.memory_space<semaphore_mem>>) src(%dma_wait3A_312 : memref<62500x16xf32, #tpu.memory_space<hbm>>) dst(%dma_wait3A_306 : memref<128x16xf32, #tpu.memory_space<vmem>>)
    %dma_wait3A_313 = arith.constant 2 : i32
    %dma_wait3A_314 = arith.constant 256 : i32
    %dma_wait3A_315 = arith.constant 0 : i32
    %dma_wait3A_316 = tpu.memref_slice %arg22[%dma_wait3A_314, %dma_wait3A_315] : memref<512x16xf32, #tpu.memory_space<vmem>> -> memref<128x16xf32, #tpu.memory_space<vmem>>
    %dma_wait3A_317 = arith.constant 0 : i32
    %dma_wait3A_318 = tpu.memref_slice %arg19[%dma_wait3A_313, %dma_wait3A_317] : memref<4x128xi32, #tpu.memory_space<vmem>> -> memref<1x128xi32, #tpu.memory_space<vmem>>
    %dma_wait3A_319 = tpu.memref_squeeze %dma_wait3A_318 : memref<1x128xi32, #tpu.memory_space<vmem>> -> memref<128xi32, #tpu.memory_space<vmem>>
    %dma_wait3A_320 = arith.constant 0 : i32
    %dma_wait3A_321 = arith.constant 0 : i32
    %dma_wait3A_322 = tpu.memref_slice %arg9[%dma_wait3A_320, %dma_wait3A_321] : memref<62500x16xf32, #tpu.memory_space<hbm>> -> memref<62500x16xf32, #tpu.memory_space<hbm>>
    tpu.wait_indirect_dma semaphore(%arg23 : memref<!tpu.dma_semaphore, #tpu.memory_space<semaphore_mem>>) src(%dma_wait3A_322 : memref<62500x16xf32, #tpu.memory_space<hbm>>) dst(%dma_wait3A_316 : memref<128x16xf32, #tpu.memory_space<vmem>>)
    %dma_wait3A_323 = arith.constant 3 : i32
    %dma_wait3A_324 = arith.constant 384 : i32
    %dma_wait3A_325 = arith.constant 0 : i32
    %dma_wait3A_326 = tpu.memref_slice %arg22[%dma_wait3A_324, %dma_wait3A_325] : memref<512x16xf32, #tpu.memory_space<vmem>> -> memref<128x16xf32, #tpu.memory_space<vmem>>
    %dma_wait3A_327 = arith.constant 0 : i32
    %dma_wait3A_328 = tpu.memref_slice %arg19[%dma_wait3A_323, %dma_wait3A_327] : memref<4x128xi32, #tpu.memory_space<vmem>> -> memref<1x128xi32, #tpu.memory_space<vmem>>
    %dma_wait3A_329 = tpu.memref_squeeze %dma_wait3A_328 : memref<1x128xi32, #tpu.memory_space<vmem>> -> memref<128xi32, #tpu.memory_space<vmem>>
    %dma_wait3A_330 = arith.constant 0 : i32
    %dma_wait3A_331 = arith.constant 0 : i32
    %dma_wait3A_332 = tpu.memref_slice %arg9[%dma_wait3A_330, %dma_wait3A_331] : memref<62500x16xf32, #tpu.memory_space<hbm>> -> memref<62500x16xf32, #tpu.memory_space<hbm>>
    tpu.wait_indirect_dma semaphore(%arg23 : memref<!tpu.dma_semaphore, #tpu.memory_space<semaphore_mem>>) src(%dma_wait3A_332 : memref<62500x16xf32, #tpu.memory_space<hbm>>) dst(%dma_wait3A_326 : memref<128x16xf32, #tpu.memory_space<vmem>>)
    "tpu.region"() ({
      %run_scoped3A = tpu.sem_alloc : memref<!tpu.dma_semaphore, #tpu.memory_space<semaphore_mem>>
      %dma_start3A_2033 = arith.constant 0 : i32
      %dma_start3A_2034 = tpu.memref_slice %arg16[%mul3A_2, %dma_start3A_2033] : memref<16384x16xf32, #tpu.memory_space<hbm>> -> memref<512x16xf32, #tpu.memory_space<hbm>>
      %dma_start3A_2035 = arith.constant 0 : i32
      %dma_start3A_2036 = tpu.memref_slice %arg16[%mul3A_2, %dma_start3A_2035] : memref<16384x16xf32, #tpu.memory_space<hbm>> -> memref<512x16xf32, #tpu.memory_space<hbm>>
      tpu.enqueue_dma source(%arg22 : memref<512x16xf32, #tpu.memory_space<vmem>>) target(%dma_start3A_2036 : memref<512x16xf32, #tpu.memory_space<hbm>>) target_semaphore(%run_scoped3A : memref<!tpu.dma_semaphore, #tpu.memory_space<semaphore_mem>>)
      %dma_wait3A_2037 = arith.constant 0 : i32
      %dma_wait3A_2038 = tpu.memref_slice %arg16[%mul3A_2, %dma_wait3A_2037] : memref<16384x16xf32, #tpu.memory_space<hbm>> -> memref<512x16xf32, #tpu.memory_space<hbm>>
      %dma_wait3A_2039 = arith.constant 0 : i32
      %dma_wait3A_2040 = tpu.memref_slice %arg16[%mul3A_2, %dma_wait3A_2039] : memref<16384x16xf32, #tpu.memory_space<hbm>> -> memref<512x16xf32, #tpu.memory_space<hbm>>
      tpu.wait_dma2 semaphore(%run_scoped3A : memref<!tpu.dma_semaphore, #tpu.memory_space<semaphore_mem>>) src(%arg22 : memref<512x16xf32, #tpu.memory_space<vmem>>) dst(%dma_wait3A_2040 : memref<512x16xf32, #tpu.memory_space<hbm>>)
      tpu.yield
    }) : () -> ()
    %dma_start3A_333 = arith.constant 0 : i32
    %dma_start3A_334 = arith.constant 0 : i32
    %dma_start3A_335 = arith.constant 0 : i32
    %dma_start3A_336 = tpu.memref_slice %arg22[%dma_start3A_334, %dma_start3A_335] : memref<512x16xf32, #tpu.memory_space<vmem>> -> memref<128x16xf32, #tpu.memory_space<vmem>>
    %dma_start3A_337 = arith.constant 0 : i32
    %dma_start3A_338 = tpu.memref_slice %arg20[%dma_start3A_333, %dma_start3A_337] : memref<4x128xi32, #tpu.memory_space<vmem>> -> memref<1x128xi32, #tpu.memory_space<vmem>>
    %dma_start3A_339 = tpu.memref_squeeze %dma_start3A_338 : memref<1x128xi32, #tpu.memory_space<vmem>> -> memref<128xi32, #tpu.memory_space<vmem>>
    %dma_start3A_340 = arith.constant 0 : i32
    %dma_start3A_341 = arith.constant 0 : i32
    %dma_start3A_342 = tpu.memref_slice %arg10[%dma_start3A_340, %dma_start3A_341] : memref<62500x16xf32, #tpu.memory_space<hbm>> -> memref<62500x16xf32, #tpu.memory_space<hbm>>
    tpu.enqueue_indirect_dma source(%dma_start3A_342 : memref<62500x16xf32, #tpu.memory_space<hbm>>) target(%dma_start3A_336 : memref<128x16xf32, #tpu.memory_space<vmem>>) offsets(%dma_start3A_339 : memref<128xi32, #tpu.memory_space<vmem>>) semaphore(%arg23 : memref<!tpu.dma_semaphore, #tpu.memory_space<semaphore_mem>>)
    %dma_start3A_343 = arith.constant 1 : i32
    %dma_start3A_344 = arith.constant 128 : i32
    %dma_start3A_345 = arith.constant 0 : i32
    %dma_start3A_346 = tpu.memref_slice %arg22[%dma_start3A_344, %dma_start3A_345] : memref<512x16xf32, #tpu.memory_space<vmem>> -> memref<128x16xf32, #tpu.memory_space<vmem>>
    %dma_start3A_347 = arith.constant 0 : i32
    %dma_start3A_348 = tpu.memref_slice %arg20[%dma_start3A_343, %dma_start3A_347] : memref<4x128xi32, #tpu.memory_space<vmem>> -> memref<1x128xi32, #tpu.memory_space<vmem>>
    %dma_start3A_349 = tpu.memref_squeeze %dma_start3A_348 : memref<1x128xi32, #tpu.memory_space<vmem>> -> memref<128xi32, #tpu.memory_space<vmem>>
    %dma_start3A_350 = arith.constant 0 : i32
    %dma_start3A_351 = arith.constant 0 : i32
    %dma_start3A_352 = tpu.memref_slice %arg10[%dma_start3A_350, %dma_start3A_351] : memref<62500x16xf32, #tpu.memory_space<hbm>> -> memref<62500x16xf32, #tpu.memory_space<hbm>>
    tpu.enqueue_indirect_dma source(%dma_start3A_352 : memref<62500x16xf32, #tpu.memory_space<hbm>>) target(%dma_start3A_346 : memref<128x16xf32, #tpu.memory_space<vmem>>) offsets(%dma_start3A_349 : memref<128xi32, #tpu.memory_space<vmem>>) semaphore(%arg23 : memref<!tpu.dma_semaphore, #tpu.memory_space<semaphore_mem>>)
    %dma_start3A_353 = arith.constant 2 : i32
    %dma_start3A_354 = arith.constant 256 : i32
    %dma_start3A_355 = arith.constant 0 : i32
    %dma_start3A_356 = tpu.memref_slice %arg22[%dma_start3A_354, %dma_start3A_355] : memref<512x16xf32, #tpu.memory_space<vmem>> -> memref<128x16xf32, #tpu.memory_space<vmem>>
    %dma_start3A_357 = arith.constant 0 : i32
    %dma_start3A_358 = tpu.memref_slice %arg20[%dma_start3A_353, %dma_start3A_357] : memref<4x128xi32, #tpu.memory_space<vmem>> -> memref<1x128xi32, #tpu.memory_space<vmem>>
    %dma_start3A_359 = tpu.memref_squeeze %dma_start3A_358 : memref<1x128xi32, #tpu.memory_space<vmem>> -> memref<128xi32, #tpu.memory_space<vmem>>
    %dma_start3A_360 = arith.constant 0 : i32
    %dma_start3A_361 = arith.constant 0 : i32
    %dma_start3A_362 = tpu.memref_slice %arg10[%dma_start3A_360, %dma_start3A_361] : memref<62500x16xf32, #tpu.memory_space<hbm>> -> memref<62500x16xf32, #tpu.memory_space<hbm>>
    tpu.enqueue_indirect_dma source(%dma_start3A_362 : memref<62500x16xf32, #tpu.memory_space<hbm>>) target(%dma_start3A_356 : memref<128x16xf32, #tpu.memory_space<vmem>>) offsets(%dma_start3A_359 : memref<128xi32, #tpu.memory_space<vmem>>) semaphore(%arg23 : memref<!tpu.dma_semaphore, #tpu.memory_space<semaphore_mem>>)
    %dma_start3A_363 = arith.constant 3 : i32
    %dma_start3A_364 = arith.constant 384 : i32
    %dma_start3A_365 = arith.constant 0 : i32
    %dma_start3A_366 = tpu.memref_slice %arg22[%dma_start3A_364, %dma_start3A_365] : memref<512x16xf32, #tpu.memory_space<vmem>> -> memref<128x16xf32, #tpu.memory_space<vmem>>
    %dma_start3A_367 = arith.constant 0 : i32
    %dma_start3A_368 = tpu.memref_slice %arg20[%dma_start3A_363, %dma_start3A_367] : memref<4x128xi32, #tpu.memory_space<vmem>> -> memref<1x128xi32, #tpu.memory_space<vmem>>
    %dma_start3A_369 = tpu.memref_squeeze %dma_start3A_368 : memref<1x128xi32, #tpu.memory_space<vmem>> -> memref<128xi32, #tpu.memory_space<vmem>>
    %dma_start3A_370 = arith.constant 0 : i32
    %dma_start3A_371 = arith.constant 0 : i32
    %dma_start3A_372 = tpu.memref_slice %arg10[%dma_start3A_370, %dma_start3A_371] : memref<62500x16xf32, #tpu.memory_space<hbm>> -> memref<62500x16xf32, #tpu.memory_space<hbm>>
    tpu.enqueue_indirect_dma source(%dma_start3A_372 : memref<62500x16xf32, #tpu.memory_space<hbm>>) target(%dma_start3A_366 : memref<128x16xf32, #tpu.memory_space<vmem>>) offsets(%dma_start3A_369 : memref<128xi32, #tpu.memory_space<vmem>>) semaphore(%arg23 : memref<!tpu.dma_semaphore, #tpu.memory_space<semaphore_mem>>)
    %dma_wait3A_373 = arith.constant 0 : i32
    %dma_wait3A_374 = arith.constant 0 : i32
    %dma_wait3A_375 = arith.constant 0 : i32
    %dma_wait3A_376 = tpu.memref_slice %arg22[%dma_wait3A_374, %dma_wait3A_375] : memref<512x16xf32, #tpu.memory_space<vmem>> -> memref<128x16xf32, #tpu.memory_space<vmem>>
    %dma_wait3A_377 = arith.constant 0 : i32
    %dma_wait3A_378 = tpu.memref_slice %arg20[%dma_wait3A_373, %dma_wait3A_377] : memref<4x128xi32, #tpu.memory_space<vmem>> -> memref<1x128xi32, #tpu.memory_space<vmem>>
    %dma_wait3A_379 = tpu.memref_squeeze %dma_wait3A_378 : memref<1x128xi32, #tpu.memory_space<vmem>> -> memref<128xi32, #tpu.memory_space<vmem>>
    %dma_wait3A_380 = arith.constant 0 : i32
    %dma_wait3A_381 = arith.constant 0 : i32
    %dma_wait3A_382 = tpu.memref_slice %arg10[%dma_wait3A_380, %dma_wait3A_381] : memref<62500x16xf32, #tpu.memory_space<hbm>> -> memref<62500x16xf32, #tpu.memory_space<hbm>>
    tpu.wait_indirect_dma semaphore(%arg23 : memref<!tpu.dma_semaphore, #tpu.memory_space<semaphore_mem>>) src(%dma_wait3A_382 : memref<62500x16xf32, #tpu.memory_space<hbm>>) dst(%dma_wait3A_376 : memref<128x16xf32, #tpu.memory_space<vmem>>)
    %dma_wait3A_383 = arith.constant 1 : i32
    %dma_wait3A_384 = arith.constant 128 : i32
    %dma_wait3A_385 = arith.constant 0 : i32
    %dma_wait3A_386 = tpu.memref_slice %arg22[%dma_wait3A_384, %dma_wait3A_385] : memref<512x16xf32, #tpu.memory_space<vmem>> -> memref<128x16xf32, #tpu.memory_space<vmem>>
    %dma_wait3A_387 = arith.constant 0 : i32
    %dma_wait3A_388 = tpu.memref_slice %arg20[%dma_wait3A_383, %dma_wait3A_387] : memref<4x128xi32, #tpu.memory_space<vmem>> -> memref<1x128xi32, #tpu.memory_space<vmem>>
    %dma_wait3A_389 = tpu.memref_squeeze %dma_wait3A_388 : memref<1x128xi32, #tpu.memory_space<vmem>> -> memref<128xi32, #tpu.memory_space<vmem>>
    %dma_wait3A_390 = arith.constant 0 : i32
    %dma_wait3A_391 = arith.constant 0 : i32
    %dma_wait3A_392 = tpu.memref_slice %arg10[%dma_wait3A_390, %dma_wait3A_391] : memref<62500x16xf32, #tpu.memory_space<hbm>> -> memref<62500x16xf32, #tpu.memory_space<hbm>>
    tpu.wait_indirect_dma semaphore(%arg23 : memref<!tpu.dma_semaphore, #tpu.memory_space<semaphore_mem>>) src(%dma_wait3A_392 : memref<62500x16xf32, #tpu.memory_space<hbm>>) dst(%dma_wait3A_386 : memref<128x16xf32, #tpu.memory_space<vmem>>)
    %dma_wait3A_393 = arith.constant 2 : i32
    %dma_wait3A_394 = arith.constant 256 : i32
    %dma_wait3A_395 = arith.constant 0 : i32
    %dma_wait3A_396 = tpu.memref_slice %arg22[%dma_wait3A_394, %dma_wait3A_395] : memref<512x16xf32, #tpu.memory_space<vmem>> -> memref<128x16xf32, #tpu.memory_space<vmem>>
    %dma_wait3A_397 = arith.constant 0 : i32
    %dma_wait3A_398 = tpu.memref_slice %arg20[%dma_wait3A_393, %dma_wait3A_397] : memref<4x128xi32, #tpu.memory_space<vmem>> -> memref<1x128xi32, #tpu.memory_space<vmem>>
    %dma_wait3A_399 = tpu.memref_squeeze %dma_wait3A_398 : memref<1x128xi32, #tpu.memory_space<vmem>> -> memref<128xi32, #tpu.memory_space<vmem>>
    %dma_wait3A_400 = arith.constant 0 : i32
    %dma_wait3A_401 = arith.constant 0 : i32
    %dma_wait3A_402 = tpu.memref_slice %arg10[%dma_wait3A_400, %dma_wait3A_401] : memref<62500x16xf32, #tpu.memory_space<hbm>> -> memref<62500x16xf32, #tpu.memory_space<hbm>>
    tpu.wait_indirect_dma semaphore(%arg23 : memref<!tpu.dma_semaphore, #tpu.memory_space<semaphore_mem>>) src(%dma_wait3A_402 : memref<62500x16xf32, #tpu.memory_space<hbm>>) dst(%dma_wait3A_396 : memref<128x16xf32, #tpu.memory_space<vmem>>)
    %dma_wait3A_403 = arith.constant 3 : i32
    %dma_wait3A_404 = arith.constant 384 : i32
    %dma_wait3A_405 = arith.constant 0 : i32
    %dma_wait3A_406 = tpu.memref_slice %arg22[%dma_wait3A_404, %dma_wait3A_405] : memref<512x16xf32, #tpu.memory_space<vmem>> -> memref<128x16xf32, #tpu.memory_space<vmem>>
    %dma_wait3A_407 = arith.constant 0 : i32
    %dma_wait3A_408 = tpu.memref_slice %arg20[%dma_wait3A_403, %dma_wait3A_407] : memref<4x128xi32, #tpu.memory_space<vmem>> -> memref<1x128xi32, #tpu.memory_space<vmem>>
    %dma_wait3A_409 = tpu.memref_squeeze %dma_wait3A_408 : memref<1x128xi32, #tpu.memory_space<vmem>> -> memref<128xi32, #tpu.memory_space<vmem>>
    %dma_wait3A_410 = arith.constant 0 : i32
    %dma_wait3A_411 = arith.constant 0 : i32
    %dma_wait3A_412 = tpu.memref_slice %arg10[%dma_wait3A_410, %dma_wait3A_411] : memref<62500x16xf32, #tpu.memory_space<hbm>> -> memref<62500x16xf32, #tpu.memory_space<hbm>>
    tpu.wait_indirect_dma semaphore(%arg23 : memref<!tpu.dma_semaphore, #tpu.memory_space<semaphore_mem>>) src(%dma_wait3A_412 : memref<62500x16xf32, #tpu.memory_space<hbm>>) dst(%dma_wait3A_406 : memref<128x16xf32, #tpu.memory_space<vmem>>)
    "tpu.region"() ({
      %run_scoped3A = tpu.sem_alloc : memref<!tpu.dma_semaphore, #tpu.memory_space<semaphore_mem>>
      %dma_start3A_2033 = arith.constant 0 : i32
      %dma_start3A_2034 = tpu.memref_slice %arg17[%mul3A_2, %dma_start3A_2033] : memref<16384x16xf32, #tpu.memory_space<hbm>> -> memref<512x16xf32, #tpu.memory_space<hbm>>
      %dma_start3A_2035 = arith.constant 0 : i32
      %dma_start3A_2036 = tpu.memref_slice %arg17[%mul3A_2, %dma_start3A_2035] : memref<16384x16xf32, #tpu.memory_space<hbm>> -> memref<512x16xf32, #tpu.memory_space<hbm>>
      tpu.enqueue_dma source(%arg22 : memref<512x16xf32, #tpu.memory_space<vmem>>) target(%dma_start3A_2036 : memref<512x16xf32, #tpu.memory_space<hbm>>) target_semaphore(%run_scoped3A : memref<!tpu.dma_semaphore, #tpu.memory_space<semaphore_mem>>)
      %dma_wait3A_2037 = arith.constant 0 : i32
      %dma_wait3A_2038 = tpu.memref_slice %arg17[%mul3A_2, %dma_wait3A_2037] : memref<16384x16xf32, #tpu.memory_space<hbm>> -> memref<512x16xf32, #tpu.memory_space<hbm>>
      %dma_wait3A_2039 = arith.constant 0 : i32
      %dma_wait3A_2040 = tpu.memref_slice %arg17[%mul3A_2, %dma_wait3A_2039] : memref<16384x16xf32, #tpu.memory_space<hbm>> -> memref<512x16xf32, #tpu.memory_space<hbm>>
      tpu.wait_dma2 semaphore(%run_scoped3A : memref<!tpu.dma_semaphore, #tpu.memory_space<semaphore_mem>>) src(%arg22 : memref<512x16xf32, #tpu.memory_space<vmem>>) dst(%dma_wait3A_2040 : memref<512x16xf32, #tpu.memory_space<hbm>>)
      tpu.yield
    }) : () -> ()
    %dma_start3A_413 = arith.constant 0 : i32
    %dma_start3A_414 = arith.constant 0 : i32
    %dma_start3A_415 = arith.constant 0 : i32
    %dma_start3A_416 = tpu.memref_slice %arg21[%dma_start3A_414, %dma_start3A_415] : memref<1024x16xf32, #tpu.memory_space<vmem>> -> memref<128x16xf32, #tpu.memory_space<vmem>>
    %dma_start3A_417 = arith.constant 0 : i32
    %dma_start3A_418 = tpu.memref_slice %arg18[%dma_start3A_413, %dma_start3A_417] : memref<80x128xi32, #tpu.memory_space<vmem>> -> memref<1x128xi32, #tpu.memory_space<vmem>>
    %dma_start3A_419 = tpu.memref_squeeze %dma_start3A_418 : memref<1x128xi32, #tpu.memory_space<vmem>> -> memref<128xi32, #tpu.memory_space<vmem>>
    %dma_start3A_420 = arith.constant 0 : i32
    %dma_start3A_421 = arith.constant 0 : i32
    %dma_start3A_422 = tpu.memref_slice %arg11[%dma_start3A_420, %dma_start3A_421] : memref<1000000x16xf32, #tpu.memory_space<hbm>> -> memref<1000000x16xf32, #tpu.memory_space<hbm>>
    tpu.enqueue_indirect_dma source(%dma_start3A_422 : memref<1000000x16xf32, #tpu.memory_space<hbm>>) target(%dma_start3A_416 : memref<128x16xf32, #tpu.memory_space<vmem>>) offsets(%dma_start3A_419 : memref<128xi32, #tpu.memory_space<vmem>>) semaphore(%arg23 : memref<!tpu.dma_semaphore, #tpu.memory_space<semaphore_mem>>)
    %dma_start3A_423 = arith.constant 1 : i32
    %dma_start3A_424 = arith.constant 128 : i32
    %dma_start3A_425 = arith.constant 0 : i32
    %dma_start3A_426 = tpu.memref_slice %arg21[%dma_start3A_424, %dma_start3A_425] : memref<1024x16xf32, #tpu.memory_space<vmem>> -> memref<128x16xf32, #tpu.memory_space<vmem>>
    %dma_start3A_427 = arith.constant 0 : i32
    %dma_start3A_428 = tpu.memref_slice %arg18[%dma_start3A_423, %dma_start3A_427] : memref<80x128xi32, #tpu.memory_space<vmem>> -> memref<1x128xi32, #tpu.memory_space<vmem>>
    %dma_start3A_429 = tpu.memref_squeeze %dma_start3A_428 : memref<1x128xi32, #tpu.memory_space<vmem>> -> memref<128xi32, #tpu.memory_space<vmem>>
    %dma_start3A_430 = arith.constant 0 : i32
    %dma_start3A_431 = arith.constant 0 : i32
    %dma_start3A_432 = tpu.memref_slice %arg11[%dma_start3A_430, %dma_start3A_431] : memref<1000000x16xf32, #tpu.memory_space<hbm>> -> memref<1000000x16xf32, #tpu.memory_space<hbm>>
    tpu.enqueue_indirect_dma source(%dma_start3A_432 : memref<1000000x16xf32, #tpu.memory_space<hbm>>) target(%dma_start3A_426 : memref<128x16xf32, #tpu.memory_space<vmem>>) offsets(%dma_start3A_429 : memref<128xi32, #tpu.memory_space<vmem>>) semaphore(%arg23 : memref<!tpu.dma_semaphore, #tpu.memory_space<semaphore_mem>>)
    %dma_start3A_433 = arith.constant 2 : i32
    %dma_start3A_434 = arith.constant 256 : i32
    %dma_start3A_435 = arith.constant 0 : i32
    %dma_start3A_436 = tpu.memref_slice %arg21[%dma_start3A_434, %dma_start3A_435] : memref<1024x16xf32, #tpu.memory_space<vmem>> -> memref<128x16xf32, #tpu.memory_space<vmem>>
    %dma_start3A_437 = arith.constant 0 : i32
    %dma_start3A_438 = tpu.memref_slice %arg18[%dma_start3A_433, %dma_start3A_437] : memref<80x128xi32, #tpu.memory_space<vmem>> -> memref<1x128xi32, #tpu.memory_space<vmem>>
    %dma_start3A_439 = tpu.memref_squeeze %dma_start3A_438 : memref<1x128xi32, #tpu.memory_space<vmem>> -> memref<128xi32, #tpu.memory_space<vmem>>
    %dma_start3A_440 = arith.constant 0 : i32
    %dma_start3A_441 = arith.constant 0 : i32
    %dma_start3A_442 = tpu.memref_slice %arg11[%dma_start3A_440, %dma_start3A_441] : memref<1000000x16xf32, #tpu.memory_space<hbm>> -> memref<1000000x16xf32, #tpu.memory_space<hbm>>
    tpu.enqueue_indirect_dma source(%dma_start3A_442 : memref<1000000x16xf32, #tpu.memory_space<hbm>>) target(%dma_start3A_436 : memref<128x16xf32, #tpu.memory_space<vmem>>) offsets(%dma_start3A_439 : memref<128xi32, #tpu.memory_space<vmem>>) semaphore(%arg23 : memref<!tpu.dma_semaphore, #tpu.memory_space<semaphore_mem>>)
    %dma_start3A_443 = arith.constant 3 : i32
    %dma_start3A_444 = arith.constant 384 : i32
    %dma_start3A_445 = arith.constant 0 : i32
    %dma_start3A_446 = tpu.memref_slice %arg21[%dma_start3A_444, %dma_start3A_445] : memref<1024x16xf32, #tpu.memory_space<vmem>> -> memref<128x16xf32, #tpu.memory_space<vmem>>
    %dma_start3A_447 = arith.constant 0 : i32
    %dma_start3A_448 = tpu.memref_slice %arg18[%dma_start3A_443, %dma_start3A_447] : memref<80x128xi32, #tpu.memory_space<vmem>> -> memref<1x128xi32, #tpu.memory_space<vmem>>
    %dma_start3A_449 = tpu.memref_squeeze %dma_start3A_448 : memref<1x128xi32, #tpu.memory_space<vmem>> -> memref<128xi32, #tpu.memory_space<vmem>>
    %dma_start3A_450 = arith.constant 0 : i32
    %dma_start3A_451 = arith.constant 0 : i32
    %dma_start3A_452 = tpu.memref_slice %arg11[%dma_start3A_450, %dma_start3A_451] : memref<1000000x16xf32, #tpu.memory_space<hbm>> -> memref<1000000x16xf32, #tpu.memory_space<hbm>>
    tpu.enqueue_indirect_dma source(%dma_start3A_452 : memref<1000000x16xf32, #tpu.memory_space<hbm>>) target(%dma_start3A_446 : memref<128x16xf32, #tpu.memory_space<vmem>>) offsets(%dma_start3A_449 : memref<128xi32, #tpu.memory_space<vmem>>) semaphore(%arg23 : memref<!tpu.dma_semaphore, #tpu.memory_space<semaphore_mem>>)
    %dma_start3A_453 = arith.constant 4 : i32
    %dma_start3A_454 = arith.constant 512 : i32
    %dma_start3A_455 = arith.constant 0 : i32
    %dma_start3A_456 = tpu.memref_slice %arg21[%dma_start3A_454, %dma_start3A_455] : memref<1024x16xf32, #tpu.memory_space<vmem>> -> memref<128x16xf32, #tpu.memory_space<vmem>>
    %dma_start3A_457 = arith.constant 0 : i32
    %dma_start3A_458 = tpu.memref_slice %arg18[%dma_start3A_453, %dma_start3A_457] : memref<80x128xi32, #tpu.memory_space<vmem>> -> memref<1x128xi32, #tpu.memory_space<vmem>>
    %dma_start3A_459 = tpu.memref_squeeze %dma_start3A_458 : memref<1x128xi32, #tpu.memory_space<vmem>> -> memref<128xi32, #tpu.memory_space<vmem>>
    %dma_start3A_460 = arith.constant 0 : i32
    %dma_start3A_461 = arith.constant 0 : i32
    %dma_start3A_462 = tpu.memref_slice %arg11[%dma_start3A_460, %dma_start3A_461] : memref<1000000x16xf32, #tpu.memory_space<hbm>> -> memref<1000000x16xf32, #tpu.memory_space<hbm>>
    tpu.enqueue_indirect_dma source(%dma_start3A_462 : memref<1000000x16xf32, #tpu.memory_space<hbm>>) target(%dma_start3A_456 : memref<128x16xf32, #tpu.memory_space<vmem>>) offsets(%dma_start3A_459 : memref<128xi32, #tpu.memory_space<vmem>>) semaphore(%arg23 : memref<!tpu.dma_semaphore, #tpu.memory_space<semaphore_mem>>)
    %dma_start3A_463 = arith.constant 5 : i32
    %dma_start3A_464 = arith.constant 640 : i32
    %dma_start3A_465 = arith.constant 0 : i32
    %dma_start3A_466 = tpu.memref_slice %arg21[%dma_start3A_464, %dma_start3A_465] : memref<1024x16xf32, #tpu.memory_space<vmem>> -> memref<128x16xf32, #tpu.memory_space<vmem>>
    %dma_start3A_467 = arith.constant 0 : i32
    %dma_start3A_468 = tpu.memref_slice %arg18[%dma_start3A_463, %dma_start3A_467] : memref<80x128xi32, #tpu.memory_space<vmem>> -> memref<1x128xi32, #tpu.memory_space<vmem>>
    %dma_start3A_469 = tpu.memref_squeeze %dma_start3A_468 : memref<1x128xi32, #tpu.memory_space<vmem>> -> memref<128xi32, #tpu.memory_space<vmem>>
    %dma_start3A_470 = arith.constant 0 : i32
    %dma_start3A_471 = arith.constant 0 : i32
    %dma_start3A_472 = tpu.memref_slice %arg11[%dma_start3A_470, %dma_start3A_471] : memref<1000000x16xf32, #tpu.memory_space<hbm>> -> memref<1000000x16xf32, #tpu.memory_space<hbm>>
    tpu.enqueue_indirect_dma source(%dma_start3A_472 : memref<1000000x16xf32, #tpu.memory_space<hbm>>) target(%dma_start3A_466 : memref<128x16xf32, #tpu.memory_space<vmem>>) offsets(%dma_start3A_469 : memref<128xi32, #tpu.memory_space<vmem>>) semaphore(%arg23 : memref<!tpu.dma_semaphore, #tpu.memory_space<semaphore_mem>>)
    %dma_start3A_473 = arith.constant 6 : i32
    %dma_start3A_474 = arith.constant 768 : i32
    %dma_start3A_475 = arith.constant 0 : i32
    %dma_start3A_476 = tpu.memref_slice %arg21[%dma_start3A_474, %dma_start3A_475] : memref<1024x16xf32, #tpu.memory_space<vmem>> -> memref<128x16xf32, #tpu.memory_space<vmem>>
    %dma_start3A_477 = arith.constant 0 : i32
    %dma_start3A_478 = tpu.memref_slice %arg18[%dma_start3A_473, %dma_start3A_477] : memref<80x128xi32, #tpu.memory_space<vmem>> -> memref<1x128xi32, #tpu.memory_space<vmem>>
    %dma_start3A_479 = tpu.memref_squeeze %dma_start3A_478 : memref<1x128xi32, #tpu.memory_space<vmem>> -> memref<128xi32, #tpu.memory_space<vmem>>
    %dma_start3A_480 = arith.constant 0 : i32
    %dma_start3A_481 = arith.constant 0 : i32
    %dma_start3A_482 = tpu.memref_slice %arg11[%dma_start3A_480, %dma_start3A_481] : memref<1000000x16xf32, #tpu.memory_space<hbm>> -> memref<1000000x16xf32, #tpu.memory_space<hbm>>
    tpu.enqueue_indirect_dma source(%dma_start3A_482 : memref<1000000x16xf32, #tpu.memory_space<hbm>>) target(%dma_start3A_476 : memref<128x16xf32, #tpu.memory_space<vmem>>) offsets(%dma_start3A_479 : memref<128xi32, #tpu.memory_space<vmem>>) semaphore(%arg23 : memref<!tpu.dma_semaphore, #tpu.memory_space<semaphore_mem>>)
    %dma_start3A_483 = arith.constant 7 : i32
    %dma_start3A_484 = arith.constant 896 : i32
    %dma_start3A_485 = arith.constant 0 : i32
    %dma_start3A_486 = tpu.memref_slice %arg21[%dma_start3A_484, %dma_start3A_485] : memref<1024x16xf32, #tpu.memory_space<vmem>> -> memref<128x16xf32, #tpu.memory_space<vmem>>
    %dma_start3A_487 = arith.constant 0 : i32
    %dma_start3A_488 = tpu.memref_slice %arg18[%dma_start3A_483, %dma_start3A_487] : memref<80x128xi32, #tpu.memory_space<vmem>> -> memref<1x128xi32, #tpu.memory_space<vmem>>
    %dma_start3A_489 = tpu.memref_squeeze %dma_start3A_488 : memref<1x128xi32, #tpu.memory_space<vmem>> -> memref<128xi32, #tpu.memory_space<vmem>>
    %dma_start3A_490 = arith.constant 0 : i32
    %dma_start3A_491 = arith.constant 0 : i32
    %dma_start3A_492 = tpu.memref_slice %arg11[%dma_start3A_490, %dma_start3A_491] : memref<1000000x16xf32, #tpu.memory_space<hbm>> -> memref<1000000x16xf32, #tpu.memory_space<hbm>>
    tpu.enqueue_indirect_dma source(%dma_start3A_492 : memref<1000000x16xf32, #tpu.memory_space<hbm>>) target(%dma_start3A_486 : memref<128x16xf32, #tpu.memory_space<vmem>>) offsets(%dma_start3A_489 : memref<128xi32, #tpu.memory_space<vmem>>) semaphore(%arg23 : memref<!tpu.dma_semaphore, #tpu.memory_space<semaphore_mem>>)
    %dma_wait3A_493 = arith.constant 0 : i32
    %dma_wait3A_494 = arith.constant 0 : i32
    %dma_wait3A_495 = arith.constant 0 : i32
    %dma_wait3A_496 = tpu.memref_slice %arg21[%dma_wait3A_494, %dma_wait3A_495] : memref<1024x16xf32, #tpu.memory_space<vmem>> -> memref<128x16xf32, #tpu.memory_space<vmem>>
    %dma_wait3A_497 = arith.constant 0 : i32
    %dma_wait3A_498 = tpu.memref_slice %arg18[%dma_wait3A_493, %dma_wait3A_497] : memref<80x128xi32, #tpu.memory_space<vmem>> -> memref<1x128xi32, #tpu.memory_space<vmem>>
    %dma_wait3A_499 = tpu.memref_squeeze %dma_wait3A_498 : memref<1x128xi32, #tpu.memory_space<vmem>> -> memref<128xi32, #tpu.memory_space<vmem>>
    %dma_wait3A_500 = arith.constant 0 : i32
    %dma_wait3A_501 = arith.constant 0 : i32
    %dma_wait3A_502 = tpu.memref_slice %arg11[%dma_wait3A_500, %dma_wait3A_501] : memref<1000000x16xf32, #tpu.memory_space<hbm>> -> memref<1000000x16xf32, #tpu.memory_space<hbm>>
    tpu.wait_indirect_dma semaphore(%arg23 : memref<!tpu.dma_semaphore, #tpu.memory_space<semaphore_mem>>) src(%dma_wait3A_502 : memref<1000000x16xf32, #tpu.memory_space<hbm>>) dst(%dma_wait3A_496 : memref<128x16xf32, #tpu.memory_space<vmem>>)
    %dma_wait3A_503 = arith.constant 1 : i32
    %dma_wait3A_504 = arith.constant 128 : i32
    %dma_wait3A_505 = arith.constant 0 : i32
    %dma_wait3A_506 = tpu.memref_slice %arg21[%dma_wait3A_504, %dma_wait3A_505] : memref<1024x16xf32, #tpu.memory_space<vmem>> -> memref<128x16xf32, #tpu.memory_space<vmem>>
    %dma_wait3A_507 = arith.constant 0 : i32
    %dma_wait3A_508 = tpu.memref_slice %arg18[%dma_wait3A_503, %dma_wait3A_507] : memref<80x128xi32, #tpu.memory_space<vmem>> -> memref<1x128xi32, #tpu.memory_space<vmem>>
    %dma_wait3A_509 = tpu.memref_squeeze %dma_wait3A_508 : memref<1x128xi32, #tpu.memory_space<vmem>> -> memref<128xi32, #tpu.memory_space<vmem>>
    %dma_wait3A_510 = arith.constant 0 : i32
    %dma_wait3A_511 = arith.constant 0 : i32
    %dma_wait3A_512 = tpu.memref_slice %arg11[%dma_wait3A_510, %dma_wait3A_511] : memref<1000000x16xf32, #tpu.memory_space<hbm>> -> memref<1000000x16xf32, #tpu.memory_space<hbm>>
    tpu.wait_indirect_dma semaphore(%arg23 : memref<!tpu.dma_semaphore, #tpu.memory_space<semaphore_mem>>) src(%dma_wait3A_512 : memref<1000000x16xf32, #tpu.memory_space<hbm>>) dst(%dma_wait3A_506 : memref<128x16xf32, #tpu.memory_space<vmem>>)
    %dma_wait3A_513 = arith.constant 2 : i32
    %dma_wait3A_514 = arith.constant 256 : i32
    %dma_wait3A_515 = arith.constant 0 : i32
    %dma_wait3A_516 = tpu.memref_slice %arg21[%dma_wait3A_514, %dma_wait3A_515] : memref<1024x16xf32, #tpu.memory_space<vmem>> -> memref<128x16xf32, #tpu.memory_space<vmem>>
    %dma_wait3A_517 = arith.constant 0 : i32
    %dma_wait3A_518 = tpu.memref_slice %arg18[%dma_wait3A_513, %dma_wait3A_517] : memref<80x128xi32, #tpu.memory_space<vmem>> -> memref<1x128xi32, #tpu.memory_space<vmem>>
    %dma_wait3A_519 = tpu.memref_squeeze %dma_wait3A_518 : memref<1x128xi32, #tpu.memory_space<vmem>> -> memref<128xi32, #tpu.memory_space<vmem>>
    %dma_wait3A_520 = arith.constant 0 : i32
    %dma_wait3A_521 = arith.constant 0 : i32
    %dma_wait3A_522 = tpu.memref_slice %arg11[%dma_wait3A_520, %dma_wait3A_521] : memref<1000000x16xf32, #tpu.memory_space<hbm>> -> memref<1000000x16xf32, #tpu.memory_space<hbm>>
    tpu.wait_indirect_dma semaphore(%arg23 : memref<!tpu.dma_semaphore, #tpu.memory_space<semaphore_mem>>) src(%dma_wait3A_522 : memref<1000000x16xf32, #tpu.memory_space<hbm>>) dst(%dma_wait3A_516 : memref<128x16xf32, #tpu.memory_space<vmem>>)
    %dma_wait3A_523 = arith.constant 3 : i32
    %dma_wait3A_524 = arith.constant 384 : i32
    %dma_wait3A_525 = arith.constant 0 : i32
    %dma_wait3A_526 = tpu.memref_slice %arg21[%dma_wait3A_524, %dma_wait3A_525] : memref<1024x16xf32, #tpu.memory_space<vmem>> -> memref<128x16xf32, #tpu.memory_space<vmem>>
    %dma_wait3A_527 = arith.constant 0 : i32
    %dma_wait3A_528 = tpu.memref_slice %arg18[%dma_wait3A_523, %dma_wait3A_527] : memref<80x128xi32, #tpu.memory_space<vmem>> -> memref<1x128xi32, #tpu.memory_space<vmem>>
    %dma_wait3A_529 = tpu.memref_squeeze %dma_wait3A_528 : memref<1x128xi32, #tpu.memory_space<vmem>> -> memref<128xi32, #tpu.memory_space<vmem>>
    %dma_wait3A_530 = arith.constant 0 : i32
    %dma_wait3A_531 = arith.constant 0 : i32
    %dma_wait3A_532 = tpu.memref_slice %arg11[%dma_wait3A_530, %dma_wait3A_531] : memref<1000000x16xf32, #tpu.memory_space<hbm>> -> memref<1000000x16xf32, #tpu.memory_space<hbm>>
    tpu.wait_indirect_dma semaphore(%arg23 : memref<!tpu.dma_semaphore, #tpu.memory_space<semaphore_mem>>) src(%dma_wait3A_532 : memref<1000000x16xf32, #tpu.memory_space<hbm>>) dst(%dma_wait3A_526 : memref<128x16xf32, #tpu.memory_space<vmem>>)
    %dma_wait3A_533 = arith.constant 4 : i32
    %dma_wait3A_534 = arith.constant 512 : i32
    %dma_wait3A_535 = arith.constant 0 : i32
    %dma_wait3A_536 = tpu.memref_slice %arg21[%dma_wait3A_534, %dma_wait3A_535] : memref<1024x16xf32, #tpu.memory_space<vmem>> -> memref<128x16xf32, #tpu.memory_space<vmem>>
    %dma_wait3A_537 = arith.constant 0 : i32
    %dma_wait3A_538 = tpu.memref_slice %arg18[%dma_wait3A_533, %dma_wait3A_537] : memref<80x128xi32, #tpu.memory_space<vmem>> -> memref<1x128xi32, #tpu.memory_space<vmem>>
    %dma_wait3A_539 = tpu.memref_squeeze %dma_wait3A_538 : memref<1x128xi32, #tpu.memory_space<vmem>> -> memref<128xi32, #tpu.memory_space<vmem>>
    %dma_wait3A_540 = arith.constant 0 : i32
    %dma_wait3A_541 = arith.constant 0 : i32
    %dma_wait3A_542 = tpu.memref_slice %arg11[%dma_wait3A_540, %dma_wait3A_541] : memref<1000000x16xf32, #tpu.memory_space<hbm>> -> memref<1000000x16xf32, #tpu.memory_space<hbm>>
    tpu.wait_indirect_dma semaphore(%arg23 : memref<!tpu.dma_semaphore, #tpu.memory_space<semaphore_mem>>) src(%dma_wait3A_542 : memref<1000000x16xf32, #tpu.memory_space<hbm>>) dst(%dma_wait3A_536 : memref<128x16xf32, #tpu.memory_space<vmem>>)
    %dma_wait3A_543 = arith.constant 5 : i32
    %dma_wait3A_544 = arith.constant 640 : i32
    %dma_wait3A_545 = arith.constant 0 : i32
    %dma_wait3A_546 = tpu.memref_slice %arg21[%dma_wait3A_544, %dma_wait3A_545] : memref<1024x16xf32, #tpu.memory_space<vmem>> -> memref<128x16xf32, #tpu.memory_space<vmem>>
    %dma_wait3A_547 = arith.constant 0 : i32
    %dma_wait3A_548 = tpu.memref_slice %arg18[%dma_wait3A_543, %dma_wait3A_547] : memref<80x128xi32, #tpu.memory_space<vmem>> -> memref<1x128xi32, #tpu.memory_space<vmem>>
    %dma_wait3A_549 = tpu.memref_squeeze %dma_wait3A_548 : memref<1x128xi32, #tpu.memory_space<vmem>> -> memref<128xi32, #tpu.memory_space<vmem>>
    %dma_wait3A_550 = arith.constant 0 : i32
    %dma_wait3A_551 = arith.constant 0 : i32
    %dma_wait3A_552 = tpu.memref_slice %arg11[%dma_wait3A_550, %dma_wait3A_551] : memref<1000000x16xf32, #tpu.memory_space<hbm>> -> memref<1000000x16xf32, #tpu.memory_space<hbm>>
    tpu.wait_indirect_dma semaphore(%arg23 : memref<!tpu.dma_semaphore, #tpu.memory_space<semaphore_mem>>) src(%dma_wait3A_552 : memref<1000000x16xf32, #tpu.memory_space<hbm>>) dst(%dma_wait3A_546 : memref<128x16xf32, #tpu.memory_space<vmem>>)
    %dma_wait3A_553 = arith.constant 6 : i32
    %dma_wait3A_554 = arith.constant 768 : i32
    %dma_wait3A_555 = arith.constant 0 : i32
    %dma_wait3A_556 = tpu.memref_slice %arg21[%dma_wait3A_554, %dma_wait3A_555] : memref<1024x16xf32, #tpu.memory_space<vmem>> -> memref<128x16xf32, #tpu.memory_space<vmem>>
    %dma_wait3A_557 = arith.constant 0 : i32
    %dma_wait3A_558 = tpu.memref_slice %arg18[%dma_wait3A_553, %dma_wait3A_557] : memref<80x128xi32, #tpu.memory_space<vmem>> -> memref<1x128xi32, #tpu.memory_space<vmem>>
    %dma_wait3A_559 = tpu.memref_squeeze %dma_wait3A_558 : memref<1x128xi32, #tpu.memory_space<vmem>> -> memref<128xi32, #tpu.memory_space<vmem>>
    %dma_wait3A_560 = arith.constant 0 : i32
    %dma_wait3A_561 = arith.constant 0 : i32
    %dma_wait3A_562 = tpu.memref_slice %arg11[%dma_wait3A_560, %dma_wait3A_561] : memref<1000000x16xf32, #tpu.memory_space<hbm>> -> memref<1000000x16xf32, #tpu.memory_space<hbm>>
    tpu.wait_indirect_dma semaphore(%arg23 : memref<!tpu.dma_semaphore, #tpu.memory_space<semaphore_mem>>) src(%dma_wait3A_562 : memref<1000000x16xf32, #tpu.memory_space<hbm>>) dst(%dma_wait3A_556 : memref<128x16xf32, #tpu.memory_space<vmem>>)
    %dma_wait3A_563 = arith.constant 7 : i32
    %dma_wait3A_564 = arith.constant 896 : i32
    %dma_wait3A_565 = arith.constant 0 : i32
    %dma_wait3A_566 = tpu.memref_slice %arg21[%dma_wait3A_564, %dma_wait3A_565] : memref<1024x16xf32, #tpu.memory_space<vmem>> -> memref<128x16xf32, #tpu.memory_space<vmem>>
    %dma_wait3A_567 = arith.constant 0 : i32
    %dma_wait3A_568 = tpu.memref_slice %arg18[%dma_wait3A_563, %dma_wait3A_567] : memref<80x128xi32, #tpu.memory_space<vmem>> -> memref<1x128xi32, #tpu.memory_space<vmem>>
    %dma_wait3A_569 = tpu.memref_squeeze %dma_wait3A_568 : memref<1x128xi32, #tpu.memory_space<vmem>> -> memref<128xi32, #tpu.memory_space<vmem>>
    %dma_wait3A_570 = arith.constant 0 : i32
    %dma_wait3A_571 = arith.constant 0 : i32
    %dma_wait3A_572 = tpu.memref_slice %arg11[%dma_wait3A_570, %dma_wait3A_571] : memref<1000000x16xf32, #tpu.memory_space<hbm>> -> memref<1000000x16xf32, #tpu.memory_space<hbm>>
    tpu.wait_indirect_dma semaphore(%arg23 : memref<!tpu.dma_semaphore, #tpu.memory_space<semaphore_mem>>) src(%dma_wait3A_572 : memref<1000000x16xf32, #tpu.memory_space<hbm>>) dst(%dma_wait3A_566 : memref<128x16xf32, #tpu.memory_space<vmem>>)
    %add3A_573 = arith.constant 0 : i32
    %add3A_574 = arith.addi %mul3A_4, %add3A_573 : i32
    "tpu.region"() ({
      %run_scoped3A = tpu.sem_alloc : memref<!tpu.dma_semaphore, #tpu.memory_space<semaphore_mem>>
      %dma_start3A_2033 = arith.constant 0 : i32
      %dma_start3A_2034 = tpu.memref_slice %arg12[%add3A_574, %dma_start3A_2033] : memref<327680x16xf32, #tpu.memory_space<hbm>> -> memref<1024x16xf32, #tpu.memory_space<hbm>>
      %dma_start3A_2035 = arith.constant 0 : i32
      %dma_start3A_2036 = tpu.memref_slice %arg12[%add3A_574, %dma_start3A_2035] : memref<327680x16xf32, #tpu.memory_space<hbm>> -> memref<1024x16xf32, #tpu.memory_space<hbm>>
      tpu.enqueue_dma source(%arg21 : memref<1024x16xf32, #tpu.memory_space<vmem>>) target(%dma_start3A_2036 : memref<1024x16xf32, #tpu.memory_space<hbm>>) target_semaphore(%run_scoped3A : memref<!tpu.dma_semaphore, #tpu.memory_space<semaphore_mem>>)
      %dma_wait3A_2037 = arith.constant 0 : i32
      %dma_wait3A_2038 = tpu.memref_slice %arg12[%add3A_574, %dma_wait3A_2037] : memref<327680x16xf32, #tpu.memory_space<hbm>> -> memref<1024x16xf32, #tpu.memory_space<hbm>>
      %dma_wait3A_2039 = arith.constant 0 : i32
      %dma_wait3A_2040 = tpu.memref_slice %arg12[%add3A_574, %dma_wait3A_2039] : memref<327680x16xf32, #tpu.memory_space<hbm>> -> memref<1024x16xf32, #tpu.memory_space<hbm>>
      tpu.wait_dma2 semaphore(%run_scoped3A : memref<!tpu.dma_semaphore, #tpu.memory_space<semaphore_mem>>) src(%arg21 : memref<1024x16xf32, #tpu.memory_space<vmem>>) dst(%dma_wait3A_2040 : memref<1024x16xf32, #tpu.memory_space<hbm>>)
      tpu.yield
    }) : () -> ()
    %dma_start3A_575 = arith.constant 8 : i32
    %dma_start3A_576 = arith.constant 0 : i32
    %dma_start3A_577 = arith.constant 0 : i32
    %dma_start3A_578 = tpu.memref_slice %arg21[%dma_start3A_576, %dma_start3A_577] : memref<1024x16xf32, #tpu.memory_space<vmem>> -> memref<128x16xf32, #tpu.memory_space<vmem>>
    %dma_start3A_579 = arith.constant 0 : i32
    %dma_start3A_580 = tpu.memref_slice %arg18[%dma_start3A_575, %dma_start3A_579] : memref<80x128xi32, #tpu.memory_space<vmem>> -> memref<1x128xi32, #tpu.memory_space<vmem>>
    %dma_start3A_581 = tpu.memref_squeeze %dma_start3A_580 : memref<1x128xi32, #tpu.memory_space<vmem>> -> memref<128xi32, #tpu.memory_space<vmem>>
    %dma_start3A_582 = arith.constant 0 : i32
    %dma_start3A_583 = arith.constant 0 : i32
    %dma_start3A_584 = tpu.memref_slice %arg11[%dma_start3A_582, %dma_start3A_583] : memref<1000000x16xf32, #tpu.memory_space<hbm>> -> memref<1000000x16xf32, #tpu.memory_space<hbm>>
    tpu.enqueue_indirect_dma source(%dma_start3A_584 : memref<1000000x16xf32, #tpu.memory_space<hbm>>) target(%dma_start3A_578 : memref<128x16xf32, #tpu.memory_space<vmem>>) offsets(%dma_start3A_581 : memref<128xi32, #tpu.memory_space<vmem>>) semaphore(%arg23 : memref<!tpu.dma_semaphore, #tpu.memory_space<semaphore_mem>>)
    %dma_start3A_585 = arith.constant 9 : i32
    %dma_start3A_586 = arith.constant 128 : i32
    %dma_start3A_587 = arith.constant 0 : i32
    %dma_start3A_588 = tpu.memref_slice %arg21[%dma_start3A_586, %dma_start3A_587] : memref<1024x16xf32, #tpu.memory_space<vmem>> -> memref<128x16xf32, #tpu.memory_space<vmem>>
    %dma_start3A_589 = arith.constant 0 : i32
    %dma_start3A_590 = tpu.memref_slice %arg18[%dma_start3A_585, %dma_start3A_589] : memref<80x128xi32, #tpu.memory_space<vmem>> -> memref<1x128xi32, #tpu.memory_space<vmem>>
    %dma_start3A_591 = tpu.memref_squeeze %dma_start3A_590 : memref<1x128xi32, #tpu.memory_space<vmem>> -> memref<128xi32, #tpu.memory_space<vmem>>
    %dma_start3A_592 = arith.constant 0 : i32
    %dma_start3A_593 = arith.constant 0 : i32
    %dma_start3A_594 = tpu.memref_slice %arg11[%dma_start3A_592, %dma_start3A_593] : memref<1000000x16xf32, #tpu.memory_space<hbm>> -> memref<1000000x16xf32, #tpu.memory_space<hbm>>
    tpu.enqueue_indirect_dma source(%dma_start3A_594 : memref<1000000x16xf32, #tpu.memory_space<hbm>>) target(%dma_start3A_588 : memref<128x16xf32, #tpu.memory_space<vmem>>) offsets(%dma_start3A_591 : memref<128xi32, #tpu.memory_space<vmem>>) semaphore(%arg23 : memref<!tpu.dma_semaphore, #tpu.memory_space<semaphore_mem>>)
    %dma_start3A_595 = arith.constant 10 : i32
    %dma_start3A_596 = arith.constant 256 : i32
    %dma_start3A_597 = arith.constant 0 : i32
    %dma_start3A_598 = tpu.memref_slice %arg21[%dma_start3A_596, %dma_start3A_597] : memref<1024x16xf32, #tpu.memory_space<vmem>> -> memref<128x16xf32, #tpu.memory_space<vmem>>
    %dma_start3A_599 = arith.constant 0 : i32
    %dma_start3A_600 = tpu.memref_slice %arg18[%dma_start3A_595, %dma_start3A_599] : memref<80x128xi32, #tpu.memory_space<vmem>> -> memref<1x128xi32, #tpu.memory_space<vmem>>
    %dma_start3A_601 = tpu.memref_squeeze %dma_start3A_600 : memref<1x128xi32, #tpu.memory_space<vmem>> -> memref<128xi32, #tpu.memory_space<vmem>>
    %dma_start3A_602 = arith.constant 0 : i32
    %dma_start3A_603 = arith.constant 0 : i32
    %dma_start3A_604 = tpu.memref_slice %arg11[%dma_start3A_602, %dma_start3A_603] : memref<1000000x16xf32, #tpu.memory_space<hbm>> -> memref<1000000x16xf32, #tpu.memory_space<hbm>>
    tpu.enqueue_indirect_dma source(%dma_start3A_604 : memref<1000000x16xf32, #tpu.memory_space<hbm>>) target(%dma_start3A_598 : memref<128x16xf32, #tpu.memory_space<vmem>>) offsets(%dma_start3A_601 : memref<128xi32, #tpu.memory_space<vmem>>) semaphore(%arg23 : memref<!tpu.dma_semaphore, #tpu.memory_space<semaphore_mem>>)
    %dma_start3A_605 = arith.constant 11 : i32
    %dma_start3A_606 = arith.constant 384 : i32
    %dma_start3A_607 = arith.constant 0 : i32
    %dma_start3A_608 = tpu.memref_slice %arg21[%dma_start3A_606, %dma_start3A_607] : memref<1024x16xf32, #tpu.memory_space<vmem>> -> memref<128x16xf32, #tpu.memory_space<vmem>>
    %dma_start3A_609 = arith.constant 0 : i32
    %dma_start3A_610 = tpu.memref_slice %arg18[%dma_start3A_605, %dma_start3A_609] : memref<80x128xi32, #tpu.memory_space<vmem>> -> memref<1x128xi32, #tpu.memory_space<vmem>>
    %dma_start3A_611 = tpu.memref_squeeze %dma_start3A_610 : memref<1x128xi32, #tpu.memory_space<vmem>> -> memref<128xi32, #tpu.memory_space<vmem>>
    %dma_start3A_612 = arith.constant 0 : i32
    %dma_start3A_613 = arith.constant 0 : i32
    %dma_start3A_614 = tpu.memref_slice %arg11[%dma_start3A_612, %dma_start3A_613] : memref<1000000x16xf32, #tpu.memory_space<hbm>> -> memref<1000000x16xf32, #tpu.memory_space<hbm>>
    tpu.enqueue_indirect_dma source(%dma_start3A_614 : memref<1000000x16xf32, #tpu.memory_space<hbm>>) target(%dma_start3A_608 : memref<128x16xf32, #tpu.memory_space<vmem>>) offsets(%dma_start3A_611 : memref<128xi32, #tpu.memory_space<vmem>>) semaphore(%arg23 : memref<!tpu.dma_semaphore, #tpu.memory_space<semaphore_mem>>)
    %dma_start3A_615 = arith.constant 12 : i32
    %dma_start3A_616 = arith.constant 512 : i32
    %dma_start3A_617 = arith.constant 0 : i32
    %dma_start3A_618 = tpu.memref_slice %arg21[%dma_start3A_616, %dma_start3A_617] : memref<1024x16xf32, #tpu.memory_space<vmem>> -> memref<128x16xf32, #tpu.memory_space<vmem>>
    %dma_start3A_619 = arith.constant 0 : i32
    %dma_start3A_620 = tpu.memref_slice %arg18[%dma_start3A_615, %dma_start3A_619] : memref<80x128xi32, #tpu.memory_space<vmem>> -> memref<1x128xi32, #tpu.memory_space<vmem>>
    %dma_start3A_621 = tpu.memref_squeeze %dma_start3A_620 : memref<1x128xi32, #tpu.memory_space<vmem>> -> memref<128xi32, #tpu.memory_space<vmem>>
    %dma_start3A_622 = arith.constant 0 : i32
    %dma_start3A_623 = arith.constant 0 : i32
    %dma_start3A_624 = tpu.memref_slice %arg11[%dma_start3A_622, %dma_start3A_623] : memref<1000000x16xf32, #tpu.memory_space<hbm>> -> memref<1000000x16xf32, #tpu.memory_space<hbm>>
    tpu.enqueue_indirect_dma source(%dma_start3A_624 : memref<1000000x16xf32, #tpu.memory_space<hbm>>) target(%dma_start3A_618 : memref<128x16xf32, #tpu.memory_space<vmem>>) offsets(%dma_start3A_621 : memref<128xi32, #tpu.memory_space<vmem>>) semaphore(%arg23 : memref<!tpu.dma_semaphore, #tpu.memory_space<semaphore_mem>>)
    %dma_start3A_625 = arith.constant 13 : i32
    %dma_start3A_626 = arith.constant 640 : i32
    %dma_start3A_627 = arith.constant 0 : i32
    %dma_start3A_628 = tpu.memref_slice %arg21[%dma_start3A_626, %dma_start3A_627] : memref<1024x16xf32, #tpu.memory_space<vmem>> -> memref<128x16xf32, #tpu.memory_space<vmem>>
    %dma_start3A_629 = arith.constant 0 : i32
    %dma_start3A_630 = tpu.memref_slice %arg18[%dma_start3A_625, %dma_start3A_629] : memref<80x128xi32, #tpu.memory_space<vmem>> -> memref<1x128xi32, #tpu.memory_space<vmem>>
    %dma_start3A_631 = tpu.memref_squeeze %dma_start3A_630 : memref<1x128xi32, #tpu.memory_space<vmem>> -> memref<128xi32, #tpu.memory_space<vmem>>
    %dma_start3A_632 = arith.constant 0 : i32
    %dma_start3A_633 = arith.constant 0 : i32
    %dma_start3A_634 = tpu.memref_slice %arg11[%dma_start3A_632, %dma_start3A_633] : memref<1000000x16xf32, #tpu.memory_space<hbm>> -> memref<1000000x16xf32, #tpu.memory_space<hbm>>
    tpu.enqueue_indirect_dma source(%dma_start3A_634 : memref<1000000x16xf32, #tpu.memory_space<hbm>>) target(%dma_start3A_628 : memref<128x16xf32, #tpu.memory_space<vmem>>) offsets(%dma_start3A_631 : memref<128xi32, #tpu.memory_space<vmem>>) semaphore(%arg23 : memref<!tpu.dma_semaphore, #tpu.memory_space<semaphore_mem>>)
    %dma_start3A_635 = arith.constant 14 : i32
    %dma_start3A_636 = arith.constant 768 : i32
    %dma_start3A_637 = arith.constant 0 : i32
    %dma_start3A_638 = tpu.memref_slice %arg21[%dma_start3A_636, %dma_start3A_637] : memref<1024x16xf32, #tpu.memory_space<vmem>> -> memref<128x16xf32, #tpu.memory_space<vmem>>
    %dma_start3A_639 = arith.constant 0 : i32
    %dma_start3A_640 = tpu.memref_slice %arg18[%dma_start3A_635, %dma_start3A_639] : memref<80x128xi32, #tpu.memory_space<vmem>> -> memref<1x128xi32, #tpu.memory_space<vmem>>
    %dma_start3A_641 = tpu.memref_squeeze %dma_start3A_640 : memref<1x128xi32, #tpu.memory_space<vmem>> -> memref<128xi32, #tpu.memory_space<vmem>>
    %dma_start3A_642 = arith.constant 0 : i32
    %dma_start3A_643 = arith.constant 0 : i32
    %dma_start3A_644 = tpu.memref_slice %arg11[%dma_start3A_642, %dma_start3A_643] : memref<1000000x16xf32, #tpu.memory_space<hbm>> -> memref<1000000x16xf32, #tpu.memory_space<hbm>>
    tpu.enqueue_indirect_dma source(%dma_start3A_644 : memref<1000000x16xf32, #tpu.memory_space<hbm>>) target(%dma_start3A_638 : memref<128x16xf32, #tpu.memory_space<vmem>>) offsets(%dma_start3A_641 : memref<128xi32, #tpu.memory_space<vmem>>) semaphore(%arg23 : memref<!tpu.dma_semaphore, #tpu.memory_space<semaphore_mem>>)
    %dma_start3A_645 = arith.constant 15 : i32
    %dma_start3A_646 = arith.constant 896 : i32
    %dma_start3A_647 = arith.constant 0 : i32
    %dma_start3A_648 = tpu.memref_slice %arg21[%dma_start3A_646, %dma_start3A_647] : memref<1024x16xf32, #tpu.memory_space<vmem>> -> memref<128x16xf32, #tpu.memory_space<vmem>>
    %dma_start3A_649 = arith.constant 0 : i32
    %dma_start3A_650 = tpu.memref_slice %arg18[%dma_start3A_645, %dma_start3A_649] : memref<80x128xi32, #tpu.memory_space<vmem>> -> memref<1x128xi32, #tpu.memory_space<vmem>>
    %dma_start3A_651 = tpu.memref_squeeze %dma_start3A_650 : memref<1x128xi32, #tpu.memory_space<vmem>> -> memref<128xi32, #tpu.memory_space<vmem>>
    %dma_start3A_652 = arith.constant 0 : i32
    %dma_start3A_653 = arith.constant 0 : i32
    %dma_start3A_654 = tpu.memref_slice %arg11[%dma_start3A_652, %dma_start3A_653] : memref<1000000x16xf32, #tpu.memory_space<hbm>> -> memref<1000000x16xf32, #tpu.memory_space<hbm>>
    tpu.enqueue_indirect_dma source(%dma_start3A_654 : memref<1000000x16xf32, #tpu.memory_space<hbm>>) target(%dma_start3A_648 : memref<128x16xf32, #tpu.memory_space<vmem>>) offsets(%dma_start3A_651 : memref<128xi32, #tpu.memory_space<vmem>>) semaphore(%arg23 : memref<!tpu.dma_semaphore, #tpu.memory_space<semaphore_mem>>)
    %dma_wait3A_655 = arith.constant 8 : i32
    %dma_wait3A_656 = arith.constant 0 : i32
    %dma_wait3A_657 = arith.constant 0 : i32
    %dma_wait3A_658 = tpu.memref_slice %arg21[%dma_wait3A_656, %dma_wait3A_657] : memref<1024x16xf32, #tpu.memory_space<vmem>> -> memref<128x16xf32, #tpu.memory_space<vmem>>
    %dma_wait3A_659 = arith.constant 0 : i32
    %dma_wait3A_660 = tpu.memref_slice %arg18[%dma_wait3A_655, %dma_wait3A_659] : memref<80x128xi32, #tpu.memory_space<vmem>> -> memref<1x128xi32, #tpu.memory_space<vmem>>
    %dma_wait3A_661 = tpu.memref_squeeze %dma_wait3A_660 : memref<1x128xi32, #tpu.memory_space<vmem>> -> memref<128xi32, #tpu.memory_space<vmem>>
    %dma_wait3A_662 = arith.constant 0 : i32
    %dma_wait3A_663 = arith.constant 0 : i32
    %dma_wait3A_664 = tpu.memref_slice %arg11[%dma_wait3A_662, %dma_wait3A_663] : memref<1000000x16xf32, #tpu.memory_space<hbm>> -> memref<1000000x16xf32, #tpu.memory_space<hbm>>
    tpu.wait_indirect_dma semaphore(%arg23 : memref<!tpu.dma_semaphore, #tpu.memory_space<semaphore_mem>>) src(%dma_wait3A_664 : memref<1000000x16xf32, #tpu.memory_space<hbm>>) dst(%dma_wait3A_658 : memref<128x16xf32, #tpu.memory_space<vmem>>)
    %dma_wait3A_665 = arith.constant 9 : i32
    %dma_wait3A_666 = arith.constant 128 : i32
    %dma_wait3A_667 = arith.constant 0 : i32
    %dma_wait3A_668 = tpu.memref_slice %arg21[%dma_wait3A_666, %dma_wait3A_667] : memref<1024x16xf32, #tpu.memory_space<vmem>> -> memref<128x16xf32, #tpu.memory_space<vmem>>
    %dma_wait3A_669 = arith.constant 0 : i32
    %dma_wait3A_670 = tpu.memref_slice %arg18[%dma_wait3A_665, %dma_wait3A_669] : memref<80x128xi32, #tpu.memory_space<vmem>> -> memref<1x128xi32, #tpu.memory_space<vmem>>
    %dma_wait3A_671 = tpu.memref_squeeze %dma_wait3A_670 : memref<1x128xi32, #tpu.memory_space<vmem>> -> memref<128xi32, #tpu.memory_space<vmem>>
    %dma_wait3A_672 = arith.constant 0 : i32
    %dma_wait3A_673 = arith.constant 0 : i32
    %dma_wait3A_674 = tpu.memref_slice %arg11[%dma_wait3A_672, %dma_wait3A_673] : memref<1000000x16xf32, #tpu.memory_space<hbm>> -> memref<1000000x16xf32, #tpu.memory_space<hbm>>
    tpu.wait_indirect_dma semaphore(%arg23 : memref<!tpu.dma_semaphore, #tpu.memory_space<semaphore_mem>>) src(%dma_wait3A_674 : memref<1000000x16xf32, #tpu.memory_space<hbm>>) dst(%dma_wait3A_668 : memref<128x16xf32, #tpu.memory_space<vmem>>)
    %dma_wait3A_675 = arith.constant 10 : i32
    %dma_wait3A_676 = arith.constant 256 : i32
    %dma_wait3A_677 = arith.constant 0 : i32
    %dma_wait3A_678 = tpu.memref_slice %arg21[%dma_wait3A_676, %dma_wait3A_677] : memref<1024x16xf32, #tpu.memory_space<vmem>> -> memref<128x16xf32, #tpu.memory_space<vmem>>
    %dma_wait3A_679 = arith.constant 0 : i32
    %dma_wait3A_680 = tpu.memref_slice %arg18[%dma_wait3A_675, %dma_wait3A_679] : memref<80x128xi32, #tpu.memory_space<vmem>> -> memref<1x128xi32, #tpu.memory_space<vmem>>
    %dma_wait3A_681 = tpu.memref_squeeze %dma_wait3A_680 : memref<1x128xi32, #tpu.memory_space<vmem>> -> memref<128xi32, #tpu.memory_space<vmem>>
    %dma_wait3A_682 = arith.constant 0 : i32
    %dma_wait3A_683 = arith.constant 0 : i32
    %dma_wait3A_684 = tpu.memref_slice %arg11[%dma_wait3A_682, %dma_wait3A_683] : memref<1000000x16xf32, #tpu.memory_space<hbm>> -> memref<1000000x16xf32, #tpu.memory_space<hbm>>
    tpu.wait_indirect_dma semaphore(%arg23 : memref<!tpu.dma_semaphore, #tpu.memory_space<semaphore_mem>>) src(%dma_wait3A_684 : memref<1000000x16xf32, #tpu.memory_space<hbm>>) dst(%dma_wait3A_678 : memref<128x16xf32, #tpu.memory_space<vmem>>)
    %dma_wait3A_685 = arith.constant 11 : i32
    %dma_wait3A_686 = arith.constant 384 : i32
    %dma_wait3A_687 = arith.constant 0 : i32
    %dma_wait3A_688 = tpu.memref_slice %arg21[%dma_wait3A_686, %dma_wait3A_687] : memref<1024x16xf32, #tpu.memory_space<vmem>> -> memref<128x16xf32, #tpu.memory_space<vmem>>
    %dma_wait3A_689 = arith.constant 0 : i32
    %dma_wait3A_690 = tpu.memref_slice %arg18[%dma_wait3A_685, %dma_wait3A_689] : memref<80x128xi32, #tpu.memory_space<vmem>> -> memref<1x128xi32, #tpu.memory_space<vmem>>
    %dma_wait3A_691 = tpu.memref_squeeze %dma_wait3A_690 : memref<1x128xi32, #tpu.memory_space<vmem>> -> memref<128xi32, #tpu.memory_space<vmem>>
    %dma_wait3A_692 = arith.constant 0 : i32
    %dma_wait3A_693 = arith.constant 0 : i32
    %dma_wait3A_694 = tpu.memref_slice %arg11[%dma_wait3A_692, %dma_wait3A_693] : memref<1000000x16xf32, #tpu.memory_space<hbm>> -> memref<1000000x16xf32, #tpu.memory_space<hbm>>
    tpu.wait_indirect_dma semaphore(%arg23 : memref<!tpu.dma_semaphore, #tpu.memory_space<semaphore_mem>>) src(%dma_wait3A_694 : memref<1000000x16xf32, #tpu.memory_space<hbm>>) dst(%dma_wait3A_688 : memref<128x16xf32, #tpu.memory_space<vmem>>)
    %dma_wait3A_695 = arith.constant 12 : i32
    %dma_wait3A_696 = arith.constant 512 : i32
    %dma_wait3A_697 = arith.constant 0 : i32
    %dma_wait3A_698 = tpu.memref_slice %arg21[%dma_wait3A_696, %dma_wait3A_697] : memref<1024x16xf32, #tpu.memory_space<vmem>> -> memref<128x16xf32, #tpu.memory_space<vmem>>
    %dma_wait3A_699 = arith.constant 0 : i32
    %dma_wait3A_700 = tpu.memref_slice %arg18[%dma_wait3A_695, %dma_wait3A_699] : memref<80x128xi32, #tpu.memory_space<vmem>> -> memref<1x128xi32, #tpu.memory_space<vmem>>
    %dma_wait3A_701 = tpu.memref_squeeze %dma_wait3A_700 : memref<1x128xi32, #tpu.memory_space<vmem>> -> memref<128xi32, #tpu.memory_space<vmem>>
    %dma_wait3A_702 = arith.constant 0 : i32
    %dma_wait3A_703 = arith.constant 0 : i32
    %dma_wait3A_704 = tpu.memref_slice %arg11[%dma_wait3A_702, %dma_wait3A_703] : memref<1000000x16xf32, #tpu.memory_space<hbm>> -> memref<1000000x16xf32, #tpu.memory_space<hbm>>
    tpu.wait_indirect_dma semaphore(%arg23 : memref<!tpu.dma_semaphore, #tpu.memory_space<semaphore_mem>>) src(%dma_wait3A_704 : memref<1000000x16xf32, #tpu.memory_space<hbm>>) dst(%dma_wait3A_698 : memref<128x16xf32, #tpu.memory_space<vmem>>)
    %dma_wait3A_705 = arith.constant 13 : i32
    %dma_wait3A_706 = arith.constant 640 : i32
    %dma_wait3A_707 = arith.constant 0 : i32
    %dma_wait3A_708 = tpu.memref_slice %arg21[%dma_wait3A_706, %dma_wait3A_707] : memref<1024x16xf32, #tpu.memory_space<vmem>> -> memref<128x16xf32, #tpu.memory_space<vmem>>
    %dma_wait3A_709 = arith.constant 0 : i32
    %dma_wait3A_710 = tpu.memref_slice %arg18[%dma_wait3A_705, %dma_wait3A_709] : memref<80x128xi32, #tpu.memory_space<vmem>> -> memref<1x128xi32, #tpu.memory_space<vmem>>
    %dma_wait3A_711 = tpu.memref_squeeze %dma_wait3A_710 : memref<1x128xi32, #tpu.memory_space<vmem>> -> memref<128xi32, #tpu.memory_space<vmem>>
    %dma_wait3A_712 = arith.constant 0 : i32
    %dma_wait3A_713 = arith.constant 0 : i32
    %dma_wait3A_714 = tpu.memref_slice %arg11[%dma_wait3A_712, %dma_wait3A_713] : memref<1000000x16xf32, #tpu.memory_space<hbm>> -> memref<1000000x16xf32, #tpu.memory_space<hbm>>
    tpu.wait_indirect_dma semaphore(%arg23 : memref<!tpu.dma_semaphore, #tpu.memory_space<semaphore_mem>>) src(%dma_wait3A_714 : memref<1000000x16xf32, #tpu.memory_space<hbm>>) dst(%dma_wait3A_708 : memref<128x16xf32, #tpu.memory_space<vmem>>)
    %dma_wait3A_715 = arith.constant 14 : i32
    %dma_wait3A_716 = arith.constant 768 : i32
    %dma_wait3A_717 = arith.constant 0 : i32
    %dma_wait3A_718 = tpu.memref_slice %arg21[%dma_wait3A_716, %dma_wait3A_717] : memref<1024x16xf32, #tpu.memory_space<vmem>> -> memref<128x16xf32, #tpu.memory_space<vmem>>
    %dma_wait3A_719 = arith.constant 0 : i32
    %dma_wait3A_720 = tpu.memref_slice %arg18[%dma_wait3A_715, %dma_wait3A_719] : memref<80x128xi32, #tpu.memory_space<vmem>> -> memref<1x128xi32, #tpu.memory_space<vmem>>
    %dma_wait3A_721 = tpu.memref_squeeze %dma_wait3A_720 : memref<1x128xi32, #tpu.memory_space<vmem>> -> memref<128xi32, #tpu.memory_space<vmem>>
    %dma_wait3A_722 = arith.constant 0 : i32
    %dma_wait3A_723 = arith.constant 0 : i32
    %dma_wait3A_724 = tpu.memref_slice %arg11[%dma_wait3A_722, %dma_wait3A_723] : memref<1000000x16xf32, #tpu.memory_space<hbm>> -> memref<1000000x16xf32, #tpu.memory_space<hbm>>
    tpu.wait_indirect_dma semaphore(%arg23 : memref<!tpu.dma_semaphore, #tpu.memory_space<semaphore_mem>>) src(%dma_wait3A_724 : memref<1000000x16xf32, #tpu.memory_space<hbm>>) dst(%dma_wait3A_718 : memref<128x16xf32, #tpu.memory_space<vmem>>)
    %dma_wait3A_725 = arith.constant 15 : i32
    %dma_wait3A_726 = arith.constant 896 : i32
    %dma_wait3A_727 = arith.constant 0 : i32
    %dma_wait3A_728 = tpu.memref_slice %arg21[%dma_wait3A_726, %dma_wait3A_727] : memref<1024x16xf32, #tpu.memory_space<vmem>> -> memref<128x16xf32, #tpu.memory_space<vmem>>
    %dma_wait3A_729 = arith.constant 0 : i32
    %dma_wait3A_730 = tpu.memref_slice %arg18[%dma_wait3A_725, %dma_wait3A_729] : memref<80x128xi32, #tpu.memory_space<vmem>> -> memref<1x128xi32, #tpu.memory_space<vmem>>
    %dma_wait3A_731 = tpu.memref_squeeze %dma_wait3A_730 : memref<1x128xi32, #tpu.memory_space<vmem>> -> memref<128xi32, #tpu.memory_space<vmem>>
    %dma_wait3A_732 = arith.constant 0 : i32
    %dma_wait3A_733 = arith.constant 0 : i32
    %dma_wait3A_734 = tpu.memref_slice %arg11[%dma_wait3A_732, %dma_wait3A_733] : memref<1000000x16xf32, #tpu.memory_space<hbm>> -> memref<1000000x16xf32, #tpu.memory_space<hbm>>
    tpu.wait_indirect_dma semaphore(%arg23 : memref<!tpu.dma_semaphore, #tpu.memory_space<semaphore_mem>>) src(%dma_wait3A_734 : memref<1000000x16xf32, #tpu.memory_space<hbm>>) dst(%dma_wait3A_728 : memref<128x16xf32, #tpu.memory_space<vmem>>)
    %add3A_735 = arith.constant 1024 : i32
    %add3A_736 = arith.addi %mul3A_4, %add3A_735 : i32
    "tpu.region"() ({
      %run_scoped3A = tpu.sem_alloc : memref<!tpu.dma_semaphore, #tpu.memory_space<semaphore_mem>>
      %dma_start3A_2033 = arith.constant 0 : i32
      %dma_start3A_2034 = tpu.memref_slice %arg12[%add3A_736, %dma_start3A_2033] : memref<327680x16xf32, #tpu.memory_space<hbm>> -> memref<1024x16xf32, #tpu.memory_space<hbm>>
      %dma_start3A_2035 = arith.constant 0 : i32
      %dma_start3A_2036 = tpu.memref_slice %arg12[%add3A_736, %dma_start3A_2035] : memref<327680x16xf32, #tpu.memory_space<hbm>> -> memref<1024x16xf32, #tpu.memory_space<hbm>>
      tpu.enqueue_dma source(%arg21 : memref<1024x16xf32, #tpu.memory_space<vmem>>) target(%dma_start3A_2036 : memref<1024x16xf32, #tpu.memory_space<hbm>>) target_semaphore(%run_scoped3A : memref<!tpu.dma_semaphore, #tpu.memory_space<semaphore_mem>>)
      %dma_wait3A_2037 = arith.constant 0 : i32
      %dma_wait3A_2038 = tpu.memref_slice %arg12[%add3A_736, %dma_wait3A_2037] : memref<327680x16xf32, #tpu.memory_space<hbm>> -> memref<1024x16xf32, #tpu.memory_space<hbm>>
      %dma_wait3A_2039 = arith.constant 0 : i32
      %dma_wait3A_2040 = tpu.memref_slice %arg12[%add3A_736, %dma_wait3A_2039] : memref<327680x16xf32, #tpu.memory_space<hbm>> -> memref<1024x16xf32, #tpu.memory_space<hbm>>
      tpu.wait_dma2 semaphore(%run_scoped3A : memref<!tpu.dma_semaphore, #tpu.memory_space<semaphore_mem>>) src(%arg21 : memref<1024x16xf32, #tpu.memory_space<vmem>>) dst(%dma_wait3A_2040 : memref<1024x16xf32, #tpu.memory_space<hbm>>)
      tpu.yield
    }) : () -> ()
    %dma_start3A_737 = arith.constant 16 : i32
    %dma_start3A_738 = arith.constant 0 : i32
    %dma_start3A_739 = arith.constant 0 : i32
    %dma_start3A_740 = tpu.memref_slice %arg21[%dma_start3A_738, %dma_start3A_739] : memref<1024x16xf32, #tpu.memory_space<vmem>> -> memref<128x16xf32, #tpu.memory_space<vmem>>
    %dma_start3A_741 = arith.constant 0 : i32
    %dma_start3A_742 = tpu.memref_slice %arg18[%dma_start3A_737, %dma_start3A_741] : memref<80x128xi32, #tpu.memory_space<vmem>> -> memref<1x128xi32, #tpu.memory_space<vmem>>
    %dma_start3A_743 = tpu.memref_squeeze %dma_start3A_742 : memref<1x128xi32, #tpu.memory_space<vmem>> -> memref<128xi32, #tpu.memory_space<vmem>>
    %dma_start3A_744 = arith.constant 0 : i32
    %dma_start3A_745 = arith.constant 0 : i32
    %dma_start3A_746 = tpu.memref_slice %arg11[%dma_start3A_744, %dma_start3A_745] : memref<1000000x16xf32, #tpu.memory_space<hbm>> -> memref<1000000x16xf32, #tpu.memory_space<hbm>>
    tpu.enqueue_indirect_dma source(%dma_start3A_746 : memref<1000000x16xf32, #tpu.memory_space<hbm>>) target(%dma_start3A_740 : memref<128x16xf32, #tpu.memory_space<vmem>>) offsets(%dma_start3A_743 : memref<128xi32, #tpu.memory_space<vmem>>) semaphore(%arg23 : memref<!tpu.dma_semaphore, #tpu.memory_space<semaphore_mem>>)
    %dma_start3A_747 = arith.constant 17 : i32
    %dma_start3A_748 = arith.constant 128 : i32
    %dma_start3A_749 = arith.constant 0 : i32
    %dma_start3A_750 = tpu.memref_slice %arg21[%dma_start3A_748, %dma_start3A_749] : memref<1024x16xf32, #tpu.memory_space<vmem>> -> memref<128x16xf32, #tpu.memory_space<vmem>>
    %dma_start3A_751 = arith.constant 0 : i32
    %dma_start3A_752 = tpu.memref_slice %arg18[%dma_start3A_747, %dma_start3A_751] : memref<80x128xi32, #tpu.memory_space<vmem>> -> memref<1x128xi32, #tpu.memory_space<vmem>>
    %dma_start3A_753 = tpu.memref_squeeze %dma_start3A_752 : memref<1x128xi32, #tpu.memory_space<vmem>> -> memref<128xi32, #tpu.memory_space<vmem>>
    %dma_start3A_754 = arith.constant 0 : i32
    %dma_start3A_755 = arith.constant 0 : i32
    %dma_start3A_756 = tpu.memref_slice %arg11[%dma_start3A_754, %dma_start3A_755] : memref<1000000x16xf32, #tpu.memory_space<hbm>> -> memref<1000000x16xf32, #tpu.memory_space<hbm>>
    tpu.enqueue_indirect_dma source(%dma_start3A_756 : memref<1000000x16xf32, #tpu.memory_space<hbm>>) target(%dma_start3A_750 : memref<128x16xf32, #tpu.memory_space<vmem>>) offsets(%dma_start3A_753 : memref<128xi32, #tpu.memory_space<vmem>>) semaphore(%arg23 : memref<!tpu.dma_semaphore, #tpu.memory_space<semaphore_mem>>)
    %dma_start3A_757 = arith.constant 18 : i32
    %dma_start3A_758 = arith.constant 256 : i32
    %dma_start3A_759 = arith.constant 0 : i32
    %dma_start3A_760 = tpu.memref_slice %arg21[%dma_start3A_758, %dma_start3A_759] : memref<1024x16xf32, #tpu.memory_space<vmem>> -> memref<128x16xf32, #tpu.memory_space<vmem>>
    %dma_start3A_761 = arith.constant 0 : i32
    %dma_start3A_762 = tpu.memref_slice %arg18[%dma_start3A_757, %dma_start3A_761] : memref<80x128xi32, #tpu.memory_space<vmem>> -> memref<1x128xi32, #tpu.memory_space<vmem>>
    %dma_start3A_763 = tpu.memref_squeeze %dma_start3A_762 : memref<1x128xi32, #tpu.memory_space<vmem>> -> memref<128xi32, #tpu.memory_space<vmem>>
    %dma_start3A_764 = arith.constant 0 : i32
    %dma_start3A_765 = arith.constant 0 : i32
    %dma_start3A_766 = tpu.memref_slice %arg11[%dma_start3A_764, %dma_start3A_765] : memref<1000000x16xf32, #tpu.memory_space<hbm>> -> memref<1000000x16xf32, #tpu.memory_space<hbm>>
    tpu.enqueue_indirect_dma source(%dma_start3A_766 : memref<1000000x16xf32, #tpu.memory_space<hbm>>) target(%dma_start3A_760 : memref<128x16xf32, #tpu.memory_space<vmem>>) offsets(%dma_start3A_763 : memref<128xi32, #tpu.memory_space<vmem>>) semaphore(%arg23 : memref<!tpu.dma_semaphore, #tpu.memory_space<semaphore_mem>>)
    %dma_start3A_767 = arith.constant 19 : i32
    %dma_start3A_768 = arith.constant 384 : i32
    %dma_start3A_769 = arith.constant 0 : i32
    %dma_start3A_770 = tpu.memref_slice %arg21[%dma_start3A_768, %dma_start3A_769] : memref<1024x16xf32, #tpu.memory_space<vmem>> -> memref<128x16xf32, #tpu.memory_space<vmem>>
    %dma_start3A_771 = arith.constant 0 : i32
    %dma_start3A_772 = tpu.memref_slice %arg18[%dma_start3A_767, %dma_start3A_771] : memref<80x128xi32, #tpu.memory_space<vmem>> -> memref<1x128xi32, #tpu.memory_space<vmem>>
    %dma_start3A_773 = tpu.memref_squeeze %dma_start3A_772 : memref<1x128xi32, #tpu.memory_space<vmem>> -> memref<128xi32, #tpu.memory_space<vmem>>
    %dma_start3A_774 = arith.constant 0 : i32
    %dma_start3A_775 = arith.constant 0 : i32
    %dma_start3A_776 = tpu.memref_slice %arg11[%dma_start3A_774, %dma_start3A_775] : memref<1000000x16xf32, #tpu.memory_space<hbm>> -> memref<1000000x16xf32, #tpu.memory_space<hbm>>
    tpu.enqueue_indirect_dma source(%dma_start3A_776 : memref<1000000x16xf32, #tpu.memory_space<hbm>>) target(%dma_start3A_770 : memref<128x16xf32, #tpu.memory_space<vmem>>) offsets(%dma_start3A_773 : memref<128xi32, #tpu.memory_space<vmem>>) semaphore(%arg23 : memref<!tpu.dma_semaphore, #tpu.memory_space<semaphore_mem>>)
    %dma_start3A_777 = arith.constant 20 : i32
    %dma_start3A_778 = arith.constant 512 : i32
    %dma_start3A_779 = arith.constant 0 : i32
    %dma_start3A_780 = tpu.memref_slice %arg21[%dma_start3A_778, %dma_start3A_779] : memref<1024x16xf32, #tpu.memory_space<vmem>> -> memref<128x16xf32, #tpu.memory_space<vmem>>
    %dma_start3A_781 = arith.constant 0 : i32
    %dma_start3A_782 = tpu.memref_slice %arg18[%dma_start3A_777, %dma_start3A_781] : memref<80x128xi32, #tpu.memory_space<vmem>> -> memref<1x128xi32, #tpu.memory_space<vmem>>
    %dma_start3A_783 = tpu.memref_squeeze %dma_start3A_782 : memref<1x128xi32, #tpu.memory_space<vmem>> -> memref<128xi32, #tpu.memory_space<vmem>>
    %dma_start3A_784 = arith.constant 0 : i32
    %dma_start3A_785 = arith.constant 0 : i32
    %dma_start3A_786 = tpu.memref_slice %arg11[%dma_start3A_784, %dma_start3A_785] : memref<1000000x16xf32, #tpu.memory_space<hbm>> -> memref<1000000x16xf32, #tpu.memory_space<hbm>>
    tpu.enqueue_indirect_dma source(%dma_start3A_786 : memref<1000000x16xf32, #tpu.memory_space<hbm>>) target(%dma_start3A_780 : memref<128x16xf32, #tpu.memory_space<vmem>>) offsets(%dma_start3A_783 : memref<128xi32, #tpu.memory_space<vmem>>) semaphore(%arg23 : memref<!tpu.dma_semaphore, #tpu.memory_space<semaphore_mem>>)
    %dma_start3A_787 = arith.constant 21 : i32
    %dma_start3A_788 = arith.constant 640 : i32
    %dma_start3A_789 = arith.constant 0 : i32
    %dma_start3A_790 = tpu.memref_slice %arg21[%dma_start3A_788, %dma_start3A_789] : memref<1024x16xf32, #tpu.memory_space<vmem>> -> memref<128x16xf32, #tpu.memory_space<vmem>>
    %dma_start3A_791 = arith.constant 0 : i32
    %dma_start3A_792 = tpu.memref_slice %arg18[%dma_start3A_787, %dma_start3A_791] : memref<80x128xi32, #tpu.memory_space<vmem>> -> memref<1x128xi32, #tpu.memory_space<vmem>>
    %dma_start3A_793 = tpu.memref_squeeze %dma_start3A_792 : memref<1x128xi32, #tpu.memory_space<vmem>> -> memref<128xi32, #tpu.memory_space<vmem>>
    %dma_start3A_794 = arith.constant 0 : i32
    %dma_start3A_795 = arith.constant 0 : i32
    %dma_start3A_796 = tpu.memref_slice %arg11[%dma_start3A_794, %dma_start3A_795] : memref<1000000x16xf32, #tpu.memory_space<hbm>> -> memref<1000000x16xf32, #tpu.memory_space<hbm>>
    tpu.enqueue_indirect_dma source(%dma_start3A_796 : memref<1000000x16xf32, #tpu.memory_space<hbm>>) target(%dma_start3A_790 : memref<128x16xf32, #tpu.memory_space<vmem>>) offsets(%dma_start3A_793 : memref<128xi32, #tpu.memory_space<vmem>>) semaphore(%arg23 : memref<!tpu.dma_semaphore, #tpu.memory_space<semaphore_mem>>)
    %dma_start3A_797 = arith.constant 22 : i32
    %dma_start3A_798 = arith.constant 768 : i32
    %dma_start3A_799 = arith.constant 0 : i32
    %dma_start3A_800 = tpu.memref_slice %arg21[%dma_start3A_798, %dma_start3A_799] : memref<1024x16xf32, #tpu.memory_space<vmem>> -> memref<128x16xf32, #tpu.memory_space<vmem>>
    %dma_start3A_801 = arith.constant 0 : i32
    %dma_start3A_802 = tpu.memref_slice %arg18[%dma_start3A_797, %dma_start3A_801] : memref<80x128xi32, #tpu.memory_space<vmem>> -> memref<1x128xi32, #tpu.memory_space<vmem>>
    %dma_start3A_803 = tpu.memref_squeeze %dma_start3A_802 : memref<1x128xi32, #tpu.memory_space<vmem>> -> memref<128xi32, #tpu.memory_space<vmem>>
    %dma_start3A_804 = arith.constant 0 : i32
    %dma_start3A_805 = arith.constant 0 : i32
    %dma_start3A_806 = tpu.memref_slice %arg11[%dma_start3A_804, %dma_start3A_805] : memref<1000000x16xf32, #tpu.memory_space<hbm>> -> memref<1000000x16xf32, #tpu.memory_space<hbm>>
    tpu.enqueue_indirect_dma source(%dma_start3A_806 : memref<1000000x16xf32, #tpu.memory_space<hbm>>) target(%dma_start3A_800 : memref<128x16xf32, #tpu.memory_space<vmem>>) offsets(%dma_start3A_803 : memref<128xi32, #tpu.memory_space<vmem>>) semaphore(%arg23 : memref<!tpu.dma_semaphore, #tpu.memory_space<semaphore_mem>>)
    %dma_start3A_807 = arith.constant 23 : i32
    %dma_start3A_808 = arith.constant 896 : i32
    %dma_start3A_809 = arith.constant 0 : i32
    %dma_start3A_810 = tpu.memref_slice %arg21[%dma_start3A_808, %dma_start3A_809] : memref<1024x16xf32, #tpu.memory_space<vmem>> -> memref<128x16xf32, #tpu.memory_space<vmem>>
    %dma_start3A_811 = arith.constant 0 : i32
    %dma_start3A_812 = tpu.memref_slice %arg18[%dma_start3A_807, %dma_start3A_811] : memref<80x128xi32, #tpu.memory_space<vmem>> -> memref<1x128xi32, #tpu.memory_space<vmem>>
    %dma_start3A_813 = tpu.memref_squeeze %dma_start3A_812 : memref<1x128xi32, #tpu.memory_space<vmem>> -> memref<128xi32, #tpu.memory_space<vmem>>
    %dma_start3A_814 = arith.constant 0 : i32
    %dma_start3A_815 = arith.constant 0 : i32
    %dma_start3A_816 = tpu.memref_slice %arg11[%dma_start3A_814, %dma_start3A_815] : memref<1000000x16xf32, #tpu.memory_space<hbm>> -> memref<1000000x16xf32, #tpu.memory_space<hbm>>
    tpu.enqueue_indirect_dma source(%dma_start3A_816 : memref<1000000x16xf32, #tpu.memory_space<hbm>>) target(%dma_start3A_810 : memref<128x16xf32, #tpu.memory_space<vmem>>) offsets(%dma_start3A_813 : memref<128xi32, #tpu.memory_space<vmem>>) semaphore(%arg23 : memref<!tpu.dma_semaphore, #tpu.memory_space<semaphore_mem>>)
    %dma_wait3A_817 = arith.constant 16 : i32
    %dma_wait3A_818 = arith.constant 0 : i32
    %dma_wait3A_819 = arith.constant 0 : i32
    %dma_wait3A_820 = tpu.memref_slice %arg21[%dma_wait3A_818, %dma_wait3A_819] : memref<1024x16xf32, #tpu.memory_space<vmem>> -> memref<128x16xf32, #tpu.memory_space<vmem>>
    %dma_wait3A_821 = arith.constant 0 : i32
    %dma_wait3A_822 = tpu.memref_slice %arg18[%dma_wait3A_817, %dma_wait3A_821] : memref<80x128xi32, #tpu.memory_space<vmem>> -> memref<1x128xi32, #tpu.memory_space<vmem>>
    %dma_wait3A_823 = tpu.memref_squeeze %dma_wait3A_822 : memref<1x128xi32, #tpu.memory_space<vmem>> -> memref<128xi32, #tpu.memory_space<vmem>>
    %dma_wait3A_824 = arith.constant 0 : i32
    %dma_wait3A_825 = arith.constant 0 : i32
    %dma_wait3A_826 = tpu.memref_slice %arg11[%dma_wait3A_824, %dma_wait3A_825] : memref<1000000x16xf32, #tpu.memory_space<hbm>> -> memref<1000000x16xf32, #tpu.memory_space<hbm>>
    tpu.wait_indirect_dma semaphore(%arg23 : memref<!tpu.dma_semaphore, #tpu.memory_space<semaphore_mem>>) src(%dma_wait3A_826 : memref<1000000x16xf32, #tpu.memory_space<hbm>>) dst(%dma_wait3A_820 : memref<128x16xf32, #tpu.memory_space<vmem>>)
    %dma_wait3A_827 = arith.constant 17 : i32
    %dma_wait3A_828 = arith.constant 128 : i32
    %dma_wait3A_829 = arith.constant 0 : i32
    %dma_wait3A_830 = tpu.memref_slice %arg21[%dma_wait3A_828, %dma_wait3A_829] : memref<1024x16xf32, #tpu.memory_space<vmem>> -> memref<128x16xf32, #tpu.memory_space<vmem>>
    %dma_wait3A_831 = arith.constant 0 : i32
    %dma_wait3A_832 = tpu.memref_slice %arg18[%dma_wait3A_827, %dma_wait3A_831] : memref<80x128xi32, #tpu.memory_space<vmem>> -> memref<1x128xi32, #tpu.memory_space<vmem>>
    %dma_wait3A_833 = tpu.memref_squeeze %dma_wait3A_832 : memref<1x128xi32, #tpu.memory_space<vmem>> -> memref<128xi32, #tpu.memory_space<vmem>>
    %dma_wait3A_834 = arith.constant 0 : i32
    %dma_wait3A_835 = arith.constant 0 : i32
    %dma_wait3A_836 = tpu.memref_slice %arg11[%dma_wait3A_834, %dma_wait3A_835] : memref<1000000x16xf32, #tpu.memory_space<hbm>> -> memref<1000000x16xf32, #tpu.memory_space<hbm>>
    tpu.wait_indirect_dma semaphore(%arg23 : memref<!tpu.dma_semaphore, #tpu.memory_space<semaphore_mem>>) src(%dma_wait3A_836 : memref<1000000x16xf32, #tpu.memory_space<hbm>>) dst(%dma_wait3A_830 : memref<128x16xf32, #tpu.memory_space<vmem>>)
    %dma_wait3A_837 = arith.constant 18 : i32
    %dma_wait3A_838 = arith.constant 256 : i32
    %dma_wait3A_839 = arith.constant 0 : i32
    %dma_wait3A_840 = tpu.memref_slice %arg21[%dma_wait3A_838, %dma_wait3A_839] : memref<1024x16xf32, #tpu.memory_space<vmem>> -> memref<128x16xf32, #tpu.memory_space<vmem>>
    %dma_wait3A_841 = arith.constant 0 : i32
    %dma_wait3A_842 = tpu.memref_slice %arg18[%dma_wait3A_837, %dma_wait3A_841] : memref<80x128xi32, #tpu.memory_space<vmem>> -> memref<1x128xi32, #tpu.memory_space<vmem>>
    %dma_wait3A_843 = tpu.memref_squeeze %dma_wait3A_842 : memref<1x128xi32, #tpu.memory_space<vmem>> -> memref<128xi32, #tpu.memory_space<vmem>>
    %dma_wait3A_844 = arith.constant 0 : i32
    %dma_wait3A_845 = arith.constant 0 : i32
    %dma_wait3A_846 = tpu.memref_slice %arg11[%dma_wait3A_844, %dma_wait3A_845] : memref<1000000x16xf32, #tpu.memory_space<hbm>> -> memref<1000000x16xf32, #tpu.memory_space<hbm>>
    tpu.wait_indirect_dma semaphore(%arg23 : memref<!tpu.dma_semaphore, #tpu.memory_space<semaphore_mem>>) src(%dma_wait3A_846 : memref<1000000x16xf32, #tpu.memory_space<hbm>>) dst(%dma_wait3A_840 : memref<128x16xf32, #tpu.memory_space<vmem>>)
    %dma_wait3A_847 = arith.constant 19 : i32
    %dma_wait3A_848 = arith.constant 384 : i32
    %dma_wait3A_849 = arith.constant 0 : i32
    %dma_wait3A_850 = tpu.memref_slice %arg21[%dma_wait3A_848, %dma_wait3A_849] : memref<1024x16xf32, #tpu.memory_space<vmem>> -> memref<128x16xf32, #tpu.memory_space<vmem>>
    %dma_wait3A_851 = arith.constant 0 : i32
    %dma_wait3A_852 = tpu.memref_slice %arg18[%dma_wait3A_847, %dma_wait3A_851] : memref<80x128xi32, #tpu.memory_space<vmem>> -> memref<1x128xi32, #tpu.memory_space<vmem>>
    %dma_wait3A_853 = tpu.memref_squeeze %dma_wait3A_852 : memref<1x128xi32, #tpu.memory_space<vmem>> -> memref<128xi32, #tpu.memory_space<vmem>>
    %dma_wait3A_854 = arith.constant 0 : i32
    %dma_wait3A_855 = arith.constant 0 : i32
    %dma_wait3A_856 = tpu.memref_slice %arg11[%dma_wait3A_854, %dma_wait3A_855] : memref<1000000x16xf32, #tpu.memory_space<hbm>> -> memref<1000000x16xf32, #tpu.memory_space<hbm>>
    tpu.wait_indirect_dma semaphore(%arg23 : memref<!tpu.dma_semaphore, #tpu.memory_space<semaphore_mem>>) src(%dma_wait3A_856 : memref<1000000x16xf32, #tpu.memory_space<hbm>>) dst(%dma_wait3A_850 : memref<128x16xf32, #tpu.memory_space<vmem>>)
    %dma_wait3A_857 = arith.constant 20 : i32
    %dma_wait3A_858 = arith.constant 512 : i32
    %dma_wait3A_859 = arith.constant 0 : i32
    %dma_wait3A_860 = tpu.memref_slice %arg21[%dma_wait3A_858, %dma_wait3A_859] : memref<1024x16xf32, #tpu.memory_space<vmem>> -> memref<128x16xf32, #tpu.memory_space<vmem>>
    %dma_wait3A_861 = arith.constant 0 : i32
    %dma_wait3A_862 = tpu.memref_slice %arg18[%dma_wait3A_857, %dma_wait3A_861] : memref<80x128xi32, #tpu.memory_space<vmem>> -> memref<1x128xi32, #tpu.memory_space<vmem>>
    %dma_wait3A_863 = tpu.memref_squeeze %dma_wait3A_862 : memref<1x128xi32, #tpu.memory_space<vmem>> -> memref<128xi32, #tpu.memory_space<vmem>>
    %dma_wait3A_864 = arith.constant 0 : i32
    %dma_wait3A_865 = arith.constant 0 : i32
    %dma_wait3A_866 = tpu.memref_slice %arg11[%dma_wait3A_864, %dma_wait3A_865] : memref<1000000x16xf32, #tpu.memory_space<hbm>> -> memref<1000000x16xf32, #tpu.memory_space<hbm>>
    tpu.wait_indirect_dma semaphore(%arg23 : memref<!tpu.dma_semaphore, #tpu.memory_space<semaphore_mem>>) src(%dma_wait3A_866 : memref<1000000x16xf32, #tpu.memory_space<hbm>>) dst(%dma_wait3A_860 : memref<128x16xf32, #tpu.memory_space<vmem>>)
    %dma_wait3A_867 = arith.constant 21 : i32
    %dma_wait3A_868 = arith.constant 640 : i32
    %dma_wait3A_869 = arith.constant 0 : i32
    %dma_wait3A_870 = tpu.memref_slice %arg21[%dma_wait3A_868, %dma_wait3A_869] : memref<1024x16xf32, #tpu.memory_space<vmem>> -> memref<128x16xf32, #tpu.memory_space<vmem>>
    %dma_wait3A_871 = arith.constant 0 : i32
    %dma_wait3A_872 = tpu.memref_slice %arg18[%dma_wait3A_867, %dma_wait3A_871] : memref<80x128xi32, #tpu.memory_space<vmem>> -> memref<1x128xi32, #tpu.memory_space<vmem>>
    %dma_wait3A_873 = tpu.memref_squeeze %dma_wait3A_872 : memref<1x128xi32, #tpu.memory_space<vmem>> -> memref<128xi32, #tpu.memory_space<vmem>>
    %dma_wait3A_874 = arith.constant 0 : i32
    %dma_wait3A_875 = arith.constant 0 : i32
    %dma_wait3A_876 = tpu.memref_slice %arg11[%dma_wait3A_874, %dma_wait3A_875] : memref<1000000x16xf32, #tpu.memory_space<hbm>> -> memref<1000000x16xf32, #tpu.memory_space<hbm>>
    tpu.wait_indirect_dma semaphore(%arg23 : memref<!tpu.dma_semaphore, #tpu.memory_space<semaphore_mem>>) src(%dma_wait3A_876 : memref<1000000x16xf32, #tpu.memory_space<hbm>>) dst(%dma_wait3A_870 : memref<128x16xf32, #tpu.memory_space<vmem>>)
    %dma_wait3A_877 = arith.constant 22 : i32
    %dma_wait3A_878 = arith.constant 768 : i32
    %dma_wait3A_879 = arith.constant 0 : i32
    %dma_wait3A_880 = tpu.memref_slice %arg21[%dma_wait3A_878, %dma_wait3A_879] : memref<1024x16xf32, #tpu.memory_space<vmem>> -> memref<128x16xf32, #tpu.memory_space<vmem>>
    %dma_wait3A_881 = arith.constant 0 : i32
    %dma_wait3A_882 = tpu.memref_slice %arg18[%dma_wait3A_877, %dma_wait3A_881] : memref<80x128xi32, #tpu.memory_space<vmem>> -> memref<1x128xi32, #tpu.memory_space<vmem>>
    %dma_wait3A_883 = tpu.memref_squeeze %dma_wait3A_882 : memref<1x128xi32, #tpu.memory_space<vmem>> -> memref<128xi32, #tpu.memory_space<vmem>>
    %dma_wait3A_884 = arith.constant 0 : i32
    %dma_wait3A_885 = arith.constant 0 : i32
    %dma_wait3A_886 = tpu.memref_slice %arg11[%dma_wait3A_884, %dma_wait3A_885] : memref<1000000x16xf32, #tpu.memory_space<hbm>> -> memref<1000000x16xf32, #tpu.memory_space<hbm>>
    tpu.wait_indirect_dma semaphore(%arg23 : memref<!tpu.dma_semaphore, #tpu.memory_space<semaphore_mem>>) src(%dma_wait3A_886 : memref<1000000x16xf32, #tpu.memory_space<hbm>>) dst(%dma_wait3A_880 : memref<128x16xf32, #tpu.memory_space<vmem>>)
    %dma_wait3A_887 = arith.constant 23 : i32
    %dma_wait3A_888 = arith.constant 896 : i32
    %dma_wait3A_889 = arith.constant 0 : i32
    %dma_wait3A_890 = tpu.memref_slice %arg21[%dma_wait3A_888, %dma_wait3A_889] : memref<1024x16xf32, #tpu.memory_space<vmem>> -> memref<128x16xf32, #tpu.memory_space<vmem>>
    %dma_wait3A_891 = arith.constant 0 : i32
    %dma_wait3A_892 = tpu.memref_slice %arg18[%dma_wait3A_887, %dma_wait3A_891] : memref<80x128xi32, #tpu.memory_space<vmem>> -> memref<1x128xi32, #tpu.memory_space<vmem>>
    %dma_wait3A_893 = tpu.memref_squeeze %dma_wait3A_892 : memref<1x128xi32, #tpu.memory_space<vmem>> -> memref<128xi32, #tpu.memory_space<vmem>>
    %dma_wait3A_894 = arith.constant 0 : i32
    %dma_wait3A_895 = arith.constant 0 : i32
    %dma_wait3A_896 = tpu.memref_slice %arg11[%dma_wait3A_894, %dma_wait3A_895] : memref<1000000x16xf32, #tpu.memory_space<hbm>> -> memref<1000000x16xf32, #tpu.memory_space<hbm>>
    tpu.wait_indirect_dma semaphore(%arg23 : memref<!tpu.dma_semaphore, #tpu.memory_space<semaphore_mem>>) src(%dma_wait3A_896 : memref<1000000x16xf32, #tpu.memory_space<hbm>>) dst(%dma_wait3A_890 : memref<128x16xf32, #tpu.memory_space<vmem>>)
    %add3A_897 = arith.constant 2048 : i32
    %add3A_898 = arith.addi %mul3A_4, %add3A_897 : i32
    "tpu.region"() ({
      %run_scoped3A = tpu.sem_alloc : memref<!tpu.dma_semaphore, #tpu.memory_space<semaphore_mem>>
      %dma_start3A_2033 = arith.constant 0 : i32
      %dma_start3A_2034 = tpu.memref_slice %arg12[%add3A_898, %dma_start3A_2033] : memref<327680x16xf32, #tpu.memory_space<hbm>> -> memref<1024x16xf32, #tpu.memory_space<hbm>>
      %dma_start3A_2035 = arith.constant 0 : i32
      %dma_start3A_2036 = tpu.memref_slice %arg12[%add3A_898, %dma_start3A_2035] : memref<327680x16xf32, #tpu.memory_space<hbm>> -> memref<1024x16xf32, #tpu.memory_space<hbm>>
      tpu.enqueue_dma source(%arg21 : memref<1024x16xf32, #tpu.memory_space<vmem>>) target(%dma_start3A_2036 : memref<1024x16xf32, #tpu.memory_space<hbm>>) target_semaphore(%run_scoped3A : memref<!tpu.dma_semaphore, #tpu.memory_space<semaphore_mem>>)
      %dma_wait3A_2037 = arith.constant 0 : i32
      %dma_wait3A_2038 = tpu.memref_slice %arg12[%add3A_898, %dma_wait3A_2037] : memref<327680x16xf32, #tpu.memory_space<hbm>> -> memref<1024x16xf32, #tpu.memory_space<hbm>>
      %dma_wait3A_2039 = arith.constant 0 : i32
      %dma_wait3A_2040 = tpu.memref_slice %arg12[%add3A_898, %dma_wait3A_2039] : memref<327680x16xf32, #tpu.memory_space<hbm>> -> memref<1024x16xf32, #tpu.memory_space<hbm>>
      tpu.wait_dma2 semaphore(%run_scoped3A : memref<!tpu.dma_semaphore, #tpu.memory_space<semaphore_mem>>) src(%arg21 : memref<1024x16xf32, #tpu.memory_space<vmem>>) dst(%dma_wait3A_2040 : memref<1024x16xf32, #tpu.memory_space<hbm>>)
      tpu.yield
    }) : () -> ()
    %dma_start3A_899 = arith.constant 24 : i32
    %dma_start3A_900 = arith.constant 0 : i32
    %dma_start3A_901 = arith.constant 0 : i32
    %dma_start3A_902 = tpu.memref_slice %arg21[%dma_start3A_900, %dma_start3A_901] : memref<1024x16xf32, #tpu.memory_space<vmem>> -> memref<128x16xf32, #tpu.memory_space<vmem>>
    %dma_start3A_903 = arith.constant 0 : i32
    %dma_start3A_904 = tpu.memref_slice %arg18[%dma_start3A_899, %dma_start3A_903] : memref<80x128xi32, #tpu.memory_space<vmem>> -> memref<1x128xi32, #tpu.memory_space<vmem>>
    %dma_start3A_905 = tpu.memref_squeeze %dma_start3A_904 : memref<1x128xi32, #tpu.memory_space<vmem>> -> memref<128xi32, #tpu.memory_space<vmem>>
    %dma_start3A_906 = arith.constant 0 : i32
    %dma_start3A_907 = arith.constant 0 : i32
    %dma_start3A_908 = tpu.memref_slice %arg11[%dma_start3A_906, %dma_start3A_907] : memref<1000000x16xf32, #tpu.memory_space<hbm>> -> memref<1000000x16xf32, #tpu.memory_space<hbm>>
    tpu.enqueue_indirect_dma source(%dma_start3A_908 : memref<1000000x16xf32, #tpu.memory_space<hbm>>) target(%dma_start3A_902 : memref<128x16xf32, #tpu.memory_space<vmem>>) offsets(%dma_start3A_905 : memref<128xi32, #tpu.memory_space<vmem>>) semaphore(%arg23 : memref<!tpu.dma_semaphore, #tpu.memory_space<semaphore_mem>>)
    %dma_start3A_909 = arith.constant 25 : i32
    %dma_start3A_910 = arith.constant 128 : i32
    %dma_start3A_911 = arith.constant 0 : i32
    %dma_start3A_912 = tpu.memref_slice %arg21[%dma_start3A_910, %dma_start3A_911] : memref<1024x16xf32, #tpu.memory_space<vmem>> -> memref<128x16xf32, #tpu.memory_space<vmem>>
    %dma_start3A_913 = arith.constant 0 : i32
    %dma_start3A_914 = tpu.memref_slice %arg18[%dma_start3A_909, %dma_start3A_913] : memref<80x128xi32, #tpu.memory_space<vmem>> -> memref<1x128xi32, #tpu.memory_space<vmem>>
    %dma_start3A_915 = tpu.memref_squeeze %dma_start3A_914 : memref<1x128xi32, #tpu.memory_space<vmem>> -> memref<128xi32, #tpu.memory_space<vmem>>
    %dma_start3A_916 = arith.constant 0 : i32
    %dma_start3A_917 = arith.constant 0 : i32
    %dma_start3A_918 = tpu.memref_slice %arg11[%dma_start3A_916, %dma_start3A_917] : memref<1000000x16xf32, #tpu.memory_space<hbm>> -> memref<1000000x16xf32, #tpu.memory_space<hbm>>
    tpu.enqueue_indirect_dma source(%dma_start3A_918 : memref<1000000x16xf32, #tpu.memory_space<hbm>>) target(%dma_start3A_912 : memref<128x16xf32, #tpu.memory_space<vmem>>) offsets(%dma_start3A_915 : memref<128xi32, #tpu.memory_space<vmem>>) semaphore(%arg23 : memref<!tpu.dma_semaphore, #tpu.memory_space<semaphore_mem>>)
    %dma_start3A_919 = arith.constant 26 : i32
    %dma_start3A_920 = arith.constant 256 : i32
    %dma_start3A_921 = arith.constant 0 : i32
    %dma_start3A_922 = tpu.memref_slice %arg21[%dma_start3A_920, %dma_start3A_921] : memref<1024x16xf32, #tpu.memory_space<vmem>> -> memref<128x16xf32, #tpu.memory_space<vmem>>
    %dma_start3A_923 = arith.constant 0 : i32
    %dma_start3A_924 = tpu.memref_slice %arg18[%dma_start3A_919, %dma_start3A_923] : memref<80x128xi32, #tpu.memory_space<vmem>> -> memref<1x128xi32, #tpu.memory_space<vmem>>
    %dma_start3A_925 = tpu.memref_squeeze %dma_start3A_924 : memref<1x128xi32, #tpu.memory_space<vmem>> -> memref<128xi32, #tpu.memory_space<vmem>>
    %dma_start3A_926 = arith.constant 0 : i32
    %dma_start3A_927 = arith.constant 0 : i32
    %dma_start3A_928 = tpu.memref_slice %arg11[%dma_start3A_926, %dma_start3A_927] : memref<1000000x16xf32, #tpu.memory_space<hbm>> -> memref<1000000x16xf32, #tpu.memory_space<hbm>>
    tpu.enqueue_indirect_dma source(%dma_start3A_928 : memref<1000000x16xf32, #tpu.memory_space<hbm>>) target(%dma_start3A_922 : memref<128x16xf32, #tpu.memory_space<vmem>>) offsets(%dma_start3A_925 : memref<128xi32, #tpu.memory_space<vmem>>) semaphore(%arg23 : memref<!tpu.dma_semaphore, #tpu.memory_space<semaphore_mem>>)
    %dma_start3A_929 = arith.constant 27 : i32
    %dma_start3A_930 = arith.constant 384 : i32
    %dma_start3A_931 = arith.constant 0 : i32
    %dma_start3A_932 = tpu.memref_slice %arg21[%dma_start3A_930, %dma_start3A_931] : memref<1024x16xf32, #tpu.memory_space<vmem>> -> memref<128x16xf32, #tpu.memory_space<vmem>>
    %dma_start3A_933 = arith.constant 0 : i32
    %dma_start3A_934 = tpu.memref_slice %arg18[%dma_start3A_929, %dma_start3A_933] : memref<80x128xi32, #tpu.memory_space<vmem>> -> memref<1x128xi32, #tpu.memory_space<vmem>>
    %dma_start3A_935 = tpu.memref_squeeze %dma_start3A_934 : memref<1x128xi32, #tpu.memory_space<vmem>> -> memref<128xi32, #tpu.memory_space<vmem>>
    %dma_start3A_936 = arith.constant 0 : i32
    %dma_start3A_937 = arith.constant 0 : i32
    %dma_start3A_938 = tpu.memref_slice %arg11[%dma_start3A_936, %dma_start3A_937] : memref<1000000x16xf32, #tpu.memory_space<hbm>> -> memref<1000000x16xf32, #tpu.memory_space<hbm>>
    tpu.enqueue_indirect_dma source(%dma_start3A_938 : memref<1000000x16xf32, #tpu.memory_space<hbm>>) target(%dma_start3A_932 : memref<128x16xf32, #tpu.memory_space<vmem>>) offsets(%dma_start3A_935 : memref<128xi32, #tpu.memory_space<vmem>>) semaphore(%arg23 : memref<!tpu.dma_semaphore, #tpu.memory_space<semaphore_mem>>)
    %dma_start3A_939 = arith.constant 28 : i32
    %dma_start3A_940 = arith.constant 512 : i32
    %dma_start3A_941 = arith.constant 0 : i32
    %dma_start3A_942 = tpu.memref_slice %arg21[%dma_start3A_940, %dma_start3A_941] : memref<1024x16xf32, #tpu.memory_space<vmem>> -> memref<128x16xf32, #tpu.memory_space<vmem>>
    %dma_start3A_943 = arith.constant 0 : i32
    %dma_start3A_944 = tpu.memref_slice %arg18[%dma_start3A_939, %dma_start3A_943] : memref<80x128xi32, #tpu.memory_space<vmem>> -> memref<1x128xi32, #tpu.memory_space<vmem>>
    %dma_start3A_945 = tpu.memref_squeeze %dma_start3A_944 : memref<1x128xi32, #tpu.memory_space<vmem>> -> memref<128xi32, #tpu.memory_space<vmem>>
    %dma_start3A_946 = arith.constant 0 : i32
    %dma_start3A_947 = arith.constant 0 : i32
    %dma_start3A_948 = tpu.memref_slice %arg11[%dma_start3A_946, %dma_start3A_947] : memref<1000000x16xf32, #tpu.memory_space<hbm>> -> memref<1000000x16xf32, #tpu.memory_space<hbm>>
    tpu.enqueue_indirect_dma source(%dma_start3A_948 : memref<1000000x16xf32, #tpu.memory_space<hbm>>) target(%dma_start3A_942 : memref<128x16xf32, #tpu.memory_space<vmem>>) offsets(%dma_start3A_945 : memref<128xi32, #tpu.memory_space<vmem>>) semaphore(%arg23 : memref<!tpu.dma_semaphore, #tpu.memory_space<semaphore_mem>>)
    %dma_start3A_949 = arith.constant 29 : i32
    %dma_start3A_950 = arith.constant 640 : i32
    %dma_start3A_951 = arith.constant 0 : i32
    %dma_start3A_952 = tpu.memref_slice %arg21[%dma_start3A_950, %dma_start3A_951] : memref<1024x16xf32, #tpu.memory_space<vmem>> -> memref<128x16xf32, #tpu.memory_space<vmem>>
    %dma_start3A_953 = arith.constant 0 : i32
    %dma_start3A_954 = tpu.memref_slice %arg18[%dma_start3A_949, %dma_start3A_953] : memref<80x128xi32, #tpu.memory_space<vmem>> -> memref<1x128xi32, #tpu.memory_space<vmem>>
    %dma_start3A_955 = tpu.memref_squeeze %dma_start3A_954 : memref<1x128xi32, #tpu.memory_space<vmem>> -> memref<128xi32, #tpu.memory_space<vmem>>
    %dma_start3A_956 = arith.constant 0 : i32
    %dma_start3A_957 = arith.constant 0 : i32
    %dma_start3A_958 = tpu.memref_slice %arg11[%dma_start3A_956, %dma_start3A_957] : memref<1000000x16xf32, #tpu.memory_space<hbm>> -> memref<1000000x16xf32, #tpu.memory_space<hbm>>
    tpu.enqueue_indirect_dma source(%dma_start3A_958 : memref<1000000x16xf32, #tpu.memory_space<hbm>>) target(%dma_start3A_952 : memref<128x16xf32, #tpu.memory_space<vmem>>) offsets(%dma_start3A_955 : memref<128xi32, #tpu.memory_space<vmem>>) semaphore(%arg23 : memref<!tpu.dma_semaphore, #tpu.memory_space<semaphore_mem>>)
    %dma_start3A_959 = arith.constant 30 : i32
    %dma_start3A_960 = arith.constant 768 : i32
    %dma_start3A_961 = arith.constant 0 : i32
    %dma_start3A_962 = tpu.memref_slice %arg21[%dma_start3A_960, %dma_start3A_961] : memref<1024x16xf32, #tpu.memory_space<vmem>> -> memref<128x16xf32, #tpu.memory_space<vmem>>
    %dma_start3A_963 = arith.constant 0 : i32
    %dma_start3A_964 = tpu.memref_slice %arg18[%dma_start3A_959, %dma_start3A_963] : memref<80x128xi32, #tpu.memory_space<vmem>> -> memref<1x128xi32, #tpu.memory_space<vmem>>
    %dma_start3A_965 = tpu.memref_squeeze %dma_start3A_964 : memref<1x128xi32, #tpu.memory_space<vmem>> -> memref<128xi32, #tpu.memory_space<vmem>>
    %dma_start3A_966 = arith.constant 0 : i32
    %dma_start3A_967 = arith.constant 0 : i32
    %dma_start3A_968 = tpu.memref_slice %arg11[%dma_start3A_966, %dma_start3A_967] : memref<1000000x16xf32, #tpu.memory_space<hbm>> -> memref<1000000x16xf32, #tpu.memory_space<hbm>>
    tpu.enqueue_indirect_dma source(%dma_start3A_968 : memref<1000000x16xf32, #tpu.memory_space<hbm>>) target(%dma_start3A_962 : memref<128x16xf32, #tpu.memory_space<vmem>>) offsets(%dma_start3A_965 : memref<128xi32, #tpu.memory_space<vmem>>) semaphore(%arg23 : memref<!tpu.dma_semaphore, #tpu.memory_space<semaphore_mem>>)
    %dma_start3A_969 = arith.constant 31 : i32
    %dma_start3A_970 = arith.constant 896 : i32
    %dma_start3A_971 = arith.constant 0 : i32
    %dma_start3A_972 = tpu.memref_slice %arg21[%dma_start3A_970, %dma_start3A_971] : memref<1024x16xf32, #tpu.memory_space<vmem>> -> memref<128x16xf32, #tpu.memory_space<vmem>>
    %dma_start3A_973 = arith.constant 0 : i32
    %dma_start3A_974 = tpu.memref_slice %arg18[%dma_start3A_969, %dma_start3A_973] : memref<80x128xi32, #tpu.memory_space<vmem>> -> memref<1x128xi32, #tpu.memory_space<vmem>>
    %dma_start3A_975 = tpu.memref_squeeze %dma_start3A_974 : memref<1x128xi32, #tpu.memory_space<vmem>> -> memref<128xi32, #tpu.memory_space<vmem>>
    %dma_start3A_976 = arith.constant 0 : i32
    %dma_start3A_977 = arith.constant 0 : i32
    %dma_start3A_978 = tpu.memref_slice %arg11[%dma_start3A_976, %dma_start3A_977] : memref<1000000x16xf32, #tpu.memory_space<hbm>> -> memref<1000000x16xf32, #tpu.memory_space<hbm>>
    tpu.enqueue_indirect_dma source(%dma_start3A_978 : memref<1000000x16xf32, #tpu.memory_space<hbm>>) target(%dma_start3A_972 : memref<128x16xf32, #tpu.memory_space<vmem>>) offsets(%dma_start3A_975 : memref<128xi32, #tpu.memory_space<vmem>>) semaphore(%arg23 : memref<!tpu.dma_semaphore, #tpu.memory_space<semaphore_mem>>)
    %dma_wait3A_979 = arith.constant 24 : i32
    %dma_wait3A_980 = arith.constant 0 : i32
    %dma_wait3A_981 = arith.constant 0 : i32
    %dma_wait3A_982 = tpu.memref_slice %arg21[%dma_wait3A_980, %dma_wait3A_981] : memref<1024x16xf32, #tpu.memory_space<vmem>> -> memref<128x16xf32, #tpu.memory_space<vmem>>
    %dma_wait3A_983 = arith.constant 0 : i32
    %dma_wait3A_984 = tpu.memref_slice %arg18[%dma_wait3A_979, %dma_wait3A_983] : memref<80x128xi32, #tpu.memory_space<vmem>> -> memref<1x128xi32, #tpu.memory_space<vmem>>
    %dma_wait3A_985 = tpu.memref_squeeze %dma_wait3A_984 : memref<1x128xi32, #tpu.memory_space<vmem>> -> memref<128xi32, #tpu.memory_space<vmem>>
    %dma_wait3A_986 = arith.constant 0 : i32
    %dma_wait3A_987 = arith.constant 0 : i32
    %dma_wait3A_988 = tpu.memref_slice %arg11[%dma_wait3A_986, %dma_wait3A_987] : memref<1000000x16xf32, #tpu.memory_space<hbm>> -> memref<1000000x16xf32, #tpu.memory_space<hbm>>
    tpu.wait_indirect_dma semaphore(%arg23 : memref<!tpu.dma_semaphore, #tpu.memory_space<semaphore_mem>>) src(%dma_wait3A_988 : memref<1000000x16xf32, #tpu.memory_space<hbm>>) dst(%dma_wait3A_982 : memref<128x16xf32, #tpu.memory_space<vmem>>)
    %dma_wait3A_989 = arith.constant 25 : i32
    %dma_wait3A_990 = arith.constant 128 : i32
    %dma_wait3A_991 = arith.constant 0 : i32
    %dma_wait3A_992 = tpu.memref_slice %arg21[%dma_wait3A_990, %dma_wait3A_991] : memref<1024x16xf32, #tpu.memory_space<vmem>> -> memref<128x16xf32, #tpu.memory_space<vmem>>
    %dma_wait3A_993 = arith.constant 0 : i32
    %dma_wait3A_994 = tpu.memref_slice %arg18[%dma_wait3A_989, %dma_wait3A_993] : memref<80x128xi32, #tpu.memory_space<vmem>> -> memref<1x128xi32, #tpu.memory_space<vmem>>
    %dma_wait3A_995 = tpu.memref_squeeze %dma_wait3A_994 : memref<1x128xi32, #tpu.memory_space<vmem>> -> memref<128xi32, #tpu.memory_space<vmem>>
    %dma_wait3A_996 = arith.constant 0 : i32
    %dma_wait3A_997 = arith.constant 0 : i32
    %dma_wait3A_998 = tpu.memref_slice %arg11[%dma_wait3A_996, %dma_wait3A_997] : memref<1000000x16xf32, #tpu.memory_space<hbm>> -> memref<1000000x16xf32, #tpu.memory_space<hbm>>
    tpu.wait_indirect_dma semaphore(%arg23 : memref<!tpu.dma_semaphore, #tpu.memory_space<semaphore_mem>>) src(%dma_wait3A_998 : memref<1000000x16xf32, #tpu.memory_space<hbm>>) dst(%dma_wait3A_992 : memref<128x16xf32, #tpu.memory_space<vmem>>)
    %dma_wait3A_999 = arith.constant 26 : i32
    %dma_wait3A_1000 = arith.constant 256 : i32
    %dma_wait3A_1001 = arith.constant 0 : i32
    %dma_wait3A_1002 = tpu.memref_slice %arg21[%dma_wait3A_1000, %dma_wait3A_1001] : memref<1024x16xf32, #tpu.memory_space<vmem>> -> memref<128x16xf32, #tpu.memory_space<vmem>>
    %dma_wait3A_1003 = arith.constant 0 : i32
    %dma_wait3A_1004 = tpu.memref_slice %arg18[%dma_wait3A_999, %dma_wait3A_1003] : memref<80x128xi32, #tpu.memory_space<vmem>> -> memref<1x128xi32, #tpu.memory_space<vmem>>
    %dma_wait3A_1005 = tpu.memref_squeeze %dma_wait3A_1004 : memref<1x128xi32, #tpu.memory_space<vmem>> -> memref<128xi32, #tpu.memory_space<vmem>>
    %dma_wait3A_1006 = arith.constant 0 : i32
    %dma_wait3A_1007 = arith.constant 0 : i32
    %dma_wait3A_1008 = tpu.memref_slice %arg11[%dma_wait3A_1006, %dma_wait3A_1007] : memref<1000000x16xf32, #tpu.memory_space<hbm>> -> memref<1000000x16xf32, #tpu.memory_space<hbm>>
    tpu.wait_indirect_dma semaphore(%arg23 : memref<!tpu.dma_semaphore, #tpu.memory_space<semaphore_mem>>) src(%dma_wait3A_1008 : memref<1000000x16xf32, #tpu.memory_space<hbm>>) dst(%dma_wait3A_1002 : memref<128x16xf32, #tpu.memory_space<vmem>>)
    %dma_wait3A_1009 = arith.constant 27 : i32
    %dma_wait3A_1010 = arith.constant 384 : i32
    %dma_wait3A_1011 = arith.constant 0 : i32
    %dma_wait3A_1012 = tpu.memref_slice %arg21[%dma_wait3A_1010, %dma_wait3A_1011] : memref<1024x16xf32, #tpu.memory_space<vmem>> -> memref<128x16xf32, #tpu.memory_space<vmem>>
    %dma_wait3A_1013 = arith.constant 0 : i32
    %dma_wait3A_1014 = tpu.memref_slice %arg18[%dma_wait3A_1009, %dma_wait3A_1013] : memref<80x128xi32, #tpu.memory_space<vmem>> -> memref<1x128xi32, #tpu.memory_space<vmem>>
    %dma_wait3A_1015 = tpu.memref_squeeze %dma_wait3A_1014 : memref<1x128xi32, #tpu.memory_space<vmem>> -> memref<128xi32, #tpu.memory_space<vmem>>
    %dma_wait3A_1016 = arith.constant 0 : i32
    %dma_wait3A_1017 = arith.constant 0 : i32
    %dma_wait3A_1018 = tpu.memref_slice %arg11[%dma_wait3A_1016, %dma_wait3A_1017] : memref<1000000x16xf32, #tpu.memory_space<hbm>> -> memref<1000000x16xf32, #tpu.memory_space<hbm>>
    tpu.wait_indirect_dma semaphore(%arg23 : memref<!tpu.dma_semaphore, #tpu.memory_space<semaphore_mem>>) src(%dma_wait3A_1018 : memref<1000000x16xf32, #tpu.memory_space<hbm>>) dst(%dma_wait3A_1012 : memref<128x16xf32, #tpu.memory_space<vmem>>)
    %dma_wait3A_1019 = arith.constant 28 : i32
    %dma_wait3A_1020 = arith.constant 512 : i32
    %dma_wait3A_1021 = arith.constant 0 : i32
    %dma_wait3A_1022 = tpu.memref_slice %arg21[%dma_wait3A_1020, %dma_wait3A_1021] : memref<1024x16xf32, #tpu.memory_space<vmem>> -> memref<128x16xf32, #tpu.memory_space<vmem>>
    %dma_wait3A_1023 = arith.constant 0 : i32
    %dma_wait3A_1024 = tpu.memref_slice %arg18[%dma_wait3A_1019, %dma_wait3A_1023] : memref<80x128xi32, #tpu.memory_space<vmem>> -> memref<1x128xi32, #tpu.memory_space<vmem>>
    %dma_wait3A_1025 = tpu.memref_squeeze %dma_wait3A_1024 : memref<1x128xi32, #tpu.memory_space<vmem>> -> memref<128xi32, #tpu.memory_space<vmem>>
    %dma_wait3A_1026 = arith.constant 0 : i32
    %dma_wait3A_1027 = arith.constant 0 : i32
    %dma_wait3A_1028 = tpu.memref_slice %arg11[%dma_wait3A_1026, %dma_wait3A_1027] : memref<1000000x16xf32, #tpu.memory_space<hbm>> -> memref<1000000x16xf32, #tpu.memory_space<hbm>>
    tpu.wait_indirect_dma semaphore(%arg23 : memref<!tpu.dma_semaphore, #tpu.memory_space<semaphore_mem>>) src(%dma_wait3A_1028 : memref<1000000x16xf32, #tpu.memory_space<hbm>>) dst(%dma_wait3A_1022 : memref<128x16xf32, #tpu.memory_space<vmem>>)
    %dma_wait3A_1029 = arith.constant 29 : i32
    %dma_wait3A_1030 = arith.constant 640 : i32
    %dma_wait3A_1031 = arith.constant 0 : i32
    %dma_wait3A_1032 = tpu.memref_slice %arg21[%dma_wait3A_1030, %dma_wait3A_1031] : memref<1024x16xf32, #tpu.memory_space<vmem>> -> memref<128x16xf32, #tpu.memory_space<vmem>>
    %dma_wait3A_1033 = arith.constant 0 : i32
    %dma_wait3A_1034 = tpu.memref_slice %arg18[%dma_wait3A_1029, %dma_wait3A_1033] : memref<80x128xi32, #tpu.memory_space<vmem>> -> memref<1x128xi32, #tpu.memory_space<vmem>>
    %dma_wait3A_1035 = tpu.memref_squeeze %dma_wait3A_1034 : memref<1x128xi32, #tpu.memory_space<vmem>> -> memref<128xi32, #tpu.memory_space<vmem>>
    %dma_wait3A_1036 = arith.constant 0 : i32
    %dma_wait3A_1037 = arith.constant 0 : i32
    %dma_wait3A_1038 = tpu.memref_slice %arg11[%dma_wait3A_1036, %dma_wait3A_1037] : memref<1000000x16xf32, #tpu.memory_space<hbm>> -> memref<1000000x16xf32, #tpu.memory_space<hbm>>
    tpu.wait_indirect_dma semaphore(%arg23 : memref<!tpu.dma_semaphore, #tpu.memory_space<semaphore_mem>>) src(%dma_wait3A_1038 : memref<1000000x16xf32, #tpu.memory_space<hbm>>) dst(%dma_wait3A_1032 : memref<128x16xf32, #tpu.memory_space<vmem>>)
    %dma_wait3A_1039 = arith.constant 30 : i32
    %dma_wait3A_1040 = arith.constant 768 : i32
    %dma_wait3A_1041 = arith.constant 0 : i32
    %dma_wait3A_1042 = tpu.memref_slice %arg21[%dma_wait3A_1040, %dma_wait3A_1041] : memref<1024x16xf32, #tpu.memory_space<vmem>> -> memref<128x16xf32, #tpu.memory_space<vmem>>
    %dma_wait3A_1043 = arith.constant 0 : i32
    %dma_wait3A_1044 = tpu.memref_slice %arg18[%dma_wait3A_1039, %dma_wait3A_1043] : memref<80x128xi32, #tpu.memory_space<vmem>> -> memref<1x128xi32, #tpu.memory_space<vmem>>
    %dma_wait3A_1045 = tpu.memref_squeeze %dma_wait3A_1044 : memref<1x128xi32, #tpu.memory_space<vmem>> -> memref<128xi32, #tpu.memory_space<vmem>>
    %dma_wait3A_1046 = arith.constant 0 : i32
    %dma_wait3A_1047 = arith.constant 0 : i32
    %dma_wait3A_1048 = tpu.memref_slice %arg11[%dma_wait3A_1046, %dma_wait3A_1047] : memref<1000000x16xf32, #tpu.memory_space<hbm>> -> memref<1000000x16xf32, #tpu.memory_space<hbm>>
    tpu.wait_indirect_dma semaphore(%arg23 : memref<!tpu.dma_semaphore, #tpu.memory_space<semaphore_mem>>) src(%dma_wait3A_1048 : memref<1000000x16xf32, #tpu.memory_space<hbm>>) dst(%dma_wait3A_1042 : memref<128x16xf32, #tpu.memory_space<vmem>>)
    %dma_wait3A_1049 = arith.constant 31 : i32
    %dma_wait3A_1050 = arith.constant 896 : i32
    %dma_wait3A_1051 = arith.constant 0 : i32
    %dma_wait3A_1052 = tpu.memref_slice %arg21[%dma_wait3A_1050, %dma_wait3A_1051] : memref<1024x16xf32, #tpu.memory_space<vmem>> -> memref<128x16xf32, #tpu.memory_space<vmem>>
    %dma_wait3A_1053 = arith.constant 0 : i32
    %dma_wait3A_1054 = tpu.memref_slice %arg18[%dma_wait3A_1049, %dma_wait3A_1053] : memref<80x128xi32, #tpu.memory_space<vmem>> -> memref<1x128xi32, #tpu.memory_space<vmem>>
    %dma_wait3A_1055 = tpu.memref_squeeze %dma_wait3A_1054 : memref<1x128xi32, #tpu.memory_space<vmem>> -> memref<128xi32, #tpu.memory_space<vmem>>
    %dma_wait3A_1056 = arith.constant 0 : i32
    %dma_wait3A_1057 = arith.constant 0 : i32
    %dma_wait3A_1058 = tpu.memref_slice %arg11[%dma_wait3A_1056, %dma_wait3A_1057] : memref<1000000x16xf32, #tpu.memory_space<hbm>> -> memref<1000000x16xf32, #tpu.memory_space<hbm>>
    tpu.wait_indirect_dma semaphore(%arg23 : memref<!tpu.dma_semaphore, #tpu.memory_space<semaphore_mem>>) src(%dma_wait3A_1058 : memref<1000000x16xf32, #tpu.memory_space<hbm>>) dst(%dma_wait3A_1052 : memref<128x16xf32, #tpu.memory_space<vmem>>)
    %add3A_1059 = arith.constant 3072 : i32
    %add3A_1060 = arith.addi %mul3A_4, %add3A_1059 : i32
    "tpu.region"() ({
      %run_scoped3A = tpu.sem_alloc : memref<!tpu.dma_semaphore, #tpu.memory_space<semaphore_mem>>
      %dma_start3A_2033 = arith.constant 0 : i32
      %dma_start3A_2034 = tpu.memref_slice %arg12[%add3A_1060, %dma_start3A_2033] : memref<327680x16xf32, #tpu.memory_space<hbm>> -> memref<1024x16xf32, #tpu.memory_space<hbm>>
      %dma_start3A_2035 = arith.constant 0 : i32
      %dma_start3A_2036 = tpu.memref_slice %arg12[%add3A_1060, %dma_start3A_2035] : memref<327680x16xf32, #tpu.memory_space<hbm>> -> memref<1024x16xf32, #tpu.memory_space<hbm>>
      tpu.enqueue_dma source(%arg21 : memref<1024x16xf32, #tpu.memory_space<vmem>>) target(%dma_start3A_2036 : memref<1024x16xf32, #tpu.memory_space<hbm>>) target_semaphore(%run_scoped3A : memref<!tpu.dma_semaphore, #tpu.memory_space<semaphore_mem>>)
      %dma_wait3A_2037 = arith.constant 0 : i32
      %dma_wait3A_2038 = tpu.memref_slice %arg12[%add3A_1060, %dma_wait3A_2037] : memref<327680x16xf32, #tpu.memory_space<hbm>> -> memref<1024x16xf32, #tpu.memory_space<hbm>>
      %dma_wait3A_2039 = arith.constant 0 : i32
      %dma_wait3A_2040 = tpu.memref_slice %arg12[%add3A_1060, %dma_wait3A_2039] : memref<327680x16xf32, #tpu.memory_space<hbm>> -> memref<1024x16xf32, #tpu.memory_space<hbm>>
      tpu.wait_dma2 semaphore(%run_scoped3A : memref<!tpu.dma_semaphore, #tpu.memory_space<semaphore_mem>>) src(%arg21 : memref<1024x16xf32, #tpu.memory_space<vmem>>) dst(%dma_wait3A_2040 : memref<1024x16xf32, #tpu.memory_space<hbm>>)
      tpu.yield
    }) : () -> ()
    %dma_start3A_1061 = arith.constant 32 : i32
    %dma_start3A_1062 = arith.constant 0 : i32
    %dma_start3A_1063 = arith.constant 0 : i32
    %dma_start3A_1064 = tpu.memref_slice %arg21[%dma_start3A_1062, %dma_start3A_1063] : memref<1024x16xf32, #tpu.memory_space<vmem>> -> memref<128x16xf32, #tpu.memory_space<vmem>>
    %dma_start3A_1065 = arith.constant 0 : i32
    %dma_start3A_1066 = tpu.memref_slice %arg18[%dma_start3A_1061, %dma_start3A_1065] : memref<80x128xi32, #tpu.memory_space<vmem>> -> memref<1x128xi32, #tpu.memory_space<vmem>>
    %dma_start3A_1067 = tpu.memref_squeeze %dma_start3A_1066 : memref<1x128xi32, #tpu.memory_space<vmem>> -> memref<128xi32, #tpu.memory_space<vmem>>
    %dma_start3A_1068 = arith.constant 0 : i32
    %dma_start3A_1069 = arith.constant 0 : i32
    %dma_start3A_1070 = tpu.memref_slice %arg11[%dma_start3A_1068, %dma_start3A_1069] : memref<1000000x16xf32, #tpu.memory_space<hbm>> -> memref<1000000x16xf32, #tpu.memory_space<hbm>>
    tpu.enqueue_indirect_dma source(%dma_start3A_1070 : memref<1000000x16xf32, #tpu.memory_space<hbm>>) target(%dma_start3A_1064 : memref<128x16xf32, #tpu.memory_space<vmem>>) offsets(%dma_start3A_1067 : memref<128xi32, #tpu.memory_space<vmem>>) semaphore(%arg23 : memref<!tpu.dma_semaphore, #tpu.memory_space<semaphore_mem>>)
    %dma_start3A_1071 = arith.constant 33 : i32
    %dma_start3A_1072 = arith.constant 128 : i32
    %dma_start3A_1073 = arith.constant 0 : i32
    %dma_start3A_1074 = tpu.memref_slice %arg21[%dma_start3A_1072, %dma_start3A_1073] : memref<1024x16xf32, #tpu.memory_space<vmem>> -> memref<128x16xf32, #tpu.memory_space<vmem>>
    %dma_start3A_1075 = arith.constant 0 : i32
    %dma_start3A_1076 = tpu.memref_slice %arg18[%dma_start3A_1071, %dma_start3A_1075] : memref<80x128xi32, #tpu.memory_space<vmem>> -> memref<1x128xi32, #tpu.memory_space<vmem>>
    %dma_start3A_1077 = tpu.memref_squeeze %dma_start3A_1076 : memref<1x128xi32, #tpu.memory_space<vmem>> -> memref<128xi32, #tpu.memory_space<vmem>>
    %dma_start3A_1078 = arith.constant 0 : i32
    %dma_start3A_1079 = arith.constant 0 : i32
    %dma_start3A_1080 = tpu.memref_slice %arg11[%dma_start3A_1078, %dma_start3A_1079] : memref<1000000x16xf32, #tpu.memory_space<hbm>> -> memref<1000000x16xf32, #tpu.memory_space<hbm>>
    tpu.enqueue_indirect_dma source(%dma_start3A_1080 : memref<1000000x16xf32, #tpu.memory_space<hbm>>) target(%dma_start3A_1074 : memref<128x16xf32, #tpu.memory_space<vmem>>) offsets(%dma_start3A_1077 : memref<128xi32, #tpu.memory_space<vmem>>) semaphore(%arg23 : memref<!tpu.dma_semaphore, #tpu.memory_space<semaphore_mem>>)
    %dma_start3A_1081 = arith.constant 34 : i32
    %dma_start3A_1082 = arith.constant 256 : i32
    %dma_start3A_1083 = arith.constant 0 : i32
    %dma_start3A_1084 = tpu.memref_slice %arg21[%dma_start3A_1082, %dma_start3A_1083] : memref<1024x16xf32, #tpu.memory_space<vmem>> -> memref<128x16xf32, #tpu.memory_space<vmem>>
    %dma_start3A_1085 = arith.constant 0 : i32
    %dma_start3A_1086 = tpu.memref_slice %arg18[%dma_start3A_1081, %dma_start3A_1085] : memref<80x128xi32, #tpu.memory_space<vmem>> -> memref<1x128xi32, #tpu.memory_space<vmem>>
    %dma_start3A_1087 = tpu.memref_squeeze %dma_start3A_1086 : memref<1x128xi32, #tpu.memory_space<vmem>> -> memref<128xi32, #tpu.memory_space<vmem>>
    %dma_start3A_1088 = arith.constant 0 : i32
    %dma_start3A_1089 = arith.constant 0 : i32
    %dma_start3A_1090 = tpu.memref_slice %arg11[%dma_start3A_1088, %dma_start3A_1089] : memref<1000000x16xf32, #tpu.memory_space<hbm>> -> memref<1000000x16xf32, #tpu.memory_space<hbm>>
    tpu.enqueue_indirect_dma source(%dma_start3A_1090 : memref<1000000x16xf32, #tpu.memory_space<hbm>>) target(%dma_start3A_1084 : memref<128x16xf32, #tpu.memory_space<vmem>>) offsets(%dma_start3A_1087 : memref<128xi32, #tpu.memory_space<vmem>>) semaphore(%arg23 : memref<!tpu.dma_semaphore, #tpu.memory_space<semaphore_mem>>)
    %dma_start3A_1091 = arith.constant 35 : i32
    %dma_start3A_1092 = arith.constant 384 : i32
    %dma_start3A_1093 = arith.constant 0 : i32
    %dma_start3A_1094 = tpu.memref_slice %arg21[%dma_start3A_1092, %dma_start3A_1093] : memref<1024x16xf32, #tpu.memory_space<vmem>> -> memref<128x16xf32, #tpu.memory_space<vmem>>
    %dma_start3A_1095 = arith.constant 0 : i32
    %dma_start3A_1096 = tpu.memref_slice %arg18[%dma_start3A_1091, %dma_start3A_1095] : memref<80x128xi32, #tpu.memory_space<vmem>> -> memref<1x128xi32, #tpu.memory_space<vmem>>
    %dma_start3A_1097 = tpu.memref_squeeze %dma_start3A_1096 : memref<1x128xi32, #tpu.memory_space<vmem>> -> memref<128xi32, #tpu.memory_space<vmem>>
    %dma_start3A_1098 = arith.constant 0 : i32
    %dma_start3A_1099 = arith.constant 0 : i32
    %dma_start3A_1100 = tpu.memref_slice %arg11[%dma_start3A_1098, %dma_start3A_1099] : memref<1000000x16xf32, #tpu.memory_space<hbm>> -> memref<1000000x16xf32, #tpu.memory_space<hbm>>
    tpu.enqueue_indirect_dma source(%dma_start3A_1100 : memref<1000000x16xf32, #tpu.memory_space<hbm>>) target(%dma_start3A_1094 : memref<128x16xf32, #tpu.memory_space<vmem>>) offsets(%dma_start3A_1097 : memref<128xi32, #tpu.memory_space<vmem>>) semaphore(%arg23 : memref<!tpu.dma_semaphore, #tpu.memory_space<semaphore_mem>>)
    %dma_start3A_1101 = arith.constant 36 : i32
    %dma_start3A_1102 = arith.constant 512 : i32
    %dma_start3A_1103 = arith.constant 0 : i32
    %dma_start3A_1104 = tpu.memref_slice %arg21[%dma_start3A_1102, %dma_start3A_1103] : memref<1024x16xf32, #tpu.memory_space<vmem>> -> memref<128x16xf32, #tpu.memory_space<vmem>>
    %dma_start3A_1105 = arith.constant 0 : i32
    %dma_start3A_1106 = tpu.memref_slice %arg18[%dma_start3A_1101, %dma_start3A_1105] : memref<80x128xi32, #tpu.memory_space<vmem>> -> memref<1x128xi32, #tpu.memory_space<vmem>>
    %dma_start3A_1107 = tpu.memref_squeeze %dma_start3A_1106 : memref<1x128xi32, #tpu.memory_space<vmem>> -> memref<128xi32, #tpu.memory_space<vmem>>
    %dma_start3A_1108 = arith.constant 0 : i32
    %dma_start3A_1109 = arith.constant 0 : i32
    %dma_start3A_1110 = tpu.memref_slice %arg11[%dma_start3A_1108, %dma_start3A_1109] : memref<1000000x16xf32, #tpu.memory_space<hbm>> -> memref<1000000x16xf32, #tpu.memory_space<hbm>>
    tpu.enqueue_indirect_dma source(%dma_start3A_1110 : memref<1000000x16xf32, #tpu.memory_space<hbm>>) target(%dma_start3A_1104 : memref<128x16xf32, #tpu.memory_space<vmem>>) offsets(%dma_start3A_1107 : memref<128xi32, #tpu.memory_space<vmem>>) semaphore(%arg23 : memref<!tpu.dma_semaphore, #tpu.memory_space<semaphore_mem>>)
    %dma_start3A_1111 = arith.constant 37 : i32
    %dma_start3A_1112 = arith.constant 640 : i32
    %dma_start3A_1113 = arith.constant 0 : i32
    %dma_start3A_1114 = tpu.memref_slice %arg21[%dma_start3A_1112, %dma_start3A_1113] : memref<1024x16xf32, #tpu.memory_space<vmem>> -> memref<128x16xf32, #tpu.memory_space<vmem>>
    %dma_start3A_1115 = arith.constant 0 : i32
    %dma_start3A_1116 = tpu.memref_slice %arg18[%dma_start3A_1111, %dma_start3A_1115] : memref<80x128xi32, #tpu.memory_space<vmem>> -> memref<1x128xi32, #tpu.memory_space<vmem>>
    %dma_start3A_1117 = tpu.memref_squeeze %dma_start3A_1116 : memref<1x128xi32, #tpu.memory_space<vmem>> -> memref<128xi32, #tpu.memory_space<vmem>>
    %dma_start3A_1118 = arith.constant 0 : i32
    %dma_start3A_1119 = arith.constant 0 : i32
    %dma_start3A_1120 = tpu.memref_slice %arg11[%dma_start3A_1118, %dma_start3A_1119] : memref<1000000x16xf32, #tpu.memory_space<hbm>> -> memref<1000000x16xf32, #tpu.memory_space<hbm>>
    tpu.enqueue_indirect_dma source(%dma_start3A_1120 : memref<1000000x16xf32, #tpu.memory_space<hbm>>) target(%dma_start3A_1114 : memref<128x16xf32, #tpu.memory_space<vmem>>) offsets(%dma_start3A_1117 : memref<128xi32, #tpu.memory_space<vmem>>) semaphore(%arg23 : memref<!tpu.dma_semaphore, #tpu.memory_space<semaphore_mem>>)
    %dma_start3A_1121 = arith.constant 38 : i32
    %dma_start3A_1122 = arith.constant 768 : i32
    %dma_start3A_1123 = arith.constant 0 : i32
    %dma_start3A_1124 = tpu.memref_slice %arg21[%dma_start3A_1122, %dma_start3A_1123] : memref<1024x16xf32, #tpu.memory_space<vmem>> -> memref<128x16xf32, #tpu.memory_space<vmem>>
    %dma_start3A_1125 = arith.constant 0 : i32
    %dma_start3A_1126 = tpu.memref_slice %arg18[%dma_start3A_1121, %dma_start3A_1125] : memref<80x128xi32, #tpu.memory_space<vmem>> -> memref<1x128xi32, #tpu.memory_space<vmem>>
    %dma_start3A_1127 = tpu.memref_squeeze %dma_start3A_1126 : memref<1x128xi32, #tpu.memory_space<vmem>> -> memref<128xi32, #tpu.memory_space<vmem>>
    %dma_start3A_1128 = arith.constant 0 : i32
    %dma_start3A_1129 = arith.constant 0 : i32
    %dma_start3A_1130 = tpu.memref_slice %arg11[%dma_start3A_1128, %dma_start3A_1129] : memref<1000000x16xf32, #tpu.memory_space<hbm>> -> memref<1000000x16xf32, #tpu.memory_space<hbm>>
    tpu.enqueue_indirect_dma source(%dma_start3A_1130 : memref<1000000x16xf32, #tpu.memory_space<hbm>>) target(%dma_start3A_1124 : memref<128x16xf32, #tpu.memory_space<vmem>>) offsets(%dma_start3A_1127 : memref<128xi32, #tpu.memory_space<vmem>>) semaphore(%arg23 : memref<!tpu.dma_semaphore, #tpu.memory_space<semaphore_mem>>)
    %dma_start3A_1131 = arith.constant 39 : i32
    %dma_start3A_1132 = arith.constant 896 : i32
    %dma_start3A_1133 = arith.constant 0 : i32
    %dma_start3A_1134 = tpu.memref_slice %arg21[%dma_start3A_1132, %dma_start3A_1133] : memref<1024x16xf32, #tpu.memory_space<vmem>> -> memref<128x16xf32, #tpu.memory_space<vmem>>
    %dma_start3A_1135 = arith.constant 0 : i32
    %dma_start3A_1136 = tpu.memref_slice %arg18[%dma_start3A_1131, %dma_start3A_1135] : memref<80x128xi32, #tpu.memory_space<vmem>> -> memref<1x128xi32, #tpu.memory_space<vmem>>
    %dma_start3A_1137 = tpu.memref_squeeze %dma_start3A_1136 : memref<1x128xi32, #tpu.memory_space<vmem>> -> memref<128xi32, #tpu.memory_space<vmem>>
    %dma_start3A_1138 = arith.constant 0 : i32
    %dma_start3A_1139 = arith.constant 0 : i32
    %dma_start3A_1140 = tpu.memref_slice %arg11[%dma_start3A_1138, %dma_start3A_1139] : memref<1000000x16xf32, #tpu.memory_space<hbm>> -> memref<1000000x16xf32, #tpu.memory_space<hbm>>
    tpu.enqueue_indirect_dma source(%dma_start3A_1140 : memref<1000000x16xf32, #tpu.memory_space<hbm>>) target(%dma_start3A_1134 : memref<128x16xf32, #tpu.memory_space<vmem>>) offsets(%dma_start3A_1137 : memref<128xi32, #tpu.memory_space<vmem>>) semaphore(%arg23 : memref<!tpu.dma_semaphore, #tpu.memory_space<semaphore_mem>>)
    %dma_wait3A_1141 = arith.constant 32 : i32
    %dma_wait3A_1142 = arith.constant 0 : i32
    %dma_wait3A_1143 = arith.constant 0 : i32
    %dma_wait3A_1144 = tpu.memref_slice %arg21[%dma_wait3A_1142, %dma_wait3A_1143] : memref<1024x16xf32, #tpu.memory_space<vmem>> -> memref<128x16xf32, #tpu.memory_space<vmem>>
    %dma_wait3A_1145 = arith.constant 0 : i32
    %dma_wait3A_1146 = tpu.memref_slice %arg18[%dma_wait3A_1141, %dma_wait3A_1145] : memref<80x128xi32, #tpu.memory_space<vmem>> -> memref<1x128xi32, #tpu.memory_space<vmem>>
    %dma_wait3A_1147 = tpu.memref_squeeze %dma_wait3A_1146 : memref<1x128xi32, #tpu.memory_space<vmem>> -> memref<128xi32, #tpu.memory_space<vmem>>
    %dma_wait3A_1148 = arith.constant 0 : i32
    %dma_wait3A_1149 = arith.constant 0 : i32
    %dma_wait3A_1150 = tpu.memref_slice %arg11[%dma_wait3A_1148, %dma_wait3A_1149] : memref<1000000x16xf32, #tpu.memory_space<hbm>> -> memref<1000000x16xf32, #tpu.memory_space<hbm>>
    tpu.wait_indirect_dma semaphore(%arg23 : memref<!tpu.dma_semaphore, #tpu.memory_space<semaphore_mem>>) src(%dma_wait3A_1150 : memref<1000000x16xf32, #tpu.memory_space<hbm>>) dst(%dma_wait3A_1144 : memref<128x16xf32, #tpu.memory_space<vmem>>)
    %dma_wait3A_1151 = arith.constant 33 : i32
    %dma_wait3A_1152 = arith.constant 128 : i32
    %dma_wait3A_1153 = arith.constant 0 : i32
    %dma_wait3A_1154 = tpu.memref_slice %arg21[%dma_wait3A_1152, %dma_wait3A_1153] : memref<1024x16xf32, #tpu.memory_space<vmem>> -> memref<128x16xf32, #tpu.memory_space<vmem>>
    %dma_wait3A_1155 = arith.constant 0 : i32
    %dma_wait3A_1156 = tpu.memref_slice %arg18[%dma_wait3A_1151, %dma_wait3A_1155] : memref<80x128xi32, #tpu.memory_space<vmem>> -> memref<1x128xi32, #tpu.memory_space<vmem>>
    %dma_wait3A_1157 = tpu.memref_squeeze %dma_wait3A_1156 : memref<1x128xi32, #tpu.memory_space<vmem>> -> memref<128xi32, #tpu.memory_space<vmem>>
    %dma_wait3A_1158 = arith.constant 0 : i32
    %dma_wait3A_1159 = arith.constant 0 : i32
    %dma_wait3A_1160 = tpu.memref_slice %arg11[%dma_wait3A_1158, %dma_wait3A_1159] : memref<1000000x16xf32, #tpu.memory_space<hbm>> -> memref<1000000x16xf32, #tpu.memory_space<hbm>>
    tpu.wait_indirect_dma semaphore(%arg23 : memref<!tpu.dma_semaphore, #tpu.memory_space<semaphore_mem>>) src(%dma_wait3A_1160 : memref<1000000x16xf32, #tpu.memory_space<hbm>>) dst(%dma_wait3A_1154 : memref<128x16xf32, #tpu.memory_space<vmem>>)
    %dma_wait3A_1161 = arith.constant 34 : i32
    %dma_wait3A_1162 = arith.constant 256 : i32
    %dma_wait3A_1163 = arith.constant 0 : i32
    %dma_wait3A_1164 = tpu.memref_slice %arg21[%dma_wait3A_1162, %dma_wait3A_1163] : memref<1024x16xf32, #tpu.memory_space<vmem>> -> memref<128x16xf32, #tpu.memory_space<vmem>>
    %dma_wait3A_1165 = arith.constant 0 : i32
    %dma_wait3A_1166 = tpu.memref_slice %arg18[%dma_wait3A_1161, %dma_wait3A_1165] : memref<80x128xi32, #tpu.memory_space<vmem>> -> memref<1x128xi32, #tpu.memory_space<vmem>>
    %dma_wait3A_1167 = tpu.memref_squeeze %dma_wait3A_1166 : memref<1x128xi32, #tpu.memory_space<vmem>> -> memref<128xi32, #tpu.memory_space<vmem>>
    %dma_wait3A_1168 = arith.constant 0 : i32
    %dma_wait3A_1169 = arith.constant 0 : i32
    %dma_wait3A_1170 = tpu.memref_slice %arg11[%dma_wait3A_1168, %dma_wait3A_1169] : memref<1000000x16xf32, #tpu.memory_space<hbm>> -> memref<1000000x16xf32, #tpu.memory_space<hbm>>
    tpu.wait_indirect_dma semaphore(%arg23 : memref<!tpu.dma_semaphore, #tpu.memory_space<semaphore_mem>>) src(%dma_wait3A_1170 : memref<1000000x16xf32, #tpu.memory_space<hbm>>) dst(%dma_wait3A_1164 : memref<128x16xf32, #tpu.memory_space<vmem>>)
    %dma_wait3A_1171 = arith.constant 35 : i32
    %dma_wait3A_1172 = arith.constant 384 : i32
    %dma_wait3A_1173 = arith.constant 0 : i32
    %dma_wait3A_1174 = tpu.memref_slice %arg21[%dma_wait3A_1172, %dma_wait3A_1173] : memref<1024x16xf32, #tpu.memory_space<vmem>> -> memref<128x16xf32, #tpu.memory_space<vmem>>
    %dma_wait3A_1175 = arith.constant 0 : i32
    %dma_wait3A_1176 = tpu.memref_slice %arg18[%dma_wait3A_1171, %dma_wait3A_1175] : memref<80x128xi32, #tpu.memory_space<vmem>> -> memref<1x128xi32, #tpu.memory_space<vmem>>
    %dma_wait3A_1177 = tpu.memref_squeeze %dma_wait3A_1176 : memref<1x128xi32, #tpu.memory_space<vmem>> -> memref<128xi32, #tpu.memory_space<vmem>>
    %dma_wait3A_1178 = arith.constant 0 : i32
    %dma_wait3A_1179 = arith.constant 0 : i32
    %dma_wait3A_1180 = tpu.memref_slice %arg11[%dma_wait3A_1178, %dma_wait3A_1179] : memref<1000000x16xf32, #tpu.memory_space<hbm>> -> memref<1000000x16xf32, #tpu.memory_space<hbm>>
    tpu.wait_indirect_dma semaphore(%arg23 : memref<!tpu.dma_semaphore, #tpu.memory_space<semaphore_mem>>) src(%dma_wait3A_1180 : memref<1000000x16xf32, #tpu.memory_space<hbm>>) dst(%dma_wait3A_1174 : memref<128x16xf32, #tpu.memory_space<vmem>>)
    %dma_wait3A_1181 = arith.constant 36 : i32
    %dma_wait3A_1182 = arith.constant 512 : i32
    %dma_wait3A_1183 = arith.constant 0 : i32
    %dma_wait3A_1184 = tpu.memref_slice %arg21[%dma_wait3A_1182, %dma_wait3A_1183] : memref<1024x16xf32, #tpu.memory_space<vmem>> -> memref<128x16xf32, #tpu.memory_space<vmem>>
    %dma_wait3A_1185 = arith.constant 0 : i32
    %dma_wait3A_1186 = tpu.memref_slice %arg18[%dma_wait3A_1181, %dma_wait3A_1185] : memref<80x128xi32, #tpu.memory_space<vmem>> -> memref<1x128xi32, #tpu.memory_space<vmem>>
    %dma_wait3A_1187 = tpu.memref_squeeze %dma_wait3A_1186 : memref<1x128xi32, #tpu.memory_space<vmem>> -> memref<128xi32, #tpu.memory_space<vmem>>
    %dma_wait3A_1188 = arith.constant 0 : i32
    %dma_wait3A_1189 = arith.constant 0 : i32
    %dma_wait3A_1190 = tpu.memref_slice %arg11[%dma_wait3A_1188, %dma_wait3A_1189] : memref<1000000x16xf32, #tpu.memory_space<hbm>> -> memref<1000000x16xf32, #tpu.memory_space<hbm>>
    tpu.wait_indirect_dma semaphore(%arg23 : memref<!tpu.dma_semaphore, #tpu.memory_space<semaphore_mem>>) src(%dma_wait3A_1190 : memref<1000000x16xf32, #tpu.memory_space<hbm>>) dst(%dma_wait3A_1184 : memref<128x16xf32, #tpu.memory_space<vmem>>)
    %dma_wait3A_1191 = arith.constant 37 : i32
    %dma_wait3A_1192 = arith.constant 640 : i32
    %dma_wait3A_1193 = arith.constant 0 : i32
    %dma_wait3A_1194 = tpu.memref_slice %arg21[%dma_wait3A_1192, %dma_wait3A_1193] : memref<1024x16xf32, #tpu.memory_space<vmem>> -> memref<128x16xf32, #tpu.memory_space<vmem>>
    %dma_wait3A_1195 = arith.constant 0 : i32
    %dma_wait3A_1196 = tpu.memref_slice %arg18[%dma_wait3A_1191, %dma_wait3A_1195] : memref<80x128xi32, #tpu.memory_space<vmem>> -> memref<1x128xi32, #tpu.memory_space<vmem>>
    %dma_wait3A_1197 = tpu.memref_squeeze %dma_wait3A_1196 : memref<1x128xi32, #tpu.memory_space<vmem>> -> memref<128xi32, #tpu.memory_space<vmem>>
    %dma_wait3A_1198 = arith.constant 0 : i32
    %dma_wait3A_1199 = arith.constant 0 : i32
    %dma_wait3A_1200 = tpu.memref_slice %arg11[%dma_wait3A_1198, %dma_wait3A_1199] : memref<1000000x16xf32, #tpu.memory_space<hbm>> -> memref<1000000x16xf32, #tpu.memory_space<hbm>>
    tpu.wait_indirect_dma semaphore(%arg23 : memref<!tpu.dma_semaphore, #tpu.memory_space<semaphore_mem>>) src(%dma_wait3A_1200 : memref<1000000x16xf32, #tpu.memory_space<hbm>>) dst(%dma_wait3A_1194 : memref<128x16xf32, #tpu.memory_space<vmem>>)
    %dma_wait3A_1201 = arith.constant 38 : i32
    %dma_wait3A_1202 = arith.constant 768 : i32
    %dma_wait3A_1203 = arith.constant 0 : i32
    %dma_wait3A_1204 = tpu.memref_slice %arg21[%dma_wait3A_1202, %dma_wait3A_1203] : memref<1024x16xf32, #tpu.memory_space<vmem>> -> memref<128x16xf32, #tpu.memory_space<vmem>>
    %dma_wait3A_1205 = arith.constant 0 : i32
    %dma_wait3A_1206 = tpu.memref_slice %arg18[%dma_wait3A_1201, %dma_wait3A_1205] : memref<80x128xi32, #tpu.memory_space<vmem>> -> memref<1x128xi32, #tpu.memory_space<vmem>>
    %dma_wait3A_1207 = tpu.memref_squeeze %dma_wait3A_1206 : memref<1x128xi32, #tpu.memory_space<vmem>> -> memref<128xi32, #tpu.memory_space<vmem>>
    %dma_wait3A_1208 = arith.constant 0 : i32
    %dma_wait3A_1209 = arith.constant 0 : i32
    %dma_wait3A_1210 = tpu.memref_slice %arg11[%dma_wait3A_1208, %dma_wait3A_1209] : memref<1000000x16xf32, #tpu.memory_space<hbm>> -> memref<1000000x16xf32, #tpu.memory_space<hbm>>
    tpu.wait_indirect_dma semaphore(%arg23 : memref<!tpu.dma_semaphore, #tpu.memory_space<semaphore_mem>>) src(%dma_wait3A_1210 : memref<1000000x16xf32, #tpu.memory_space<hbm>>) dst(%dma_wait3A_1204 : memref<128x16xf32, #tpu.memory_space<vmem>>)
    %dma_wait3A_1211 = arith.constant 39 : i32
    %dma_wait3A_1212 = arith.constant 896 : i32
    %dma_wait3A_1213 = arith.constant 0 : i32
    %dma_wait3A_1214 = tpu.memref_slice %arg21[%dma_wait3A_1212, %dma_wait3A_1213] : memref<1024x16xf32, #tpu.memory_space<vmem>> -> memref<128x16xf32, #tpu.memory_space<vmem>>
    %dma_wait3A_1215 = arith.constant 0 : i32
    %dma_wait3A_1216 = tpu.memref_slice %arg18[%dma_wait3A_1211, %dma_wait3A_1215] : memref<80x128xi32, #tpu.memory_space<vmem>> -> memref<1x128xi32, #tpu.memory_space<vmem>>
    %dma_wait3A_1217 = tpu.memref_squeeze %dma_wait3A_1216 : memref<1x128xi32, #tpu.memory_space<vmem>> -> memref<128xi32, #tpu.memory_space<vmem>>
    %dma_wait3A_1218 = arith.constant 0 : i32
    %dma_wait3A_1219 = arith.constant 0 : i32
    %dma_wait3A_1220 = tpu.memref_slice %arg11[%dma_wait3A_1218, %dma_wait3A_1219] : memref<1000000x16xf32, #tpu.memory_space<hbm>> -> memref<1000000x16xf32, #tpu.memory_space<hbm>>
    tpu.wait_indirect_dma semaphore(%arg23 : memref<!tpu.dma_semaphore, #tpu.memory_space<semaphore_mem>>) src(%dma_wait3A_1220 : memref<1000000x16xf32, #tpu.memory_space<hbm>>) dst(%dma_wait3A_1214 : memref<128x16xf32, #tpu.memory_space<vmem>>)
    %add3A_1221 = arith.constant 4096 : i32
    %add3A_1222 = arith.addi %mul3A_4, %add3A_1221 : i32
    "tpu.region"() ({
      %run_scoped3A = tpu.sem_alloc : memref<!tpu.dma_semaphore, #tpu.memory_space<semaphore_mem>>
      %dma_start3A_2033 = arith.constant 0 : i32
      %dma_start3A_2034 = tpu.memref_slice %arg12[%add3A_1222, %dma_start3A_2033] : memref<327680x16xf32, #tpu.memory_space<hbm>> -> memref<1024x16xf32, #tpu.memory_space<hbm>>
      %dma_start3A_2035 = arith.constant 0 : i32
      %dma_start3A_2036 = tpu.memref_slice %arg12[%add3A_1222, %dma_start3A_2035] : memref<327680x16xf32, #tpu.memory_space<hbm>> -> memref<1024x16xf32, #tpu.memory_space<hbm>>
      tpu.enqueue_dma source(%arg21 : memref<1024x16xf32, #tpu.memory_space<vmem>>) target(%dma_start3A_2036 : memref<1024x16xf32, #tpu.memory_space<hbm>>) target_semaphore(%run_scoped3A : memref<!tpu.dma_semaphore, #tpu.memory_space<semaphore_mem>>)
      %dma_wait3A_2037 = arith.constant 0 : i32
      %dma_wait3A_2038 = tpu.memref_slice %arg12[%add3A_1222, %dma_wait3A_2037] : memref<327680x16xf32, #tpu.memory_space<hbm>> -> memref<1024x16xf32, #tpu.memory_space<hbm>>
      %dma_wait3A_2039 = arith.constant 0 : i32
      %dma_wait3A_2040 = tpu.memref_slice %arg12[%add3A_1222, %dma_wait3A_2039] : memref<327680x16xf32, #tpu.memory_space<hbm>> -> memref<1024x16xf32, #tpu.memory_space<hbm>>
      tpu.wait_dma2 semaphore(%run_scoped3A : memref<!tpu.dma_semaphore, #tpu.memory_space<semaphore_mem>>) src(%arg21 : memref<1024x16xf32, #tpu.memory_space<vmem>>) dst(%dma_wait3A_2040 : memref<1024x16xf32, #tpu.memory_space<hbm>>)
      tpu.yield
    }) : () -> ()
    %dma_start3A_1223 = arith.constant 40 : i32
    %dma_start3A_1224 = arith.constant 0 : i32
    %dma_start3A_1225 = arith.constant 0 : i32
    %dma_start3A_1226 = tpu.memref_slice %arg21[%dma_start3A_1224, %dma_start3A_1225] : memref<1024x16xf32, #tpu.memory_space<vmem>> -> memref<128x16xf32, #tpu.memory_space<vmem>>
    %dma_start3A_1227 = arith.constant 0 : i32
    %dma_start3A_1228 = tpu.memref_slice %arg18[%dma_start3A_1223, %dma_start3A_1227] : memref<80x128xi32, #tpu.memory_space<vmem>> -> memref<1x128xi32, #tpu.memory_space<vmem>>
    %dma_start3A_1229 = tpu.memref_squeeze %dma_start3A_1228 : memref<1x128xi32, #tpu.memory_space<vmem>> -> memref<128xi32, #tpu.memory_space<vmem>>
    %dma_start3A_1230 = arith.constant 0 : i32
    %dma_start3A_1231 = arith.constant 0 : i32
    %dma_start3A_1232 = tpu.memref_slice %arg11[%dma_start3A_1230, %dma_start3A_1231] : memref<1000000x16xf32, #tpu.memory_space<hbm>> -> memref<1000000x16xf32, #tpu.memory_space<hbm>>
    tpu.enqueue_indirect_dma source(%dma_start3A_1232 : memref<1000000x16xf32, #tpu.memory_space<hbm>>) target(%dma_start3A_1226 : memref<128x16xf32, #tpu.memory_space<vmem>>) offsets(%dma_start3A_1229 : memref<128xi32, #tpu.memory_space<vmem>>) semaphore(%arg23 : memref<!tpu.dma_semaphore, #tpu.memory_space<semaphore_mem>>)
    %dma_start3A_1233 = arith.constant 41 : i32
    %dma_start3A_1234 = arith.constant 128 : i32
    %dma_start3A_1235 = arith.constant 0 : i32
    %dma_start3A_1236 = tpu.memref_slice %arg21[%dma_start3A_1234, %dma_start3A_1235] : memref<1024x16xf32, #tpu.memory_space<vmem>> -> memref<128x16xf32, #tpu.memory_space<vmem>>
    %dma_start3A_1237 = arith.constant 0 : i32
    %dma_start3A_1238 = tpu.memref_slice %arg18[%dma_start3A_1233, %dma_start3A_1237] : memref<80x128xi32, #tpu.memory_space<vmem>> -> memref<1x128xi32, #tpu.memory_space<vmem>>
    %dma_start3A_1239 = tpu.memref_squeeze %dma_start3A_1238 : memref<1x128xi32, #tpu.memory_space<vmem>> -> memref<128xi32, #tpu.memory_space<vmem>>
    %dma_start3A_1240 = arith.constant 0 : i32
    %dma_start3A_1241 = arith.constant 0 : i32
    %dma_start3A_1242 = tpu.memref_slice %arg11[%dma_start3A_1240, %dma_start3A_1241] : memref<1000000x16xf32, #tpu.memory_space<hbm>> -> memref<1000000x16xf32, #tpu.memory_space<hbm>>
    tpu.enqueue_indirect_dma source(%dma_start3A_1242 : memref<1000000x16xf32, #tpu.memory_space<hbm>>) target(%dma_start3A_1236 : memref<128x16xf32, #tpu.memory_space<vmem>>) offsets(%dma_start3A_1239 : memref<128xi32, #tpu.memory_space<vmem>>) semaphore(%arg23 : memref<!tpu.dma_semaphore, #tpu.memory_space<semaphore_mem>>)
    %dma_start3A_1243 = arith.constant 42 : i32
    %dma_start3A_1244 = arith.constant 256 : i32
    %dma_start3A_1245 = arith.constant 0 : i32
    %dma_start3A_1246 = tpu.memref_slice %arg21[%dma_start3A_1244, %dma_start3A_1245] : memref<1024x16xf32, #tpu.memory_space<vmem>> -> memref<128x16xf32, #tpu.memory_space<vmem>>
    %dma_start3A_1247 = arith.constant 0 : i32
    %dma_start3A_1248 = tpu.memref_slice %arg18[%dma_start3A_1243, %dma_start3A_1247] : memref<80x128xi32, #tpu.memory_space<vmem>> -> memref<1x128xi32, #tpu.memory_space<vmem>>
    %dma_start3A_1249 = tpu.memref_squeeze %dma_start3A_1248 : memref<1x128xi32, #tpu.memory_space<vmem>> -> memref<128xi32, #tpu.memory_space<vmem>>
    %dma_start3A_1250 = arith.constant 0 : i32
    %dma_start3A_1251 = arith.constant 0 : i32
    %dma_start3A_1252 = tpu.memref_slice %arg11[%dma_start3A_1250, %dma_start3A_1251] : memref<1000000x16xf32, #tpu.memory_space<hbm>> -> memref<1000000x16xf32, #tpu.memory_space<hbm>>
    tpu.enqueue_indirect_dma source(%dma_start3A_1252 : memref<1000000x16xf32, #tpu.memory_space<hbm>>) target(%dma_start3A_1246 : memref<128x16xf32, #tpu.memory_space<vmem>>) offsets(%dma_start3A_1249 : memref<128xi32, #tpu.memory_space<vmem>>) semaphore(%arg23 : memref<!tpu.dma_semaphore, #tpu.memory_space<semaphore_mem>>)
    %dma_start3A_1253 = arith.constant 43 : i32
    %dma_start3A_1254 = arith.constant 384 : i32
    %dma_start3A_1255 = arith.constant 0 : i32
    %dma_start3A_1256 = tpu.memref_slice %arg21[%dma_start3A_1254, %dma_start3A_1255] : memref<1024x16xf32, #tpu.memory_space<vmem>> -> memref<128x16xf32, #tpu.memory_space<vmem>>
    %dma_start3A_1257 = arith.constant 0 : i32
    %dma_start3A_1258 = tpu.memref_slice %arg18[%dma_start3A_1253, %dma_start3A_1257] : memref<80x128xi32, #tpu.memory_space<vmem>> -> memref<1x128xi32, #tpu.memory_space<vmem>>
    %dma_start3A_1259 = tpu.memref_squeeze %dma_start3A_1258 : memref<1x128xi32, #tpu.memory_space<vmem>> -> memref<128xi32, #tpu.memory_space<vmem>>
    %dma_start3A_1260 = arith.constant 0 : i32
    %dma_start3A_1261 = arith.constant 0 : i32
    %dma_start3A_1262 = tpu.memref_slice %arg11[%dma_start3A_1260, %dma_start3A_1261] : memref<1000000x16xf32, #tpu.memory_space<hbm>> -> memref<1000000x16xf32, #tpu.memory_space<hbm>>
    tpu.enqueue_indirect_dma source(%dma_start3A_1262 : memref<1000000x16xf32, #tpu.memory_space<hbm>>) target(%dma_start3A_1256 : memref<128x16xf32, #tpu.memory_space<vmem>>) offsets(%dma_start3A_1259 : memref<128xi32, #tpu.memory_space<vmem>>) semaphore(%arg23 : memref<!tpu.dma_semaphore, #tpu.memory_space<semaphore_mem>>)
    %dma_start3A_1263 = arith.constant 44 : i32
    %dma_start3A_1264 = arith.constant 512 : i32
    %dma_start3A_1265 = arith.constant 0 : i32
    %dma_start3A_1266 = tpu.memref_slice %arg21[%dma_start3A_1264, %dma_start3A_1265] : memref<1024x16xf32, #tpu.memory_space<vmem>> -> memref<128x16xf32, #tpu.memory_space<vmem>>
    %dma_start3A_1267 = arith.constant 0 : i32
    %dma_start3A_1268 = tpu.memref_slice %arg18[%dma_start3A_1263, %dma_start3A_1267] : memref<80x128xi32, #tpu.memory_space<vmem>> -> memref<1x128xi32, #tpu.memory_space<vmem>>
    %dma_start3A_1269 = tpu.memref_squeeze %dma_start3A_1268 : memref<1x128xi32, #tpu.memory_space<vmem>> -> memref<128xi32, #tpu.memory_space<vmem>>
    %dma_start3A_1270 = arith.constant 0 : i32
    %dma_start3A_1271 = arith.constant 0 : i32
    %dma_start3A_1272 = tpu.memref_slice %arg11[%dma_start3A_1270, %dma_start3A_1271] : memref<1000000x16xf32, #tpu.memory_space<hbm>> -> memref<1000000x16xf32, #tpu.memory_space<hbm>>
    tpu.enqueue_indirect_dma source(%dma_start3A_1272 : memref<1000000x16xf32, #tpu.memory_space<hbm>>) target(%dma_start3A_1266 : memref<128x16xf32, #tpu.memory_space<vmem>>) offsets(%dma_start3A_1269 : memref<128xi32, #tpu.memory_space<vmem>>) semaphore(%arg23 : memref<!tpu.dma_semaphore, #tpu.memory_space<semaphore_mem>>)
    %dma_start3A_1273 = arith.constant 45 : i32
    %dma_start3A_1274 = arith.constant 640 : i32
    %dma_start3A_1275 = arith.constant 0 : i32
    %dma_start3A_1276 = tpu.memref_slice %arg21[%dma_start3A_1274, %dma_start3A_1275] : memref<1024x16xf32, #tpu.memory_space<vmem>> -> memref<128x16xf32, #tpu.memory_space<vmem>>
    %dma_start3A_1277 = arith.constant 0 : i32
    %dma_start3A_1278 = tpu.memref_slice %arg18[%dma_start3A_1273, %dma_start3A_1277] : memref<80x128xi32, #tpu.memory_space<vmem>> -> memref<1x128xi32, #tpu.memory_space<vmem>>
    %dma_start3A_1279 = tpu.memref_squeeze %dma_start3A_1278 : memref<1x128xi32, #tpu.memory_space<vmem>> -> memref<128xi32, #tpu.memory_space<vmem>>
    %dma_start3A_1280 = arith.constant 0 : i32
    %dma_start3A_1281 = arith.constant 0 : i32
    %dma_start3A_1282 = tpu.memref_slice %arg11[%dma_start3A_1280, %dma_start3A_1281] : memref<1000000x16xf32, #tpu.memory_space<hbm>> -> memref<1000000x16xf32, #tpu.memory_space<hbm>>
    tpu.enqueue_indirect_dma source(%dma_start3A_1282 : memref<1000000x16xf32, #tpu.memory_space<hbm>>) target(%dma_start3A_1276 : memref<128x16xf32, #tpu.memory_space<vmem>>) offsets(%dma_start3A_1279 : memref<128xi32, #tpu.memory_space<vmem>>) semaphore(%arg23 : memref<!tpu.dma_semaphore, #tpu.memory_space<semaphore_mem>>)
    %dma_start3A_1283 = arith.constant 46 : i32
    %dma_start3A_1284 = arith.constant 768 : i32
    %dma_start3A_1285 = arith.constant 0 : i32
    %dma_start3A_1286 = tpu.memref_slice %arg21[%dma_start3A_1284, %dma_start3A_1285] : memref<1024x16xf32, #tpu.memory_space<vmem>> -> memref<128x16xf32, #tpu.memory_space<vmem>>
    %dma_start3A_1287 = arith.constant 0 : i32
    %dma_start3A_1288 = tpu.memref_slice %arg18[%dma_start3A_1283, %dma_start3A_1287] : memref<80x128xi32, #tpu.memory_space<vmem>> -> memref<1x128xi32, #tpu.memory_space<vmem>>
    %dma_start3A_1289 = tpu.memref_squeeze %dma_start3A_1288 : memref<1x128xi32, #tpu.memory_space<vmem>> -> memref<128xi32, #tpu.memory_space<vmem>>
    %dma_start3A_1290 = arith.constant 0 : i32
    %dma_start3A_1291 = arith.constant 0 : i32
    %dma_start3A_1292 = tpu.memref_slice %arg11[%dma_start3A_1290, %dma_start3A_1291] : memref<1000000x16xf32, #tpu.memory_space<hbm>> -> memref<1000000x16xf32, #tpu.memory_space<hbm>>
    tpu.enqueue_indirect_dma source(%dma_start3A_1292 : memref<1000000x16xf32, #tpu.memory_space<hbm>>) target(%dma_start3A_1286 : memref<128x16xf32, #tpu.memory_space<vmem>>) offsets(%dma_start3A_1289 : memref<128xi32, #tpu.memory_space<vmem>>) semaphore(%arg23 : memref<!tpu.dma_semaphore, #tpu.memory_space<semaphore_mem>>)
    %dma_start3A_1293 = arith.constant 47 : i32
    %dma_start3A_1294 = arith.constant 896 : i32
    %dma_start3A_1295 = arith.constant 0 : i32
    %dma_start3A_1296 = tpu.memref_slice %arg21[%dma_start3A_1294, %dma_start3A_1295] : memref<1024x16xf32, #tpu.memory_space<vmem>> -> memref<128x16xf32, #tpu.memory_space<vmem>>
    %dma_start3A_1297 = arith.constant 0 : i32
    %dma_start3A_1298 = tpu.memref_slice %arg18[%dma_start3A_1293, %dma_start3A_1297] : memref<80x128xi32, #tpu.memory_space<vmem>> -> memref<1x128xi32, #tpu.memory_space<vmem>>
    %dma_start3A_1299 = tpu.memref_squeeze %dma_start3A_1298 : memref<1x128xi32, #tpu.memory_space<vmem>> -> memref<128xi32, #tpu.memory_space<vmem>>
    %dma_start3A_1300 = arith.constant 0 : i32
    %dma_start3A_1301 = arith.constant 0 : i32
    %dma_start3A_1302 = tpu.memref_slice %arg11[%dma_start3A_1300, %dma_start3A_1301] : memref<1000000x16xf32, #tpu.memory_space<hbm>> -> memref<1000000x16xf32, #tpu.memory_space<hbm>>
    tpu.enqueue_indirect_dma source(%dma_start3A_1302 : memref<1000000x16xf32, #tpu.memory_space<hbm>>) target(%dma_start3A_1296 : memref<128x16xf32, #tpu.memory_space<vmem>>) offsets(%dma_start3A_1299 : memref<128xi32, #tpu.memory_space<vmem>>) semaphore(%arg23 : memref<!tpu.dma_semaphore, #tpu.memory_space<semaphore_mem>>)
    %dma_wait3A_1303 = arith.constant 40 : i32
    %dma_wait3A_1304 = arith.constant 0 : i32
    %dma_wait3A_1305 = arith.constant 0 : i32
    %dma_wait3A_1306 = tpu.memref_slice %arg21[%dma_wait3A_1304, %dma_wait3A_1305] : memref<1024x16xf32, #tpu.memory_space<vmem>> -> memref<128x16xf32, #tpu.memory_space<vmem>>
    %dma_wait3A_1307 = arith.constant 0 : i32
    %dma_wait3A_1308 = tpu.memref_slice %arg18[%dma_wait3A_1303, %dma_wait3A_1307] : memref<80x128xi32, #tpu.memory_space<vmem>> -> memref<1x128xi32, #tpu.memory_space<vmem>>
    %dma_wait3A_1309 = tpu.memref_squeeze %dma_wait3A_1308 : memref<1x128xi32, #tpu.memory_space<vmem>> -> memref<128xi32, #tpu.memory_space<vmem>>
    %dma_wait3A_1310 = arith.constant 0 : i32
    %dma_wait3A_1311 = arith.constant 0 : i32
    %dma_wait3A_1312 = tpu.memref_slice %arg11[%dma_wait3A_1310, %dma_wait3A_1311] : memref<1000000x16xf32, #tpu.memory_space<hbm>> -> memref<1000000x16xf32, #tpu.memory_space<hbm>>
    tpu.wait_indirect_dma semaphore(%arg23 : memref<!tpu.dma_semaphore, #tpu.memory_space<semaphore_mem>>) src(%dma_wait3A_1312 : memref<1000000x16xf32, #tpu.memory_space<hbm>>) dst(%dma_wait3A_1306 : memref<128x16xf32, #tpu.memory_space<vmem>>)
    %dma_wait3A_1313 = arith.constant 41 : i32
    %dma_wait3A_1314 = arith.constant 128 : i32
    %dma_wait3A_1315 = arith.constant 0 : i32
    %dma_wait3A_1316 = tpu.memref_slice %arg21[%dma_wait3A_1314, %dma_wait3A_1315] : memref<1024x16xf32, #tpu.memory_space<vmem>> -> memref<128x16xf32, #tpu.memory_space<vmem>>
    %dma_wait3A_1317 = arith.constant 0 : i32
    %dma_wait3A_1318 = tpu.memref_slice %arg18[%dma_wait3A_1313, %dma_wait3A_1317] : memref<80x128xi32, #tpu.memory_space<vmem>> -> memref<1x128xi32, #tpu.memory_space<vmem>>
    %dma_wait3A_1319 = tpu.memref_squeeze %dma_wait3A_1318 : memref<1x128xi32, #tpu.memory_space<vmem>> -> memref<128xi32, #tpu.memory_space<vmem>>
    %dma_wait3A_1320 = arith.constant 0 : i32
    %dma_wait3A_1321 = arith.constant 0 : i32
    %dma_wait3A_1322 = tpu.memref_slice %arg11[%dma_wait3A_1320, %dma_wait3A_1321] : memref<1000000x16xf32, #tpu.memory_space<hbm>> -> memref<1000000x16xf32, #tpu.memory_space<hbm>>
    tpu.wait_indirect_dma semaphore(%arg23 : memref<!tpu.dma_semaphore, #tpu.memory_space<semaphore_mem>>) src(%dma_wait3A_1322 : memref<1000000x16xf32, #tpu.memory_space<hbm>>) dst(%dma_wait3A_1316 : memref<128x16xf32, #tpu.memory_space<vmem>>)
    %dma_wait3A_1323 = arith.constant 42 : i32
    %dma_wait3A_1324 = arith.constant 256 : i32
    %dma_wait3A_1325 = arith.constant 0 : i32
    %dma_wait3A_1326 = tpu.memref_slice %arg21[%dma_wait3A_1324, %dma_wait3A_1325] : memref<1024x16xf32, #tpu.memory_space<vmem>> -> memref<128x16xf32, #tpu.memory_space<vmem>>
    %dma_wait3A_1327 = arith.constant 0 : i32
    %dma_wait3A_1328 = tpu.memref_slice %arg18[%dma_wait3A_1323, %dma_wait3A_1327] : memref<80x128xi32, #tpu.memory_space<vmem>> -> memref<1x128xi32, #tpu.memory_space<vmem>>
    %dma_wait3A_1329 = tpu.memref_squeeze %dma_wait3A_1328 : memref<1x128xi32, #tpu.memory_space<vmem>> -> memref<128xi32, #tpu.memory_space<vmem>>
    %dma_wait3A_1330 = arith.constant 0 : i32
    %dma_wait3A_1331 = arith.constant 0 : i32
    %dma_wait3A_1332 = tpu.memref_slice %arg11[%dma_wait3A_1330, %dma_wait3A_1331] : memref<1000000x16xf32, #tpu.memory_space<hbm>> -> memref<1000000x16xf32, #tpu.memory_space<hbm>>
    tpu.wait_indirect_dma semaphore(%arg23 : memref<!tpu.dma_semaphore, #tpu.memory_space<semaphore_mem>>) src(%dma_wait3A_1332 : memref<1000000x16xf32, #tpu.memory_space<hbm>>) dst(%dma_wait3A_1326 : memref<128x16xf32, #tpu.memory_space<vmem>>)
    %dma_wait3A_1333 = arith.constant 43 : i32
    %dma_wait3A_1334 = arith.constant 384 : i32
    %dma_wait3A_1335 = arith.constant 0 : i32
    %dma_wait3A_1336 = tpu.memref_slice %arg21[%dma_wait3A_1334, %dma_wait3A_1335] : memref<1024x16xf32, #tpu.memory_space<vmem>> -> memref<128x16xf32, #tpu.memory_space<vmem>>
    %dma_wait3A_1337 = arith.constant 0 : i32
    %dma_wait3A_1338 = tpu.memref_slice %arg18[%dma_wait3A_1333, %dma_wait3A_1337] : memref<80x128xi32, #tpu.memory_space<vmem>> -> memref<1x128xi32, #tpu.memory_space<vmem>>
    %dma_wait3A_1339 = tpu.memref_squeeze %dma_wait3A_1338 : memref<1x128xi32, #tpu.memory_space<vmem>> -> memref<128xi32, #tpu.memory_space<vmem>>
    %dma_wait3A_1340 = arith.constant 0 : i32
    %dma_wait3A_1341 = arith.constant 0 : i32
    %dma_wait3A_1342 = tpu.memref_slice %arg11[%dma_wait3A_1340, %dma_wait3A_1341] : memref<1000000x16xf32, #tpu.memory_space<hbm>> -> memref<1000000x16xf32, #tpu.memory_space<hbm>>
    tpu.wait_indirect_dma semaphore(%arg23 : memref<!tpu.dma_semaphore, #tpu.memory_space<semaphore_mem>>) src(%dma_wait3A_1342 : memref<1000000x16xf32, #tpu.memory_space<hbm>>) dst(%dma_wait3A_1336 : memref<128x16xf32, #tpu.memory_space<vmem>>)
    %dma_wait3A_1343 = arith.constant 44 : i32
    %dma_wait3A_1344 = arith.constant 512 : i32
    %dma_wait3A_1345 = arith.constant 0 : i32
    %dma_wait3A_1346 = tpu.memref_slice %arg21[%dma_wait3A_1344, %dma_wait3A_1345] : memref<1024x16xf32, #tpu.memory_space<vmem>> -> memref<128x16xf32, #tpu.memory_space<vmem>>
    %dma_wait3A_1347 = arith.constant 0 : i32
    %dma_wait3A_1348 = tpu.memref_slice %arg18[%dma_wait3A_1343, %dma_wait3A_1347] : memref<80x128xi32, #tpu.memory_space<vmem>> -> memref<1x128xi32, #tpu.memory_space<vmem>>
    %dma_wait3A_1349 = tpu.memref_squeeze %dma_wait3A_1348 : memref<1x128xi32, #tpu.memory_space<vmem>> -> memref<128xi32, #tpu.memory_space<vmem>>
    %dma_wait3A_1350 = arith.constant 0 : i32
    %dma_wait3A_1351 = arith.constant 0 : i32
    %dma_wait3A_1352 = tpu.memref_slice %arg11[%dma_wait3A_1350, %dma_wait3A_1351] : memref<1000000x16xf32, #tpu.memory_space<hbm>> -> memref<1000000x16xf32, #tpu.memory_space<hbm>>
    tpu.wait_indirect_dma semaphore(%arg23 : memref<!tpu.dma_semaphore, #tpu.memory_space<semaphore_mem>>) src(%dma_wait3A_1352 : memref<1000000x16xf32, #tpu.memory_space<hbm>>) dst(%dma_wait3A_1346 : memref<128x16xf32, #tpu.memory_space<vmem>>)
    %dma_wait3A_1353 = arith.constant 45 : i32
    %dma_wait3A_1354 = arith.constant 640 : i32
    %dma_wait3A_1355 = arith.constant 0 : i32
    %dma_wait3A_1356 = tpu.memref_slice %arg21[%dma_wait3A_1354, %dma_wait3A_1355] : memref<1024x16xf32, #tpu.memory_space<vmem>> -> memref<128x16xf32, #tpu.memory_space<vmem>>
    %dma_wait3A_1357 = arith.constant 0 : i32
    %dma_wait3A_1358 = tpu.memref_slice %arg18[%dma_wait3A_1353, %dma_wait3A_1357] : memref<80x128xi32, #tpu.memory_space<vmem>> -> memref<1x128xi32, #tpu.memory_space<vmem>>
    %dma_wait3A_1359 = tpu.memref_squeeze %dma_wait3A_1358 : memref<1x128xi32, #tpu.memory_space<vmem>> -> memref<128xi32, #tpu.memory_space<vmem>>
    %dma_wait3A_1360 = arith.constant 0 : i32
    %dma_wait3A_1361 = arith.constant 0 : i32
    %dma_wait3A_1362 = tpu.memref_slice %arg11[%dma_wait3A_1360, %dma_wait3A_1361] : memref<1000000x16xf32, #tpu.memory_space<hbm>> -> memref<1000000x16xf32, #tpu.memory_space<hbm>>
    tpu.wait_indirect_dma semaphore(%arg23 : memref<!tpu.dma_semaphore, #tpu.memory_space<semaphore_mem>>) src(%dma_wait3A_1362 : memref<1000000x16xf32, #tpu.memory_space<hbm>>) dst(%dma_wait3A_1356 : memref<128x16xf32, #tpu.memory_space<vmem>>)
    %dma_wait3A_1363 = arith.constant 46 : i32
    %dma_wait3A_1364 = arith.constant 768 : i32
    %dma_wait3A_1365 = arith.constant 0 : i32
    %dma_wait3A_1366 = tpu.memref_slice %arg21[%dma_wait3A_1364, %dma_wait3A_1365] : memref<1024x16xf32, #tpu.memory_space<vmem>> -> memref<128x16xf32, #tpu.memory_space<vmem>>
    %dma_wait3A_1367 = arith.constant 0 : i32
    %dma_wait3A_1368 = tpu.memref_slice %arg18[%dma_wait3A_1363, %dma_wait3A_1367] : memref<80x128xi32, #tpu.memory_space<vmem>> -> memref<1x128xi32, #tpu.memory_space<vmem>>
    %dma_wait3A_1369 = tpu.memref_squeeze %dma_wait3A_1368 : memref<1x128xi32, #tpu.memory_space<vmem>> -> memref<128xi32, #tpu.memory_space<vmem>>
    %dma_wait3A_1370 = arith.constant 0 : i32
    %dma_wait3A_1371 = arith.constant 0 : i32
    %dma_wait3A_1372 = tpu.memref_slice %arg11[%dma_wait3A_1370, %dma_wait3A_1371] : memref<1000000x16xf32, #tpu.memory_space<hbm>> -> memref<1000000x16xf32, #tpu.memory_space<hbm>>
    tpu.wait_indirect_dma semaphore(%arg23 : memref<!tpu.dma_semaphore, #tpu.memory_space<semaphore_mem>>) src(%dma_wait3A_1372 : memref<1000000x16xf32, #tpu.memory_space<hbm>>) dst(%dma_wait3A_1366 : memref<128x16xf32, #tpu.memory_space<vmem>>)
    %dma_wait3A_1373 = arith.constant 47 : i32
    %dma_wait3A_1374 = arith.constant 896 : i32
    %dma_wait3A_1375 = arith.constant 0 : i32
    %dma_wait3A_1376 = tpu.memref_slice %arg21[%dma_wait3A_1374, %dma_wait3A_1375] : memref<1024x16xf32, #tpu.memory_space<vmem>> -> memref<128x16xf32, #tpu.memory_space<vmem>>
    %dma_wait3A_1377 = arith.constant 0 : i32
    %dma_wait3A_1378 = tpu.memref_slice %arg18[%dma_wait3A_1373, %dma_wait3A_1377] : memref<80x128xi32, #tpu.memory_space<vmem>> -> memref<1x128xi32, #tpu.memory_space<vmem>>
    %dma_wait3A_1379 = tpu.memref_squeeze %dma_wait3A_1378 : memref<1x128xi32, #tpu.memory_space<vmem>> -> memref<128xi32, #tpu.memory_space<vmem>>
    %dma_wait3A_1380 = arith.constant 0 : i32
    %dma_wait3A_1381 = arith.constant 0 : i32
    %dma_wait3A_1382 = tpu.memref_slice %arg11[%dma_wait3A_1380, %dma_wait3A_1381] : memref<1000000x16xf32, #tpu.memory_space<hbm>> -> memref<1000000x16xf32, #tpu.memory_space<hbm>>
    tpu.wait_indirect_dma semaphore(%arg23 : memref<!tpu.dma_semaphore, #tpu.memory_space<semaphore_mem>>) src(%dma_wait3A_1382 : memref<1000000x16xf32, #tpu.memory_space<hbm>>) dst(%dma_wait3A_1376 : memref<128x16xf32, #tpu.memory_space<vmem>>)
    %add3A_1383 = arith.constant 5120 : i32
    %add3A_1384 = arith.addi %mul3A_4, %add3A_1383 : i32
    "tpu.region"() ({
      %run_scoped3A = tpu.sem_alloc : memref<!tpu.dma_semaphore, #tpu.memory_space<semaphore_mem>>
      %dma_start3A_2033 = arith.constant 0 : i32
      %dma_start3A_2034 = tpu.memref_slice %arg12[%add3A_1384, %dma_start3A_2033] : memref<327680x16xf32, #tpu.memory_space<hbm>> -> memref<1024x16xf32, #tpu.memory_space<hbm>>
      %dma_start3A_2035 = arith.constant 0 : i32
      %dma_start3A_2036 = tpu.memref_slice %arg12[%add3A_1384, %dma_start3A_2035] : memref<327680x16xf32, #tpu.memory_space<hbm>> -> memref<1024x16xf32, #tpu.memory_space<hbm>>
      tpu.enqueue_dma source(%arg21 : memref<1024x16xf32, #tpu.memory_space<vmem>>) target(%dma_start3A_2036 : memref<1024x16xf32, #tpu.memory_space<hbm>>) target_semaphore(%run_scoped3A : memref<!tpu.dma_semaphore, #tpu.memory_space<semaphore_mem>>)
      %dma_wait3A_2037 = arith.constant 0 : i32
      %dma_wait3A_2038 = tpu.memref_slice %arg12[%add3A_1384, %dma_wait3A_2037] : memref<327680x16xf32, #tpu.memory_space<hbm>> -> memref<1024x16xf32, #tpu.memory_space<hbm>>
      %dma_wait3A_2039 = arith.constant 0 : i32
      %dma_wait3A_2040 = tpu.memref_slice %arg12[%add3A_1384, %dma_wait3A_2039] : memref<327680x16xf32, #tpu.memory_space<hbm>> -> memref<1024x16xf32, #tpu.memory_space<hbm>>
      tpu.wait_dma2 semaphore(%run_scoped3A : memref<!tpu.dma_semaphore, #tpu.memory_space<semaphore_mem>>) src(%arg21 : memref<1024x16xf32, #tpu.memory_space<vmem>>) dst(%dma_wait3A_2040 : memref<1024x16xf32, #tpu.memory_space<hbm>>)
      tpu.yield
    }) : () -> ()
    %dma_start3A_1385 = arith.constant 48 : i32
    %dma_start3A_1386 = arith.constant 0 : i32
    %dma_start3A_1387 = arith.constant 0 : i32
    %dma_start3A_1388 = tpu.memref_slice %arg21[%dma_start3A_1386, %dma_start3A_1387] : memref<1024x16xf32, #tpu.memory_space<vmem>> -> memref<128x16xf32, #tpu.memory_space<vmem>>
    %dma_start3A_1389 = arith.constant 0 : i32
    %dma_start3A_1390 = tpu.memref_slice %arg18[%dma_start3A_1385, %dma_start3A_1389] : memref<80x128xi32, #tpu.memory_space<vmem>> -> memref<1x128xi32, #tpu.memory_space<vmem>>
    %dma_start3A_1391 = tpu.memref_squeeze %dma_start3A_1390 : memref<1x128xi32, #tpu.memory_space<vmem>> -> memref<128xi32, #tpu.memory_space<vmem>>
    %dma_start3A_1392 = arith.constant 0 : i32
    %dma_start3A_1393 = arith.constant 0 : i32
    %dma_start3A_1394 = tpu.memref_slice %arg11[%dma_start3A_1392, %dma_start3A_1393] : memref<1000000x16xf32, #tpu.memory_space<hbm>> -> memref<1000000x16xf32, #tpu.memory_space<hbm>>
    tpu.enqueue_indirect_dma source(%dma_start3A_1394 : memref<1000000x16xf32, #tpu.memory_space<hbm>>) target(%dma_start3A_1388 : memref<128x16xf32, #tpu.memory_space<vmem>>) offsets(%dma_start3A_1391 : memref<128xi32, #tpu.memory_space<vmem>>) semaphore(%arg23 : memref<!tpu.dma_semaphore, #tpu.memory_space<semaphore_mem>>)
    %dma_start3A_1395 = arith.constant 49 : i32
    %dma_start3A_1396 = arith.constant 128 : i32
    %dma_start3A_1397 = arith.constant 0 : i32
    %dma_start3A_1398 = tpu.memref_slice %arg21[%dma_start3A_1396, %dma_start3A_1397] : memref<1024x16xf32, #tpu.memory_space<vmem>> -> memref<128x16xf32, #tpu.memory_space<vmem>>
    %dma_start3A_1399 = arith.constant 0 : i32
    %dma_start3A_1400 = tpu.memref_slice %arg18[%dma_start3A_1395, %dma_start3A_1399] : memref<80x128xi32, #tpu.memory_space<vmem>> -> memref<1x128xi32, #tpu.memory_space<vmem>>
    %dma_start3A_1401 = tpu.memref_squeeze %dma_start3A_1400 : memref<1x128xi32, #tpu.memory_space<vmem>> -> memref<128xi32, #tpu.memory_space<vmem>>
    %dma_start3A_1402 = arith.constant 0 : i32
    %dma_start3A_1403 = arith.constant 0 : i32
    %dma_start3A_1404 = tpu.memref_slice %arg11[%dma_start3A_1402, %dma_start3A_1403] : memref<1000000x16xf32, #tpu.memory_space<hbm>> -> memref<1000000x16xf32, #tpu.memory_space<hbm>>
    tpu.enqueue_indirect_dma source(%dma_start3A_1404 : memref<1000000x16xf32, #tpu.memory_space<hbm>>) target(%dma_start3A_1398 : memref<128x16xf32, #tpu.memory_space<vmem>>) offsets(%dma_start3A_1401 : memref<128xi32, #tpu.memory_space<vmem>>) semaphore(%arg23 : memref<!tpu.dma_semaphore, #tpu.memory_space<semaphore_mem>>)
    %dma_start3A_1405 = arith.constant 50 : i32
    %dma_start3A_1406 = arith.constant 256 : i32
    %dma_start3A_1407 = arith.constant 0 : i32
    %dma_start3A_1408 = tpu.memref_slice %arg21[%dma_start3A_1406, %dma_start3A_1407] : memref<1024x16xf32, #tpu.memory_space<vmem>> -> memref<128x16xf32, #tpu.memory_space<vmem>>
    %dma_start3A_1409 = arith.constant 0 : i32
    %dma_start3A_1410 = tpu.memref_slice %arg18[%dma_start3A_1405, %dma_start3A_1409] : memref<80x128xi32, #tpu.memory_space<vmem>> -> memref<1x128xi32, #tpu.memory_space<vmem>>
    %dma_start3A_1411 = tpu.memref_squeeze %dma_start3A_1410 : memref<1x128xi32, #tpu.memory_space<vmem>> -> memref<128xi32, #tpu.memory_space<vmem>>
    %dma_start3A_1412 = arith.constant 0 : i32
    %dma_start3A_1413 = arith.constant 0 : i32
    %dma_start3A_1414 = tpu.memref_slice %arg11[%dma_start3A_1412, %dma_start3A_1413] : memref<1000000x16xf32, #tpu.memory_space<hbm>> -> memref<1000000x16xf32, #tpu.memory_space<hbm>>
    tpu.enqueue_indirect_dma source(%dma_start3A_1414 : memref<1000000x16xf32, #tpu.memory_space<hbm>>) target(%dma_start3A_1408 : memref<128x16xf32, #tpu.memory_space<vmem>>) offsets(%dma_start3A_1411 : memref<128xi32, #tpu.memory_space<vmem>>) semaphore(%arg23 : memref<!tpu.dma_semaphore, #tpu.memory_space<semaphore_mem>>)
    %dma_start3A_1415 = arith.constant 51 : i32
    %dma_start3A_1416 = arith.constant 384 : i32
    %dma_start3A_1417 = arith.constant 0 : i32
    %dma_start3A_1418 = tpu.memref_slice %arg21[%dma_start3A_1416, %dma_start3A_1417] : memref<1024x16xf32, #tpu.memory_space<vmem>> -> memref<128x16xf32, #tpu.memory_space<vmem>>
    %dma_start3A_1419 = arith.constant 0 : i32
    %dma_start3A_1420 = tpu.memref_slice %arg18[%dma_start3A_1415, %dma_start3A_1419] : memref<80x128xi32, #tpu.memory_space<vmem>> -> memref<1x128xi32, #tpu.memory_space<vmem>>
    %dma_start3A_1421 = tpu.memref_squeeze %dma_start3A_1420 : memref<1x128xi32, #tpu.memory_space<vmem>> -> memref<128xi32, #tpu.memory_space<vmem>>
    %dma_start3A_1422 = arith.constant 0 : i32
    %dma_start3A_1423 = arith.constant 0 : i32
    %dma_start3A_1424 = tpu.memref_slice %arg11[%dma_start3A_1422, %dma_start3A_1423] : memref<1000000x16xf32, #tpu.memory_space<hbm>> -> memref<1000000x16xf32, #tpu.memory_space<hbm>>
    tpu.enqueue_indirect_dma source(%dma_start3A_1424 : memref<1000000x16xf32, #tpu.memory_space<hbm>>) target(%dma_start3A_1418 : memref<128x16xf32, #tpu.memory_space<vmem>>) offsets(%dma_start3A_1421 : memref<128xi32, #tpu.memory_space<vmem>>) semaphore(%arg23 : memref<!tpu.dma_semaphore, #tpu.memory_space<semaphore_mem>>)
    %dma_start3A_1425 = arith.constant 52 : i32
    %dma_start3A_1426 = arith.constant 512 : i32
    %dma_start3A_1427 = arith.constant 0 : i32
    %dma_start3A_1428 = tpu.memref_slice %arg21[%dma_start3A_1426, %dma_start3A_1427] : memref<1024x16xf32, #tpu.memory_space<vmem>> -> memref<128x16xf32, #tpu.memory_space<vmem>>
    %dma_start3A_1429 = arith.constant 0 : i32
    %dma_start3A_1430 = tpu.memref_slice %arg18[%dma_start3A_1425, %dma_start3A_1429] : memref<80x128xi32, #tpu.memory_space<vmem>> -> memref<1x128xi32, #tpu.memory_space<vmem>>
    %dma_start3A_1431 = tpu.memref_squeeze %dma_start3A_1430 : memref<1x128xi32, #tpu.memory_space<vmem>> -> memref<128xi32, #tpu.memory_space<vmem>>
    %dma_start3A_1432 = arith.constant 0 : i32
    %dma_start3A_1433 = arith.constant 0 : i32
    %dma_start3A_1434 = tpu.memref_slice %arg11[%dma_start3A_1432, %dma_start3A_1433] : memref<1000000x16xf32, #tpu.memory_space<hbm>> -> memref<1000000x16xf32, #tpu.memory_space<hbm>>
    tpu.enqueue_indirect_dma source(%dma_start3A_1434 : memref<1000000x16xf32, #tpu.memory_space<hbm>>) target(%dma_start3A_1428 : memref<128x16xf32, #tpu.memory_space<vmem>>) offsets(%dma_start3A_1431 : memref<128xi32, #tpu.memory_space<vmem>>) semaphore(%arg23 : memref<!tpu.dma_semaphore, #tpu.memory_space<semaphore_mem>>)
    %dma_start3A_1435 = arith.constant 53 : i32
    %dma_start3A_1436 = arith.constant 640 : i32
    %dma_start3A_1437 = arith.constant 0 : i32
    %dma_start3A_1438 = tpu.memref_slice %arg21[%dma_start3A_1436, %dma_start3A_1437] : memref<1024x16xf32, #tpu.memory_space<vmem>> -> memref<128x16xf32, #tpu.memory_space<vmem>>
    %dma_start3A_1439 = arith.constant 0 : i32
    %dma_start3A_1440 = tpu.memref_slice %arg18[%dma_start3A_1435, %dma_start3A_1439] : memref<80x128xi32, #tpu.memory_space<vmem>> -> memref<1x128xi32, #tpu.memory_space<vmem>>
    %dma_start3A_1441 = tpu.memref_squeeze %dma_start3A_1440 : memref<1x128xi32, #tpu.memory_space<vmem>> -> memref<128xi32, #tpu.memory_space<vmem>>
    %dma_start3A_1442 = arith.constant 0 : i32
    %dma_start3A_1443 = arith.constant 0 : i32
    %dma_start3A_1444 = tpu.memref_slice %arg11[%dma_start3A_1442, %dma_start3A_1443] : memref<1000000x16xf32, #tpu.memory_space<hbm>> -> memref<1000000x16xf32, #tpu.memory_space<hbm>>
    tpu.enqueue_indirect_dma source(%dma_start3A_1444 : memref<1000000x16xf32, #tpu.memory_space<hbm>>) target(%dma_start3A_1438 : memref<128x16xf32, #tpu.memory_space<vmem>>) offsets(%dma_start3A_1441 : memref<128xi32, #tpu.memory_space<vmem>>) semaphore(%arg23 : memref<!tpu.dma_semaphore, #tpu.memory_space<semaphore_mem>>)
    %dma_start3A_1445 = arith.constant 54 : i32
    %dma_start3A_1446 = arith.constant 768 : i32
    %dma_start3A_1447 = arith.constant 0 : i32
    %dma_start3A_1448 = tpu.memref_slice %arg21[%dma_start3A_1446, %dma_start3A_1447] : memref<1024x16xf32, #tpu.memory_space<vmem>> -> memref<128x16xf32, #tpu.memory_space<vmem>>
    %dma_start3A_1449 = arith.constant 0 : i32
    %dma_start3A_1450 = tpu.memref_slice %arg18[%dma_start3A_1445, %dma_start3A_1449] : memref<80x128xi32, #tpu.memory_space<vmem>> -> memref<1x128xi32, #tpu.memory_space<vmem>>
    %dma_start3A_1451 = tpu.memref_squeeze %dma_start3A_1450 : memref<1x128xi32, #tpu.memory_space<vmem>> -> memref<128xi32, #tpu.memory_space<vmem>>
    %dma_start3A_1452 = arith.constant 0 : i32
    %dma_start3A_1453 = arith.constant 0 : i32
    %dma_start3A_1454 = tpu.memref_slice %arg11[%dma_start3A_1452, %dma_start3A_1453] : memref<1000000x16xf32, #tpu.memory_space<hbm>> -> memref<1000000x16xf32, #tpu.memory_space<hbm>>
    tpu.enqueue_indirect_dma source(%dma_start3A_1454 : memref<1000000x16xf32, #tpu.memory_space<hbm>>) target(%dma_start3A_1448 : memref<128x16xf32, #tpu.memory_space<vmem>>) offsets(%dma_start3A_1451 : memref<128xi32, #tpu.memory_space<vmem>>) semaphore(%arg23 : memref<!tpu.dma_semaphore, #tpu.memory_space<semaphore_mem>>)
    %dma_start3A_1455 = arith.constant 55 : i32
    %dma_start3A_1456 = arith.constant 896 : i32
    %dma_start3A_1457 = arith.constant 0 : i32
    %dma_start3A_1458 = tpu.memref_slice %arg21[%dma_start3A_1456, %dma_start3A_1457] : memref<1024x16xf32, #tpu.memory_space<vmem>> -> memref<128x16xf32, #tpu.memory_space<vmem>>
    %dma_start3A_1459 = arith.constant 0 : i32
    %dma_start3A_1460 = tpu.memref_slice %arg18[%dma_start3A_1455, %dma_start3A_1459] : memref<80x128xi32, #tpu.memory_space<vmem>> -> memref<1x128xi32, #tpu.memory_space<vmem>>
    %dma_start3A_1461 = tpu.memref_squeeze %dma_start3A_1460 : memref<1x128xi32, #tpu.memory_space<vmem>> -> memref<128xi32, #tpu.memory_space<vmem>>
    %dma_start3A_1462 = arith.constant 0 : i32
    %dma_start3A_1463 = arith.constant 0 : i32
    %dma_start3A_1464 = tpu.memref_slice %arg11[%dma_start3A_1462, %dma_start3A_1463] : memref<1000000x16xf32, #tpu.memory_space<hbm>> -> memref<1000000x16xf32, #tpu.memory_space<hbm>>
    tpu.enqueue_indirect_dma source(%dma_start3A_1464 : memref<1000000x16xf32, #tpu.memory_space<hbm>>) target(%dma_start3A_1458 : memref<128x16xf32, #tpu.memory_space<vmem>>) offsets(%dma_start3A_1461 : memref<128xi32, #tpu.memory_space<vmem>>) semaphore(%arg23 : memref<!tpu.dma_semaphore, #tpu.memory_space<semaphore_mem>>)
    %dma_wait3A_1465 = arith.constant 48 : i32
    %dma_wait3A_1466 = arith.constant 0 : i32
    %dma_wait3A_1467 = arith.constant 0 : i32
    %dma_wait3A_1468 = tpu.memref_slice %arg21[%dma_wait3A_1466, %dma_wait3A_1467] : memref<1024x16xf32, #tpu.memory_space<vmem>> -> memref<128x16xf32, #tpu.memory_space<vmem>>
    %dma_wait3A_1469 = arith.constant 0 : i32
    %dma_wait3A_1470 = tpu.memref_slice %arg18[%dma_wait3A_1465, %dma_wait3A_1469] : memref<80x128xi32, #tpu.memory_space<vmem>> -> memref<1x128xi32, #tpu.memory_space<vmem>>
    %dma_wait3A_1471 = tpu.memref_squeeze %dma_wait3A_1470 : memref<1x128xi32, #tpu.memory_space<vmem>> -> memref<128xi32, #tpu.memory_space<vmem>>
    %dma_wait3A_1472 = arith.constant 0 : i32
    %dma_wait3A_1473 = arith.constant 0 : i32
    %dma_wait3A_1474 = tpu.memref_slice %arg11[%dma_wait3A_1472, %dma_wait3A_1473] : memref<1000000x16xf32, #tpu.memory_space<hbm>> -> memref<1000000x16xf32, #tpu.memory_space<hbm>>
    tpu.wait_indirect_dma semaphore(%arg23 : memref<!tpu.dma_semaphore, #tpu.memory_space<semaphore_mem>>) src(%dma_wait3A_1474 : memref<1000000x16xf32, #tpu.memory_space<hbm>>) dst(%dma_wait3A_1468 : memref<128x16xf32, #tpu.memory_space<vmem>>)
    %dma_wait3A_1475 = arith.constant 49 : i32
    %dma_wait3A_1476 = arith.constant 128 : i32
    %dma_wait3A_1477 = arith.constant 0 : i32
    %dma_wait3A_1478 = tpu.memref_slice %arg21[%dma_wait3A_1476, %dma_wait3A_1477] : memref<1024x16xf32, #tpu.memory_space<vmem>> -> memref<128x16xf32, #tpu.memory_space<vmem>>
    %dma_wait3A_1479 = arith.constant 0 : i32
    %dma_wait3A_1480 = tpu.memref_slice %arg18[%dma_wait3A_1475, %dma_wait3A_1479] : memref<80x128xi32, #tpu.memory_space<vmem>> -> memref<1x128xi32, #tpu.memory_space<vmem>>
    %dma_wait3A_1481 = tpu.memref_squeeze %dma_wait3A_1480 : memref<1x128xi32, #tpu.memory_space<vmem>> -> memref<128xi32, #tpu.memory_space<vmem>>
    %dma_wait3A_1482 = arith.constant 0 : i32
    %dma_wait3A_1483 = arith.constant 0 : i32
    %dma_wait3A_1484 = tpu.memref_slice %arg11[%dma_wait3A_1482, %dma_wait3A_1483] : memref<1000000x16xf32, #tpu.memory_space<hbm>> -> memref<1000000x16xf32, #tpu.memory_space<hbm>>
    tpu.wait_indirect_dma semaphore(%arg23 : memref<!tpu.dma_semaphore, #tpu.memory_space<semaphore_mem>>) src(%dma_wait3A_1484 : memref<1000000x16xf32, #tpu.memory_space<hbm>>) dst(%dma_wait3A_1478 : memref<128x16xf32, #tpu.memory_space<vmem>>)
    %dma_wait3A_1485 = arith.constant 50 : i32
    %dma_wait3A_1486 = arith.constant 256 : i32
    %dma_wait3A_1487 = arith.constant 0 : i32
    %dma_wait3A_1488 = tpu.memref_slice %arg21[%dma_wait3A_1486, %dma_wait3A_1487] : memref<1024x16xf32, #tpu.memory_space<vmem>> -> memref<128x16xf32, #tpu.memory_space<vmem>>
    %dma_wait3A_1489 = arith.constant 0 : i32
    %dma_wait3A_1490 = tpu.memref_slice %arg18[%dma_wait3A_1485, %dma_wait3A_1489] : memref<80x128xi32, #tpu.memory_space<vmem>> -> memref<1x128xi32, #tpu.memory_space<vmem>>
    %dma_wait3A_1491 = tpu.memref_squeeze %dma_wait3A_1490 : memref<1x128xi32, #tpu.memory_space<vmem>> -> memref<128xi32, #tpu.memory_space<vmem>>
    %dma_wait3A_1492 = arith.constant 0 : i32
    %dma_wait3A_1493 = arith.constant 0 : i32
    %dma_wait3A_1494 = tpu.memref_slice %arg11[%dma_wait3A_1492, %dma_wait3A_1493] : memref<1000000x16xf32, #tpu.memory_space<hbm>> -> memref<1000000x16xf32, #tpu.memory_space<hbm>>
    tpu.wait_indirect_dma semaphore(%arg23 : memref<!tpu.dma_semaphore, #tpu.memory_space<semaphore_mem>>) src(%dma_wait3A_1494 : memref<1000000x16xf32, #tpu.memory_space<hbm>>) dst(%dma_wait3A_1488 : memref<128x16xf32, #tpu.memory_space<vmem>>)
    %dma_wait3A_1495 = arith.constant 51 : i32
    %dma_wait3A_1496 = arith.constant 384 : i32
    %dma_wait3A_1497 = arith.constant 0 : i32
    %dma_wait3A_1498 = tpu.memref_slice %arg21[%dma_wait3A_1496, %dma_wait3A_1497] : memref<1024x16xf32, #tpu.memory_space<vmem>> -> memref<128x16xf32, #tpu.memory_space<vmem>>
    %dma_wait3A_1499 = arith.constant 0 : i32
    %dma_wait3A_1500 = tpu.memref_slice %arg18[%dma_wait3A_1495, %dma_wait3A_1499] : memref<80x128xi32, #tpu.memory_space<vmem>> -> memref<1x128xi32, #tpu.memory_space<vmem>>
    %dma_wait3A_1501 = tpu.memref_squeeze %dma_wait3A_1500 : memref<1x128xi32, #tpu.memory_space<vmem>> -> memref<128xi32, #tpu.memory_space<vmem>>
    %dma_wait3A_1502 = arith.constant 0 : i32
    %dma_wait3A_1503 = arith.constant 0 : i32
    %dma_wait3A_1504 = tpu.memref_slice %arg11[%dma_wait3A_1502, %dma_wait3A_1503] : memref<1000000x16xf32, #tpu.memory_space<hbm>> -> memref<1000000x16xf32, #tpu.memory_space<hbm>>
    tpu.wait_indirect_dma semaphore(%arg23 : memref<!tpu.dma_semaphore, #tpu.memory_space<semaphore_mem>>) src(%dma_wait3A_1504 : memref<1000000x16xf32, #tpu.memory_space<hbm>>) dst(%dma_wait3A_1498 : memref<128x16xf32, #tpu.memory_space<vmem>>)
    %dma_wait3A_1505 = arith.constant 52 : i32
    %dma_wait3A_1506 = arith.constant 512 : i32
    %dma_wait3A_1507 = arith.constant 0 : i32
    %dma_wait3A_1508 = tpu.memref_slice %arg21[%dma_wait3A_1506, %dma_wait3A_1507] : memref<1024x16xf32, #tpu.memory_space<vmem>> -> memref<128x16xf32, #tpu.memory_space<vmem>>
    %dma_wait3A_1509 = arith.constant 0 : i32
    %dma_wait3A_1510 = tpu.memref_slice %arg18[%dma_wait3A_1505, %dma_wait3A_1509] : memref<80x128xi32, #tpu.memory_space<vmem>> -> memref<1x128xi32, #tpu.memory_space<vmem>>
    %dma_wait3A_1511 = tpu.memref_squeeze %dma_wait3A_1510 : memref<1x128xi32, #tpu.memory_space<vmem>> -> memref<128xi32, #tpu.memory_space<vmem>>
    %dma_wait3A_1512 = arith.constant 0 : i32
    %dma_wait3A_1513 = arith.constant 0 : i32
    %dma_wait3A_1514 = tpu.memref_slice %arg11[%dma_wait3A_1512, %dma_wait3A_1513] : memref<1000000x16xf32, #tpu.memory_space<hbm>> -> memref<1000000x16xf32, #tpu.memory_space<hbm>>
    tpu.wait_indirect_dma semaphore(%arg23 : memref<!tpu.dma_semaphore, #tpu.memory_space<semaphore_mem>>) src(%dma_wait3A_1514 : memref<1000000x16xf32, #tpu.memory_space<hbm>>) dst(%dma_wait3A_1508 : memref<128x16xf32, #tpu.memory_space<vmem>>)
    %dma_wait3A_1515 = arith.constant 53 : i32
    %dma_wait3A_1516 = arith.constant 640 : i32
    %dma_wait3A_1517 = arith.constant 0 : i32
    %dma_wait3A_1518 = tpu.memref_slice %arg21[%dma_wait3A_1516, %dma_wait3A_1517] : memref<1024x16xf32, #tpu.memory_space<vmem>> -> memref<128x16xf32, #tpu.memory_space<vmem>>
    %dma_wait3A_1519 = arith.constant 0 : i32
    %dma_wait3A_1520 = tpu.memref_slice %arg18[%dma_wait3A_1515, %dma_wait3A_1519] : memref<80x128xi32, #tpu.memory_space<vmem>> -> memref<1x128xi32, #tpu.memory_space<vmem>>
    %dma_wait3A_1521 = tpu.memref_squeeze %dma_wait3A_1520 : memref<1x128xi32, #tpu.memory_space<vmem>> -> memref<128xi32, #tpu.memory_space<vmem>>
    %dma_wait3A_1522 = arith.constant 0 : i32
    %dma_wait3A_1523 = arith.constant 0 : i32
    %dma_wait3A_1524 = tpu.memref_slice %arg11[%dma_wait3A_1522, %dma_wait3A_1523] : memref<1000000x16xf32, #tpu.memory_space<hbm>> -> memref<1000000x16xf32, #tpu.memory_space<hbm>>
    tpu.wait_indirect_dma semaphore(%arg23 : memref<!tpu.dma_semaphore, #tpu.memory_space<semaphore_mem>>) src(%dma_wait3A_1524 : memref<1000000x16xf32, #tpu.memory_space<hbm>>) dst(%dma_wait3A_1518 : memref<128x16xf32, #tpu.memory_space<vmem>>)
    %dma_wait3A_1525 = arith.constant 54 : i32
    %dma_wait3A_1526 = arith.constant 768 : i32
    %dma_wait3A_1527 = arith.constant 0 : i32
    %dma_wait3A_1528 = tpu.memref_slice %arg21[%dma_wait3A_1526, %dma_wait3A_1527] : memref<1024x16xf32, #tpu.memory_space<vmem>> -> memref<128x16xf32, #tpu.memory_space<vmem>>
    %dma_wait3A_1529 = arith.constant 0 : i32
    %dma_wait3A_1530 = tpu.memref_slice %arg18[%dma_wait3A_1525, %dma_wait3A_1529] : memref<80x128xi32, #tpu.memory_space<vmem>> -> memref<1x128xi32, #tpu.memory_space<vmem>>
    %dma_wait3A_1531 = tpu.memref_squeeze %dma_wait3A_1530 : memref<1x128xi32, #tpu.memory_space<vmem>> -> memref<128xi32, #tpu.memory_space<vmem>>
    %dma_wait3A_1532 = arith.constant 0 : i32
    %dma_wait3A_1533 = arith.constant 0 : i32
    %dma_wait3A_1534 = tpu.memref_slice %arg11[%dma_wait3A_1532, %dma_wait3A_1533] : memref<1000000x16xf32, #tpu.memory_space<hbm>> -> memref<1000000x16xf32, #tpu.memory_space<hbm>>
    tpu.wait_indirect_dma semaphore(%arg23 : memref<!tpu.dma_semaphore, #tpu.memory_space<semaphore_mem>>) src(%dma_wait3A_1534 : memref<1000000x16xf32, #tpu.memory_space<hbm>>) dst(%dma_wait3A_1528 : memref<128x16xf32, #tpu.memory_space<vmem>>)
    %dma_wait3A_1535 = arith.constant 55 : i32
    %dma_wait3A_1536 = arith.constant 896 : i32
    %dma_wait3A_1537 = arith.constant 0 : i32
    %dma_wait3A_1538 = tpu.memref_slice %arg21[%dma_wait3A_1536, %dma_wait3A_1537] : memref<1024x16xf32, #tpu.memory_space<vmem>> -> memref<128x16xf32, #tpu.memory_space<vmem>>
    %dma_wait3A_1539 = arith.constant 0 : i32
    %dma_wait3A_1540 = tpu.memref_slice %arg18[%dma_wait3A_1535, %dma_wait3A_1539] : memref<80x128xi32, #tpu.memory_space<vmem>> -> memref<1x128xi32, #tpu.memory_space<vmem>>
    %dma_wait3A_1541 = tpu.memref_squeeze %dma_wait3A_1540 : memref<1x128xi32, #tpu.memory_space<vmem>> -> memref<128xi32, #tpu.memory_space<vmem>>
    %dma_wait3A_1542 = arith.constant 0 : i32
    %dma_wait3A_1543 = arith.constant 0 : i32
    %dma_wait3A_1544 = tpu.memref_slice %arg11[%dma_wait3A_1542, %dma_wait3A_1543] : memref<1000000x16xf32, #tpu.memory_space<hbm>> -> memref<1000000x16xf32, #tpu.memory_space<hbm>>
    tpu.wait_indirect_dma semaphore(%arg23 : memref<!tpu.dma_semaphore, #tpu.memory_space<semaphore_mem>>) src(%dma_wait3A_1544 : memref<1000000x16xf32, #tpu.memory_space<hbm>>) dst(%dma_wait3A_1538 : memref<128x16xf32, #tpu.memory_space<vmem>>)
    %add3A_1545 = arith.constant 6144 : i32
    %add3A_1546 = arith.addi %mul3A_4, %add3A_1545 : i32
    "tpu.region"() ({
      %run_scoped3A = tpu.sem_alloc : memref<!tpu.dma_semaphore, #tpu.memory_space<semaphore_mem>>
      %dma_start3A_2033 = arith.constant 0 : i32
      %dma_start3A_2034 = tpu.memref_slice %arg12[%add3A_1546, %dma_start3A_2033] : memref<327680x16xf32, #tpu.memory_space<hbm>> -> memref<1024x16xf32, #tpu.memory_space<hbm>>
      %dma_start3A_2035 = arith.constant 0 : i32
      %dma_start3A_2036 = tpu.memref_slice %arg12[%add3A_1546, %dma_start3A_2035] : memref<327680x16xf32, #tpu.memory_space<hbm>> -> memref<1024x16xf32, #tpu.memory_space<hbm>>
      tpu.enqueue_dma source(%arg21 : memref<1024x16xf32, #tpu.memory_space<vmem>>) target(%dma_start3A_2036 : memref<1024x16xf32, #tpu.memory_space<hbm>>) target_semaphore(%run_scoped3A : memref<!tpu.dma_semaphore, #tpu.memory_space<semaphore_mem>>)
      %dma_wait3A_2037 = arith.constant 0 : i32
      %dma_wait3A_2038 = tpu.memref_slice %arg12[%add3A_1546, %dma_wait3A_2037] : memref<327680x16xf32, #tpu.memory_space<hbm>> -> memref<1024x16xf32, #tpu.memory_space<hbm>>
      %dma_wait3A_2039 = arith.constant 0 : i32
      %dma_wait3A_2040 = tpu.memref_slice %arg12[%add3A_1546, %dma_wait3A_2039] : memref<327680x16xf32, #tpu.memory_space<hbm>> -> memref<1024x16xf32, #tpu.memory_space<hbm>>
      tpu.wait_dma2 semaphore(%run_scoped3A : memref<!tpu.dma_semaphore, #tpu.memory_space<semaphore_mem>>) src(%arg21 : memref<1024x16xf32, #tpu.memory_space<vmem>>) dst(%dma_wait3A_2040 : memref<1024x16xf32, #tpu.memory_space<hbm>>)
      tpu.yield
    }) : () -> ()
    %dma_start3A_1547 = arith.constant 56 : i32
    %dma_start3A_1548 = arith.constant 0 : i32
    %dma_start3A_1549 = arith.constant 0 : i32
    %dma_start3A_1550 = tpu.memref_slice %arg21[%dma_start3A_1548, %dma_start3A_1549] : memref<1024x16xf32, #tpu.memory_space<vmem>> -> memref<128x16xf32, #tpu.memory_space<vmem>>
    %dma_start3A_1551 = arith.constant 0 : i32
    %dma_start3A_1552 = tpu.memref_slice %arg18[%dma_start3A_1547, %dma_start3A_1551] : memref<80x128xi32, #tpu.memory_space<vmem>> -> memref<1x128xi32, #tpu.memory_space<vmem>>
    %dma_start3A_1553 = tpu.memref_squeeze %dma_start3A_1552 : memref<1x128xi32, #tpu.memory_space<vmem>> -> memref<128xi32, #tpu.memory_space<vmem>>
    %dma_start3A_1554 = arith.constant 0 : i32
    %dma_start3A_1555 = arith.constant 0 : i32
    %dma_start3A_1556 = tpu.memref_slice %arg11[%dma_start3A_1554, %dma_start3A_1555] : memref<1000000x16xf32, #tpu.memory_space<hbm>> -> memref<1000000x16xf32, #tpu.memory_space<hbm>>
    tpu.enqueue_indirect_dma source(%dma_start3A_1556 : memref<1000000x16xf32, #tpu.memory_space<hbm>>) target(%dma_start3A_1550 : memref<128x16xf32, #tpu.memory_space<vmem>>) offsets(%dma_start3A_1553 : memref<128xi32, #tpu.memory_space<vmem>>) semaphore(%arg23 : memref<!tpu.dma_semaphore, #tpu.memory_space<semaphore_mem>>)
    %dma_start3A_1557 = arith.constant 57 : i32
    %dma_start3A_1558 = arith.constant 128 : i32
    %dma_start3A_1559 = arith.constant 0 : i32
    %dma_start3A_1560 = tpu.memref_slice %arg21[%dma_start3A_1558, %dma_start3A_1559] : memref<1024x16xf32, #tpu.memory_space<vmem>> -> memref<128x16xf32, #tpu.memory_space<vmem>>
    %dma_start3A_1561 = arith.constant 0 : i32
    %dma_start3A_1562 = tpu.memref_slice %arg18[%dma_start3A_1557, %dma_start3A_1561] : memref<80x128xi32, #tpu.memory_space<vmem>> -> memref<1x128xi32, #tpu.memory_space<vmem>>
    %dma_start3A_1563 = tpu.memref_squeeze %dma_start3A_1562 : memref<1x128xi32, #tpu.memory_space<vmem>> -> memref<128xi32, #tpu.memory_space<vmem>>
    %dma_start3A_1564 = arith.constant 0 : i32
    %dma_start3A_1565 = arith.constant 0 : i32
    %dma_start3A_1566 = tpu.memref_slice %arg11[%dma_start3A_1564, %dma_start3A_1565] : memref<1000000x16xf32, #tpu.memory_space<hbm>> -> memref<1000000x16xf32, #tpu.memory_space<hbm>>
    tpu.enqueue_indirect_dma source(%dma_start3A_1566 : memref<1000000x16xf32, #tpu.memory_space<hbm>>) target(%dma_start3A_1560 : memref<128x16xf32, #tpu.memory_space<vmem>>) offsets(%dma_start3A_1563 : memref<128xi32, #tpu.memory_space<vmem>>) semaphore(%arg23 : memref<!tpu.dma_semaphore, #tpu.memory_space<semaphore_mem>>)
    %dma_start3A_1567 = arith.constant 58 : i32
    %dma_start3A_1568 = arith.constant 256 : i32
    %dma_start3A_1569 = arith.constant 0 : i32
    %dma_start3A_1570 = tpu.memref_slice %arg21[%dma_start3A_1568, %dma_start3A_1569] : memref<1024x16xf32, #tpu.memory_space<vmem>> -> memref<128x16xf32, #tpu.memory_space<vmem>>
    %dma_start3A_1571 = arith.constant 0 : i32
    %dma_start3A_1572 = tpu.memref_slice %arg18[%dma_start3A_1567, %dma_start3A_1571] : memref<80x128xi32, #tpu.memory_space<vmem>> -> memref<1x128xi32, #tpu.memory_space<vmem>>
    %dma_start3A_1573 = tpu.memref_squeeze %dma_start3A_1572 : memref<1x128xi32, #tpu.memory_space<vmem>> -> memref<128xi32, #tpu.memory_space<vmem>>
    %dma_start3A_1574 = arith.constant 0 : i32
    %dma_start3A_1575 = arith.constant 0 : i32
    %dma_start3A_1576 = tpu.memref_slice %arg11[%dma_start3A_1574, %dma_start3A_1575] : memref<1000000x16xf32, #tpu.memory_space<hbm>> -> memref<1000000x16xf32, #tpu.memory_space<hbm>>
    tpu.enqueue_indirect_dma source(%dma_start3A_1576 : memref<1000000x16xf32, #tpu.memory_space<hbm>>) target(%dma_start3A_1570 : memref<128x16xf32, #tpu.memory_space<vmem>>) offsets(%dma_start3A_1573 : memref<128xi32, #tpu.memory_space<vmem>>) semaphore(%arg23 : memref<!tpu.dma_semaphore, #tpu.memory_space<semaphore_mem>>)
    %dma_start3A_1577 = arith.constant 59 : i32
    %dma_start3A_1578 = arith.constant 384 : i32
    %dma_start3A_1579 = arith.constant 0 : i32
    %dma_start3A_1580 = tpu.memref_slice %arg21[%dma_start3A_1578, %dma_start3A_1579] : memref<1024x16xf32, #tpu.memory_space<vmem>> -> memref<128x16xf32, #tpu.memory_space<vmem>>
    %dma_start3A_1581 = arith.constant 0 : i32
    %dma_start3A_1582 = tpu.memref_slice %arg18[%dma_start3A_1577, %dma_start3A_1581] : memref<80x128xi32, #tpu.memory_space<vmem>> -> memref<1x128xi32, #tpu.memory_space<vmem>>
    %dma_start3A_1583 = tpu.memref_squeeze %dma_start3A_1582 : memref<1x128xi32, #tpu.memory_space<vmem>> -> memref<128xi32, #tpu.memory_space<vmem>>
    %dma_start3A_1584 = arith.constant 0 : i32
    %dma_start3A_1585 = arith.constant 0 : i32
    %dma_start3A_1586 = tpu.memref_slice %arg11[%dma_start3A_1584, %dma_start3A_1585] : memref<1000000x16xf32, #tpu.memory_space<hbm>> -> memref<1000000x16xf32, #tpu.memory_space<hbm>>
    tpu.enqueue_indirect_dma source(%dma_start3A_1586 : memref<1000000x16xf32, #tpu.memory_space<hbm>>) target(%dma_start3A_1580 : memref<128x16xf32, #tpu.memory_space<vmem>>) offsets(%dma_start3A_1583 : memref<128xi32, #tpu.memory_space<vmem>>) semaphore(%arg23 : memref<!tpu.dma_semaphore, #tpu.memory_space<semaphore_mem>>)
    %dma_start3A_1587 = arith.constant 60 : i32
    %dma_start3A_1588 = arith.constant 512 : i32
    %dma_start3A_1589 = arith.constant 0 : i32
    %dma_start3A_1590 = tpu.memref_slice %arg21[%dma_start3A_1588, %dma_start3A_1589] : memref<1024x16xf32, #tpu.memory_space<vmem>> -> memref<128x16xf32, #tpu.memory_space<vmem>>
    %dma_start3A_1591 = arith.constant 0 : i32
    %dma_start3A_1592 = tpu.memref_slice %arg18[%dma_start3A_1587, %dma_start3A_1591] : memref<80x128xi32, #tpu.memory_space<vmem>> -> memref<1x128xi32, #tpu.memory_space<vmem>>
    %dma_start3A_1593 = tpu.memref_squeeze %dma_start3A_1592 : memref<1x128xi32, #tpu.memory_space<vmem>> -> memref<128xi32, #tpu.memory_space<vmem>>
    %dma_start3A_1594 = arith.constant 0 : i32
    %dma_start3A_1595 = arith.constant 0 : i32
    %dma_start3A_1596 = tpu.memref_slice %arg11[%dma_start3A_1594, %dma_start3A_1595] : memref<1000000x16xf32, #tpu.memory_space<hbm>> -> memref<1000000x16xf32, #tpu.memory_space<hbm>>
    tpu.enqueue_indirect_dma source(%dma_start3A_1596 : memref<1000000x16xf32, #tpu.memory_space<hbm>>) target(%dma_start3A_1590 : memref<128x16xf32, #tpu.memory_space<vmem>>) offsets(%dma_start3A_1593 : memref<128xi32, #tpu.memory_space<vmem>>) semaphore(%arg23 : memref<!tpu.dma_semaphore, #tpu.memory_space<semaphore_mem>>)
    %dma_start3A_1597 = arith.constant 61 : i32
    %dma_start3A_1598 = arith.constant 640 : i32
    %dma_start3A_1599 = arith.constant 0 : i32
    %dma_start3A_1600 = tpu.memref_slice %arg21[%dma_start3A_1598, %dma_start3A_1599] : memref<1024x16xf32, #tpu.memory_space<vmem>> -> memref<128x16xf32, #tpu.memory_space<vmem>>
    %dma_start3A_1601 = arith.constant 0 : i32
    %dma_start3A_1602 = tpu.memref_slice %arg18[%dma_start3A_1597, %dma_start3A_1601] : memref<80x128xi32, #tpu.memory_space<vmem>> -> memref<1x128xi32, #tpu.memory_space<vmem>>
    %dma_start3A_1603 = tpu.memref_squeeze %dma_start3A_1602 : memref<1x128xi32, #tpu.memory_space<vmem>> -> memref<128xi32, #tpu.memory_space<vmem>>
    %dma_start3A_1604 = arith.constant 0 : i32
    %dma_start3A_1605 = arith.constant 0 : i32
    %dma_start3A_1606 = tpu.memref_slice %arg11[%dma_start3A_1604, %dma_start3A_1605] : memref<1000000x16xf32, #tpu.memory_space<hbm>> -> memref<1000000x16xf32, #tpu.memory_space<hbm>>
    tpu.enqueue_indirect_dma source(%dma_start3A_1606 : memref<1000000x16xf32, #tpu.memory_space<hbm>>) target(%dma_start3A_1600 : memref<128x16xf32, #tpu.memory_space<vmem>>) offsets(%dma_start3A_1603 : memref<128xi32, #tpu.memory_space<vmem>>) semaphore(%arg23 : memref<!tpu.dma_semaphore, #tpu.memory_space<semaphore_mem>>)
    %dma_start3A_1607 = arith.constant 62 : i32
    %dma_start3A_1608 = arith.constant 768 : i32
    %dma_start3A_1609 = arith.constant 0 : i32
    %dma_start3A_1610 = tpu.memref_slice %arg21[%dma_start3A_1608, %dma_start3A_1609] : memref<1024x16xf32, #tpu.memory_space<vmem>> -> memref<128x16xf32, #tpu.memory_space<vmem>>
    %dma_start3A_1611 = arith.constant 0 : i32
    %dma_start3A_1612 = tpu.memref_slice %arg18[%dma_start3A_1607, %dma_start3A_1611] : memref<80x128xi32, #tpu.memory_space<vmem>> -> memref<1x128xi32, #tpu.memory_space<vmem>>
    %dma_start3A_1613 = tpu.memref_squeeze %dma_start3A_1612 : memref<1x128xi32, #tpu.memory_space<vmem>> -> memref<128xi32, #tpu.memory_space<vmem>>
    %dma_start3A_1614 = arith.constant 0 : i32
    %dma_start3A_1615 = arith.constant 0 : i32
    %dma_start3A_1616 = tpu.memref_slice %arg11[%dma_start3A_1614, %dma_start3A_1615] : memref<1000000x16xf32, #tpu.memory_space<hbm>> -> memref<1000000x16xf32, #tpu.memory_space<hbm>>
    tpu.enqueue_indirect_dma source(%dma_start3A_1616 : memref<1000000x16xf32, #tpu.memory_space<hbm>>) target(%dma_start3A_1610 : memref<128x16xf32, #tpu.memory_space<vmem>>) offsets(%dma_start3A_1613 : memref<128xi32, #tpu.memory_space<vmem>>) semaphore(%arg23 : memref<!tpu.dma_semaphore, #tpu.memory_space<semaphore_mem>>)
    %dma_start3A_1617 = arith.constant 63 : i32
    %dma_start3A_1618 = arith.constant 896 : i32
    %dma_start3A_1619 = arith.constant 0 : i32
    %dma_start3A_1620 = tpu.memref_slice %arg21[%dma_start3A_1618, %dma_start3A_1619] : memref<1024x16xf32, #tpu.memory_space<vmem>> -> memref<128x16xf32, #tpu.memory_space<vmem>>
    %dma_start3A_1621 = arith.constant 0 : i32
    %dma_start3A_1622 = tpu.memref_slice %arg18[%dma_start3A_1617, %dma_start3A_1621] : memref<80x128xi32, #tpu.memory_space<vmem>> -> memref<1x128xi32, #tpu.memory_space<vmem>>
    %dma_start3A_1623 = tpu.memref_squeeze %dma_start3A_1622 : memref<1x128xi32, #tpu.memory_space<vmem>> -> memref<128xi32, #tpu.memory_space<vmem>>
    %dma_start3A_1624 = arith.constant 0 : i32
    %dma_start3A_1625 = arith.constant 0 : i32
    %dma_start3A_1626 = tpu.memref_slice %arg11[%dma_start3A_1624, %dma_start3A_1625] : memref<1000000x16xf32, #tpu.memory_space<hbm>> -> memref<1000000x16xf32, #tpu.memory_space<hbm>>
    tpu.enqueue_indirect_dma source(%dma_start3A_1626 : memref<1000000x16xf32, #tpu.memory_space<hbm>>) target(%dma_start3A_1620 : memref<128x16xf32, #tpu.memory_space<vmem>>) offsets(%dma_start3A_1623 : memref<128xi32, #tpu.memory_space<vmem>>) semaphore(%arg23 : memref<!tpu.dma_semaphore, #tpu.memory_space<semaphore_mem>>)
    %dma_wait3A_1627 = arith.constant 56 : i32
    %dma_wait3A_1628 = arith.constant 0 : i32
    %dma_wait3A_1629 = arith.constant 0 : i32
    %dma_wait3A_1630 = tpu.memref_slice %arg21[%dma_wait3A_1628, %dma_wait3A_1629] : memref<1024x16xf32, #tpu.memory_space<vmem>> -> memref<128x16xf32, #tpu.memory_space<vmem>>
    %dma_wait3A_1631 = arith.constant 0 : i32
    %dma_wait3A_1632 = tpu.memref_slice %arg18[%dma_wait3A_1627, %dma_wait3A_1631] : memref<80x128xi32, #tpu.memory_space<vmem>> -> memref<1x128xi32, #tpu.memory_space<vmem>>
    %dma_wait3A_1633 = tpu.memref_squeeze %dma_wait3A_1632 : memref<1x128xi32, #tpu.memory_space<vmem>> -> memref<128xi32, #tpu.memory_space<vmem>>
    %dma_wait3A_1634 = arith.constant 0 : i32
    %dma_wait3A_1635 = arith.constant 0 : i32
    %dma_wait3A_1636 = tpu.memref_slice %arg11[%dma_wait3A_1634, %dma_wait3A_1635] : memref<1000000x16xf32, #tpu.memory_space<hbm>> -> memref<1000000x16xf32, #tpu.memory_space<hbm>>
    tpu.wait_indirect_dma semaphore(%arg23 : memref<!tpu.dma_semaphore, #tpu.memory_space<semaphore_mem>>) src(%dma_wait3A_1636 : memref<1000000x16xf32, #tpu.memory_space<hbm>>) dst(%dma_wait3A_1630 : memref<128x16xf32, #tpu.memory_space<vmem>>)
    %dma_wait3A_1637 = arith.constant 57 : i32
    %dma_wait3A_1638 = arith.constant 128 : i32
    %dma_wait3A_1639 = arith.constant 0 : i32
    %dma_wait3A_1640 = tpu.memref_slice %arg21[%dma_wait3A_1638, %dma_wait3A_1639] : memref<1024x16xf32, #tpu.memory_space<vmem>> -> memref<128x16xf32, #tpu.memory_space<vmem>>
    %dma_wait3A_1641 = arith.constant 0 : i32
    %dma_wait3A_1642 = tpu.memref_slice %arg18[%dma_wait3A_1637, %dma_wait3A_1641] : memref<80x128xi32, #tpu.memory_space<vmem>> -> memref<1x128xi32, #tpu.memory_space<vmem>>
    %dma_wait3A_1643 = tpu.memref_squeeze %dma_wait3A_1642 : memref<1x128xi32, #tpu.memory_space<vmem>> -> memref<128xi32, #tpu.memory_space<vmem>>
    %dma_wait3A_1644 = arith.constant 0 : i32
    %dma_wait3A_1645 = arith.constant 0 : i32
    %dma_wait3A_1646 = tpu.memref_slice %arg11[%dma_wait3A_1644, %dma_wait3A_1645] : memref<1000000x16xf32, #tpu.memory_space<hbm>> -> memref<1000000x16xf32, #tpu.memory_space<hbm>>
    tpu.wait_indirect_dma semaphore(%arg23 : memref<!tpu.dma_semaphore, #tpu.memory_space<semaphore_mem>>) src(%dma_wait3A_1646 : memref<1000000x16xf32, #tpu.memory_space<hbm>>) dst(%dma_wait3A_1640 : memref<128x16xf32, #tpu.memory_space<vmem>>)
    %dma_wait3A_1647 = arith.constant 58 : i32
    %dma_wait3A_1648 = arith.constant 256 : i32
    %dma_wait3A_1649 = arith.constant 0 : i32
    %dma_wait3A_1650 = tpu.memref_slice %arg21[%dma_wait3A_1648, %dma_wait3A_1649] : memref<1024x16xf32, #tpu.memory_space<vmem>> -> memref<128x16xf32, #tpu.memory_space<vmem>>
    %dma_wait3A_1651 = arith.constant 0 : i32
    %dma_wait3A_1652 = tpu.memref_slice %arg18[%dma_wait3A_1647, %dma_wait3A_1651] : memref<80x128xi32, #tpu.memory_space<vmem>> -> memref<1x128xi32, #tpu.memory_space<vmem>>
    %dma_wait3A_1653 = tpu.memref_squeeze %dma_wait3A_1652 : memref<1x128xi32, #tpu.memory_space<vmem>> -> memref<128xi32, #tpu.memory_space<vmem>>
    %dma_wait3A_1654 = arith.constant 0 : i32
    %dma_wait3A_1655 = arith.constant 0 : i32
    %dma_wait3A_1656 = tpu.memref_slice %arg11[%dma_wait3A_1654, %dma_wait3A_1655] : memref<1000000x16xf32, #tpu.memory_space<hbm>> -> memref<1000000x16xf32, #tpu.memory_space<hbm>>
    tpu.wait_indirect_dma semaphore(%arg23 : memref<!tpu.dma_semaphore, #tpu.memory_space<semaphore_mem>>) src(%dma_wait3A_1656 : memref<1000000x16xf32, #tpu.memory_space<hbm>>) dst(%dma_wait3A_1650 : memref<128x16xf32, #tpu.memory_space<vmem>>)
    %dma_wait3A_1657 = arith.constant 59 : i32
    %dma_wait3A_1658 = arith.constant 384 : i32
    %dma_wait3A_1659 = arith.constant 0 : i32
    %dma_wait3A_1660 = tpu.memref_slice %arg21[%dma_wait3A_1658, %dma_wait3A_1659] : memref<1024x16xf32, #tpu.memory_space<vmem>> -> memref<128x16xf32, #tpu.memory_space<vmem>>
    %dma_wait3A_1661 = arith.constant 0 : i32
    %dma_wait3A_1662 = tpu.memref_slice %arg18[%dma_wait3A_1657, %dma_wait3A_1661] : memref<80x128xi32, #tpu.memory_space<vmem>> -> memref<1x128xi32, #tpu.memory_space<vmem>>
    %dma_wait3A_1663 = tpu.memref_squeeze %dma_wait3A_1662 : memref<1x128xi32, #tpu.memory_space<vmem>> -> memref<128xi32, #tpu.memory_space<vmem>>
    %dma_wait3A_1664 = arith.constant 0 : i32
    %dma_wait3A_1665 = arith.constant 0 : i32
    %dma_wait3A_1666 = tpu.memref_slice %arg11[%dma_wait3A_1664, %dma_wait3A_1665] : memref<1000000x16xf32, #tpu.memory_space<hbm>> -> memref<1000000x16xf32, #tpu.memory_space<hbm>>
    tpu.wait_indirect_dma semaphore(%arg23 : memref<!tpu.dma_semaphore, #tpu.memory_space<semaphore_mem>>) src(%dma_wait3A_1666 : memref<1000000x16xf32, #tpu.memory_space<hbm>>) dst(%dma_wait3A_1660 : memref<128x16xf32, #tpu.memory_space<vmem>>)
    %dma_wait3A_1667 = arith.constant 60 : i32
    %dma_wait3A_1668 = arith.constant 512 : i32
    %dma_wait3A_1669 = arith.constant 0 : i32
    %dma_wait3A_1670 = tpu.memref_slice %arg21[%dma_wait3A_1668, %dma_wait3A_1669] : memref<1024x16xf32, #tpu.memory_space<vmem>> -> memref<128x16xf32, #tpu.memory_space<vmem>>
    %dma_wait3A_1671 = arith.constant 0 : i32
    %dma_wait3A_1672 = tpu.memref_slice %arg18[%dma_wait3A_1667, %dma_wait3A_1671] : memref<80x128xi32, #tpu.memory_space<vmem>> -> memref<1x128xi32, #tpu.memory_space<vmem>>
    %dma_wait3A_1673 = tpu.memref_squeeze %dma_wait3A_1672 : memref<1x128xi32, #tpu.memory_space<vmem>> -> memref<128xi32, #tpu.memory_space<vmem>>
    %dma_wait3A_1674 = arith.constant 0 : i32
    %dma_wait3A_1675 = arith.constant 0 : i32
    %dma_wait3A_1676 = tpu.memref_slice %arg11[%dma_wait3A_1674, %dma_wait3A_1675] : memref<1000000x16xf32, #tpu.memory_space<hbm>> -> memref<1000000x16xf32, #tpu.memory_space<hbm>>
    tpu.wait_indirect_dma semaphore(%arg23 : memref<!tpu.dma_semaphore, #tpu.memory_space<semaphore_mem>>) src(%dma_wait3A_1676 : memref<1000000x16xf32, #tpu.memory_space<hbm>>) dst(%dma_wait3A_1670 : memref<128x16xf32, #tpu.memory_space<vmem>>)
    %dma_wait3A_1677 = arith.constant 61 : i32
    %dma_wait3A_1678 = arith.constant 640 : i32
    %dma_wait3A_1679 = arith.constant 0 : i32
    %dma_wait3A_1680 = tpu.memref_slice %arg21[%dma_wait3A_1678, %dma_wait3A_1679] : memref<1024x16xf32, #tpu.memory_space<vmem>> -> memref<128x16xf32, #tpu.memory_space<vmem>>
    %dma_wait3A_1681 = arith.constant 0 : i32
    %dma_wait3A_1682 = tpu.memref_slice %arg18[%dma_wait3A_1677, %dma_wait3A_1681] : memref<80x128xi32, #tpu.memory_space<vmem>> -> memref<1x128xi32, #tpu.memory_space<vmem>>
    %dma_wait3A_1683 = tpu.memref_squeeze %dma_wait3A_1682 : memref<1x128xi32, #tpu.memory_space<vmem>> -> memref<128xi32, #tpu.memory_space<vmem>>
    %dma_wait3A_1684 = arith.constant 0 : i32
    %dma_wait3A_1685 = arith.constant 0 : i32
    %dma_wait3A_1686 = tpu.memref_slice %arg11[%dma_wait3A_1684, %dma_wait3A_1685] : memref<1000000x16xf32, #tpu.memory_space<hbm>> -> memref<1000000x16xf32, #tpu.memory_space<hbm>>
    tpu.wait_indirect_dma semaphore(%arg23 : memref<!tpu.dma_semaphore, #tpu.memory_space<semaphore_mem>>) src(%dma_wait3A_1686 : memref<1000000x16xf32, #tpu.memory_space<hbm>>) dst(%dma_wait3A_1680 : memref<128x16xf32, #tpu.memory_space<vmem>>)
    %dma_wait3A_1687 = arith.constant 62 : i32
    %dma_wait3A_1688 = arith.constant 768 : i32
    %dma_wait3A_1689 = arith.constant 0 : i32
    %dma_wait3A_1690 = tpu.memref_slice %arg21[%dma_wait3A_1688, %dma_wait3A_1689] : memref<1024x16xf32, #tpu.memory_space<vmem>> -> memref<128x16xf32, #tpu.memory_space<vmem>>
    %dma_wait3A_1691 = arith.constant 0 : i32
    %dma_wait3A_1692 = tpu.memref_slice %arg18[%dma_wait3A_1687, %dma_wait3A_1691] : memref<80x128xi32, #tpu.memory_space<vmem>> -> memref<1x128xi32, #tpu.memory_space<vmem>>
    %dma_wait3A_1693 = tpu.memref_squeeze %dma_wait3A_1692 : memref<1x128xi32, #tpu.memory_space<vmem>> -> memref<128xi32, #tpu.memory_space<vmem>>
    %dma_wait3A_1694 = arith.constant 0 : i32
    %dma_wait3A_1695 = arith.constant 0 : i32
    %dma_wait3A_1696 = tpu.memref_slice %arg11[%dma_wait3A_1694, %dma_wait3A_1695] : memref<1000000x16xf32, #tpu.memory_space<hbm>> -> memref<1000000x16xf32, #tpu.memory_space<hbm>>
    tpu.wait_indirect_dma semaphore(%arg23 : memref<!tpu.dma_semaphore, #tpu.memory_space<semaphore_mem>>) src(%dma_wait3A_1696 : memref<1000000x16xf32, #tpu.memory_space<hbm>>) dst(%dma_wait3A_1690 : memref<128x16xf32, #tpu.memory_space<vmem>>)
    %dma_wait3A_1697 = arith.constant 63 : i32
    %dma_wait3A_1698 = arith.constant 896 : i32
    %dma_wait3A_1699 = arith.constant 0 : i32
    %dma_wait3A_1700 = tpu.memref_slice %arg21[%dma_wait3A_1698, %dma_wait3A_1699] : memref<1024x16xf32, #tpu.memory_space<vmem>> -> memref<128x16xf32, #tpu.memory_space<vmem>>
    %dma_wait3A_1701 = arith.constant 0 : i32
    %dma_wait3A_1702 = tpu.memref_slice %arg18[%dma_wait3A_1697, %dma_wait3A_1701] : memref<80x128xi32, #tpu.memory_space<vmem>> -> memref<1x128xi32, #tpu.memory_space<vmem>>
    %dma_wait3A_1703 = tpu.memref_squeeze %dma_wait3A_1702 : memref<1x128xi32, #tpu.memory_space<vmem>> -> memref<128xi32, #tpu.memory_space<vmem>>
    %dma_wait3A_1704 = arith.constant 0 : i32
    %dma_wait3A_1705 = arith.constant 0 : i32
    %dma_wait3A_1706 = tpu.memref_slice %arg11[%dma_wait3A_1704, %dma_wait3A_1705] : memref<1000000x16xf32, #tpu.memory_space<hbm>> -> memref<1000000x16xf32, #tpu.memory_space<hbm>>
    tpu.wait_indirect_dma semaphore(%arg23 : memref<!tpu.dma_semaphore, #tpu.memory_space<semaphore_mem>>) src(%dma_wait3A_1706 : memref<1000000x16xf32, #tpu.memory_space<hbm>>) dst(%dma_wait3A_1700 : memref<128x16xf32, #tpu.memory_space<vmem>>)
    %add3A_1707 = arith.constant 7168 : i32
    %add3A_1708 = arith.addi %mul3A_4, %add3A_1707 : i32
    "tpu.region"() ({
      %run_scoped3A = tpu.sem_alloc : memref<!tpu.dma_semaphore, #tpu.memory_space<semaphore_mem>>
      %dma_start3A_2033 = arith.constant 0 : i32
      %dma_start3A_2034 = tpu.memref_slice %arg12[%add3A_1708, %dma_start3A_2033] : memref<327680x16xf32, #tpu.memory_space<hbm>> -> memref<1024x16xf32, #tpu.memory_space<hbm>>
      %dma_start3A_2035 = arith.constant 0 : i32
      %dma_start3A_2036 = tpu.memref_slice %arg12[%add3A_1708, %dma_start3A_2035] : memref<327680x16xf32, #tpu.memory_space<hbm>> -> memref<1024x16xf32, #tpu.memory_space<hbm>>
      tpu.enqueue_dma source(%arg21 : memref<1024x16xf32, #tpu.memory_space<vmem>>) target(%dma_start3A_2036 : memref<1024x16xf32, #tpu.memory_space<hbm>>) target_semaphore(%run_scoped3A : memref<!tpu.dma_semaphore, #tpu.memory_space<semaphore_mem>>)
      %dma_wait3A_2037 = arith.constant 0 : i32
      %dma_wait3A_2038 = tpu.memref_slice %arg12[%add3A_1708, %dma_wait3A_2037] : memref<327680x16xf32, #tpu.memory_space<hbm>> -> memref<1024x16xf32, #tpu.memory_space<hbm>>
      %dma_wait3A_2039 = arith.constant 0 : i32
      %dma_wait3A_2040 = tpu.memref_slice %arg12[%add3A_1708, %dma_wait3A_2039] : memref<327680x16xf32, #tpu.memory_space<hbm>> -> memref<1024x16xf32, #tpu.memory_space<hbm>>
      tpu.wait_dma2 semaphore(%run_scoped3A : memref<!tpu.dma_semaphore, #tpu.memory_space<semaphore_mem>>) src(%arg21 : memref<1024x16xf32, #tpu.memory_space<vmem>>) dst(%dma_wait3A_2040 : memref<1024x16xf32, #tpu.memory_space<hbm>>)
      tpu.yield
    }) : () -> ()
    %dma_start3A_1709 = arith.constant 64 : i32
    %dma_start3A_1710 = arith.constant 0 : i32
    %dma_start3A_1711 = arith.constant 0 : i32
    %dma_start3A_1712 = tpu.memref_slice %arg21[%dma_start3A_1710, %dma_start3A_1711] : memref<1024x16xf32, #tpu.memory_space<vmem>> -> memref<128x16xf32, #tpu.memory_space<vmem>>
    %dma_start3A_1713 = arith.constant 0 : i32
    %dma_start3A_1714 = tpu.memref_slice %arg18[%dma_start3A_1709, %dma_start3A_1713] : memref<80x128xi32, #tpu.memory_space<vmem>> -> memref<1x128xi32, #tpu.memory_space<vmem>>
    %dma_start3A_1715 = tpu.memref_squeeze %dma_start3A_1714 : memref<1x128xi32, #tpu.memory_space<vmem>> -> memref<128xi32, #tpu.memory_space<vmem>>
    %dma_start3A_1716 = arith.constant 0 : i32
    %dma_start3A_1717 = arith.constant 0 : i32
    %dma_start3A_1718 = tpu.memref_slice %arg11[%dma_start3A_1716, %dma_start3A_1717] : memref<1000000x16xf32, #tpu.memory_space<hbm>> -> memref<1000000x16xf32, #tpu.memory_space<hbm>>
    tpu.enqueue_indirect_dma source(%dma_start3A_1718 : memref<1000000x16xf32, #tpu.memory_space<hbm>>) target(%dma_start3A_1712 : memref<128x16xf32, #tpu.memory_space<vmem>>) offsets(%dma_start3A_1715 : memref<128xi32, #tpu.memory_space<vmem>>) semaphore(%arg23 : memref<!tpu.dma_semaphore, #tpu.memory_space<semaphore_mem>>)
    %dma_start3A_1719 = arith.constant 65 : i32
    %dma_start3A_1720 = arith.constant 128 : i32
    %dma_start3A_1721 = arith.constant 0 : i32
    %dma_start3A_1722 = tpu.memref_slice %arg21[%dma_start3A_1720, %dma_start3A_1721] : memref<1024x16xf32, #tpu.memory_space<vmem>> -> memref<128x16xf32, #tpu.memory_space<vmem>>
    %dma_start3A_1723 = arith.constant 0 : i32
    %dma_start3A_1724 = tpu.memref_slice %arg18[%dma_start3A_1719, %dma_start3A_1723] : memref<80x128xi32, #tpu.memory_space<vmem>> -> memref<1x128xi32, #tpu.memory_space<vmem>>
    %dma_start3A_1725 = tpu.memref_squeeze %dma_start3A_1724 : memref<1x128xi32, #tpu.memory_space<vmem>> -> memref<128xi32, #tpu.memory_space<vmem>>
    %dma_start3A_1726 = arith.constant 0 : i32
    %dma_start3A_1727 = arith.constant 0 : i32
    %dma_start3A_1728 = tpu.memref_slice %arg11[%dma_start3A_1726, %dma_start3A_1727] : memref<1000000x16xf32, #tpu.memory_space<hbm>> -> memref<1000000x16xf32, #tpu.memory_space<hbm>>
    tpu.enqueue_indirect_dma source(%dma_start3A_1728 : memref<1000000x16xf32, #tpu.memory_space<hbm>>) target(%dma_start3A_1722 : memref<128x16xf32, #tpu.memory_space<vmem>>) offsets(%dma_start3A_1725 : memref<128xi32, #tpu.memory_space<vmem>>) semaphore(%arg23 : memref<!tpu.dma_semaphore, #tpu.memory_space<semaphore_mem>>)
    %dma_start3A_1729 = arith.constant 66 : i32
    %dma_start3A_1730 = arith.constant 256 : i32
    %dma_start3A_1731 = arith.constant 0 : i32
    %dma_start3A_1732 = tpu.memref_slice %arg21[%dma_start3A_1730, %dma_start3A_1731] : memref<1024x16xf32, #tpu.memory_space<vmem>> -> memref<128x16xf32, #tpu.memory_space<vmem>>
    %dma_start3A_1733 = arith.constant 0 : i32
    %dma_start3A_1734 = tpu.memref_slice %arg18[%dma_start3A_1729, %dma_start3A_1733] : memref<80x128xi32, #tpu.memory_space<vmem>> -> memref<1x128xi32, #tpu.memory_space<vmem>>
    %dma_start3A_1735 = tpu.memref_squeeze %dma_start3A_1734 : memref<1x128xi32, #tpu.memory_space<vmem>> -> memref<128xi32, #tpu.memory_space<vmem>>
    %dma_start3A_1736 = arith.constant 0 : i32
    %dma_start3A_1737 = arith.constant 0 : i32
    %dma_start3A_1738 = tpu.memref_slice %arg11[%dma_start3A_1736, %dma_start3A_1737] : memref<1000000x16xf32, #tpu.memory_space<hbm>> -> memref<1000000x16xf32, #tpu.memory_space<hbm>>
    tpu.enqueue_indirect_dma source(%dma_start3A_1738 : memref<1000000x16xf32, #tpu.memory_space<hbm>>) target(%dma_start3A_1732 : memref<128x16xf32, #tpu.memory_space<vmem>>) offsets(%dma_start3A_1735 : memref<128xi32, #tpu.memory_space<vmem>>) semaphore(%arg23 : memref<!tpu.dma_semaphore, #tpu.memory_space<semaphore_mem>>)
    %dma_start3A_1739 = arith.constant 67 : i32
    %dma_start3A_1740 = arith.constant 384 : i32
    %dma_start3A_1741 = arith.constant 0 : i32
    %dma_start3A_1742 = tpu.memref_slice %arg21[%dma_start3A_1740, %dma_start3A_1741] : memref<1024x16xf32, #tpu.memory_space<vmem>> -> memref<128x16xf32, #tpu.memory_space<vmem>>
    %dma_start3A_1743 = arith.constant 0 : i32
    %dma_start3A_1744 = tpu.memref_slice %arg18[%dma_start3A_1739, %dma_start3A_1743] : memref<80x128xi32, #tpu.memory_space<vmem>> -> memref<1x128xi32, #tpu.memory_space<vmem>>
    %dma_start3A_1745 = tpu.memref_squeeze %dma_start3A_1744 : memref<1x128xi32, #tpu.memory_space<vmem>> -> memref<128xi32, #tpu.memory_space<vmem>>
    %dma_start3A_1746 = arith.constant 0 : i32
    %dma_start3A_1747 = arith.constant 0 : i32
    %dma_start3A_1748 = tpu.memref_slice %arg11[%dma_start3A_1746, %dma_start3A_1747] : memref<1000000x16xf32, #tpu.memory_space<hbm>> -> memref<1000000x16xf32, #tpu.memory_space<hbm>>
    tpu.enqueue_indirect_dma source(%dma_start3A_1748 : memref<1000000x16xf32, #tpu.memory_space<hbm>>) target(%dma_start3A_1742 : memref<128x16xf32, #tpu.memory_space<vmem>>) offsets(%dma_start3A_1745 : memref<128xi32, #tpu.memory_space<vmem>>) semaphore(%arg23 : memref<!tpu.dma_semaphore, #tpu.memory_space<semaphore_mem>>)
    %dma_start3A_1749 = arith.constant 68 : i32
    %dma_start3A_1750 = arith.constant 512 : i32
    %dma_start3A_1751 = arith.constant 0 : i32
    %dma_start3A_1752 = tpu.memref_slice %arg21[%dma_start3A_1750, %dma_start3A_1751] : memref<1024x16xf32, #tpu.memory_space<vmem>> -> memref<128x16xf32, #tpu.memory_space<vmem>>
    %dma_start3A_1753 = arith.constant 0 : i32
    %dma_start3A_1754 = tpu.memref_slice %arg18[%dma_start3A_1749, %dma_start3A_1753] : memref<80x128xi32, #tpu.memory_space<vmem>> -> memref<1x128xi32, #tpu.memory_space<vmem>>
    %dma_start3A_1755 = tpu.memref_squeeze %dma_start3A_1754 : memref<1x128xi32, #tpu.memory_space<vmem>> -> memref<128xi32, #tpu.memory_space<vmem>>
    %dma_start3A_1756 = arith.constant 0 : i32
    %dma_start3A_1757 = arith.constant 0 : i32
    %dma_start3A_1758 = tpu.memref_slice %arg11[%dma_start3A_1756, %dma_start3A_1757] : memref<1000000x16xf32, #tpu.memory_space<hbm>> -> memref<1000000x16xf32, #tpu.memory_space<hbm>>
    tpu.enqueue_indirect_dma source(%dma_start3A_1758 : memref<1000000x16xf32, #tpu.memory_space<hbm>>) target(%dma_start3A_1752 : memref<128x16xf32, #tpu.memory_space<vmem>>) offsets(%dma_start3A_1755 : memref<128xi32, #tpu.memory_space<vmem>>) semaphore(%arg23 : memref<!tpu.dma_semaphore, #tpu.memory_space<semaphore_mem>>)
    %dma_start3A_1759 = arith.constant 69 : i32
    %dma_start3A_1760 = arith.constant 640 : i32
    %dma_start3A_1761 = arith.constant 0 : i32
    %dma_start3A_1762 = tpu.memref_slice %arg21[%dma_start3A_1760, %dma_start3A_1761] : memref<1024x16xf32, #tpu.memory_space<vmem>> -> memref<128x16xf32, #tpu.memory_space<vmem>>
    %dma_start3A_1763 = arith.constant 0 : i32
    %dma_start3A_1764 = tpu.memref_slice %arg18[%dma_start3A_1759, %dma_start3A_1763] : memref<80x128xi32, #tpu.memory_space<vmem>> -> memref<1x128xi32, #tpu.memory_space<vmem>>
    %dma_start3A_1765 = tpu.memref_squeeze %dma_start3A_1764 : memref<1x128xi32, #tpu.memory_space<vmem>> -> memref<128xi32, #tpu.memory_space<vmem>>
    %dma_start3A_1766 = arith.constant 0 : i32
    %dma_start3A_1767 = arith.constant 0 : i32
    %dma_start3A_1768 = tpu.memref_slice %arg11[%dma_start3A_1766, %dma_start3A_1767] : memref<1000000x16xf32, #tpu.memory_space<hbm>> -> memref<1000000x16xf32, #tpu.memory_space<hbm>>
    tpu.enqueue_indirect_dma source(%dma_start3A_1768 : memref<1000000x16xf32, #tpu.memory_space<hbm>>) target(%dma_start3A_1762 : memref<128x16xf32, #tpu.memory_space<vmem>>) offsets(%dma_start3A_1765 : memref<128xi32, #tpu.memory_space<vmem>>) semaphore(%arg23 : memref<!tpu.dma_semaphore, #tpu.memory_space<semaphore_mem>>)
    %dma_start3A_1769 = arith.constant 70 : i32
    %dma_start3A_1770 = arith.constant 768 : i32
    %dma_start3A_1771 = arith.constant 0 : i32
    %dma_start3A_1772 = tpu.memref_slice %arg21[%dma_start3A_1770, %dma_start3A_1771] : memref<1024x16xf32, #tpu.memory_space<vmem>> -> memref<128x16xf32, #tpu.memory_space<vmem>>
    %dma_start3A_1773 = arith.constant 0 : i32
    %dma_start3A_1774 = tpu.memref_slice %arg18[%dma_start3A_1769, %dma_start3A_1773] : memref<80x128xi32, #tpu.memory_space<vmem>> -> memref<1x128xi32, #tpu.memory_space<vmem>>
    %dma_start3A_1775 = tpu.memref_squeeze %dma_start3A_1774 : memref<1x128xi32, #tpu.memory_space<vmem>> -> memref<128xi32, #tpu.memory_space<vmem>>
    %dma_start3A_1776 = arith.constant 0 : i32
    %dma_start3A_1777 = arith.constant 0 : i32
    %dma_start3A_1778 = tpu.memref_slice %arg11[%dma_start3A_1776, %dma_start3A_1777] : memref<1000000x16xf32, #tpu.memory_space<hbm>> -> memref<1000000x16xf32, #tpu.memory_space<hbm>>
    tpu.enqueue_indirect_dma source(%dma_start3A_1778 : memref<1000000x16xf32, #tpu.memory_space<hbm>>) target(%dma_start3A_1772 : memref<128x16xf32, #tpu.memory_space<vmem>>) offsets(%dma_start3A_1775 : memref<128xi32, #tpu.memory_space<vmem>>) semaphore(%arg23 : memref<!tpu.dma_semaphore, #tpu.memory_space<semaphore_mem>>)
    %dma_start3A_1779 = arith.constant 71 : i32
    %dma_start3A_1780 = arith.constant 896 : i32
    %dma_start3A_1781 = arith.constant 0 : i32
    %dma_start3A_1782 = tpu.memref_slice %arg21[%dma_start3A_1780, %dma_start3A_1781] : memref<1024x16xf32, #tpu.memory_space<vmem>> -> memref<128x16xf32, #tpu.memory_space<vmem>>
    %dma_start3A_1783 = arith.constant 0 : i32
    %dma_start3A_1784 = tpu.memref_slice %arg18[%dma_start3A_1779, %dma_start3A_1783] : memref<80x128xi32, #tpu.memory_space<vmem>> -> memref<1x128xi32, #tpu.memory_space<vmem>>
    %dma_start3A_1785 = tpu.memref_squeeze %dma_start3A_1784 : memref<1x128xi32, #tpu.memory_space<vmem>> -> memref<128xi32, #tpu.memory_space<vmem>>
    %dma_start3A_1786 = arith.constant 0 : i32
    %dma_start3A_1787 = arith.constant 0 : i32
    %dma_start3A_1788 = tpu.memref_slice %arg11[%dma_start3A_1786, %dma_start3A_1787] : memref<1000000x16xf32, #tpu.memory_space<hbm>> -> memref<1000000x16xf32, #tpu.memory_space<hbm>>
    tpu.enqueue_indirect_dma source(%dma_start3A_1788 : memref<1000000x16xf32, #tpu.memory_space<hbm>>) target(%dma_start3A_1782 : memref<128x16xf32, #tpu.memory_space<vmem>>) offsets(%dma_start3A_1785 : memref<128xi32, #tpu.memory_space<vmem>>) semaphore(%arg23 : memref<!tpu.dma_semaphore, #tpu.memory_space<semaphore_mem>>)
    %dma_wait3A_1789 = arith.constant 64 : i32
    %dma_wait3A_1790 = arith.constant 0 : i32
    %dma_wait3A_1791 = arith.constant 0 : i32
    %dma_wait3A_1792 = tpu.memref_slice %arg21[%dma_wait3A_1790, %dma_wait3A_1791] : memref<1024x16xf32, #tpu.memory_space<vmem>> -> memref<128x16xf32, #tpu.memory_space<vmem>>
    %dma_wait3A_1793 = arith.constant 0 : i32
    %dma_wait3A_1794 = tpu.memref_slice %arg18[%dma_wait3A_1789, %dma_wait3A_1793] : memref<80x128xi32, #tpu.memory_space<vmem>> -> memref<1x128xi32, #tpu.memory_space<vmem>>
    %dma_wait3A_1795 = tpu.memref_squeeze %dma_wait3A_1794 : memref<1x128xi32, #tpu.memory_space<vmem>> -> memref<128xi32, #tpu.memory_space<vmem>>
    %dma_wait3A_1796 = arith.constant 0 : i32
    %dma_wait3A_1797 = arith.constant 0 : i32
    %dma_wait3A_1798 = tpu.memref_slice %arg11[%dma_wait3A_1796, %dma_wait3A_1797] : memref<1000000x16xf32, #tpu.memory_space<hbm>> -> memref<1000000x16xf32, #tpu.memory_space<hbm>>
    tpu.wait_indirect_dma semaphore(%arg23 : memref<!tpu.dma_semaphore, #tpu.memory_space<semaphore_mem>>) src(%dma_wait3A_1798 : memref<1000000x16xf32, #tpu.memory_space<hbm>>) dst(%dma_wait3A_1792 : memref<128x16xf32, #tpu.memory_space<vmem>>)
    %dma_wait3A_1799 = arith.constant 65 : i32
    %dma_wait3A_1800 = arith.constant 128 : i32
    %dma_wait3A_1801 = arith.constant 0 : i32
    %dma_wait3A_1802 = tpu.memref_slice %arg21[%dma_wait3A_1800, %dma_wait3A_1801] : memref<1024x16xf32, #tpu.memory_space<vmem>> -> memref<128x16xf32, #tpu.memory_space<vmem>>
    %dma_wait3A_1803 = arith.constant 0 : i32
    %dma_wait3A_1804 = tpu.memref_slice %arg18[%dma_wait3A_1799, %dma_wait3A_1803] : memref<80x128xi32, #tpu.memory_space<vmem>> -> memref<1x128xi32, #tpu.memory_space<vmem>>
    %dma_wait3A_1805 = tpu.memref_squeeze %dma_wait3A_1804 : memref<1x128xi32, #tpu.memory_space<vmem>> -> memref<128xi32, #tpu.memory_space<vmem>>
    %dma_wait3A_1806 = arith.constant 0 : i32
    %dma_wait3A_1807 = arith.constant 0 : i32
    %dma_wait3A_1808 = tpu.memref_slice %arg11[%dma_wait3A_1806, %dma_wait3A_1807] : memref<1000000x16xf32, #tpu.memory_space<hbm>> -> memref<1000000x16xf32, #tpu.memory_space<hbm>>
    tpu.wait_indirect_dma semaphore(%arg23 : memref<!tpu.dma_semaphore, #tpu.memory_space<semaphore_mem>>) src(%dma_wait3A_1808 : memref<1000000x16xf32, #tpu.memory_space<hbm>>) dst(%dma_wait3A_1802 : memref<128x16xf32, #tpu.memory_space<vmem>>)
    %dma_wait3A_1809 = arith.constant 66 : i32
    %dma_wait3A_1810 = arith.constant 256 : i32
    %dma_wait3A_1811 = arith.constant 0 : i32
    %dma_wait3A_1812 = tpu.memref_slice %arg21[%dma_wait3A_1810, %dma_wait3A_1811] : memref<1024x16xf32, #tpu.memory_space<vmem>> -> memref<128x16xf32, #tpu.memory_space<vmem>>
    %dma_wait3A_1813 = arith.constant 0 : i32
    %dma_wait3A_1814 = tpu.memref_slice %arg18[%dma_wait3A_1809, %dma_wait3A_1813] : memref<80x128xi32, #tpu.memory_space<vmem>> -> memref<1x128xi32, #tpu.memory_space<vmem>>
    %dma_wait3A_1815 = tpu.memref_squeeze %dma_wait3A_1814 : memref<1x128xi32, #tpu.memory_space<vmem>> -> memref<128xi32, #tpu.memory_space<vmem>>
    %dma_wait3A_1816 = arith.constant 0 : i32
    %dma_wait3A_1817 = arith.constant 0 : i32
    %dma_wait3A_1818 = tpu.memref_slice %arg11[%dma_wait3A_1816, %dma_wait3A_1817] : memref<1000000x16xf32, #tpu.memory_space<hbm>> -> memref<1000000x16xf32, #tpu.memory_space<hbm>>
    tpu.wait_indirect_dma semaphore(%arg23 : memref<!tpu.dma_semaphore, #tpu.memory_space<semaphore_mem>>) src(%dma_wait3A_1818 : memref<1000000x16xf32, #tpu.memory_space<hbm>>) dst(%dma_wait3A_1812 : memref<128x16xf32, #tpu.memory_space<vmem>>)
    %dma_wait3A_1819 = arith.constant 67 : i32
    %dma_wait3A_1820 = arith.constant 384 : i32
    %dma_wait3A_1821 = arith.constant 0 : i32
    %dma_wait3A_1822 = tpu.memref_slice %arg21[%dma_wait3A_1820, %dma_wait3A_1821] : memref<1024x16xf32, #tpu.memory_space<vmem>> -> memref<128x16xf32, #tpu.memory_space<vmem>>
    %dma_wait3A_1823 = arith.constant 0 : i32
    %dma_wait3A_1824 = tpu.memref_slice %arg18[%dma_wait3A_1819, %dma_wait3A_1823] : memref<80x128xi32, #tpu.memory_space<vmem>> -> memref<1x128xi32, #tpu.memory_space<vmem>>
    %dma_wait3A_1825 = tpu.memref_squeeze %dma_wait3A_1824 : memref<1x128xi32, #tpu.memory_space<vmem>> -> memref<128xi32, #tpu.memory_space<vmem>>
    %dma_wait3A_1826 = arith.constant 0 : i32
    %dma_wait3A_1827 = arith.constant 0 : i32
    %dma_wait3A_1828 = tpu.memref_slice %arg11[%dma_wait3A_1826, %dma_wait3A_1827] : memref<1000000x16xf32, #tpu.memory_space<hbm>> -> memref<1000000x16xf32, #tpu.memory_space<hbm>>
    tpu.wait_indirect_dma semaphore(%arg23 : memref<!tpu.dma_semaphore, #tpu.memory_space<semaphore_mem>>) src(%dma_wait3A_1828 : memref<1000000x16xf32, #tpu.memory_space<hbm>>) dst(%dma_wait3A_1822 : memref<128x16xf32, #tpu.memory_space<vmem>>)
    %dma_wait3A_1829 = arith.constant 68 : i32
    %dma_wait3A_1830 = arith.constant 512 : i32
    %dma_wait3A_1831 = arith.constant 0 : i32
    %dma_wait3A_1832 = tpu.memref_slice %arg21[%dma_wait3A_1830, %dma_wait3A_1831] : memref<1024x16xf32, #tpu.memory_space<vmem>> -> memref<128x16xf32, #tpu.memory_space<vmem>>
    %dma_wait3A_1833 = arith.constant 0 : i32
    %dma_wait3A_1834 = tpu.memref_slice %arg18[%dma_wait3A_1829, %dma_wait3A_1833] : memref<80x128xi32, #tpu.memory_space<vmem>> -> memref<1x128xi32, #tpu.memory_space<vmem>>
    %dma_wait3A_1835 = tpu.memref_squeeze %dma_wait3A_1834 : memref<1x128xi32, #tpu.memory_space<vmem>> -> memref<128xi32, #tpu.memory_space<vmem>>
    %dma_wait3A_1836 = arith.constant 0 : i32
    %dma_wait3A_1837 = arith.constant 0 : i32
    %dma_wait3A_1838 = tpu.memref_slice %arg11[%dma_wait3A_1836, %dma_wait3A_1837] : memref<1000000x16xf32, #tpu.memory_space<hbm>> -> memref<1000000x16xf32, #tpu.memory_space<hbm>>
    tpu.wait_indirect_dma semaphore(%arg23 : memref<!tpu.dma_semaphore, #tpu.memory_space<semaphore_mem>>) src(%dma_wait3A_1838 : memref<1000000x16xf32, #tpu.memory_space<hbm>>) dst(%dma_wait3A_1832 : memref<128x16xf32, #tpu.memory_space<vmem>>)
    %dma_wait3A_1839 = arith.constant 69 : i32
    %dma_wait3A_1840 = arith.constant 640 : i32
    %dma_wait3A_1841 = arith.constant 0 : i32
    %dma_wait3A_1842 = tpu.memref_slice %arg21[%dma_wait3A_1840, %dma_wait3A_1841] : memref<1024x16xf32, #tpu.memory_space<vmem>> -> memref<128x16xf32, #tpu.memory_space<vmem>>
    %dma_wait3A_1843 = arith.constant 0 : i32
    %dma_wait3A_1844 = tpu.memref_slice %arg18[%dma_wait3A_1839, %dma_wait3A_1843] : memref<80x128xi32, #tpu.memory_space<vmem>> -> memref<1x128xi32, #tpu.memory_space<vmem>>
    %dma_wait3A_1845 = tpu.memref_squeeze %dma_wait3A_1844 : memref<1x128xi32, #tpu.memory_space<vmem>> -> memref<128xi32, #tpu.memory_space<vmem>>
    %dma_wait3A_1846 = arith.constant 0 : i32
    %dma_wait3A_1847 = arith.constant 0 : i32
    %dma_wait3A_1848 = tpu.memref_slice %arg11[%dma_wait3A_1846, %dma_wait3A_1847] : memref<1000000x16xf32, #tpu.memory_space<hbm>> -> memref<1000000x16xf32, #tpu.memory_space<hbm>>
    tpu.wait_indirect_dma semaphore(%arg23 : memref<!tpu.dma_semaphore, #tpu.memory_space<semaphore_mem>>) src(%dma_wait3A_1848 : memref<1000000x16xf32, #tpu.memory_space<hbm>>) dst(%dma_wait3A_1842 : memref<128x16xf32, #tpu.memory_space<vmem>>)
    %dma_wait3A_1849 = arith.constant 70 : i32
    %dma_wait3A_1850 = arith.constant 768 : i32
    %dma_wait3A_1851 = arith.constant 0 : i32
    %dma_wait3A_1852 = tpu.memref_slice %arg21[%dma_wait3A_1850, %dma_wait3A_1851] : memref<1024x16xf32, #tpu.memory_space<vmem>> -> memref<128x16xf32, #tpu.memory_space<vmem>>
    %dma_wait3A_1853 = arith.constant 0 : i32
    %dma_wait3A_1854 = tpu.memref_slice %arg18[%dma_wait3A_1849, %dma_wait3A_1853] : memref<80x128xi32, #tpu.memory_space<vmem>> -> memref<1x128xi32, #tpu.memory_space<vmem>>
    %dma_wait3A_1855 = tpu.memref_squeeze %dma_wait3A_1854 : memref<1x128xi32, #tpu.memory_space<vmem>> -> memref<128xi32, #tpu.memory_space<vmem>>
    %dma_wait3A_1856 = arith.constant 0 : i32
    %dma_wait3A_1857 = arith.constant 0 : i32
    %dma_wait3A_1858 = tpu.memref_slice %arg11[%dma_wait3A_1856, %dma_wait3A_1857] : memref<1000000x16xf32, #tpu.memory_space<hbm>> -> memref<1000000x16xf32, #tpu.memory_space<hbm>>
    tpu.wait_indirect_dma semaphore(%arg23 : memref<!tpu.dma_semaphore, #tpu.memory_space<semaphore_mem>>) src(%dma_wait3A_1858 : memref<1000000x16xf32, #tpu.memory_space<hbm>>) dst(%dma_wait3A_1852 : memref<128x16xf32, #tpu.memory_space<vmem>>)
    %dma_wait3A_1859 = arith.constant 71 : i32
    %dma_wait3A_1860 = arith.constant 896 : i32
    %dma_wait3A_1861 = arith.constant 0 : i32
    %dma_wait3A_1862 = tpu.memref_slice %arg21[%dma_wait3A_1860, %dma_wait3A_1861] : memref<1024x16xf32, #tpu.memory_space<vmem>> -> memref<128x16xf32, #tpu.memory_space<vmem>>
    %dma_wait3A_1863 = arith.constant 0 : i32
    %dma_wait3A_1864 = tpu.memref_slice %arg18[%dma_wait3A_1859, %dma_wait3A_1863] : memref<80x128xi32, #tpu.memory_space<vmem>> -> memref<1x128xi32, #tpu.memory_space<vmem>>
    %dma_wait3A_1865 = tpu.memref_squeeze %dma_wait3A_1864 : memref<1x128xi32, #tpu.memory_space<vmem>> -> memref<128xi32, #tpu.memory_space<vmem>>
    %dma_wait3A_1866 = arith.constant 0 : i32
    %dma_wait3A_1867 = arith.constant 0 : i32
    %dma_wait3A_1868 = tpu.memref_slice %arg11[%dma_wait3A_1866, %dma_wait3A_1867] : memref<1000000x16xf32, #tpu.memory_space<hbm>> -> memref<1000000x16xf32, #tpu.memory_space<hbm>>
    tpu.wait_indirect_dma semaphore(%arg23 : memref<!tpu.dma_semaphore, #tpu.memory_space<semaphore_mem>>) src(%dma_wait3A_1868 : memref<1000000x16xf32, #tpu.memory_space<hbm>>) dst(%dma_wait3A_1862 : memref<128x16xf32, #tpu.memory_space<vmem>>)
    %add3A_1869 = arith.constant 8192 : i32
    %add3A_1870 = arith.addi %mul3A_4, %add3A_1869 : i32
    "tpu.region"() ({
      %run_scoped3A = tpu.sem_alloc : memref<!tpu.dma_semaphore, #tpu.memory_space<semaphore_mem>>
      %dma_start3A_2033 = arith.constant 0 : i32
      %dma_start3A_2034 = tpu.memref_slice %arg12[%add3A_1870, %dma_start3A_2033] : memref<327680x16xf32, #tpu.memory_space<hbm>> -> memref<1024x16xf32, #tpu.memory_space<hbm>>
      %dma_start3A_2035 = arith.constant 0 : i32
      %dma_start3A_2036 = tpu.memref_slice %arg12[%add3A_1870, %dma_start3A_2035] : memref<327680x16xf32, #tpu.memory_space<hbm>> -> memref<1024x16xf32, #tpu.memory_space<hbm>>
      tpu.enqueue_dma source(%arg21 : memref<1024x16xf32, #tpu.memory_space<vmem>>) target(%dma_start3A_2036 : memref<1024x16xf32, #tpu.memory_space<hbm>>) target_semaphore(%run_scoped3A : memref<!tpu.dma_semaphore, #tpu.memory_space<semaphore_mem>>)
      %dma_wait3A_2037 = arith.constant 0 : i32
      %dma_wait3A_2038 = tpu.memref_slice %arg12[%add3A_1870, %dma_wait3A_2037] : memref<327680x16xf32, #tpu.memory_space<hbm>> -> memref<1024x16xf32, #tpu.memory_space<hbm>>
      %dma_wait3A_2039 = arith.constant 0 : i32
      %dma_wait3A_2040 = tpu.memref_slice %arg12[%add3A_1870, %dma_wait3A_2039] : memref<327680x16xf32, #tpu.memory_space<hbm>> -> memref<1024x16xf32, #tpu.memory_space<hbm>>
      tpu.wait_dma2 semaphore(%run_scoped3A : memref<!tpu.dma_semaphore, #tpu.memory_space<semaphore_mem>>) src(%arg21 : memref<1024x16xf32, #tpu.memory_space<vmem>>) dst(%dma_wait3A_2040 : memref<1024x16xf32, #tpu.memory_space<hbm>>)
      tpu.yield
    }) : () -> ()
    %dma_start3A_1871 = arith.constant 72 : i32
    %dma_start3A_1872 = arith.constant 0 : i32
    %dma_start3A_1873 = arith.constant 0 : i32
    %dma_start3A_1874 = tpu.memref_slice %arg21[%dma_start3A_1872, %dma_start3A_1873] : memref<1024x16xf32, #tpu.memory_space<vmem>> -> memref<128x16xf32, #tpu.memory_space<vmem>>
    %dma_start3A_1875 = arith.constant 0 : i32
    %dma_start3A_1876 = tpu.memref_slice %arg18[%dma_start3A_1871, %dma_start3A_1875] : memref<80x128xi32, #tpu.memory_space<vmem>> -> memref<1x128xi32, #tpu.memory_space<vmem>>
    %dma_start3A_1877 = tpu.memref_squeeze %dma_start3A_1876 : memref<1x128xi32, #tpu.memory_space<vmem>> -> memref<128xi32, #tpu.memory_space<vmem>>
    %dma_start3A_1878 = arith.constant 0 : i32
    %dma_start3A_1879 = arith.constant 0 : i32
    %dma_start3A_1880 = tpu.memref_slice %arg11[%dma_start3A_1878, %dma_start3A_1879] : memref<1000000x16xf32, #tpu.memory_space<hbm>> -> memref<1000000x16xf32, #tpu.memory_space<hbm>>
    tpu.enqueue_indirect_dma source(%dma_start3A_1880 : memref<1000000x16xf32, #tpu.memory_space<hbm>>) target(%dma_start3A_1874 : memref<128x16xf32, #tpu.memory_space<vmem>>) offsets(%dma_start3A_1877 : memref<128xi32, #tpu.memory_space<vmem>>) semaphore(%arg23 : memref<!tpu.dma_semaphore, #tpu.memory_space<semaphore_mem>>)
    %dma_start3A_1881 = arith.constant 73 : i32
    %dma_start3A_1882 = arith.constant 128 : i32
    %dma_start3A_1883 = arith.constant 0 : i32
    %dma_start3A_1884 = tpu.memref_slice %arg21[%dma_start3A_1882, %dma_start3A_1883] : memref<1024x16xf32, #tpu.memory_space<vmem>> -> memref<128x16xf32, #tpu.memory_space<vmem>>
    %dma_start3A_1885 = arith.constant 0 : i32
    %dma_start3A_1886 = tpu.memref_slice %arg18[%dma_start3A_1881, %dma_start3A_1885] : memref<80x128xi32, #tpu.memory_space<vmem>> -> memref<1x128xi32, #tpu.memory_space<vmem>>
    %dma_start3A_1887 = tpu.memref_squeeze %dma_start3A_1886 : memref<1x128xi32, #tpu.memory_space<vmem>> -> memref<128xi32, #tpu.memory_space<vmem>>
    %dma_start3A_1888 = arith.constant 0 : i32
    %dma_start3A_1889 = arith.constant 0 : i32
    %dma_start3A_1890 = tpu.memref_slice %arg11[%dma_start3A_1888, %dma_start3A_1889] : memref<1000000x16xf32, #tpu.memory_space<hbm>> -> memref<1000000x16xf32, #tpu.memory_space<hbm>>
    tpu.enqueue_indirect_dma source(%dma_start3A_1890 : memref<1000000x16xf32, #tpu.memory_space<hbm>>) target(%dma_start3A_1884 : memref<128x16xf32, #tpu.memory_space<vmem>>) offsets(%dma_start3A_1887 : memref<128xi32, #tpu.memory_space<vmem>>) semaphore(%arg23 : memref<!tpu.dma_semaphore, #tpu.memory_space<semaphore_mem>>)
    %dma_start3A_1891 = arith.constant 74 : i32
    %dma_start3A_1892 = arith.constant 256 : i32
    %dma_start3A_1893 = arith.constant 0 : i32
    %dma_start3A_1894 = tpu.memref_slice %arg21[%dma_start3A_1892, %dma_start3A_1893] : memref<1024x16xf32, #tpu.memory_space<vmem>> -> memref<128x16xf32, #tpu.memory_space<vmem>>
    %dma_start3A_1895 = arith.constant 0 : i32
    %dma_start3A_1896 = tpu.memref_slice %arg18[%dma_start3A_1891, %dma_start3A_1895] : memref<80x128xi32, #tpu.memory_space<vmem>> -> memref<1x128xi32, #tpu.memory_space<vmem>>
    %dma_start3A_1897 = tpu.memref_squeeze %dma_start3A_1896 : memref<1x128xi32, #tpu.memory_space<vmem>> -> memref<128xi32, #tpu.memory_space<vmem>>
    %dma_start3A_1898 = arith.constant 0 : i32
    %dma_start3A_1899 = arith.constant 0 : i32
    %dma_start3A_1900 = tpu.memref_slice %arg11[%dma_start3A_1898, %dma_start3A_1899] : memref<1000000x16xf32, #tpu.memory_space<hbm>> -> memref<1000000x16xf32, #tpu.memory_space<hbm>>
    tpu.enqueue_indirect_dma source(%dma_start3A_1900 : memref<1000000x16xf32, #tpu.memory_space<hbm>>) target(%dma_start3A_1894 : memref<128x16xf32, #tpu.memory_space<vmem>>) offsets(%dma_start3A_1897 : memref<128xi32, #tpu.memory_space<vmem>>) semaphore(%arg23 : memref<!tpu.dma_semaphore, #tpu.memory_space<semaphore_mem>>)
    %dma_start3A_1901 = arith.constant 75 : i32
    %dma_start3A_1902 = arith.constant 384 : i32
    %dma_start3A_1903 = arith.constant 0 : i32
    %dma_start3A_1904 = tpu.memref_slice %arg21[%dma_start3A_1902, %dma_start3A_1903] : memref<1024x16xf32, #tpu.memory_space<vmem>> -> memref<128x16xf32, #tpu.memory_space<vmem>>
    %dma_start3A_1905 = arith.constant 0 : i32
    %dma_start3A_1906 = tpu.memref_slice %arg18[%dma_start3A_1901, %dma_start3A_1905] : memref<80x128xi32, #tpu.memory_space<vmem>> -> memref<1x128xi32, #tpu.memory_space<vmem>>
    %dma_start3A_1907 = tpu.memref_squeeze %dma_start3A_1906 : memref<1x128xi32, #tpu.memory_space<vmem>> -> memref<128xi32, #tpu.memory_space<vmem>>
    %dma_start3A_1908 = arith.constant 0 : i32
    %dma_start3A_1909 = arith.constant 0 : i32
    %dma_start3A_1910 = tpu.memref_slice %arg11[%dma_start3A_1908, %dma_start3A_1909] : memref<1000000x16xf32, #tpu.memory_space<hbm>> -> memref<1000000x16xf32, #tpu.memory_space<hbm>>
    tpu.enqueue_indirect_dma source(%dma_start3A_1910 : memref<1000000x16xf32, #tpu.memory_space<hbm>>) target(%dma_start3A_1904 : memref<128x16xf32, #tpu.memory_space<vmem>>) offsets(%dma_start3A_1907 : memref<128xi32, #tpu.memory_space<vmem>>) semaphore(%arg23 : memref<!tpu.dma_semaphore, #tpu.memory_space<semaphore_mem>>)
    %dma_start3A_1911 = arith.constant 76 : i32
    %dma_start3A_1912 = arith.constant 512 : i32
    %dma_start3A_1913 = arith.constant 0 : i32
    %dma_start3A_1914 = tpu.memref_slice %arg21[%dma_start3A_1912, %dma_start3A_1913] : memref<1024x16xf32, #tpu.memory_space<vmem>> -> memref<128x16xf32, #tpu.memory_space<vmem>>
    %dma_start3A_1915 = arith.constant 0 : i32
    %dma_start3A_1916 = tpu.memref_slice %arg18[%dma_start3A_1911, %dma_start3A_1915] : memref<80x128xi32, #tpu.memory_space<vmem>> -> memref<1x128xi32, #tpu.memory_space<vmem>>
    %dma_start3A_1917 = tpu.memref_squeeze %dma_start3A_1916 : memref<1x128xi32, #tpu.memory_space<vmem>> -> memref<128xi32, #tpu.memory_space<vmem>>
    %dma_start3A_1918 = arith.constant 0 : i32
    %dma_start3A_1919 = arith.constant 0 : i32
    %dma_start3A_1920 = tpu.memref_slice %arg11[%dma_start3A_1918, %dma_start3A_1919] : memref<1000000x16xf32, #tpu.memory_space<hbm>> -> memref<1000000x16xf32, #tpu.memory_space<hbm>>
    tpu.enqueue_indirect_dma source(%dma_start3A_1920 : memref<1000000x16xf32, #tpu.memory_space<hbm>>) target(%dma_start3A_1914 : memref<128x16xf32, #tpu.memory_space<vmem>>) offsets(%dma_start3A_1917 : memref<128xi32, #tpu.memory_space<vmem>>) semaphore(%arg23 : memref<!tpu.dma_semaphore, #tpu.memory_space<semaphore_mem>>)
    %dma_start3A_1921 = arith.constant 77 : i32
    %dma_start3A_1922 = arith.constant 640 : i32
    %dma_start3A_1923 = arith.constant 0 : i32
    %dma_start3A_1924 = tpu.memref_slice %arg21[%dma_start3A_1922, %dma_start3A_1923] : memref<1024x16xf32, #tpu.memory_space<vmem>> -> memref<128x16xf32, #tpu.memory_space<vmem>>
    %dma_start3A_1925 = arith.constant 0 : i32
    %dma_start3A_1926 = tpu.memref_slice %arg18[%dma_start3A_1921, %dma_start3A_1925] : memref<80x128xi32, #tpu.memory_space<vmem>> -> memref<1x128xi32, #tpu.memory_space<vmem>>
    %dma_start3A_1927 = tpu.memref_squeeze %dma_start3A_1926 : memref<1x128xi32, #tpu.memory_space<vmem>> -> memref<128xi32, #tpu.memory_space<vmem>>
    %dma_start3A_1928 = arith.constant 0 : i32
    %dma_start3A_1929 = arith.constant 0 : i32
    %dma_start3A_1930 = tpu.memref_slice %arg11[%dma_start3A_1928, %dma_start3A_1929] : memref<1000000x16xf32, #tpu.memory_space<hbm>> -> memref<1000000x16xf32, #tpu.memory_space<hbm>>
    tpu.enqueue_indirect_dma source(%dma_start3A_1930 : memref<1000000x16xf32, #tpu.memory_space<hbm>>) target(%dma_start3A_1924 : memref<128x16xf32, #tpu.memory_space<vmem>>) offsets(%dma_start3A_1927 : memref<128xi32, #tpu.memory_space<vmem>>) semaphore(%arg23 : memref<!tpu.dma_semaphore, #tpu.memory_space<semaphore_mem>>)
    %dma_start3A_1931 = arith.constant 78 : i32
    %dma_start3A_1932 = arith.constant 768 : i32
    %dma_start3A_1933 = arith.constant 0 : i32
    %dma_start3A_1934 = tpu.memref_slice %arg21[%dma_start3A_1932, %dma_start3A_1933] : memref<1024x16xf32, #tpu.memory_space<vmem>> -> memref<128x16xf32, #tpu.memory_space<vmem>>
    %dma_start3A_1935 = arith.constant 0 : i32
    %dma_start3A_1936 = tpu.memref_slice %arg18[%dma_start3A_1931, %dma_start3A_1935] : memref<80x128xi32, #tpu.memory_space<vmem>> -> memref<1x128xi32, #tpu.memory_space<vmem>>
    %dma_start3A_1937 = tpu.memref_squeeze %dma_start3A_1936 : memref<1x128xi32, #tpu.memory_space<vmem>> -> memref<128xi32, #tpu.memory_space<vmem>>
    %dma_start3A_1938 = arith.constant 0 : i32
    %dma_start3A_1939 = arith.constant 0 : i32
    %dma_start3A_1940 = tpu.memref_slice %arg11[%dma_start3A_1938, %dma_start3A_1939] : memref<1000000x16xf32, #tpu.memory_space<hbm>> -> memref<1000000x16xf32, #tpu.memory_space<hbm>>
    tpu.enqueue_indirect_dma source(%dma_start3A_1940 : memref<1000000x16xf32, #tpu.memory_space<hbm>>) target(%dma_start3A_1934 : memref<128x16xf32, #tpu.memory_space<vmem>>) offsets(%dma_start3A_1937 : memref<128xi32, #tpu.memory_space<vmem>>) semaphore(%arg23 : memref<!tpu.dma_semaphore, #tpu.memory_space<semaphore_mem>>)
    %dma_start3A_1941 = arith.constant 79 : i32
    %dma_start3A_1942 = arith.constant 896 : i32
    %dma_start3A_1943 = arith.constant 0 : i32
    %dma_start3A_1944 = tpu.memref_slice %arg21[%dma_start3A_1942, %dma_start3A_1943] : memref<1024x16xf32, #tpu.memory_space<vmem>> -> memref<128x16xf32, #tpu.memory_space<vmem>>
    %dma_start3A_1945 = arith.constant 0 : i32
    %dma_start3A_1946 = tpu.memref_slice %arg18[%dma_start3A_1941, %dma_start3A_1945] : memref<80x128xi32, #tpu.memory_space<vmem>> -> memref<1x128xi32, #tpu.memory_space<vmem>>
    %dma_start3A_1947 = tpu.memref_squeeze %dma_start3A_1946 : memref<1x128xi32, #tpu.memory_space<vmem>> -> memref<128xi32, #tpu.memory_space<vmem>>
    %dma_start3A_1948 = arith.constant 0 : i32
    %dma_start3A_1949 = arith.constant 0 : i32
    %dma_start3A_1950 = tpu.memref_slice %arg11[%dma_start3A_1948, %dma_start3A_1949] : memref<1000000x16xf32, #tpu.memory_space<hbm>> -> memref<1000000x16xf32, #tpu.memory_space<hbm>>
    tpu.enqueue_indirect_dma source(%dma_start3A_1950 : memref<1000000x16xf32, #tpu.memory_space<hbm>>) target(%dma_start3A_1944 : memref<128x16xf32, #tpu.memory_space<vmem>>) offsets(%dma_start3A_1947 : memref<128xi32, #tpu.memory_space<vmem>>) semaphore(%arg23 : memref<!tpu.dma_semaphore, #tpu.memory_space<semaphore_mem>>)
    %dma_wait3A_1951 = arith.constant 72 : i32
    %dma_wait3A_1952 = arith.constant 0 : i32
    %dma_wait3A_1953 = arith.constant 0 : i32
    %dma_wait3A_1954 = tpu.memref_slice %arg21[%dma_wait3A_1952, %dma_wait3A_1953] : memref<1024x16xf32, #tpu.memory_space<vmem>> -> memref<128x16xf32, #tpu.memory_space<vmem>>
    %dma_wait3A_1955 = arith.constant 0 : i32
    %dma_wait3A_1956 = tpu.memref_slice %arg18[%dma_wait3A_1951, %dma_wait3A_1955] : memref<80x128xi32, #tpu.memory_space<vmem>> -> memref<1x128xi32, #tpu.memory_space<vmem>>
    %dma_wait3A_1957 = tpu.memref_squeeze %dma_wait3A_1956 : memref<1x128xi32, #tpu.memory_space<vmem>> -> memref<128xi32, #tpu.memory_space<vmem>>
    %dma_wait3A_1958 = arith.constant 0 : i32
    %dma_wait3A_1959 = arith.constant 0 : i32
    %dma_wait3A_1960 = tpu.memref_slice %arg11[%dma_wait3A_1958, %dma_wait3A_1959] : memref<1000000x16xf32, #tpu.memory_space<hbm>> -> memref<1000000x16xf32, #tpu.memory_space<hbm>>
    tpu.wait_indirect_dma semaphore(%arg23 : memref<!tpu.dma_semaphore, #tpu.memory_space<semaphore_mem>>) src(%dma_wait3A_1960 : memref<1000000x16xf32, #tpu.memory_space<hbm>>) dst(%dma_wait3A_1954 : memref<128x16xf32, #tpu.memory_space<vmem>>)
    %dma_wait3A_1961 = arith.constant 73 : i32
    %dma_wait3A_1962 = arith.constant 128 : i32
    %dma_wait3A_1963 = arith.constant 0 : i32
    %dma_wait3A_1964 = tpu.memref_slice %arg21[%dma_wait3A_1962, %dma_wait3A_1963] : memref<1024x16xf32, #tpu.memory_space<vmem>> -> memref<128x16xf32, #tpu.memory_space<vmem>>
    %dma_wait3A_1965 = arith.constant 0 : i32
    %dma_wait3A_1966 = tpu.memref_slice %arg18[%dma_wait3A_1961, %dma_wait3A_1965] : memref<80x128xi32, #tpu.memory_space<vmem>> -> memref<1x128xi32, #tpu.memory_space<vmem>>
    %dma_wait3A_1967 = tpu.memref_squeeze %dma_wait3A_1966 : memref<1x128xi32, #tpu.memory_space<vmem>> -> memref<128xi32, #tpu.memory_space<vmem>>
    %dma_wait3A_1968 = arith.constant 0 : i32
    %dma_wait3A_1969 = arith.constant 0 : i32
    %dma_wait3A_1970 = tpu.memref_slice %arg11[%dma_wait3A_1968, %dma_wait3A_1969] : memref<1000000x16xf32, #tpu.memory_space<hbm>> -> memref<1000000x16xf32, #tpu.memory_space<hbm>>
    tpu.wait_indirect_dma semaphore(%arg23 : memref<!tpu.dma_semaphore, #tpu.memory_space<semaphore_mem>>) src(%dma_wait3A_1970 : memref<1000000x16xf32, #tpu.memory_space<hbm>>) dst(%dma_wait3A_1964 : memref<128x16xf32, #tpu.memory_space<vmem>>)
    %dma_wait3A_1971 = arith.constant 74 : i32
    %dma_wait3A_1972 = arith.constant 256 : i32
    %dma_wait3A_1973 = arith.constant 0 : i32
    %dma_wait3A_1974 = tpu.memref_slice %arg21[%dma_wait3A_1972, %dma_wait3A_1973] : memref<1024x16xf32, #tpu.memory_space<vmem>> -> memref<128x16xf32, #tpu.memory_space<vmem>>
    %dma_wait3A_1975 = arith.constant 0 : i32
    %dma_wait3A_1976 = tpu.memref_slice %arg18[%dma_wait3A_1971, %dma_wait3A_1975] : memref<80x128xi32, #tpu.memory_space<vmem>> -> memref<1x128xi32, #tpu.memory_space<vmem>>
    %dma_wait3A_1977 = tpu.memref_squeeze %dma_wait3A_1976 : memref<1x128xi32, #tpu.memory_space<vmem>> -> memref<128xi32, #tpu.memory_space<vmem>>
    %dma_wait3A_1978 = arith.constant 0 : i32
    %dma_wait3A_1979 = arith.constant 0 : i32
    %dma_wait3A_1980 = tpu.memref_slice %arg11[%dma_wait3A_1978, %dma_wait3A_1979] : memref<1000000x16xf32, #tpu.memory_space<hbm>> -> memref<1000000x16xf32, #tpu.memory_space<hbm>>
    tpu.wait_indirect_dma semaphore(%arg23 : memref<!tpu.dma_semaphore, #tpu.memory_space<semaphore_mem>>) src(%dma_wait3A_1980 : memref<1000000x16xf32, #tpu.memory_space<hbm>>) dst(%dma_wait3A_1974 : memref<128x16xf32, #tpu.memory_space<vmem>>)
    %dma_wait3A_1981 = arith.constant 75 : i32
    %dma_wait3A_1982 = arith.constant 384 : i32
    %dma_wait3A_1983 = arith.constant 0 : i32
    %dma_wait3A_1984 = tpu.memref_slice %arg21[%dma_wait3A_1982, %dma_wait3A_1983] : memref<1024x16xf32, #tpu.memory_space<vmem>> -> memref<128x16xf32, #tpu.memory_space<vmem>>
    %dma_wait3A_1985 = arith.constant 0 : i32
    %dma_wait3A_1986 = tpu.memref_slice %arg18[%dma_wait3A_1981, %dma_wait3A_1985] : memref<80x128xi32, #tpu.memory_space<vmem>> -> memref<1x128xi32, #tpu.memory_space<vmem>>
    %dma_wait3A_1987 = tpu.memref_squeeze %dma_wait3A_1986 : memref<1x128xi32, #tpu.memory_space<vmem>> -> memref<128xi32, #tpu.memory_space<vmem>>
    %dma_wait3A_1988 = arith.constant 0 : i32
    %dma_wait3A_1989 = arith.constant 0 : i32
    %dma_wait3A_1990 = tpu.memref_slice %arg11[%dma_wait3A_1988, %dma_wait3A_1989] : memref<1000000x16xf32, #tpu.memory_space<hbm>> -> memref<1000000x16xf32, #tpu.memory_space<hbm>>
    tpu.wait_indirect_dma semaphore(%arg23 : memref<!tpu.dma_semaphore, #tpu.memory_space<semaphore_mem>>) src(%dma_wait3A_1990 : memref<1000000x16xf32, #tpu.memory_space<hbm>>) dst(%dma_wait3A_1984 : memref<128x16xf32, #tpu.memory_space<vmem>>)
    %dma_wait3A_1991 = arith.constant 76 : i32
    %dma_wait3A_1992 = arith.constant 512 : i32
    %dma_wait3A_1993 = arith.constant 0 : i32
    %dma_wait3A_1994 = tpu.memref_slice %arg21[%dma_wait3A_1992, %dma_wait3A_1993] : memref<1024x16xf32, #tpu.memory_space<vmem>> -> memref<128x16xf32, #tpu.memory_space<vmem>>
    %dma_wait3A_1995 = arith.constant 0 : i32
    %dma_wait3A_1996 = tpu.memref_slice %arg18[%dma_wait3A_1991, %dma_wait3A_1995] : memref<80x128xi32, #tpu.memory_space<vmem>> -> memref<1x128xi32, #tpu.memory_space<vmem>>
    %dma_wait3A_1997 = tpu.memref_squeeze %dma_wait3A_1996 : memref<1x128xi32, #tpu.memory_space<vmem>> -> memref<128xi32, #tpu.memory_space<vmem>>
    %dma_wait3A_1998 = arith.constant 0 : i32
    %dma_wait3A_1999 = arith.constant 0 : i32
    %dma_wait3A_2000 = tpu.memref_slice %arg11[%dma_wait3A_1998, %dma_wait3A_1999] : memref<1000000x16xf32, #tpu.memory_space<hbm>> -> memref<1000000x16xf32, #tpu.memory_space<hbm>>
    tpu.wait_indirect_dma semaphore(%arg23 : memref<!tpu.dma_semaphore, #tpu.memory_space<semaphore_mem>>) src(%dma_wait3A_2000 : memref<1000000x16xf32, #tpu.memory_space<hbm>>) dst(%dma_wait3A_1994 : memref<128x16xf32, #tpu.memory_space<vmem>>)
    %dma_wait3A_2001 = arith.constant 77 : i32
    %dma_wait3A_2002 = arith.constant 640 : i32
    %dma_wait3A_2003 = arith.constant 0 : i32
    %dma_wait3A_2004 = tpu.memref_slice %arg21[%dma_wait3A_2002, %dma_wait3A_2003] : memref<1024x16xf32, #tpu.memory_space<vmem>> -> memref<128x16xf32, #tpu.memory_space<vmem>>
    %dma_wait3A_2005 = arith.constant 0 : i32
    %dma_wait3A_2006 = tpu.memref_slice %arg18[%dma_wait3A_2001, %dma_wait3A_2005] : memref<80x128xi32, #tpu.memory_space<vmem>> -> memref<1x128xi32, #tpu.memory_space<vmem>>
    %dma_wait3A_2007 = tpu.memref_squeeze %dma_wait3A_2006 : memref<1x128xi32, #tpu.memory_space<vmem>> -> memref<128xi32, #tpu.memory_space<vmem>>
    %dma_wait3A_2008 = arith.constant 0 : i32
    %dma_wait3A_2009 = arith.constant 0 : i32
    %dma_wait3A_2010 = tpu.memref_slice %arg11[%dma_wait3A_2008, %dma_wait3A_2009] : memref<1000000x16xf32, #tpu.memory_space<hbm>> -> memref<1000000x16xf32, #tpu.memory_space<hbm>>
    tpu.wait_indirect_dma semaphore(%arg23 : memref<!tpu.dma_semaphore, #tpu.memory_space<semaphore_mem>>) src(%dma_wait3A_2010 : memref<1000000x16xf32, #tpu.memory_space<hbm>>) dst(%dma_wait3A_2004 : memref<128x16xf32, #tpu.memory_space<vmem>>)
    %dma_wait3A_2011 = arith.constant 78 : i32
    %dma_wait3A_2012 = arith.constant 768 : i32
    %dma_wait3A_2013 = arith.constant 0 : i32
    %dma_wait3A_2014 = tpu.memref_slice %arg21[%dma_wait3A_2012, %dma_wait3A_2013] : memref<1024x16xf32, #tpu.memory_space<vmem>> -> memref<128x16xf32, #tpu.memory_space<vmem>>
    %dma_wait3A_2015 = arith.constant 0 : i32
    %dma_wait3A_2016 = tpu.memref_slice %arg18[%dma_wait3A_2011, %dma_wait3A_2015] : memref<80x128xi32, #tpu.memory_space<vmem>> -> memref<1x128xi32, #tpu.memory_space<vmem>>
    %dma_wait3A_2017 = tpu.memref_squeeze %dma_wait3A_2016 : memref<1x128xi32, #tpu.memory_space<vmem>> -> memref<128xi32, #tpu.memory_space<vmem>>
    %dma_wait3A_2018 = arith.constant 0 : i32
    %dma_wait3A_2019 = arith.constant 0 : i32
    %dma_wait3A_2020 = tpu.memref_slice %arg11[%dma_wait3A_2018, %dma_wait3A_2019] : memref<1000000x16xf32, #tpu.memory_space<hbm>> -> memref<1000000x16xf32, #tpu.memory_space<hbm>>
    tpu.wait_indirect_dma semaphore(%arg23 : memref<!tpu.dma_semaphore, #tpu.memory_space<semaphore_mem>>) src(%dma_wait3A_2020 : memref<1000000x16xf32, #tpu.memory_space<hbm>>) dst(%dma_wait3A_2014 : memref<128x16xf32, #tpu.memory_space<vmem>>)
    %dma_wait3A_2021 = arith.constant 79 : i32
    %dma_wait3A_2022 = arith.constant 896 : i32
    %dma_wait3A_2023 = arith.constant 0 : i32
    %dma_wait3A_2024 = tpu.memref_slice %arg21[%dma_wait3A_2022, %dma_wait3A_2023] : memref<1024x16xf32, #tpu.memory_space<vmem>> -> memref<128x16xf32, #tpu.memory_space<vmem>>
    %dma_wait3A_2025 = arith.constant 0 : i32
    %dma_wait3A_2026 = tpu.memref_slice %arg18[%dma_wait3A_2021, %dma_wait3A_2025] : memref<80x128xi32, #tpu.memory_space<vmem>> -> memref<1x128xi32, #tpu.memory_space<vmem>>
    %dma_wait3A_2027 = tpu.memref_squeeze %dma_wait3A_2026 : memref<1x128xi32, #tpu.memory_space<vmem>> -> memref<128xi32, #tpu.memory_space<vmem>>
    %dma_wait3A_2028 = arith.constant 0 : i32
    %dma_wait3A_2029 = arith.constant 0 : i32
    %dma_wait3A_2030 = tpu.memref_slice %arg11[%dma_wait3A_2028, %dma_wait3A_2029] : memref<1000000x16xf32, #tpu.memory_space<hbm>> -> memref<1000000x16xf32, #tpu.memory_space<hbm>>
    tpu.wait_indirect_dma semaphore(%arg23 : memref<!tpu.dma_semaphore, #tpu.memory_space<semaphore_mem>>) src(%dma_wait3A_2030 : memref<1000000x16xf32, #tpu.memory_space<hbm>>) dst(%dma_wait3A_2024 : memref<128x16xf32, #tpu.memory_space<vmem>>)
    %add3A_2031 = arith.constant 9216 : i32
    %add3A_2032 = arith.addi %mul3A_4, %add3A_2031 : i32
    "tpu.region"() ({
      %run_scoped3A = tpu.sem_alloc : memref<!tpu.dma_semaphore, #tpu.memory_space<semaphore_mem>>
      %dma_start3A_2033 = arith.constant 0 : i32
      %dma_start3A_2034 = tpu.memref_slice %arg12[%add3A_2032, %dma_start3A_2033] : memref<327680x16xf32, #tpu.memory_space<hbm>> -> memref<1024x16xf32, #tpu.memory_space<hbm>>
      %dma_start3A_2035 = arith.constant 0 : i32
      %dma_start3A_2036 = tpu.memref_slice %arg12[%add3A_2032, %dma_start3A_2035] : memref<327680x16xf32, #tpu.memory_space<hbm>> -> memref<1024x16xf32, #tpu.memory_space<hbm>>
      tpu.enqueue_dma source(%arg21 : memref<1024x16xf32, #tpu.memory_space<vmem>>) target(%dma_start3A_2036 : memref<1024x16xf32, #tpu.memory_space<hbm>>) target_semaphore(%run_scoped3A : memref<!tpu.dma_semaphore, #tpu.memory_space<semaphore_mem>>)
      %dma_wait3A_2037 = arith.constant 0 : i32
      %dma_wait3A_2038 = tpu.memref_slice %arg12[%add3A_2032, %dma_wait3A_2037] : memref<327680x16xf32, #tpu.memory_space<hbm>> -> memref<1024x16xf32, #tpu.memory_space<hbm>>
      %dma_wait3A_2039 = arith.constant 0 : i32
      %dma_wait3A_2040 = tpu.memref_slice %arg12[%add3A_2032, %dma_wait3A_2039] : memref<327680x16xf32, #tpu.memory_space<hbm>> -> memref<1024x16xf32, #tpu.memory_space<hbm>>
      tpu.wait_dma2 semaphore(%run_scoped3A : memref<!tpu.dma_semaphore, #tpu.memory_space<semaphore_mem>>) src(%arg21 : memref<1024x16xf32, #tpu.memory_space<vmem>>) dst(%dma_wait3A_2040 : memref<1024x16xf32, #tpu.memory_space<hbm>>)
      tpu.yield
    }) : () -> ()
    return
  }
}

module attributes {stable_mosaic.version = 14 : i64} {
  func.func @_tc_body(%arg0: i32, %arg1: memref<512x320xf32, #tpu.memory_space<vmem>>, %arg2: memref<512x16xf32, #tpu.memory_space<vmem>>, %arg3: memref<512x16xf32, #tpu.memory_space<vmem>>, %arg4: memref<512x16xf32, #tpu.memory_space<vmem>>, %arg5: memref<512x16xf32, #tpu.memory_space<vmem>>, %arg6: memref<512x16xf32, #tpu.memory_space<vmem>>, %arg7: memref<512x1xi32, #tpu.memory_space<vmem>>, %arg8: memref<512x1xi32, #tpu.memory_space<vmem>>, %arg9: memref<16x16xf32, #tpu.memory_space<vmem>>, %arg10: memref<1x16xf32, #tpu.memory_space<vmem>>, %arg11: memref<16x16xf32, #tpu.memory_space<vmem>>, %arg12: memref<1x16xf32, #tpu.memory_space<vmem>>, %arg13: memref<32x16xf32, #tpu.memory_space<vmem>>, %arg14: memref<1x16xf32, #tpu.memory_space<vmem>>, %arg15: memref<16x16xf32, #tpu.memory_space<vmem>>, %arg16: memref<1x16xf32, #tpu.memory_space<vmem>>, %arg17: memref<32x16xf32, #tpu.memory_space<vmem>>, %arg18: memref<1x16xf32, #tpu.memory_space<vmem>>, %arg19: memref<16x16xf32, #tpu.memory_space<vmem>>, %arg20: memref<1x16xf32, #tpu.memory_space<vmem>>, %arg21: memref<16x16xf32, #tpu.memory_space<vmem>>, %arg22: memref<1x16xf32, #tpu.memory_space<vmem>>, %arg23: memref<16x1xf32, #tpu.memory_space<vmem>>, %arg24: memref<1x1xf32, #tpu.memory_space<vmem>>, %arg25: memref<320x320xf32, #tpu.memory_space<vmem>>, %arg26: memref<320x320xf32, #tpu.memory_space<vmem>>, %arg27: memref<1x320xf32, #tpu.memory_space<vmem>>, %arg28: memref<1x320xf32, #tpu.memory_space<vmem>>, %arg29: memref<16x320xf32, #tpu.memory_space<vmem>>, %arg30: memref<320x80xf32, #tpu.memory_space<vmem>>, %arg31: memref<80x4xf32, #tpu.memory_space<vmem>>, %arg32: memref<80x320xf32, #tpu.memory_space<vmem>>, %arg33: memref<320x16xf32, #tpu.memory_space<vmem>>, %arg34: memref<4x16xf32, #tpu.memory_space<vmem>>, %arg35: memref<512x1xf32, #tpu.memory_space<vmem>>, %arg36: memref<1x1xf32, #tpu.memory_space<vmem>>, %arg37: memref<2xf32, #tpu.memory_space<smem>>) attributes {dimension_semantics = [#tpu.dimension_semantics<arbitrary>], iteration_bounds = array<i64: 32>, scalar_prefetch = 0 : i64, scratch_operands = 1 : i64, tpu.core_type = #tpu.core_type<tc>, window_params = [{transform_indices = @transform_0, window_bounds = array<i64: 512, 320>}, {transform_indices = @transform_1, window_bounds = array<i64: 512, 16>}, {transform_indices = @transform_2, window_bounds = array<i64: 512, 16>}, {transform_indices = @transform_3, window_bounds = array<i64: 512, 16>}, {transform_indices = @transform_4, window_bounds = array<i64: 512, 16>}, {transform_indices = @transform_5, window_bounds = array<i64: 512, 16>}, {transform_indices = @transform_6, window_bounds = array<i64: 512, 1>}, {transform_indices = @transform_7, window_bounds = array<i64: 512, 1>}, {pipeline_mode = #tpu.pipeline_mode<synchronous>, transform_indices = @transform_8, window_bounds = array<i64: 16, 16>}, {pipeline_mode = #tpu.pipeline_mode<synchronous>, transform_indices = @transform_9, window_bounds = array<i64: 1, 16>}, {pipeline_mode = #tpu.pipeline_mode<synchronous>, transform_indices = @transform_10, window_bounds = array<i64: 16, 16>}, {pipeline_mode = #tpu.pipeline_mode<synchronous>, transform_indices = @transform_11, window_bounds = array<i64: 1, 16>}, {pipeline_mode = #tpu.pipeline_mode<synchronous>, transform_indices = @transform_12, window_bounds = array<i64: 32, 16>}, {pipeline_mode = #tpu.pipeline_mode<synchronous>, transform_indices = @transform_13, window_bounds = array<i64: 1, 16>}, {pipeline_mode = #tpu.pipeline_mode<synchronous>, transform_indices = @transform_14, window_bounds = array<i64: 16, 16>}, {pipeline_mode = #tpu.pipeline_mode<synchronous>, transform_indices = @transform_15, window_bounds = array<i64: 1, 16>}, {pipeline_mode = #tpu.pipeline_mode<synchronous>, transform_indices = @transform_16, window_bounds = array<i64: 32, 16>}, {pipeline_mode = #tpu.pipeline_mode<synchronous>, transform_indices = @transform_17, window_bounds = array<i64: 1, 16>}, {pipeline_mode = #tpu.pipeline_mode<synchronous>, transform_indices = @transform_18, window_bounds = array<i64: 16, 16>}, {pipeline_mode = #tpu.pipeline_mode<synchronous>, transform_indices = @transform_19, window_bounds = array<i64: 1, 16>}, {pipeline_mode = #tpu.pipeline_mode<synchronous>, transform_indices = @transform_20, window_bounds = array<i64: 16, 16>}, {pipeline_mode = #tpu.pipeline_mode<synchronous>, transform_indices = @transform_21, window_bounds = array<i64: 1, 16>}, {pipeline_mode = #tpu.pipeline_mode<synchronous>, transform_indices = @transform_22, window_bounds = array<i64: 16, 1>}, {pipeline_mode = #tpu.pipeline_mode<synchronous>, transform_indices = @transform_23, window_bounds = array<i64: 1, 1>}, {pipeline_mode = #tpu.pipeline_mode<synchronous>, transform_indices = @transform_24, window_bounds = array<i64: 320, 320>}, {pipeline_mode = #tpu.pipeline_mode<synchronous>, transform_indices = @transform_25, window_bounds = array<i64: 320, 320>}, {pipeline_mode = #tpu.pipeline_mode<synchronous>, transform_indices = @transform_26, window_bounds = array<i64: 1, 320>}, {pipeline_mode = #tpu.pipeline_mode<synchronous>, transform_indices = @transform_27, window_bounds = array<i64: 1, 320>}, {pipeline_mode = #tpu.pipeline_mode<synchronous>, transform_indices = @transform_28, window_bounds = array<i64: 16, 320>}, {pipeline_mode = #tpu.pipeline_mode<synchronous>, transform_indices = @transform_29, window_bounds = array<i64: 320, 80>}, {pipeline_mode = #tpu.pipeline_mode<synchronous>, transform_indices = @transform_30, window_bounds = array<i64: 80, 4>}, {pipeline_mode = #tpu.pipeline_mode<synchronous>, transform_indices = @transform_31, window_bounds = array<i64: 80, 320>}, {pipeline_mode = #tpu.pipeline_mode<synchronous>, transform_indices = @transform_32, window_bounds = array<i64: 320, 16>}, {pipeline_mode = #tpu.pipeline_mode<synchronous>, transform_indices = @transform_33, window_bounds = array<i64: 4, 16>}, {transform_indices = @transform_34, window_bounds = array<i64: 512, 1>}, {pipeline_mode = #tpu.pipeline_mode<synchronous>, transform_indices = @transform_35, window_bounds = array<i64: 1, 1>}]} {
    %eq3A = arith.constant 0 : i32
    %eq3A_0 = arith.cmpi eq, %arg0, %eq3A : i32
    %convert_element_type3A = arith.extui %eq3A_0 : i1 to i32
    %cond3A = arith.constant 0 : i32
    %cond3A_1 = arith.cmpi ne, %convert_element_type3A, %cond3A : i32
    scf.if %cond3A_1 {
      %swap3A_230 = arith.constant 0.000000e+00 : f32
      %swap3A_231 = arith.constant 0 : index
      %swap3A_232 = memref.load %arg37[%swap3A_231] : memref<2xf32, #tpu.memory_space<smem>>
      memref.store %swap3A_230, %arg37[%swap3A_231] : memref<2xf32, #tpu.memory_space<smem>>
      %swap3A_233 = arith.constant 0.000000e+00 : f32
      %swap3A_234 = arith.constant 1 : index
      %swap3A_235 = memref.load %arg37[%swap3A_234] : memref<2xf32, #tpu.memory_space<smem>>
      memref.store %swap3A_233, %arg37[%swap3A_234] : memref<2xf32, #tpu.memory_space<smem>>
    } else {
    }
    %get3A = arith.constant 0 : index
    %get3A_2 = arith.constant 0 : index
    %get3A_3 = vector.load %arg2[%get3A, %get3A_2] : memref<512x16xf32, #tpu.memory_space<vmem>>, vector<512x16xf32>
    %get3A_4 = arith.constant 0 : index
    %get3A_5 = arith.constant 0 : index
    %get3A_6 = vector.load %arg3[%get3A_4, %get3A_5] : memref<512x16xf32, #tpu.memory_space<vmem>>, vector<512x16xf32>
    %get3A_7 = arith.constant 0 : index
    %get3A_8 = arith.constant 0 : index
    %get3A_9 = vector.load %arg4[%get3A_7, %get3A_8] : memref<512x16xf32, #tpu.memory_space<vmem>>, vector<512x16xf32>
    %get3A_10 = arith.constant 0 : index
    %get3A_11 = arith.constant 0 : index
    %get3A_12 = vector.load %arg1[%get3A_10, %get3A_11] : memref<512x320xf32, #tpu.memory_space<vmem>>, vector<512x320xf32>
    %get3A_13 = arith.constant 0 : index
    %get3A_14 = arith.constant 0 : index
    %get3A_15 = vector.load %arg21[%get3A_13, %get3A_14] : memref<16x16xf32, #tpu.memory_space<vmem>>, vector<16x16xf32>
    %dot_general3A = arith.constant dense<0.000000e+00> : vector<512x16xf32>
    %dot_general3A_16 = tpu.matmul %get3A_9, %get3A_15, %dot_general3A {dimension_numbers = #tpu.dot_dimension_numbers<[1], [0], [0], [1], [0, 0, 1, 1], [], []>, transpose_lhs_hint = false} : vector<512x16xf32>, vector<16x16xf32>, vector<512x16xf32> -> vector<512x16xf32>
    %get3A_17 = arith.constant 0 : index
    %get3A_18 = arith.constant 0 : index
    %get3A_19 = vector.load %arg22[%get3A_17, %get3A_18] : memref<1x16xf32, #tpu.memory_space<vmem>>, vector<1x16xf32>
    %add3A = vector.broadcast %get3A_19 : vector<1x16xf32> to vector<512x16xf32>
    %add3A_20 = arith.addf %dot_general3A_16, %add3A : vector<512x16xf32>
    %get3A_21 = arith.constant 0 : index
    %get3A_22 = arith.constant 0 : index
    %get3A_23 = vector.load %arg29[%get3A_21, %get3A_22] : memref<16x320xf32, #tpu.memory_space<vmem>>, vector<16x320xf32>
    %dot_general3A_24 = arith.constant dense<0.000000e+00> : vector<512x320xf32>
    %dot_general3A_25 = tpu.matmul %add3A_20, %get3A_23, %dot_general3A_24 {dimension_numbers = #tpu.dot_dimension_numbers<[1], [0], [0], [1], [0, 0, 1, 1], [], []>, transpose_lhs_hint = false} : vector<512x16xf32>, vector<16x320xf32>, vector<512x320xf32> -> vector<512x320xf32>
    %get3A_26 = arith.constant 0 : index
    %get3A_27 = arith.constant 0 : index
    %get3A_28 = vector.load %arg25[%get3A_26, %get3A_27] : memref<320x320xf32, #tpu.memory_space<vmem>>, vector<320x320xf32>
    %dot_general3A_29 = arith.constant dense<0.000000e+00> : vector<512x320xf32>
    %dot_general3A_30 = tpu.matmul %get3A_12, %get3A_28, %dot_general3A_29 {dimension_numbers = #tpu.dot_dimension_numbers<[1], [0], [0], [1], [0, 0, 1, 1], [], []>, transpose_lhs_hint = false} : vector<512x320xf32>, vector<320x320xf32>, vector<512x320xf32> -> vector<512x320xf32>
    %get3A_31 = arith.constant 0 : index
    %get3A_32 = arith.constant 0 : index
    %get3A_33 = vector.load %arg27[%get3A_31, %get3A_32] : memref<1x320xf32, #tpu.memory_space<vmem>>, vector<1x320xf32>
    %add3A_34 = vector.broadcast %get3A_33 : vector<1x320xf32> to vector<512x320xf32>
    %add3A_35 = arith.addf %dot_general3A_30, %add3A_34 : vector<512x320xf32>
    %mul3A = arith.mulf %dot_general3A_25, %add3A_35 : vector<512x320xf32>
    %get3A_36 = arith.constant 0 : index
    %get3A_37 = arith.constant 0 : index
    %get3A_38 = vector.load %arg30[%get3A_36, %get3A_37] : memref<320x80xf32, #tpu.memory_space<vmem>>, vector<320x80xf32>
    %dot_general3A_39 = arith.constant dense<0.000000e+00> : vector<512x80xf32>
    %dot_general3A_40 = tpu.matmul %mul3A, %get3A_38, %dot_general3A_39 {dimension_numbers = #tpu.dot_dimension_numbers<[1], [0], [0], [1], [0, 0, 1, 1], [], []>, transpose_lhs_hint = false} : vector<512x320xf32>, vector<320x80xf32>, vector<512x80xf32> -> vector<512x80xf32>
    %mul3A_41 = arith.constant 5.000000e-01 : f32
    %mul3A_42 = vector.broadcast %mul3A_41 : f32 to vector<512x80xf32>
    %mul3A_43 = arith.mulf %dot_general3A_40, %mul3A_42 : vector<512x80xf32>
    %exp3A = math.exp %mul3A_43 : vector<512x80xf32>
    %get3A_44 = arith.constant 0 : index
    %get3A_45 = arith.constant 0 : index
    %get3A_46 = vector.load %arg31[%get3A_44, %get3A_45] : memref<80x4xf32, #tpu.memory_space<vmem>>, vector<80x4xf32>
    %dot_general3A_47 = arith.constant dense<0.000000e+00> : vector<512x4xf32>
    %dot_general3A_48 = tpu.matmul %exp3A, %get3A_46, %dot_general3A_47 {dimension_numbers = #tpu.dot_dimension_numbers<[1], [0], [0], [1], [0, 0, 1, 1], [], []>, transpose_lhs_hint = false} : vector<512x80xf32>, vector<80x4xf32>, vector<512x4xf32> -> vector<512x4xf32>
    %get3A_49 = arith.constant 0 : index
    %get3A_50 = arith.constant 0 : index
    %get3A_51 = vector.load %arg32[%get3A_49, %get3A_50] : memref<80x320xf32, #tpu.memory_space<vmem>>, vector<80x320xf32>
    %dot_general3A_52 = arith.constant dense<0.000000e+00> : vector<512x320xf32>
    %dot_general3A_53 = tpu.matmul %exp3A, %get3A_51, %dot_general3A_52 {dimension_numbers = #tpu.dot_dimension_numbers<[1], [0], [0], [1], [0, 0, 1, 1], [], []>, transpose_lhs_hint = false} : vector<512x80xf32>, vector<80x320xf32>, vector<512x320xf32> -> vector<512x320xf32>
    %get3A_54 = arith.constant 0 : index
    %get3A_55 = arith.constant 0 : index
    %get3A_56 = vector.load %arg26[%get3A_54, %get3A_55] : memref<320x320xf32, #tpu.memory_space<vmem>>, vector<320x320xf32>
    %dot_general3A_57 = arith.constant dense<0.000000e+00> : vector<512x320xf32>
    %dot_general3A_58 = tpu.matmul %get3A_12, %get3A_56, %dot_general3A_57 {dimension_numbers = #tpu.dot_dimension_numbers<[1], [0], [0], [1], [0, 0, 1, 1], [], []>, transpose_lhs_hint = false} : vector<512x320xf32>, vector<320x320xf32>, vector<512x320xf32> -> vector<512x320xf32>
    %get3A_59 = arith.constant 0 : index
    %get3A_60 = arith.constant 0 : index
    %get3A_61 = vector.load %arg28[%get3A_59, %get3A_60] : memref<1x320xf32, #tpu.memory_space<vmem>>, vector<1x320xf32>
    %add3A_62 = vector.broadcast %get3A_61 : vector<1x320xf32> to vector<512x320xf32>
    %add3A_63 = arith.addf %dot_general3A_58, %add3A_62 : vector<512x320xf32>
    %mul3A_64 = arith.mulf %dot_general3A_53, %add3A_63 : vector<512x320xf32>
    %get3A_65 = arith.constant 0 : index
    %get3A_66 = arith.constant 0 : index
    %get3A_67 = vector.load %arg33[%get3A_65, %get3A_66] : memref<320x16xf32, #tpu.memory_space<vmem>>, vector<320x16xf32>
    %dot_general3A_68 = arith.constant dense<0.000000e+00> : vector<512x16xf32>
    %dot_general3A_69 = tpu.matmul %mul3A_64, %get3A_67, %dot_general3A_68 {dimension_numbers = #tpu.dot_dimension_numbers<[1], [0], [0], [1], [0, 0, 1, 1], [], []>, transpose_lhs_hint = false} : vector<512x320xf32>, vector<320x16xf32>, vector<512x16xf32> -> vector<512x16xf32>
    %get3A_70 = arith.constant 0 : index
    %get3A_71 = arith.constant 0 : index
    %get3A_72 = vector.load %arg34[%get3A_70, %get3A_71] : memref<4x16xf32, #tpu.memory_space<vmem>>, vector<4x16xf32>
    %dot_general3A_73 = arith.constant dense<0.000000e+00> : vector<512x16xf32>
    %dot_general3A_74 = tpu.matmul %dot_general3A_48, %get3A_72, %dot_general3A_73 {dimension_numbers = #tpu.dot_dimension_numbers<[1], [0], [0], [1], [0, 0, 1, 1], [], []>, transpose_lhs_hint = false} : vector<512x4xf32>, vector<4x16xf32>, vector<512x16xf32> -> vector<512x16xf32>
    %div3A = arith.divf %dot_general3A_69, %dot_general3A_74 : vector<512x16xf32>
    %get3A_75 = arith.constant 0 : index
    %get3A_76 = arith.constant 0 : index
    %get3A_77 = vector.load %arg9[%get3A_75, %get3A_76] : memref<16x16xf32, #tpu.memory_space<vmem>>, vector<16x16xf32>
    %dot_general3A_78 = arith.constant dense<0.000000e+00> : vector<512x16xf32>
    %dot_general3A_79 = tpu.matmul %get3A_3, %get3A_77, %dot_general3A_78 {dimension_numbers = #tpu.dot_dimension_numbers<[1], [0], [0], [1], [0, 0, 1, 1], [], []>, transpose_lhs_hint = false} : vector<512x16xf32>, vector<16x16xf32>, vector<512x16xf32> -> vector<512x16xf32>
    %get3A_80 = arith.constant 0 : index
    %get3A_81 = arith.constant 0 : index
    %get3A_82 = vector.load %arg10[%get3A_80, %get3A_81] : memref<1x16xf32, #tpu.memory_space<vmem>>, vector<1x16xf32>
    %add3A_83 = vector.broadcast %get3A_82 : vector<1x16xf32> to vector<512x16xf32>
    %add3A_84 = arith.addf %dot_general3A_79, %add3A_83 : vector<512x16xf32>
    %max3A = arith.constant 0.000000e+00 : f32
    %max3A_85 = vector.broadcast %max3A : f32 to vector<512x16xf32>
    %max3A_86 = arith.maximumf %add3A_84, %max3A_85 : vector<512x16xf32>
    %get3A_87 = arith.constant 0 : index
    %get3A_88 = arith.constant 0 : index
    %get3A_89 = vector.load %arg11[%get3A_87, %get3A_88] : memref<16x16xf32, #tpu.memory_space<vmem>>, vector<16x16xf32>
    %dot_general3A_90 = arith.constant dense<0.000000e+00> : vector<512x16xf32>
    %dot_general3A_91 = tpu.matmul %max3A_86, %get3A_89, %dot_general3A_90 {dimension_numbers = #tpu.dot_dimension_numbers<[1], [0], [0], [1], [0, 0, 1, 1], [], []>, transpose_lhs_hint = false} : vector<512x16xf32>, vector<16x16xf32>, vector<512x16xf32> -> vector<512x16xf32>
    %get3A_92 = arith.constant 0 : index
    %get3A_93 = arith.constant 0 : index
    %get3A_94 = vector.load %arg12[%get3A_92, %get3A_93] : memref<1x16xf32, #tpu.memory_space<vmem>>, vector<1x16xf32>
    %add3A_95 = vector.broadcast %get3A_94 : vector<1x16xf32> to vector<512x16xf32>
    %add3A_96 = arith.addf %dot_general3A_91, %add3A_95 : vector<512x16xf32>
    %get3A_97 = arith.constant 0 : index
    %get3A_98 = arith.constant 0 : index
    %get3A_99 = vector.load %arg13[%get3A_97, %get3A_98] : memref<32x16xf32, #tpu.memory_space<vmem>>, vector<16x16xf32>
    %dot_general3A_100 = arith.constant dense<0.000000e+00> : vector<512x16xf32>
    %dot_general3A_101 = tpu.matmul %get3A_3, %get3A_99, %dot_general3A_100 {dimension_numbers = #tpu.dot_dimension_numbers<[1], [0], [0], [1], [0, 0, 1, 1], [], []>, transpose_lhs_hint = false} : vector<512x16xf32>, vector<16x16xf32>, vector<512x16xf32> -> vector<512x16xf32>
    %get3A_102 = arith.constant 16 : index
    %get3A_103 = arith.constant 0 : index
    %get3A_104 = vector.load %arg13[%get3A_102, %get3A_103] : memref<32x16xf32, #tpu.memory_space<vmem>>, vector<16x16xf32>
    %dot_general3A_105 = arith.constant dense<0.000000e+00> : vector<512x16xf32>
    %dot_general3A_106 = tpu.matmul %div3A, %get3A_104, %dot_general3A_105 {dimension_numbers = #tpu.dot_dimension_numbers<[1], [0], [0], [1], [0, 0, 1, 1], [], []>, transpose_lhs_hint = false} : vector<512x16xf32>, vector<16x16xf32>, vector<512x16xf32> -> vector<512x16xf32>
    %add3A_107 = arith.addf %dot_general3A_101, %dot_general3A_106 : vector<512x16xf32>
    %get3A_108 = arith.constant 0 : index
    %get3A_109 = arith.constant 0 : index
    %get3A_110 = vector.load %arg14[%get3A_108, %get3A_109] : memref<1x16xf32, #tpu.memory_space<vmem>>, vector<1x16xf32>
    %add3A_111 = vector.broadcast %get3A_110 : vector<1x16xf32> to vector<512x16xf32>
    %add3A_112 = arith.addf %add3A_107, %add3A_111 : vector<512x16xf32>
    %max3A_113 = arith.constant 0.000000e+00 : f32
    %max3A_114 = vector.broadcast %max3A_113 : f32 to vector<512x16xf32>
    %max3A_115 = arith.maximumf %add3A_112, %max3A_114 : vector<512x16xf32>
    %get3A_116 = arith.constant 0 : index
    %get3A_117 = arith.constant 0 : index
    %get3A_118 = vector.load %arg15[%get3A_116, %get3A_117] : memref<16x16xf32, #tpu.memory_space<vmem>>, vector<16x16xf32>
    %dot_general3A_119 = arith.constant dense<0.000000e+00> : vector<512x16xf32>
    %dot_general3A_120 = tpu.matmul %max3A_115, %get3A_118, %dot_general3A_119 {dimension_numbers = #tpu.dot_dimension_numbers<[1], [0], [0], [1], [0, 0, 1, 1], [], []>, transpose_lhs_hint = false} : vector<512x16xf32>, vector<16x16xf32>, vector<512x16xf32> -> vector<512x16xf32>
    %get3A_121 = arith.constant 0 : index
    %get3A_122 = arith.constant 0 : index
    %get3A_123 = vector.load %arg16[%get3A_121, %get3A_122] : memref<1x16xf32, #tpu.memory_space<vmem>>, vector<1x16xf32>
    %add3A_124 = vector.broadcast %get3A_123 : vector<1x16xf32> to vector<512x16xf32>
    %add3A_125 = arith.addf %dot_general3A_120, %add3A_124 : vector<512x16xf32>
    %get3A_126 = arith.constant 0 : index
    %get3A_127 = arith.constant 0 : index
    %get3A_128 = vector.load %arg17[%get3A_126, %get3A_127] : memref<32x16xf32, #tpu.memory_space<vmem>>, vector<16x16xf32>
    %dot_general3A_129 = arith.constant dense<0.000000e+00> : vector<512x16xf32>
    %dot_general3A_130 = tpu.matmul %get3A_3, %get3A_128, %dot_general3A_129 {dimension_numbers = #tpu.dot_dimension_numbers<[1], [0], [0], [1], [0, 0, 1, 1], [], []>, transpose_lhs_hint = false} : vector<512x16xf32>, vector<16x16xf32>, vector<512x16xf32> -> vector<512x16xf32>
    %get3A_131 = arith.constant 16 : index
    %get3A_132 = arith.constant 0 : index
    %get3A_133 = vector.load %arg17[%get3A_131, %get3A_132] : memref<32x16xf32, #tpu.memory_space<vmem>>, vector<16x16xf32>
    %dot_general3A_134 = arith.constant dense<0.000000e+00> : vector<512x16xf32>
    %dot_general3A_135 = tpu.matmul %add3A_125, %get3A_133, %dot_general3A_134 {dimension_numbers = #tpu.dot_dimension_numbers<[1], [0], [0], [1], [0, 0, 1, 1], [], []>, transpose_lhs_hint = false} : vector<512x16xf32>, vector<16x16xf32>, vector<512x16xf32> -> vector<512x16xf32>
    %add3A_136 = arith.addf %dot_general3A_130, %dot_general3A_135 : vector<512x16xf32>
    %get3A_137 = arith.constant 0 : index
    %get3A_138 = arith.constant 0 : index
    %get3A_139 = vector.load %arg18[%get3A_137, %get3A_138] : memref<1x16xf32, #tpu.memory_space<vmem>>, vector<1x16xf32>
    %add3A_140 = vector.broadcast %get3A_139 : vector<1x16xf32> to vector<512x16xf32>
    %add3A_141 = arith.addf %add3A_136, %add3A_140 : vector<512x16xf32>
    %max3A_142 = arith.constant 0.000000e+00 : f32
    %max3A_143 = vector.broadcast %max3A_142 : f32 to vector<512x16xf32>
    %max3A_144 = arith.maximumf %add3A_141, %max3A_143 : vector<512x16xf32>
    %get3A_145 = arith.constant 0 : index
    %get3A_146 = arith.constant 0 : index
    %get3A_147 = vector.load %arg19[%get3A_145, %get3A_146] : memref<16x16xf32, #tpu.memory_space<vmem>>, vector<16x16xf32>
    %dot_general3A_148 = arith.constant dense<0.000000e+00> : vector<512x16xf32>
    %dot_general3A_149 = tpu.matmul %max3A_144, %get3A_147, %dot_general3A_148 {dimension_numbers = #tpu.dot_dimension_numbers<[1], [0], [0], [1], [0, 0, 1, 1], [], []>, transpose_lhs_hint = false} : vector<512x16xf32>, vector<16x16xf32>, vector<512x16xf32> -> vector<512x16xf32>
    %get3A_150 = arith.constant 0 : index
    %get3A_151 = arith.constant 0 : index
    %get3A_152 = vector.load %arg20[%get3A_150, %get3A_151] : memref<1x16xf32, #tpu.memory_space<vmem>>, vector<1x16xf32>
    %add3A_153 = vector.broadcast %get3A_152 : vector<1x16xf32> to vector<512x16xf32>
    %add3A_154 = arith.addf %dot_general3A_149, %add3A_153 : vector<512x16xf32>
    %mul3A_155 = arith.mulf %get3A_3, %get3A_6 : vector<512x16xf32>
    %reduce_sum3A = arith.constant dense<0.000000e+00> : vector<512xf32>
    %reduce_sum3A_156 = vector.multi_reduction <add>, %mul3A_155, %reduce_sum3A [1] : vector<512x16xf32> to vector<512xf32>
    %broadcast_in_dim3A = vector.shape_cast %reduce_sum3A_156 : vector<512xf32> to vector<512x1xf32>
    %get3A_157 = arith.constant 0 : index
    %get3A_158 = arith.constant 0 : index
    %get3A_159 = vector.load %arg23[%get3A_157, %get3A_158] : memref<16x1xf32, #tpu.memory_space<vmem>>, vector<16x1xf32>
    %dot_general3A_160 = arith.constant dense<0.000000e+00> : vector<512x1xf32>
    %dot_general3A_161 = tpu.matmul %add3A_154, %get3A_159, %dot_general3A_160 {dimension_numbers = #tpu.dot_dimension_numbers<[1], [0], [0], [1], [0, 0, 1, 1], [], []>, transpose_lhs_hint = false} : vector<512x16xf32>, vector<16x1xf32>, vector<512x1xf32> -> vector<512x1xf32>
    %get3A_162 = arith.constant 0 : index
    %get3A_163 = arith.constant 0 : index
    %get3A_164 = vector.load %arg24[%get3A_162, %get3A_163] : memref<1x1xf32, #tpu.memory_space<vmem>>, vector<1x1xf32>
    %add3A_165 = vector.broadcast %get3A_164 : vector<1x1xf32> to vector<512x1xf32>
    %add3A_166 = arith.addf %dot_general3A_161, %add3A_165 : vector<512x1xf32>
    %iota3A = tpu.iota {dimensions = array<i32: 1>} : vector<512x16xi32>
    %get3A_167 = arith.constant 0 : index
    %get3A_168 = arith.constant 0 : index
    %get3A_169 = vector.load %arg7[%get3A_167, %get3A_168] : memref<512x1xi32, #tpu.memory_space<vmem>>, vector<512x1xi32>
    %eq3A_170 = vector.broadcast %get3A_169 : vector<512x1xi32> to vector<512x16xi32>
    %eq3A_171 = arith.cmpi eq, %iota3A, %eq3A_170 : vector<512x16xi32>
    %get3A_172 = arith.constant 0 : index
    %get3A_173 = arith.constant 0 : index
    %get3A_174 = vector.load %arg5[%get3A_172, %get3A_173] : memref<512x16xf32, #tpu.memory_space<vmem>>, vector<512x16xf32>
    %jit3A = arith.constant 0.000000e+00 : f32
    %broadcast_in_dim3A_175 = vector.broadcast %jit3A : f32 to vector<512x16xf32>
    %select_n3A = arith.select %eq3A_171, %get3A_174, %broadcast_in_dim3A_175 : vector<512x16xi1>, vector<512x16xf32>
    %reduce_sum3A_176 = arith.constant dense<0.000000e+00> : vector<512xf32>
    %reduce_sum3A_177 = vector.multi_reduction <add>, %select_n3A, %reduce_sum3A_176 [1] : vector<512x16xf32> to vector<512xf32>
    %broadcast_in_dim3A_178 = vector.shape_cast %reduce_sum3A_177 : vector<512xf32> to vector<512x1xf32>
    %get3A_179 = arith.constant 0 : index
    %get3A_180 = arith.constant 0 : index
    %get3A_181 = vector.load %arg8[%get3A_179, %get3A_180] : memref<512x1xi32, #tpu.memory_space<vmem>>, vector<512x1xi32>
    %eq3A_182 = vector.broadcast %get3A_181 : vector<512x1xi32> to vector<512x16xi32>
    %eq3A_183 = arith.cmpi eq, %iota3A, %eq3A_182 : vector<512x16xi32>
    %get3A_184 = arith.constant 0 : index
    %get3A_185 = arith.constant 0 : index
    %get3A_186 = vector.load %arg6[%get3A_184, %get3A_185] : memref<512x16xf32, #tpu.memory_space<vmem>>, vector<512x16xf32>
    %jit3A_187 = arith.constant 0.000000e+00 : f32
    %broadcast_in_dim3A_188 = vector.broadcast %jit3A_187 : f32 to vector<512x16xf32>
    %select_n3A_189 = arith.select %eq3A_183, %get3A_186, %broadcast_in_dim3A_188 : vector<512x16xi1>, vector<512x16xf32>
    %reduce_sum3A_190 = arith.constant dense<0.000000e+00> : vector<512xf32>
    %reduce_sum3A_191 = vector.multi_reduction <add>, %select_n3A_189, %reduce_sum3A_190 [1] : vector<512x16xf32> to vector<512xf32>
    %broadcast_in_dim3A_192 = vector.shape_cast %reduce_sum3A_191 : vector<512xf32> to vector<512x1xf32>
    %add3A_193 = arith.addf %broadcast_in_dim3A_178, %broadcast_in_dim3A_192 : vector<512x1xf32>
    %add3A_194 = arith.addf %add3A_193, %broadcast_in_dim3A : vector<512x1xf32>
    %add3A_195 = arith.addf %add3A_194, %add3A_166 : vector<512x1xf32>
    %logistic3A = arith.negf %add3A_195 : vector<512x1xf32>
    %logistic3A_196 = math.exp %logistic3A : vector<512x1xf32>
    %logistic3A_197 = arith.constant 1.000000e+00 : f32
    %logistic3A_198 = vector.broadcast %logistic3A_197 : f32 to vector<512x1xf32>
    %logistic3A_199 = arith.addf %logistic3A_198, %logistic3A_196 : vector<512x1xf32>
    %logistic3A_200 = arith.divf %logistic3A_198, %logistic3A_199 : vector<512x1xf32>
    %swap3A = arith.constant 0 : index
    %swap3A_201 = arith.constant 0 : index
    %swap3A_202 = vector.load %arg35[%swap3A, %swap3A_201] : memref<512x1xf32, #tpu.memory_space<vmem>>, vector<512x1xf32>
    tpu.vector_store %arg35[%swap3A, %swap3A_201], %logistic3A_200 {strides = array<i32>} : memref<512x1xf32, #tpu.memory_space<vmem>>, vector<512x1xf32>,
    %get3A_203 = arith.constant 0 : index
    %get3A_204 = memref.load %arg37[%get3A_203] : memref<2xf32, #tpu.memory_space<smem>>
    %sub3A = arith.subf %add3A_96, %add3A_125 : vector<512x16xf32>
    %integer_pow3A = arith.mulf %sub3A, %sub3A : vector<512x16xf32>
    %reduce_sum3A_205 = vector.shape_cast %integer_pow3A : vector<512x16xf32> to vector<1x512x16xf32>
    %reduce_sum3A_206 = arith.constant dense<0.000000e+00> : vector<1xf32>
    %reduce_sum3A_207 = vector.multi_reduction <add>, %reduce_sum3A_205, %reduce_sum3A_206 [1, 2] : vector<1x512x16xf32> to vector<1xf32>
    %reduce_sum3A_208 = vector.shape_cast %reduce_sum3A_207 : vector<1xf32> to vector<1x1x1xf32>
    %reduce_sum3A_209 = vector.extract %reduce_sum3A_208[0, 0, 0] : f32 from vector<1x1x1xf32>
    %add3A_210 = arith.addf %get3A_204, %reduce_sum3A_209 : f32
    %swap3A_211 = arith.constant 0 : index
    %swap3A_212 = memref.load %arg37[%swap3A_211] : memref<2xf32, #tpu.memory_space<smem>>
    memref.store %add3A_210, %arg37[%swap3A_211] : memref<2xf32, #tpu.memory_space<smem>>
    %get3A_213 = arith.constant 1 : index
    %get3A_214 = memref.load %arg37[%get3A_213] : memref<2xf32, #tpu.memory_space<smem>>
    %add3A_215 = arith.addf %broadcast_in_dim3A, %add3A_166 : vector<512x1xf32>
    %integer_pow3A_216 = arith.mulf %add3A_215, %add3A_215 : vector<512x1xf32>
    %reduce_sum3A_217 = vector.shape_cast %integer_pow3A_216 : vector<512x1xf32> to vector<1x512x1xf32>
    %reduce_sum3A_218 = arith.constant dense<0.000000e+00> : vector<1xf32>
    %reduce_sum3A_219 = vector.multi_reduction <add>, %reduce_sum3A_217, %reduce_sum3A_218 [1, 2] : vector<1x512x1xf32> to vector<1xf32>
    %reduce_sum3A_220 = vector.shape_cast %reduce_sum3A_219 : vector<1xf32> to vector<1x1x1xf32>
    %reduce_sum3A_221 = vector.extract %reduce_sum3A_220[0, 0, 0] : f32 from vector<1x1x1xf32>
    %add3A_222 = arith.addf %get3A_214, %reduce_sum3A_221 : f32
    %swap3A_223 = arith.constant 1 : index
    %swap3A_224 = memref.load %arg37[%swap3A_223] : memref<2xf32, #tpu.memory_space<smem>>
    memref.store %add3A_222, %arg37[%swap3A_223] : memref<2xf32, #tpu.memory_space<smem>>
    %eq3A_225 = arith.constant 31 : i32
    %eq3A_226 = arith.cmpi eq, %arg0, %eq3A_225 : i32
    %convert_element_type3A_227 = arith.extui %eq3A_226 : i1 to i32
    %cond3A_228 = arith.constant 0 : i32
    %cond3A_229 = arith.cmpi ne, %convert_element_type3A_227, %cond3A_228 : i32
    scf.if %cond3A_229 {
      %get3A_230 = arith.constant 0 : index
      %get3A_231 = memref.load %arg37[%get3A_230] : memref<2xf32, #tpu.memory_space<smem>>
      %get3A_232 = arith.constant 1 : index
      %get3A_233 = memref.load %arg37[%get3A_232] : memref<2xf32, #tpu.memory_space<smem>>
      %mul3A_234 = arith.constant 1.000000e-01 : f32
      %mul3A_235 = arith.mulf %mul3A_234, %get3A_233 : f32
      %add3A_236 = arith.addf %get3A_231, %mul3A_235 : f32
      %div3A_237 = arith.constant 1.638400e+04 : f32
      %div3A_238 = arith.divf %add3A_236, %div3A_237 : f32
      %broadcast_in_dim3A_239 = vector.broadcast %div3A_238 : f32 to vector<1x1xf32>
      %swap3A_240 = arith.constant 0 : index
      %swap3A_241 = arith.constant 0 : index
      %swap3A_242 = vector.load %arg36[%swap3A_240, %swap3A_241] : memref<1x1xf32, #tpu.memory_space<vmem>>, vector<1x1xf32>
      tpu.vector_store %arg36[%swap3A_240, %swap3A_241], %broadcast_in_dim3A_239 {strides = array<i32>} : memref<1x1xf32, #tpu.memory_space<vmem>>, vector<1x1xf32>,
    } else {
    }
    return
  }
  func.func @transform_0(%arg0: i32) -> (i32, i32) {
    %c0_i32 = arith.constant 0 : i32
    %c0_i32_0 = arith.constant 0 : i32
    return %arg0, %c0_i32 : i32, i32
  }
  func.func @transform_1(%arg0: i32) -> (i32, i32) {
    %c0_i32 = arith.constant 0 : i32
    %c0_i32_0 = arith.constant 0 : i32
    return %arg0, %c0_i32 : i32, i32
  }
  func.func @transform_2(%arg0: i32) -> (i32, i32) {
    %c0_i32 = arith.constant 0 : i32
    %c0_i32_0 = arith.constant 0 : i32
    return %arg0, %c0_i32 : i32, i32
  }
  func.func @transform_3(%arg0: i32) -> (i32, i32) {
    %c0_i32 = arith.constant 0 : i32
    %c0_i32_0 = arith.constant 0 : i32
    return %arg0, %c0_i32 : i32, i32
  }
  func.func @transform_4(%arg0: i32) -> (i32, i32) {
    %c0_i32 = arith.constant 0 : i32
    %c0_i32_0 = arith.constant 0 : i32
    return %arg0, %c0_i32 : i32, i32
  }
  func.func @transform_5(%arg0: i32) -> (i32, i32) {
    %c0_i32 = arith.constant 0 : i32
    %c0_i32_0 = arith.constant 0 : i32
    return %arg0, %c0_i32 : i32, i32
  }
  func.func @transform_6(%arg0: i32) -> (i32, i32) {
    %c0_i32 = arith.constant 0 : i32
    %c0_i32_0 = arith.constant 0 : i32
    return %arg0, %c0_i32 : i32, i32
  }
  func.func @transform_7(%arg0: i32) -> (i32, i32) {
    %c0_i32 = arith.constant 0 : i32
    %c0_i32_0 = arith.constant 0 : i32
    return %arg0, %c0_i32 : i32, i32
  }
  func.func @transform_8(%arg0: i32) -> (i32, i32) {
    %c0_i32 = arith.constant 0 : i32
    %c0_i32_0 = arith.constant 0 : i32
    %c0_i32_1 = arith.constant 0 : i32
    return %c0_i32, %c0_i32_0 : i32, i32
  }
  func.func @transform_9(%arg0: i32) -> (i32, i32) {
    %c0_i32 = arith.constant 0 : i32
    %c0_i32_0 = arith.constant 0 : i32
    %c0_i32_1 = arith.constant 0 : i32
    return %c0_i32, %c0_i32_0 : i32, i32
  }
  func.func @transform_10(%arg0: i32) -> (i32, i32) {
    %c0_i32 = arith.constant 0 : i32
    %c0_i32_0 = arith.constant 0 : i32
    %c0_i32_1 = arith.constant 0 : i32
    return %c0_i32, %c0_i32_0 : i32, i32
  }
  func.func @transform_11(%arg0: i32) -> (i32, i32) {
    %c0_i32 = arith.constant 0 : i32
    %c0_i32_0 = arith.constant 0 : i32
    %c0_i32_1 = arith.constant 0 : i32
    return %c0_i32, %c0_i32_0 : i32, i32
  }
  func.func @transform_12(%arg0: i32) -> (i32, i32) {
    %c0_i32 = arith.constant 0 : i32
    %c0_i32_0 = arith.constant 0 : i32
    %c0_i32_1 = arith.constant 0 : i32
    return %c0_i32, %c0_i32_0 : i32, i32
  }
  func.func @transform_13(%arg0: i32) -> (i32, i32) {
    %c0_i32 = arith.constant 0 : i32
    %c0_i32_0 = arith.constant 0 : i32
    %c0_i32_1 = arith.constant 0 : i32
    return %c0_i32, %c0_i32_0 : i32, i32
  }
  func.func @transform_14(%arg0: i32) -> (i32, i32) {
    %c0_i32 = arith.constant 0 : i32
    %c0_i32_0 = arith.constant 0 : i32
    %c0_i32_1 = arith.constant 0 : i32
    return %c0_i32, %c0_i32_0 : i32, i32
  }
  func.func @transform_15(%arg0: i32) -> (i32, i32) {
    %c0_i32 = arith.constant 0 : i32
    %c0_i32_0 = arith.constant 0 : i32
    %c0_i32_1 = arith.constant 0 : i32
    return %c0_i32, %c0_i32_0 : i32, i32
  }
  func.func @transform_16(%arg0: i32) -> (i32, i32) {
    %c0_i32 = arith.constant 0 : i32
    %c0_i32_0 = arith.constant 0 : i32
    %c0_i32_1 = arith.constant 0 : i32
    return %c0_i32, %c0_i32_0 : i32, i32
  }
  func.func @transform_17(%arg0: i32) -> (i32, i32) {
    %c0_i32 = arith.constant 0 : i32
    %c0_i32_0 = arith.constant 0 : i32
    %c0_i32_1 = arith.constant 0 : i32
    return %c0_i32, %c0_i32_0 : i32, i32
  }
  func.func @transform_18(%arg0: i32) -> (i32, i32) {
    %c0_i32 = arith.constant 0 : i32
    %c0_i32_0 = arith.constant 0 : i32
    %c0_i32_1 = arith.constant 0 : i32
    return %c0_i32, %c0_i32_0 : i32, i32
  }
  func.func @transform_19(%arg0: i32) -> (i32, i32) {
    %c0_i32 = arith.constant 0 : i32
    %c0_i32_0 = arith.constant 0 : i32
    %c0_i32_1 = arith.constant 0 : i32
    return %c0_i32, %c0_i32_0 : i32, i32
  }
  func.func @transform_20(%arg0: i32) -> (i32, i32) {
    %c0_i32 = arith.constant 0 : i32
    %c0_i32_0 = arith.constant 0 : i32
    %c0_i32_1 = arith.constant 0 : i32
    return %c0_i32, %c0_i32_0 : i32, i32
  }
  func.func @transform_21(%arg0: i32) -> (i32, i32) {
    %c0_i32 = arith.constant 0 : i32
    %c0_i32_0 = arith.constant 0 : i32
    %c0_i32_1 = arith.constant 0 : i32
    return %c0_i32, %c0_i32_0 : i32, i32
  }
  func.func @transform_22(%arg0: i32) -> (i32, i32) {
    %c0_i32 = arith.constant 0 : i32
    %c0_i32_0 = arith.constant 0 : i32
    %c0_i32_1 = arith.constant 0 : i32
    return %c0_i32, %c0_i32_0 : i32, i32
  }
  func.func @transform_23(%arg0: i32) -> (i32, i32) {
    %c0_i32 = arith.constant 0 : i32
    %c0_i32_0 = arith.constant 0 : i32
    %c0_i32_1 = arith.constant 0 : i32
    return %c0_i32, %c0_i32_0 : i32, i32
  }
  func.func @transform_24(%arg0: i32) -> (i32, i32) {
    %c0_i32 = arith.constant 0 : i32
    %c0_i32_0 = arith.constant 0 : i32
    %c0_i32_1 = arith.constant 0 : i32
    return %c0_i32, %c0_i32_0 : i32, i32
  }
  func.func @transform_25(%arg0: i32) -> (i32, i32) {
    %c0_i32 = arith.constant 0 : i32
    %c0_i32_0 = arith.constant 0 : i32
    %c0_i32_1 = arith.constant 0 : i32
    return %c0_i32, %c0_i32_0 : i32, i32
  }
  func.func @transform_26(%arg0: i32) -> (i32, i32) {
    %c0_i32 = arith.constant 0 : i32
    %c0_i32_0 = arith.constant 0 : i32
    %c0_i32_1 = arith.constant 0 : i32
    return %c0_i32, %c0_i32_0 : i32, i32
  }
  func.func @transform_27(%arg0: i32) -> (i32, i32) {
    %c0_i32 = arith.constant 0 : i32
    %c0_i32_0 = arith.constant 0 : i32
    %c0_i32_1 = arith.constant 0 : i32
    return %c0_i32, %c0_i32_0 : i32, i32
  }
  func.func @transform_28(%arg0: i32) -> (i32, i32) {
    %c0_i32 = arith.constant 0 : i32
    %c0_i32_0 = arith.constant 0 : i32
    %c0_i32_1 = arith.constant 0 : i32
    return %c0_i32, %c0_i32_0 : i32, i32
  }
  func.func @transform_29(%arg0: i32) -> (i32, i32) {
    %c0_i32 = arith.constant 0 : i32
    %c0_i32_0 = arith.constant 0 : i32
    %c0_i32_1 = arith.constant 0 : i32
    return %c0_i32, %c0_i32_0 : i32, i32
  }
  func.func @transform_30(%arg0: i32) -> (i32, i32) {
    %c0_i32 = arith.constant 0 : i32
    %c0_i32_0 = arith.constant 0 : i32
    %c0_i32_1 = arith.constant 0 : i32
    return %c0_i32, %c0_i32_0 : i32, i32
  }
  func.func @transform_31(%arg0: i32) -> (i32, i32) {
    %c0_i32 = arith.constant 0 : i32
    %c0_i32_0 = arith.constant 0 : i32
    %c0_i32_1 = arith.constant 0 : i32
    return %c0_i32, %c0_i32_0 : i32, i32
  }
  func.func @transform_32(%arg0: i32) -> (i32, i32) {
    %c0_i32 = arith.constant 0 : i32
    %c0_i32_0 = arith.constant 0 : i32
    %c0_i32_1 = arith.constant 0 : i32
    return %c0_i32, %c0_i32_0 : i32, i32
  }
  func.func @transform_33(%arg0: i32) -> (i32, i32) {
    %c0_i32 = arith.constant 0 : i32
    %c0_i32_0 = arith.constant 0 : i32
    %c0_i32_1 = arith.constant 0 : i32
    return %c0_i32, %c0_i32_0 : i32, i32
  }
  func.func @transform_34(%arg0: i32) -> (i32, i32) {
    %c0_i32 = arith.constant 0 : i32
    %c0_i32_0 = arith.constant 0 : i32
    return %arg0, %c0_i32 : i32, i32
  }
  func.func @transform_35(%arg0: i32) -> (i32, i32) {
    %c0_i32 = arith.constant 0 : i32
    %c0_i32_0 = arith.constant 0 : i32
    %c0_i32_1 = arith.constant 0 : i32
    return %c0_i32, %c0_i32_0 : i32, i32
  }
}

</mosaic_0001>

<sc_bundles>
// kernel: kernel.4.cloned.1.call-start
scs
__scs_entry_jumppad:
0x0: {  	(pc) =	sbr.rel $0x88, $3  }
0x1: {  	(tag) =	ssettag $0x0;
	lr =	simm.s32 $0x1  }
0x2: {  	[smem:$0x3F85] =	sst lr;
	_ =	strace $0xD0000000  }
0x3: {  	_ = 	snop  }
0x4: {  	_ = 	snop  }
0x5: {  	_ = 	snop  }
0x6: {  	_ = 	snop  }
0x7: {  	_ = 	snop  }
__scs_overlays_trampoline_lowered:
0x8: {  	[smem:$0x3F94] =	sst s0  }
0x9: {  	[smem:$0x3F95] =	sst s1  }
0xa: {  	[smem:$0x3F96] =	sst s2  }
0xb: {  	[smem:$0x3F97] =	sst s3  }
0xc: {  	[smem:$0x3F98] =	sst s4  }
0xd: {  	[smem:$0x3F99] =	sst s5  }
0xe: {  	[smem:$0x3F9A] =	sst s6  }
0xf: {  	[smem:$0x3F9B] =	sst s7  }
0x10: {  	[smem:$0x3F9C] =	sst s8  }
0x11: {  	[smem:$0x3F9D] =	sst s9;
	s0 =	simm.s32 @!p0 $0x0  }
0x12: {  	s1 =	sld [smem:$0x3F83];
	s0 =	simm.s32 @p0 $0x1  }
0x13: {  	[smem:$0x3F9E] =	sst s0;
	s0 =	simm.s32 @!p1 $0x0  }
0x14: {  	s2 =	sld [smem:$0x3F82];
	s0 =	simm.s32 @p1 $0x1  }
0x15: {  	[smem:$0x3F9F] =	sst s0;
	s0 =	simm.s32 @!p2 $0x0  }
0x16: {  	s3 =	sld [smem:$0x3FDB];
	s0 =	simm.s32 @p2 $0x1  }
0x17: {  	s4 =	simm.s32 $0x1BF5;
	[smem:$0x3FA1] =	sst s0  }
0x18: {  	s0 =	sld [smem:$0x3F84];
	_ =	swait.ge [sflag:s4], $0x0  }
0x19: {  	s7 =	sld [smem:$0x3F85]  }
0x1a: {  	s8 =	sadd.s32 $0xFFFFE003, lr  }
0x1b: {  	s9 =	sadd.s32 $0xFFFFFEF7, lr;
	s5 =	simm.s32 $0xFFFFFFFF;
	p2 =	slt.u32 s8, $0xFFFFF086  }
0x1c: {  	p1 =	slt.u32 s9, $0xF7A;
	s5 =	simm.s32 @!p2 $0x0  }
0x1d: {  	s5 =	simm.s32 @p1 $0x1;
	p0 =	seq.s32 s7, s2  }
0x1e: {  	s7 =	smul.u32 @!p0 $0xF7A, s2;
	p2 =	seq.s32 @!p0 s5, $0x0  }
0x1f: {  	s9 =	smul.u32 $0xF7A, s1;
	s8 =	simm.s32 @!p0 $0x1BF5;
	p2 =	por !p2, p0  }
0x20: {  	[sflag:s8] =	ssyncset.s32 @!p0 $0xFFFFF086;
	s6 =	sadd.s32 @!p0 s3, s7;
	s7 =	simm.s32 @!p0 $0x108  }
0x21: {  	s3 =	sadd.s32 s3, s9;
	s6 =	sadd.s32 @!p0 $0x88, s6;
	s7 =	simm.s32 @p2 $0x1082  }
0x22: {  	[simem:s7], [sflag:s8] =	dma.local @!p0 [hbm:s6], $0xF7A  }
0x23: {  	s9 =	sor.u32 $0xD0000000, s2;
	s6 =	simm.s32 $0x108;
	_ =	swait.ge @!p0 [sflag:s8], $0x0  }
0x24: {  	s3 =	sadd.s32 $0x88, s3;
	s6 =	simm.s32 @!p1 $0x1082;
	[sflag:s4] =	ssyncset.s32 $0xFFFFF086  }
0x25: {  	[simem:s6], [sflag:s4] =	dma.local [hbm:s3], $0xF7A  }
0x26: {  	[smem:$0x3F85] =	sst s1;
	(tag) =	ssettag s2;
	_ =	strace s9  }
0x27: {  	s1 =	sld [smem:$0x3F95]  }
0x28: {  	s2 =	sld [smem:$0x3F96]  }
0x29: {  	s4 =	sld [smem:$0x3F98]  }
0x2a: {  	p0 =	seq.s32 s5, $0x0;
	s5 =	sld [smem:$0x3F99]  }
0x2b: {  	s6 =	sld [smem:$0x3F9A]  }
0x2c: {  	s7 =	sld [smem:$0x3F9B]  }
0x2d: {  	s3 =	simm.s32 $0x108;
	s8 =	sld [smem:$0x3F9C]  }
0x2e: {  	s3 =	simm.s32 @!p0 $0x1082;
	s9 =	sld [smem:$0x3F9D]  }
0x2f: {  	lr =	sadd.s32 s0, s3;
	s0 =	sld [smem:$0x3F94]  }
0x30: {  	s3 =	sld [smem:$0x3F97]  }
0x31: {  	[smem:$0x3FA0] =	sst s10  }
0x32: {  	s10 =	sld [smem:$0x3F9E];
	_ =	sdelay $0x3  }
0x33: {  	p0 =	seq.s32 s10, $0x1;
	s10 =	sld [smem:$0x3FA0];
	_ =	sdelay $0x3  }
0x34: {  	[smem:$0x3FA0] =	sst s10  }
0x35: {  	s10 =	sld [smem:$0x3F9F];
	_ =	sdelay $0x3  }
0x36: {  	p1 =	seq.s32 s10, $0x1;
	s10 =	sld [smem:$0x3FA0];
	_ =	sdelay $0x3  }
0x37: {  	[smem:$0x3FA0] =	sst s10  }
0x38: {  	s10 =	sld [smem:$0x3FA1]  }
0x39: {  	_ = 	snop;
	(pc) =	sbr.ind lr, $3  }
0x3a: {  	_ = 	snop  }
0x3b: {  	_ = 	snop  }
0x3c: {  	p2 =	seq.s32 s10, $0x1;
	s10 =	sld [smem:$0x3FA0]  }
0x3d: {  	_ =	shalt  }
0x3e: {  	_ =	shalt  }
0x3f: {  	_ =	shalt  }
0x40: {  	_ =	shalt  }
0x41: {  	_ =	shalt  }
0x42: {  	_ =	shalt  }
0x43: {  	_ =	shalt  }
0x44: {  	_ =	shalt  }
0x45: {  	_ =	shalt  }
0x46: {  	_ =	shalt  }
0x47: {  	_ =	shalt  }
0x48: {  	_ =	shalt  }
0x49: {  	_ =	shalt  }
0x4a: {  	_ =	shalt  }
0x4b: {  	_ =	shalt  }
0x4c: {  	_ =	shalt  }
0x4d: {  	_ =	shalt  }
0x4e: {  	_ =	shalt  }
0x4f: {  	_ =	shalt  }
0x50: {  	_ =	shalt  }
0x51: {  	_ =	shalt  }
0x52: {  	_ =	shalt  }
0x53: {  	_ =	shalt  }
0x54: {  	_ =	shalt  }
0x55: {  	_ =	shalt  }
0x56: {  	_ =	shalt  }
0x57: {  	_ =	shalt  }
0x58: {  	_ =	shalt  }
0x59: {  	_ =	shalt  }
0x5a: {  	_ =	shalt  }
0x5b: {  	_ =	shalt  }
0x5c: {  	_ =	shalt  }
0x5d: {  	_ =	shalt  }
0x5e: {  	_ =	shalt  }
0x5f: {  	_ =	shalt  }
0x60: {  	_ =	shalt  }
0x61: {  	_ =	shalt  }
0x62: {  	_ =	shalt  }
0x63: {  	_ =	shalt  }
0x64: {  	_ =	shalt  }
0x65: {  	_ =	shalt  }
0x66: {  	_ =	shalt  }
0x67: {  	_ =	shalt  }
0x68: {  	_ =	shalt  }
0x69: {  	_ =	shalt  }
0x6a: {  	_ =	shalt  }
0x6b: {  	_ =	shalt  }
0x6c: {  	_ =	shalt  }
0x6d: {  	_ =	shalt  }
0x6e: {  	_ =	shalt  }
0x6f: {  	_ =	shalt  }
0x70: {  	_ =	shalt  }
0x71: {  	_ =	shalt  }
0x72: {  	_ =	shalt  }
0x73: {  	_ =	shalt  }
0x74: {  	_ =	shalt  }
0x75: {  	_ =	shalt  }
0x76: {  	_ =	shalt  }
0x77: {  	_ =	shalt  }
0x78: {  	_ =	shalt  }
0x79: {  	_ =	shalt  }
0x7a: {  	_ =	shalt  }
0x7b: {  	_ =	shalt  }
0x7c: {  	_ =	shalt  }
0x7d: {  	_ =	shalt  }
0x7e: {  	_ =	shalt  }
0x7f: {  	_ =	shalt  }
0x80: {  	_ =	shalt  }
0x81: {  	_ =	shalt  }
0x82: {  	_ =	shalt  }
0x83: {  	_ =	shalt  }
0x84: {  	_ =	shalt  }
0x85: {  	_ =	shalt  }
0x86: {  	_ =	shalt  }
0x87: {  	_ =	shalt  }
.Lfunc_end0:
.L_simem_size_0:
called_computation_lowered:
.L_overlay_start_0:
0x88: {  	s2 =	sld [smem:$0x3FD9]  }
0x89: {  	s3 =	sld [smem:$0x3FFE];
	_ =	sdelay $0x1  }
0x8a: {  	s1 =	srdreg.scid  }
0x8b: {  	s0 =	sand.u32 $0x1, s1  }
0x8c: {  	s14 =	sshll.u32 s0, $0xA;
	s2 =	sadd.s32 s3, s2  }
0x8d: {  	s2 =	sadd.s32 s2, s14  }
0x8e: {  	[smem:$0x3FAC] =	sst s2  }
0x8f: {  	_ = 	snop  }
0x90: {  	s2 =	sld [smem:$0x3FD0];
	_ =	sdelay $0x1  }
0x91: {  	s15 =	sld [smem:$0x3FC9]  }
0x92: {  	s5 =	simm.s32 $0xA;
	s6 =	simm.s32 $0x10;
	s4 =	sld [smem:$0x3FC8]  }
0x93: {  	[smem:s6], [sflag:s5] =	dma.local [hbm:s2], $0x1  }
0x94: {  	_ =	swait.eq [sflag:s5], $0x1  }
0x95: {  	[sflag:s5] =	ssyncset.done $0x0  }
0x96: {  	[sflag:s5] =	ssyncadd.s32 $0xFFFFFFFF  }
0x97: {  	s16 =	sld [smem:$0x10];
	(tm) =	ssettm $0x1  }
0x98: {  	s17 =	sld [smem:$0x3FFB];
	_ =	sdelay $0x3  }
0x99: {  	_ =	strace s17  }
0x9a: {  	s5 =	sld [smem:$0x3FFC];
	_ =	sdelay $0x3  }
0x9b: {  	_ =	strace s5  }
0x9c: {  	s5 =	sld [smem:$0x3FFD];
	_ =	sdelay $0x3  }
0x9d: {  	_ =	strace s5  }
0x9e: {  	_ =	strace $0x8FFFFFFF  }
0x9f: {  	s18 =	sld [smem:$0x3FDB];
	_ =	sdelay $0x1  }
0xa0: {  	s19 =	simm.s32 $_scs_section_size  }
0xa1: {  	s7 =	simm.s32 $_size__tile_overlayer_lowered;
	s8 =	simm.s32 $_tile_overlayer_lowered  }
0xa2: {  	s22 =	simm.s32 $0x1BFF;
	s21 =	sshll.u32 s8, $0x1;
	s5 =	sadd.s32 s19, s18  }
0xa3: {  	s9 =	simm.s32 $0x0;
	s20 =	sshll.u32 s7, $0x1;
	s7 =	sadd.s32 s21, s5  }
0xa4: {  	[timem:s9], [sflag:s22] =	dma.local [hbm:s7], s20  }
0xa5: {  	_ =	swait.ge [sflag:s22], s20  }
0xa6: {  	s6 =	ssub.s32 $0x0, s20;
	[sflag:s22] =	ssyncset.done $0x0  }
0xa7: {  	[sflag:s22] =	ssyncadd.s32 s6;
	_ =	sdelay $0x1  }
0xa8: {  	s23 =	simm.s32 $0x1B8B  }
0xa9: {  	_ =	swait.ge [sflag:s23], $0x1  }
0xaa: {  	[sflag:s23] =	ssyncset.done $0x0  }
0xab: {  	s25 =	simm.s32 $0x1B8E;
	s24 =	sld [smem:$0x3FFE];
	[sflag:s23] =	ssyncadd.s32 $0xFFFFFFFF  }
0xac: {  	s26 =	simm.s32 $execute0_lowered;
	[smem:$0x3FD2] =	sst s25  }
0xad: {  	s7 =	sshll.u32 s26, $0x1;
	_ =	strace $0x80000046;
	[dreg:$0x1] =	wrdreg $0xFFFFFFFF  }
0xae: {  	s28 =	simm.s32 $_size_execute0_lowered;
	s5 =	sadd.s32 s5, s7;
	[dreg:$0x0] =	wrdreg $0x0  }
0xaf: {  	s7 =	sshll.u32 s28, $0x1;
	[dreg:$0x2] =	wrdreg s5  }
0xb0: {  	[dreg:$0x3] =	wrdreg s7  }
0xb1: {  	[dreg:$0x4] =	wrdreg $0xC0  }
0xb2: {  	_ =	task [dreg:s9], $0x5FFFF  }
0xb3: {  	[dreg:$0x1] =	wrdreg $0xFFFFFFFF  }
0xb4: {  	[dreg:$0x0] =	wrdreg $0x60  }
0xb5: {  	[dreg:$0x2] =	wrdreg s24  }
0xb6: {  	[dreg:$0x3] =	wrdreg s15  }
0xb7: {  	[dreg:$0x4] =	wrdreg s4  }
0xb8: {  	[dreg:$0x5] =	wrdreg s16  }
0xb9: {  	[dreg:$0x6] =	wrdreg $0x9  }
0xba: {  	_ =	task.clear_ibuf [dreg:s9], $0x7FFFF;
	_ =	strace $0x90000046  }
0xbb: {  	s29 =	simm.s32 $0x9;
	_ =	strace $0x80000048  }
0xbc: {  	_ =	swait.ge [sflag:s29], $0x1  }
0xbd: {  	[sflag:s29] =	ssyncadd.s32 $0xFFFFFFFF  }
0xbe: {  	_ =	strace $0x90000048  }
0xbf: {  	_ =	sfence  }
0xc0: {  	s30 =	sld [smem:$0x0];
	_ =	sdelay $0x2  }
0xc1: {  	s31 =	sshll.u32 s1, $0xD;
	s1 =	sshrl.u32 s1, $0x2  }
0xc2: {  	s3 =	sand.u32 $0x4000, s31;
	s1 =	sadd.s32 s1, s30  }
0xc3: {  	s0 =	sor.u32 s3, s0;
	s1 =	sshll.u32 s1, $0x11  }
0xc4: {  	s0 =	sor.u32 s1, s0  }
0xc5: {  	s0 =	sadd.s32 $0x8F2B, s0  }
0xc6: {  	[sflag:s0] =	ssyncadd.remote.s32 $0x1  }
0xc7: {  	_ =	sfence.sel $0xFFFF  }
0xc8: {  	[dreg:$0x0] =	wrdreg $0xFFFFFFFF;
	(pc) =	sbr.abs _section_cstart, $3  }
0xc9: {  	[dreg:$0x1] =	wrdreg $0xFFFFFFFF  }
0xca: {  	_ =	task.clear_ibuf [dreg:s9], $0x2FFFF;
	_ =	strace $0x9FFFFFFF  }
0xcb: {  	(tm) =	ssettm $0x7FFFFFFF  }
tec
execute0_lowered:
.L_overlay_start_1:
0x0: {  	(tag) =	ssettag $0x1  }
0x1: {  	s0 =	rddreg [dreg:$0x0]  }
0x2: {  	s1 =	srdreg.scid;
	s2 =	stileid.u32  }
0x3: {  	s4 =	rddreg [dreg:$0x1];
	s3 =	sand.u32 $0x1, s1;
	s22 =	sshll.u32 s2, $0x1  }
0x4: {  	s5 =	rddreg [dreg:$0x2];
	s1 =	sor.u32 s3, s22  }
0x5: {  	s6 =	rddreg [dreg:$0x3];
	s2 =	simm.s32 $0x0;
	s8 =	sshll.u32 s1, $0x6  }
0x6: {  	[smem:$0x7FF] =	sst s2;
	s4 =	sadd.s32 s4, s8  }
0x7: {  	_ =	strace $0x80000047;
	s24 =	sadd.s32 s5, s8;
	[dreg:$0x6] =	wrdreg s4  }
0x8: {  	s9 =	sshll.u32 s1, $0xA;
	s10 =	sadd.s32 s6, s8;
	[dreg:$0x7] =	wrdreg s24  }
0x9: {  	s23 =	sadd.s32 s9, s0;
	s6 =	simm.s32 $0x380;
	[dreg:$0xb] =	wrdreg s10  }
0xa: {  	s9 =	sadd.s32 s8, s0;
	s8 =	simm.s32 $0x480;
	[dreg:$0x1d] =	wrdreg s6  }
0xb: {  	s25 =	sadd.s32 $0x10C200, s23;
	[dreg:$0x1f] =	wrdreg s8  }
0xc: {  	s26 =	sadd.s32 $0x104200, s23;
	[dreg:$0x8] =	wrdreg s25  }
0xd: {  	s5 =	sadd.s32 $0xFC200, s23;
	[dreg:$0x9] =	wrdreg s26  }
0xe: {  	s11 =	sadd.s32 $0x4BA00, s9;
	[dreg:$0xa] =	wrdreg s5  }
0xf: {  	s13 =	sadd.s32 $0xF4200, s23;
	[dreg:$0xc] =	wrdreg s11  }
0x10: {  	s15 =	sadd.s32 $0xEC200, s23;
	[dreg:$0xd] =	wrdreg s13  }
0x11: {  	s24 =	simm.s32 $0x100;
	[dreg:$0xe] =	wrdreg s15  }
0x12: {  	s4 =	simm.s32 $0x280;
	[dreg:$0x18] =	wrdreg s24  }
0x13: {  	s9 =	simm.s32 $0x500;
	[dreg:$0x1b] =	wrdreg s4  }
0x14: {  	s7 =	smul.u32 $0x500, s1;
	s10 =	simm.s32 $0x580;
	[smem:$0x7B8] =	sst s9  }
0x15: {  	s12 =	smul.u32 $0x5000, s1;
	s6 =	simm.s32 $0xF00;
	[smem:$0x7B9] =	sst s10  }
0x16: {  	s7 =	sadd.s32 s7, s0;
	s8 =	simm.s32 $0x1000;
	[smem:$0x7CC] =	sst s6  }
0x17: {  	s14 =	sadd.s32 $0x4C200, s0;
	s7 =	sadd.s32 $0x4600, s7;
	[smem:$0x7CE] =	sst s8  }
0x18: {  	s5 =	sadd.s32 s14, s12;
	[dreg:$0x5] =	wrdreg s7  }
0x19: {  	s25 =	simm.s32 $0x180;
	[smem:$0x7B7] =	sst s5  }
0x1a: {  	s26 =	simm.s32 $0x200;
	[dreg:$0x19] =	wrdreg s25  }
0x1b: {  	s1 =	smul.u32 $0x28000, s1;
	s11 =	simm.s32 $0x600;
	[dreg:$0x1a] =	wrdreg s26  }
0x1c: {  	s12 =	simm.s32 $0x680;
	[smem:$0x7BA] =	sst s11  }
0x1d: {  	s1 =	sshrl.u32 s1, $0x3;
	s13 =	simm.s32 $0x700;
	[smem:$0x7BB] =	sst s12  }
0x1e: {  	s1 =	sadd.s32 s14, s1;
	s14 =	simm.s32 $0x780;
	[smem:$0x7BC] =	sst s13  }
0x1f: {  	s15 =	simm.s32 $0x800;
	[smem:$0x7BD] =	sst s14  }
0x20: {  	s24 =	simm.s32 $0xC80;
	[smem:$0x7BE] =	sst s15  }
0x21: {  	s4 =	simm.s32 $0xE00;
	[smem:$0x7C7] =	sst s24  }
0x22: {  	s9 =	simm.s32 $0x1080;
	[smem:$0x7CA] =	sst s4  }
0x23: {  	s10 =	simm.s32 $0x1100;
	[smem:$0x7CF] =	sst s9  }
0x24: {  	s6 =	simm.s32 $0x1A80;
	[smem:$0x7D0] =	sst s10  }
0x25: {  	s8 =	simm.s32 $0x1B80;
	[smem:$0x7E3] =	sst s6  }
0x26: {  	s16 =	sadd.s32 $0x800, s5;
	[smem:$0x7E5] =	sst s8  }
0x27: {  	s17 =	sadd.s32 $0x1000, s1;
	[dreg:$0xf] =	wrdreg s16  }
0x28: {  	s18 =	sadd.s32 $0x1800, s1;
	[dreg:$0x10] =	wrdreg s17  }
0x29: {  	s19 =	sadd.s32 $0x2000, s1;
	[dreg:$0x11] =	wrdreg s18  }
0x2a: {  	s20 =	sadd.s32 $0x2800, s1;
	[dreg:$0x12] =	wrdreg s19  }
0x2b: {  	s21 =	sadd.s32 $0x3000, s1;
	[dreg:$0x13] =	wrdreg s20  }
0x2c: {  	s22 =	sadd.s32 $0x3800, s1;
	[dreg:$0x14] =	wrdreg s21  }
0x2d: {  	s23 =	sadd.s32 $0x4000, s1;
	[dreg:$0x15] =	wrdreg s22  }
0x2e: {  	s1 =	sadd.s32 $0x4800, s1;
	[dreg:$0x16] =	wrdreg s23  }
0x2f: {  	s5 =	simm.s32 $0x300;
	[dreg:$0x17] =	wrdreg s1  }
0x30: {  	s7 =	simm.s32 $0x400;
	[dreg:$0x1c] =	wrdreg s5  }
0x31: {  	s25 =	simm.s32 $0xD00;
	[dreg:$0x1e] =	wrdreg s7  }
0x32: {  	s26 =	simm.s32 $0xD80;
	[smem:$0x7C8] =	sst s25  }
0x33: {  	s11 =	simm.s32 $0x1180;
	[smem:$0x7C9] =	sst s26  }
0x34: {  	s12 =	simm.s32 $0x1200;
	[smem:$0x7D1] =	sst s11  }
0x35: {  	s13 =	simm.s32 $0x1280;
	[smem:$0x7D2] =	sst s12  }
0x36: {  	s14 =	simm.s32 $0x1300;
	[smem:$0x7D3] =	sst s13  }
0x37: {  	s15 =	simm.s32 $0x1380;
	[smem:$0x7D4] =	sst s14  }
0x38: {  	s24 =	simm.s32 $0x1800;
	[smem:$0x7D5] =	sst s15  }
0x39: {  	s4 =	simm.s32 $0x1980;
	[smem:$0x7DE] =	sst s24  }
0x3a: {  	s9 =	simm.s32 $0x1C00;
	[smem:$0x7E1] =	sst s4  }
0x3b: {  	s10 =	simm.s32 $0x1C80;
	[smem:$0x7E6] =	sst s9  }
0x3c: {  	s16 =	simm.s32 $0x880;
	[smem:$0x7E7] =	sst s10  }
0x3d: {  	s17 =	simm.s32 $0x900;
	[smem:$0x7BF] =	sst s16  }
0x3e: {  	s18 =	simm.s32 $0x980;
	[smem:$0x7C0] =	sst s17  }
0x3f: {  	s19 =	simm.s32 $0xA00;
	[smem:$0x7C1] =	sst s18  }
0x40: {  	s20 =	simm.s32 $0xA80;
	[smem:$0x7C2] =	sst s19  }
0x41: {  	s21 =	simm.s32 $0xB00;
	[smem:$0x7C3] =	sst s20  }
0x42: {  	s22 =	simm.s32 $0xB80;
	[smem:$0x7C4] =	sst s21  }
0x43: {  	s23 =	simm.s32 $0xC00;
	[smem:$0x7C5] =	sst s22  }
0x44: {  	s5 =	simm.s32 $0xE80;
	[smem:$0x7C6] =	sst s23  }
0x45: {  	s7 =	simm.s32 $0xF80;
	[smem:$0x7CB] =	sst s5  }
0x46: {  	s25 =	simm.s32 $0x1880;
	[smem:$0x7CD] =	sst s7  }
0x47: {  	s26 =	simm.s32 $0x1900;
	[smem:$0x7DF] =	sst s25  }
0x48: {  	s11 =	simm.s32 $0x1D00;
	[smem:$0x7E0] =	sst s26  }
0x49: {  	s12 =	simm.s32 $0x1D80;
	[smem:$0x7E8] =	sst s11  }
0x4a: {  	s13 =	simm.s32 $0x1E00;
	[smem:$0x7E9] =	sst s12  }
0x4b: {  	s14 =	simm.s32 $0x1E80;
	[smem:$0x7EA] =	sst s13  }
0x4c: {  	s15 =	simm.s32 $0x1F00;
	[smem:$0x7EB] =	sst s14  }
0x4d: {  	s24 =	simm.s32 $0x2200;
	[smem:$0x7EC] =	sst s15  }
0x4e: {  	s29 =	simm.s32 $0x2900;
	s9 =	simm.s32 $0x2480;
	[smem:$0x7F2] =	sst s24  }
0x4f: {  	s28 =	simm.s32 $0x2B00;
	s10 =	simm.s32 $0x2500;
	[smem:$0x7F7] =	sst s9  }
0x50: {  	s30 =	simm.s32 $0x2B80;
	s16 =	simm.s32 $0x1400;
	[smem:$0x7F8] =	sst s10  }
0x51: {  	p0 =	por $0x0, $0x0;
	s17 =	simm.s32 $0x1480;
	[smem:$0x7D6] =	sst s16  }
0x52: {  	s31 =	sadd.s32 $0x1317600, s0;
	s18 =	simm.s32 $0x1500;
	[smem:$0x7D7] =	sst s17  }
0x53: {  	s3 =	ssub.s32 $0x2, s3;
	s19 =	simm.s32 $0x1580;
	[smem:$0x7D8] =	sst s18  }
0x54: {  	s6 =	simm.s32 $0x80;
	s20 =	simm.s32 $0x1600;
	[smem:$0x7D9] =	sst s19  }
0x55: {  	s1 =	sadd.s32 $0xF46A00, s0;
	s21 =	simm.s32 $0x1680;
	[smem:$0x7DA] =	sst s20  }
0x56: {  	s4 =	sadd.s32 $0x112F000, s0;
	s22 =	simm.s32 $0x1700;
	[smem:$0x7DB] =	sst s21  }
0x57: {  	s23 =	simm.s32 $0x1780;
	s5 =	simm.s32 $0x1A00;
	[smem:$0x7DC] =	sst s22  }
0x58: {  	s7 =	simm.s32 $0x1B00;
	s25 =	simm.s32 $0x2280;
	[smem:$0x7DD] =	sst s23  }
0x59: {  	s26 =	simm.s32 $0x2300;
	s24 =	simm.s32 $0x2880;
	[smem:$0x7E2] =	sst s5  }
0x5a: {  	s11 =	simm.s32 $0x2580;
	s12 =	simm.s32 $0x2600;
	[smem:$0x7E4] =	sst s7  }
0x5b: {  	s13 =	simm.s32 $0x2680;
	s14 =	simm.s32 $0x2700;
	[smem:$0x7F3] =	sst s25  }
0x5c: {  	s15 =	simm.s32 $0x2780;
	s10 =	simm.s32 $0x5400;
	[smem:$0x7F4] =	sst s26  }
0x5d: {  	s9 =	simm.s32 $0x6400;
	s18 =	sadd.s32 $0x2D000, s0;
	[smem:$0x7F9] =	sst s11  }
0x5e: {  	s16 =	sadd.s32 $0xE600, s0;
	s17 =	simm.s32 $0x1F80;
	[smem:$0x7FA] =	sst s12  }
0x5f: {  	s19 =	sshrl.u32 s3, $0x1;
	s20 =	simm.s32 $0x2000;
	[smem:$0x7FB] =	sst s13  }
0x60: {  	s21 =	simm.s32 $0x2080;
	s22 =	simm.s32 $0x2100;
	[smem:$0x7FC] =	sst s14  }
0x61: {  	s23 =	simm.s32 $0x2180;
	s5 =	simm.s32 $0x2380;
	[smem:$0x7FD] =	sst s15  }
0x62: {  	s7 =	simm.s32 $0x2400;
	s25 =	simm.s32 $0x2980;
	s15 =	rddreg [dreg:$0x5]  }
0x63: {  	s26 =	simm.s32 $0x2A80;
	s14 =	simm.s32 $0x3400;
	[smem:$0x7ED] =	sst s17  }
0x64: {  	s13 =	simm.s32 $0x3C00;
	s3 =	ssub.s32 s3, s19;
	[smem:$0x7EE] =	sst s20  }
0x65: {  	s12 =	simm.s32 $0x4400;
	[smem:$0x7EF] =	sst s21;
	s8 =	smax.u32 s3, $0x1  }
0x66: {  	s11 =	simm.s32 $0x4C00;
	[smem:$0x7F0] =	sst s22;
	p1 =	sne.s32 s8, $0x1  }
.Ltmp0:
0x67: {  	s22 =	simm.s32 $0x2800;
	[smem:$0x7F1] =	sst s23;
	(pc) =	sbr.rel @!p1 .LBB2_1-.Ltmp0, $4  }
0x68: {  	s19 =	simm.s32 $0x2A00;
	s17 =	simm.s32 $0x6C00;
	[smem:$0x7F5] =	sst s5  }
0x69: {  	s20 =	simm.s32 $0x7400;
	[smem:$0x7F6] =	sst s7;
	s21 =	simm.s32 $0x7C00  }
0x6a: {  	s23 =	simm.s32 $0x8400;
	s5 =	simm.s32 $0x1;
	s7 =	simm.s32 $0x2C00  }
0x6b: {  	s3 =	simm.s32 $0x2;
	s0 =	sadd.s32 $0xFFFFFFFF, s8;
	s8 =	simm.s32 $0x5C00  }
0x6c: {  	[tilespmem:s2], [sflag:$0x2] =	stream.linear.gather [hbm4b:s15+s2], $0x2800, $0x38;
	[tilespmem:$0x8C00] =	vst v63  }
0x6d: {  	_ =	swait.ge [sflag:s3], $0x2800  }
0x6e: {  	[sflag:s3] =	ssyncset.done $0x0  }
0x6f: {  	s15 =	rddreg [dreg:$0x6];
	[sflag:s3] =	ssyncadd.s32 $0xFFFFD800  }
0x70: {  	[tilespmem:s22], [sflag:$0x2] =	stream.linear.gather [hbm4b:s15+s2], $0x200, $0x38;
	[tilespmem:$0x8C00] =	vst v63  }
0x71: {  	_ =	swait.ge [sflag:s3], $0x200  }
0x72: {  	[sflag:s3] =	ssyncset.done $0x0  }
0x73: {  	s15 =	rddreg [dreg:$0x7];
	[sflag:s3] =	ssyncadd.s32 $0xFFFFFE00  }
0x74: {  	[tilespmem:s19], [sflag:$0x2] =	stream.linear.gather [hbm4b:s15+s2], $0x200, $0x38;
	[tilespmem:$0x8C00] =	vst v63  }
0x75: {  	_ =	swait.ge [sflag:s3], $0x200  }
0x76: {  	[sflag:s3] =	ssyncset.done $0x0  }
0x77: {  	[sflag:s3] =	ssyncadd.s32 $0xFFFFFE00  }
0x78: {  	[tilespmem:s17], [sflag:$0x1] =	stream.indirect.gather [hbm4b:s1+s6], $0x10, s22, s6, $0xb8;
	[tilespmem:$0x8C00] =	vst v63  }
0x79: {  	_ = 	snop  }
0x7a: {  	[tilespmem:s20], [sflag:$0x1] =	stream.indirect.gather [hbm4b:s1+s6], $0x10, s24, s6, $0xb8;
	[tilespmem:$0x8C00] =	vst v63  }
0x7b: {  	_ = 	snop  }
0x7c: {  	[tilespmem:s21], [sflag:$0x1] =	stream.indirect.gather [hbm4b:s1+s6], $0x10, s29, s6, $0xb8;
	[tilespmem:$0x8C00] =	vst v63  }
0x7d: {  	_ = 	snop  }
0x7e: {  	[tilespmem:s23], [sflag:$0x1] =	stream.indirect.gather [hbm4b:s1+s6], $0x10, s25, s6, $0xb8;
	[tilespmem:$0x8C00] =	vst v63  }
0x7f: {  	_ =	swait.ge [sflag:s5], $0x800  }
0x80: {  	[sflag:s5] =	ssyncset.done $0x0  }
0x81: {  	[sflag:s5] =	ssyncadd.s32 $0xFFFFF800  }
0x82: {  	_ =	swait.ge [sflag:s5], $0x800  }
0x83: {  	[sflag:s5] =	ssyncset.done $0x0  }
0x84: {  	[sflag:s5] =	ssyncadd.s32 $0xFFFFF800  }
0x85: {  	_ =	swait.ge [sflag:s5], $0x800  }
0x86: {  	[sflag:s5] =	ssyncset.done $0x0  }
0x87: {  	[sflag:s5] =	ssyncadd.s32 $0xFFFFF800  }
0x88: {  	_ =	swait.ge [sflag:s5], $0x800  }
0x89: {  	[sflag:s5] =	ssyncset.done $0x0  }
0x8a: {  	s15 =	rddreg [dreg:$0x8];
	[sflag:s5] =	ssyncadd.s32 $0xFFFFF800  }
0x8b: {  	[hbm4b:s15+s2] =	stream.linear.scatter [tilespmem:s17], [sflag:$0x2], $0x2000, $0x38;
	[tilespmem:$0x8C00] =	vst v63  }
0x8c: {  	_ =	swait.ge [sflag:s3], $0x2000  }
0x8d: {  	[sflag:s3] =	ssyncset.done $0x0  }
0x8e: {  	[sflag:s3] =	ssyncadd.s32 $0xFFFFE000  }
0x8f: {  	[tilespmem:s17], [sflag:$0x1] =	stream.indirect.gather [hbm4b:s31+s6], $0x10, s19, s6, $0xb8;
	[tilespmem:$0x8C00] =	vst v63  }
0x90: {  	_ = 	snop  }
0x91: {  	[tilespmem:s20], [sflag:$0x1] =	stream.indirect.gather [hbm4b:s31+s6], $0x10, s26, s6, $0xb8;
	[tilespmem:$0x8C00] =	vst v63  }
0x92: {  	_ = 	snop  }
0x93: {  	[tilespmem:s21], [sflag:$0x1] =	stream.indirect.gather [hbm4b:s31+s6], $0x10, s28, s6, $0xb8;
	[tilespmem:$0x8C00] =	vst v63  }
0x94: {  	_ = 	snop  }
0x95: {  	[tilespmem:s23], [sflag:$0x1] =	stream.indirect.gather [hbm4b:s31+s6], $0x10, s30, s6, $0xb8;
	[tilespmem:$0x8C00] =	vst v63  }
0x96: {  	_ =	swait.ge [sflag:s5], $0x800  }
0x97: {  	[sflag:s5] =	ssyncset.done $0x0  }
0x98: {  	[sflag:s5] =	ssyncadd.s32 $0xFFFFF800  }
0x99: {  	_ =	swait.ge [sflag:s5], $0x800  }
0x9a: {  	[sflag:s5] =	ssyncset.done $0x0  }
0x9b: {  	[sflag:s5] =	ssyncadd.s32 $0xFFFFF800  }
0x9c: {  	_ =	swait.ge [sflag:s5], $0x800  }
0x9d: {  	[sflag:s5] =	ssyncset.done $0x0  }
0x9e: {  	[sflag:s5] =	ssyncadd.s32 $0xFFFFF800  }
0x9f: {  	_ =	swait.ge [sflag:s5], $0x800  }
0xa0: {  	[sflag:s5] =	ssyncset.done $0x0  }
0xa1: {  	s15 =	rddreg [dreg:$0x9];
	[sflag:s5] =	ssyncadd.s32 $0xFFFFF800  }
0xa2: {  	[hbm4b:s15+s2] =	stream.linear.scatter [tilespmem:s17], [sflag:$0x2], $0x2000, $0x38;
	[tilespmem:$0x8C00] =	vst v63  }
0xa3: {  	_ =	swait.ge [sflag:s3], $0x2000  }
0xa4: {  	[sflag:s3] =	ssyncset.done $0x0  }
0xa5: {  	[sflag:s3] =	ssyncadd.s32 $0xFFFFE000  }
0xa6: {  	[tilespmem:s17], [sflag:$0x1] =	stream.indirect.gather [hbm4b:s4+s6], $0x10, s19, s6, $0xb8;
	[tilespmem:$0x8C00] =	vst v63  }
0xa7: {  	_ = 	snop  }
0xa8: {  	[tilespmem:s20], [sflag:$0x1] =	stream.indirect.gather [hbm4b:s4+s6], $0x10, s26, s6, $0xb8;
	[tilespmem:$0x8C00] =	vst v63  }
0xa9: {  	_ = 	snop  }
0xaa: {  	[tilespmem:s21], [sflag:$0x1] =	stream.indirect.gather [hbm4b:s4+s6], $0x10, s28, s6, $0xb8;
	[tilespmem:$0x8C00] =	vst v63  }
0xab: {  	_ = 	snop  }
0xac: {  	[tilespmem:s23], [sflag:$0x1] =	stream.indirect.gather [hbm4b:s4+s6], $0x10, s30, s6, $0xb8;
	[tilespmem:$0x8C00] =	vst v63  }
0xad: {  	_ =	swait.ge [sflag:s5], $0x800  }
0xae: {  	[sflag:s5] =	ssyncset.done $0x0  }
0xaf: {  	[sflag:s5] =	ssyncadd.s32 $0xFFFFF800  }
0xb0: {  	_ =	swait.ge [sflag:s5], $0x800  }
0xb1: {  	[sflag:s5] =	ssyncset.done $0x0  }
0xb2: {  	[sflag:s5] =	ssyncadd.s32 $0xFFFFF800  }
0xb3: {  	_ =	swait.ge [sflag:s5], $0x800  }
0xb4: {  	[sflag:s5] =	ssyncset.done $0x0  }
0xb5: {  	[sflag:s5] =	ssyncadd.s32 $0xFFFFF800  }
0xb6: {  	_ =	swait.ge [sflag:s5], $0x800  }
0xb7: {  	[sflag:s5] =	ssyncset.done $0x0  }
0xb8: {  	s15 =	rddreg [dreg:$0xa];
	[sflag:s5] =	ssyncadd.s32 $0xFFFFF800  }
0xb9: {  	[hbm4b:s15+s2] =	stream.linear.scatter [tilespmem:s17], [sflag:$0x2], $0x2000, $0x38;
	[tilespmem:$0x8C00] =	vst v63  }
0xba: {  	_ =	swait.ge [sflag:s3], $0x2000  }
0xbb: {  	[sflag:s3] =	ssyncset.done $0x0  }
0xbc: {  	s15 =	rddreg [dreg:$0xb];
	[sflag:s3] =	ssyncadd.s32 $0xFFFFE000  }
0xbd: {  	[tilespmem:s22], [sflag:$0x2] =	stream.linear.gather [hbm4b:s15+s2], $0x200, $0x38;
	[tilespmem:$0x8C00] =	vst v63  }
0xbe: {  	_ =	swait.ge [sflag:s3], $0x200  }
0xbf: {  	[sflag:s3] =	ssyncset.done $0x0  }
0xc0: {  	s15 =	rddreg [dreg:$0xc];
	[sflag:s3] =	ssyncadd.s32 $0xFFFFFE00  }
0xc1: {  	[tilespmem:s19], [sflag:$0x2] =	stream.linear.gather [hbm4b:s15+s2], $0x200, $0x38;
	[tilespmem:$0x8C00] =	vst v63  }
0xc2: {  	_ =	swait.ge [sflag:s3], $0x200  }
0xc3: {  	[sflag:s3] =	ssyncset.done $0x0  }
0xc4: {  	[sflag:s3] =	ssyncadd.s32 $0xFFFFFE00  }
0xc5: {  	[tilespmem:s17], [sflag:$0x1] =	stream.indirect.gather [hbm4b:s18+s6], $0x10, s22, s6, $0xb8;
	[tilespmem:$0x8C00] =	vst v63  }
0xc6: {  	_ = 	snop  }
0xc7: {  	[tilespmem:s20], [sflag:$0x1] =	stream.indirect.gather [hbm4b:s18+s6], $0x10, s24, s6, $0xb8;
	[tilespmem:$0x8C00] =	vst v63  }
0xc8: {  	_ = 	snop  }
0xc9: {  	[tilespmem:s21], [sflag:$0x1] =	stream.indirect.gather [hbm4b:s18+s6], $0x10, s29, s6, $0xb8;
	[tilespmem:$0x8C00] =	vst v63  }
0xca: {  	_ = 	snop  }
0xcb: {  	[tilespmem:s23], [sflag:$0x1] =	stream.indirect.gather [hbm4b:s18+s6], $0x10, s25, s6, $0xb8;
	[tilespmem:$0x8C00] =	vst v63  }
0xcc: {  	_ =	swait.ge [sflag:s5], $0x800  }
0xcd: {  	[sflag:s5] =	ssyncset.done $0x0  }
0xce: {  	[sflag:s5] =	ssyncadd.s32 $0xFFFFF800  }
0xcf: {  	_ =	swait.ge [sflag:s5], $0x800  }
0xd0: {  	[sflag:s5] =	ssyncset.done $0x0  }
0xd1: {  	[sflag:s5] =	ssyncadd.s32 $0xFFFFF800  }
0xd2: {  	_ =	swait.ge [sflag:s5], $0x800  }
0xd3: {  	[sflag:s5] =	ssyncset.done $0x0  }
0xd4: {  	[sflag:s5] =	ssyncadd.s32 $0xFFFFF800  }
0xd5: {  	_ =	swait.ge [sflag:s5], $0x800  }
0xd6: {  	[sflag:s5] =	ssyncset.done $0x0  }
0xd7: {  	s24 =	rddreg [dreg:$0xd];
	[sflag:s5] =	ssyncadd.s32 $0xFFFFF800  }
0xd8: {  	[hbm4b:s24+s2] =	stream.linear.scatter [tilespmem:s17], [sflag:$0x2], $0x2000, $0x38;
	[tilespmem:$0x8C00] =	vst v63  }
0xd9: {  	_ =	swait.ge [sflag:s3], $0x2000  }
0xda: {  	[sflag:s3] =	ssyncset.done $0x0  }
0xdb: {  	[sflag:s3] =	ssyncadd.s32 $0xFFFFE000  }
0xdc: {  	[tilespmem:s17], [sflag:$0x1] =	stream.indirect.gather [hbm4b:s16+s6], $0x10, s19, s6, $0xb8;
	[tilespmem:$0x8C00] =	vst v63  }
0xdd: {  	_ = 	snop  }
0xde: {  	[tilespmem:s20], [sflag:$0x1] =	stream.indirect.gather [hbm4b:s16+s6], $0x10, s26, s6, $0xb8;
	[tilespmem:$0x8C00] =	vst v63  }
0xdf: {  	_ = 	snop  }
0xe0: {  	[tilespmem:s21], [sflag:$0x1] =	stream.indirect.gather [hbm4b:s16+s6], $0x10, s28, s6, $0xb8;
	[tilespmem:$0x8C00] =	vst v63  }
0xe1: {  	_ = 	snop  }
0xe2: {  	[tilespmem:s23], [sflag:$0x1] =	stream.indirect.gather [hbm4b:s16+s6], $0x10, s30, s6, $0xb8;
	[tilespmem:$0x8C00] =	vst v63  }
0xe3: {  	_ =	swait.ge [sflag:s5], $0x800  }
0xe4: {  	[sflag:s5] =	ssyncset.done $0x0  }
0xe5: {  	[sflag:s5] =	ssyncadd.s32 $0xFFFFF800  }
0xe6: {  	_ =	swait.ge [sflag:s5], $0x800  }
0xe7: {  	[sflag:s5] =	ssyncset.done $0x0  }
0xe8: {  	[sflag:s5] =	ssyncadd.s32 $0xFFFFF800  }
0xe9: {  	_ =	swait.ge [sflag:s5], $0x800  }
0xea: {  	[sflag:s5] =	ssyncset.done $0x0  }
0xeb: {  	[sflag:s5] =	ssyncadd.s32 $0xFFFFF800  }
0xec: {  	_ =	swait.ge [sflag:s5], $0x800  }
0xed: {  	[sflag:s5] =	ssyncset.done $0x0  }
0xee: {  	s25 =	rddreg [dreg:$0xe];
	[sflag:s5] =	ssyncadd.s32 $0xFFFFF800  }
0xef: {  	[hbm4b:s25+s2] =	stream.linear.scatter [tilespmem:s17], [sflag:$0x2], $0x2000, $0x38;
	[tilespmem:$0x8C00] =	vst v63  }
0xf0: {  	_ =	swait.ge [sflag:s3], $0x2000  }
0xf1: {  	[sflag:s3] =	ssyncset.done $0x0  }
0xf2: {  	[sflag:s3] =	ssyncadd.s32 $0xFFFFE000  }
0xf3: {  	[tilespmem:s7], [sflag:$0x1] =	stream.indirect.gather [hbm4b:s4+s6], $0x10, s2, s6, $0xb8;
	[tilespmem:$0x8C00] =	vst v63  }
0xf4: {  	_ = 	snop  }
0xf5: {  	[tilespmem:s14], [sflag:$0x1] =	stream.indirect.gather [hbm4b:s4+s6], $0x10, s6, s6, $0xb8;
	[tilespmem:$0x8C00] =	vst v63  }
0xf6: {  	s26 =	rddreg [dreg:$0x18]  }
0xf7: {  	[tilespmem:s13], [sflag:$0x1] =	stream.indirect.gather [hbm4b:s4+s6], $0x10, s26, s6, $0xb8;
	[tilespmem:$0x8C00] =	vst v63  }
0xf8: {  	s25 =	rddreg [dreg:$0x19]  }
0xf9: {  	[tilespmem:s12], [sflag:$0x1] =	stream.indirect.gather [hbm4b:s4+s6], $0x10, s25, s6, $0xb8;
	[tilespmem:$0x8C00] =	vst v63  }
0xfa: {  	s26 =	rddreg [dreg:$0x1a]  }
0xfb: {  	[tilespmem:s11], [sflag:$0x1] =	stream.indirect.gather [hbm4b:s4+s6], $0x10, s26, s6, $0xb8;
	[tilespmem:$0x8C00] =	vst v63  }
0xfc: {  	s25 =	rddreg [dreg:$0x1b]  }
0xfd: {  	[tilespmem:s10], [sflag:$0x1] =	stream.indirect.gather [hbm4b:s4+s6], $0x10, s25, s6, $0xb8;
	[tilespmem:$0x8C00] =	vst v63  }
0xfe: {  	s26 =	rddreg [dreg:$0x1c]  }
0xff: {  	[tilespmem:s8], [sflag:$0x1] =	stream.indirect.gather [hbm4b:s4+s6], $0x10, s26, s6, $0xb8;
	[tilespmem:$0x8C00] =	vst v63  }
0x100: {  	s25 =	rddreg [dreg:$0x1d]  }
0x101: {  	[tilespmem:s9], [sflag:$0x1] =	stream.indirect.gather [hbm4b:s4+s6], $0x10, s25, s6, $0xb8;
	[tilespmem:$0x8C00] =	vst v63  }
0x102: {  	_ =	swait.ge [sflag:s5], $0x800  }
0x103: {  	[sflag:s5] =	ssyncset.done $0x0  }
0x104: {  	[sflag:s5] =	ssyncadd.s32 $0xFFFFF800  }
0x105: {  	_ =	swait.ge [sflag:s5], $0x800  }
0x106: {  	[sflag:s5] =	ssyncset.done $0x0  }
0x107: {  	[sflag:s5] =	ssyncadd.s32 $0xFFFFF800  }
0x108: {  	_ =	swait.ge [sflag:s5], $0x800  }
0x109: {  	[sflag:s5] =	ssyncset.done $0x0  }
0x10a: {  	[sflag:s5] =	ssyncadd.s32 $0xFFFFF800  }
0x10b: {  	_ =	swait.ge [sflag:s5], $0x800  }
0x10c: {  	[sflag:s5] =	ssyncset.done $0x0  }
0x10d: {  	[sflag:s5] =	ssyncadd.s32 $0xFFFFF800  }
0x10e: {  	_ =	swait.ge [sflag:s5], $0x800  }
0x10f: {  	[sflag:s5] =	ssyncset.done $0x0  }
0x110: {  	[sflag:s5] =	ssyncadd.s32 $0xFFFFF800  }
0x111: {  	_ =	swait.ge [sflag:s5], $0x800  }
0x112: {  	[sflag:s5] =	ssyncset.done $0x0  }
0x113: {  	[sflag:s5] =	ssyncadd.s32 $0xFFFFF800  }
0x114: {  	_ =	swait.ge [sflag:s5], $0x800  }
0x115: {  	[sflag:s5] =	ssyncset.done $0x0  }
0x116: {  	[sflag:s5] =	ssyncadd.s32 $0xFFFFF800  }
0x117: {  	_ =	swait.ge [sflag:s5], $0x800  }
0x118: {  	s26 =	sld [smem:$0x7B7]  }
0x119: {  	[sflag:s5] =	ssyncset.done $0x0  }
0x11a: {  	[sflag:s5] =	ssyncadd.s32 $0xFFFFF800  }
0x11b: {  	[hbm4b:s26+s2] =	stream.linear.scatter [tilespmem:s7], [sflag:$0x2], $0x4000, $0x38;
	[tilespmem:$0x8C00] =	vst v63  }
0x11c: {  	_ =	swait.ge [sflag:s3], $0x4000  }
0x11d: {  	s15 =	rddreg [dreg:$0x1e];
	[sflag:s3] =	ssyncset.done $0x0  }
0x11e: {  	s25 =	rddreg [dreg:$0x1f];
	[sflag:s3] =	ssyncadd.s32 $0xFFFFC000  }
0x11f: {  	[tilespmem:s7], [sflag:$0x1] =	stream.indirect.gather [hbm4b:s4+s6], $0x10, s15, s6, $0xb8;
	[tilespmem:$0x8C00] =	vst v63  }
0x120: {  	s26 =	sld [smem:$0x7B8]  }
0x121: {  	[tilespmem:s14], [sflag:$0x1] =	stream.indirect.gather [hbm4b:s4+s6], $0x10, s25, s6, $0xb8;
	[tilespmem:$0x8C00] =	vst v63  }
0x122: {  	s25 =	sld [smem:$0x7B9]  }
0x123: {  	[tilespmem:s13], [sflag:$0x1] =	stream.indirect.gather [hbm4b:s4+s6], $0x10, s26, s6, $0xb8;
	[tilespmem:$0x8C00] =	vst v63  }
0x124: {  	s26 =	sld [smem:$0x7BA]  }
0x125: {  	[tilespmem:s12], [sflag:$0x1] =	stream.indirect.gather [hbm4b:s4+s6], $0x10, s25, s6, $0xb8;
	[tilespmem:$0x8C00] =	vst v63  }
0x126: {  	s25 =	sld [smem:$0x7BB]  }
0x127: {  	[tilespmem:s11], [sflag:$0x1] =	stream.indirect.gather [hbm4b:s4+s6], $0x10, s26, s6, $0xb8;
	[tilespmem:$0x8C00] =	vst v63  }
0x128: {  	s26 =	sld [smem:$0x7BC]  }
0x129: {  	[tilespmem:s10], [sflag:$0x1] =	stream.indirect.gather [hbm4b:s4+s6], $0x10, s25, s6, $0xb8;
	[tilespmem:$0x8C00] =	vst v63  }
0x12a: {  	s25 =	sld [smem:$0x7BD]  }
0x12b: {  	[tilespmem:s8], [sflag:$0x1] =	stream.indirect.gather [hbm4b:s4+s6], $0x10, s26, s6, $0xb8;
	[tilespmem:$0x8C00] =	vst v63  }
0x12c: {  	_ = 	snop  }
0x12d: {  	[tilespmem:s9], [sflag:$0x1] =	stream.indirect.gather [hbm4b:s4+s6], $0x10, s25, s6, $0xb8;
	[tilespmem:$0x8C00] =	vst v63  }
0x12e: {  	_ =	swait.ge [sflag:s5], $0x800  }
0x12f: {  	[sflag:s5] =	ssyncset.done $0x0  }
0x130: {  	[sflag:s5] =	ssyncadd.s32 $0xFFFFF800  }
0x131: {  	_ =	swait.ge [sflag:s5], $0x800  }
0x132: {  	[sflag:s5] =	ssyncset.done $0x0  }
0x133: {  	[sflag:s5] =	ssyncadd.s32 $0xFFFFF800  }
0x134: {  	_ =	swait.ge [sflag:s5], $0x800  }
0x135: {  	[sflag:s5] =	ssyncset.done $0x0  }
0x136: {  	[sflag:s5] =	ssyncadd.s32 $0xFFFFF800  }
0x137: {  	_ =	swait.ge [sflag:s5], $0x800  }
0x138: {  	[sflag:s5] =	ssyncset.done $0x0  }
0x139: {  	[sflag:s5] =	ssyncadd.s32 $0xFFFFF800  }
0x13a: {  	_ =	swait.ge [sflag:s5], $0x800  }
0x13b: {  	[sflag:s5] =	ssyncset.done $0x0  }
0x13c: {  	[sflag:s5] =	ssyncadd.s32 $0xFFFFF800  }
0x13d: {  	_ =	swait.ge [sflag:s5], $0x800  }
0x13e: {  	[sflag:s5] =	ssyncset.done $0x0  }
0x13f: {  	[sflag:s5] =	ssyncadd.s32 $0xFFFFF800  }
0x140: {  	_ =	swait.ge [sflag:s5], $0x800  }
0x141: {  	[sflag:s5] =	ssyncset.done $0x0  }
0x142: {  	[sflag:s5] =	ssyncadd.s32 $0xFFFFF800  }
0x143: {  	_ =	swait.ge [sflag:s5], $0x800  }
0x144: {  	[sflag:s5] =	ssyncset.done $0x0  }
0x145: {  	s26 =	rddreg [dreg:$0xf];
	[sflag:s5] =	ssyncadd.s32 $0xFFFFF800  }
0x146: {  	[hbm4b:s26+s2] =	stream.linear.scatter [tilespmem:s7], [sflag:$0x2], $0x4000, $0x38;
	[tilespmem:$0x8C00] =	vst v63  }
0x147: {  	_ =	swait.ge [sflag:s3], $0x4000  }
0x148: {  	s15 =	sld [smem:$0x7BE]  }
0x149: {  	[sflag:s3] =	ssyncset.done $0x0  }
0x14a: {  	s25 =	sld [smem:$0x7BF];
	[sflag:s3] =	ssyncadd.s32 $0xFFFFC000  }
0x14b: {  	[tilespmem:s7], [sflag:$0x1] =	stream.indirect.gather [hbm4b:s4+s6], $0x10, s15, s6, $0xb8;
	[tilespmem:$0x8C00] =	vst v63  }
0x14c: {  	s26 =	sld [smem:$0x7C0]  }
0x14d: {  	[tilespmem:s14], [sflag:$0x1] =	stream.indirect.gather [hbm4b:s4+s6], $0x10, s25, s6, $0xb8;
	[tilespmem:$0x8C00] =	vst v63  }
0x14e: {  	s25 =	sld [smem:$0x7C1]  }
0x14f: {  	[tilespmem:s13], [sflag:$0x1] =	stream.indirect.gather [hbm4b:s4+s6], $0x10, s26, s6, $0xb8;
	[tilespmem:$0x8C00] =	vst v63  }
0x150: {  	s26 =	sld [smem:$0x7C2]  }
0x151: {  	[tilespmem:s12], [sflag:$0x1] =	stream.indirect.gather [hbm4b:s4+s6], $0x10, s25, s6, $0xb8;
	[tilespmem:$0x8C00] =	vst v63  }
0x152: {  	s25 =	sld [smem:$0x7C3]  }
0x153: {  	[tilespmem:s11], [sflag:$0x1] =	stream.indirect.gather [hbm4b:s4+s6], $0x10, s26, s6, $0xb8;
	[tilespmem:$0x8C00] =	vst v63  }
0x154: {  	s26 =	sld [smem:$0x7C4]  }
0x155: {  	[tilespmem:s10], [sflag:$0x1] =	stream.indirect.gather [hbm4b:s4+s6], $0x10, s25, s6, $0xb8;
	[tilespmem:$0x8C00] =	vst v63  }
0x156: {  	s25 =	sld [smem:$0x7C5]  }
0x157: {  	[tilespmem:s8], [sflag:$0x1] =	stream.indirect.gather [hbm4b:s4+s6], $0x10, s26, s6, $0xb8;
	[tilespmem:$0x8C00] =	vst v63  }
0x158: {  	_ = 	snop  }
0x159: {  	[tilespmem:s9], [sflag:$0x1] =	stream.indirect.gather [hbm4b:s4+s6], $0x10, s25, s6, $0xb8;
	[tilespmem:$0x8C00] =	vst v63  }
0x15a: {  	_ =	swait.ge [sflag:s5], $0x800  }
0x15b: {  	[sflag:s5] =	ssyncset.done $0x0  }
0x15c: {  	[sflag:s5] =	ssyncadd.s32 $0xFFFFF800  }
0x15d: {  	_ =	swait.ge [sflag:s5], $0x800  }
0x15e: {  	[sflag:s5] =	ssyncset.done $0x0  }
0x15f: {  	[sflag:s5] =	ssyncadd.s32 $0xFFFFF800  }
0x160: {  	_ =	swait.ge [sflag:s5], $0x800  }
0x161: {  	[sflag:s5] =	ssyncset.done $0x0  }
0x162: {  	[sflag:s5] =	ssyncadd.s32 $0xFFFFF800  }
0x163: {  	_ =	swait.ge [sflag:s5], $0x800  }
0x164: {  	[sflag:s5] =	ssyncset.done $0x0  }
0x165: {  	[sflag:s5] =	ssyncadd.s32 $0xFFFFF800  }
0x166: {  	_ =	swait.ge [sflag:s5], $0x800  }
0x167: {  	[sflag:s5] =	ssyncset.done $0x0  }
0x168: {  	[sflag:s5] =	ssyncadd.s32 $0xFFFFF800  }
0x169: {  	_ =	swait.ge [sflag:s5], $0x800  }
0x16a: {  	[sflag:s5] =	ssyncset.done $0x0  }
0x16b: {  	[sflag:s5] =	ssyncadd.s32 $0xFFFFF800  }
0x16c: {  	_ =	swait.ge [sflag:s5], $0x800  }
0x16d: {  	[sflag:s5] =	ssyncset.done $0x0  }
0x16e: {  	[sflag:s5] =	ssyncadd.s32 $0xFFFFF800  }
0x16f: {  	_ =	swait.ge [sflag:s5], $0x800  }
0x170: {  	[sflag:s5] =	ssyncset.done $0x0  }
0x171: {  	s26 =	rddreg [dreg:$0x10];
	[sflag:s5] =	ssyncadd.s32 $0xFFFFF800  }
0x172: {  	[hbm4b:s26+s2] =	stream.linear.scatter [tilespmem:s7], [sflag:$0x2], $0x4000, $0x38;
	[tilespmem:$0x8C00] =	vst v63  }
0x173: {  	_ =	swait.ge [sflag:s3], $0x4000  }
0x174: {  	s15 =	sld [smem:$0x7C6]  }
0x175: {  	[sflag:s3] =	ssyncset.done $0x0  }
0x176: {  	s25 =	sld [smem:$0x7C7];
	[sflag:s3] =	ssyncadd.s32 $0xFFFFC000  }
0x177: {  	[tilespmem:s7], [sflag:$0x1] =	stream.indirect.gather [hbm4b:s4+s6], $0x10, s15, s6, $0xb8;
	[tilespmem:$0x8C00] =	vst v63  }
0x178: {  	s26 =	sld [smem:$0x7C8]  }
0x179: {  	[tilespmem:s14], [sflag:$0x1] =	stream.indirect.gather [hbm4b:s4+s6], $0x10, s25, s6, $0xb8;
	[tilespmem:$0x8C00] =	vst v63  }
0x17a: {  	s25 =	sld [smem:$0x7C9]  }
0x17b: {  	[tilespmem:s13], [sflag:$0x1] =	stream.indirect.gather [hbm4b:s4+s6], $0x10, s26, s6, $0xb8;
	[tilespmem:$0x8C00] =	vst v63  }
0x17c: {  	s26 =	sld [smem:$0x7CA]  }
0x17d: {  	[tilespmem:s12], [sflag:$0x1] =	stream.indirect.gather [hbm4b:s4+s6], $0x10, s25, s6, $0xb8;
	[tilespmem:$0x8C00] =	vst v63  }
0x17e: {  	s25 =	sld [smem:$0x7CB]  }
0x17f: {  	[tilespmem:s11], [sflag:$0x1] =	stream.indirect.gather [hbm4b:s4+s6], $0x10, s26, s6, $0xb8;
	[tilespmem:$0x8C00] =	vst v63  }
0x180: {  	s26 =	sld [smem:$0x7CC]  }
0x181: {  	[tilespmem:s10], [sflag:$0x1] =	stream.indirect.gather [hbm4b:s4+s6], $0x10, s25, s6, $0xb8;
	[tilespmem:$0x8C00] =	vst v63  }
0x182: {  	s25 =	sld [smem:$0x7CD]  }
0x183: {  	[tilespmem:s8], [sflag:$0x1] =	stream.indirect.gather [hbm4b:s4+s6], $0x10, s26, s6, $0xb8;
	[tilespmem:$0x8C00] =	vst v63  }
0x184: {  	_ = 	snop  }
0x185: {  	[tilespmem:s9], [sflag:$0x1] =	stream.indirect.gather [hbm4b:s4+s6], $0x10, s25, s6, $0xb8;
	[tilespmem:$0x8C00] =	vst v63  }
0x186: {  	_ =	swait.ge [sflag:s5], $0x800  }
0x187: {  	[sflag:s5] =	ssyncset.done $0x0  }
0x188: {  	[sflag:s5] =	ssyncadd.s32 $0xFFFFF800  }
0x189: {  	_ =	swait.ge [sflag:s5], $0x800  }
0x18a: {  	[sflag:s5] =	ssyncset.done $0x0  }
0x18b: {  	[sflag:s5] =	ssyncadd.s32 $0xFFFFF800  }
0x18c: {  	_ =	swait.ge [sflag:s5], $0x800  }
0x18d: {  	[sflag:s5] =	ssyncset.done $0x0  }
0x18e: {  	[sflag:s5] =	ssyncadd.s32 $0xFFFFF800  }
0x18f: {  	_ =	swait.ge [sflag:s5], $0x800  }
0x190: {  	[sflag:s5] =	ssyncset.done $0x0  }
0x191: {  	[sflag:s5] =	ssyncadd.s32 $0xFFFFF800  }
0x192: {  	_ =	swait.ge [sflag:s5], $0x800  }
0x193: {  	[sflag:s5] =	ssyncset.done $0x0  }
0x194: {  	[sflag:s5] =	ssyncadd.s32 $0xFFFFF800  }
0x195: {  	_ =	swait.ge [sflag:s5], $0x800  }
0x196: {  	[sflag:s5] =	ssyncset.done $0x0  }
0x197: {  	[sflag:s5] =	ssyncadd.s32 $0xFFFFF800  }
0x198: {  	_ =	swait.ge [sflag:s5], $0x800  }
0x199: {  	[sflag:s5] =	ssyncset.done $0x0  }
0x19a: {  	[sflag:s5] =	ssyncadd.s32 $0xFFFFF800  }
0x19b: {  	_ =	swait.ge [sflag:s5], $0x800  }
0x19c: {  	[sflag:s5] =	ssyncset.done $0x0  }
0x19d: {  	s26 =	rddreg [dreg:$0x11];
	[sflag:s5] =	ssyncadd.s32 $0xFFFFF800  }
0x19e: {  	[hbm4b:s26+s2] =	stream.linear.scatter [tilespmem:s7], [sflag:$0x2], $0x4000, $0x38;
	[tilespmem:$0x8C00] =	vst v63  }
0x19f: {  	_ =	swait.ge [sflag:s3], $0x4000  }
0x1a0: {  	s15 =	sld [smem:$0x7CE]  }
0x1a1: {  	[sflag:s3] =	ssyncset.done $0x0  }
0x1a2: {  	s25 =	sld [smem:$0x7CF];
	[sflag:s3] =	ssyncadd.s32 $0xFFFFC000  }
0x1a3: {  	[tilespmem:s7], [sflag:$0x1] =	stream.indirect.gather [hbm4b:s4+s6], $0x10, s15, s6, $0xb8;
	[tilespmem:$0x8C00] =	vst v63  }
0x1a4: {  	s26 =	sld [smem:$0x7D0]  }
0x1a5: {  	[tilespmem:s14], [sflag:$0x1] =	stream.indirect.gather [hbm4b:s4+s6], $0x10, s25, s6, $0xb8;
	[tilespmem:$0x8C00] =	vst v63  }
0x1a6: {  	s25 =	sld [smem:$0x7D1]  }
0x1a7: {  	[tilespmem:s13], [sflag:$0x1] =	stream.indirect.gather [hbm4b:s4+s6], $0x10, s26, s6, $0xb8;
	[tilespmem:$0x8C00] =	vst v63  }
0x1a8: {  	s26 =	sld [smem:$0x7D2]  }
0x1a9: {  	[tilespmem:s12], [sflag:$0x1] =	stream.indirect.gather [hbm4b:s4+s6], $0x10, s25, s6, $0xb8;
	[tilespmem:$0x8C00] =	vst v63  }
0x1aa: {  	s25 =	sld [smem:$0x7D3]  }
0x1ab: {  	[tilespmem:s11], [sflag:$0x1] =	stream.indirect.gather [hbm4b:s4+s6], $0x10, s26, s6, $0xb8;
	[tilespmem:$0x8C00] =	vst v63  }
0x1ac: {  	s26 =	sld [smem:$0x7D4]  }
0x1ad: {  	[tilespmem:s10], [sflag:$0x1] =	stream.indirect.gather [hbm4b:s4+s6], $0x10, s25, s6, $0xb8;
	[tilespmem:$0x8C00] =	vst v63  }
0x1ae: {  	s25 =	sld [smem:$0x7D5]  }
0x1af: {  	[tilespmem:s8], [sflag:$0x1] =	stream.indirect.gather [hbm4b:s4+s6], $0x10, s26, s6, $0xb8;
	[tilespmem:$0x8C00] =	vst v63  }
0x1b0: {  	_ = 	snop  }
0x1b1: {  	[tilespmem:s9], [sflag:$0x1] =	stream.indirect.gather [hbm4b:s4+s6], $0x10, s25, s6, $0xb8;
	[tilespmem:$0x8C00] =	vst v63  }
0x1b2: {  	_ =	swait.ge [sflag:s5], $0x800  }
0x1b3: {  	[sflag:s5] =	ssyncset.done $0x0  }
0x1b4: {  	[sflag:s5] =	ssyncadd.s32 $0xFFFFF800  }
0x1b5: {  	_ =	swait.ge [sflag:s5], $0x800  }
0x1b6: {  	[sflag:s5] =	ssyncset.done $0x0  }
0x1b7: {  	[sflag:s5] =	ssyncadd.s32 $0xFFFFF800  }
0x1b8: {  	_ =	swait.ge [sflag:s5], $0x800  }
0x1b9: {  	[sflag:s5] =	ssyncset.done $0x0  }
0x1ba: {  	[sflag:s5] =	ssyncadd.s32 $0xFFFFF800  }
0x1bb: {  	_ =	swait.ge [sflag:s5], $0x800  }
0x1bc: {  	[sflag:s5] =	ssyncset.done $0x0  }
0x1bd: {  	[sflag:s5] =	ssyncadd.s32 $0xFFFFF800  }
0x1be: {  	_ =	swait.ge [sflag:s5], $0x800  }
0x1bf: {  	[sflag:s5] =	ssyncset.done $0x0  }
0x1c0: {  	[sflag:s5] =	ssyncadd.s32 $0xFFFFF800  }
0x1c1: {  	_ =	swait.ge [sflag:s5], $0x800  }
0x1c2: {  	[sflag:s5] =	ssyncset.done $0x0  }
0x1c3: {  	[sflag:s5] =	ssyncadd.s32 $0xFFFFF800  }
0x1c4: {  	_ =	swait.ge [sflag:s5], $0x800  }
0x1c5: {  	[sflag:s5] =	ssyncset.done $0x0  }
0x1c6: {  	[sflag:s5] =	ssyncadd.s32 $0xFFFFF800  }
0x1c7: {  	_ =	swait.ge [sflag:s5], $0x800  }
0x1c8: {  	[sflag:s5] =	ssyncset.done $0x0  }
0x1c9: {  	s26 =	rddreg [dreg:$0x12];
	[sflag:s5] =	ssyncadd.s32 $0xFFFFF800  }
0x1ca: {  	[hbm4b:s26+s2] =	stream.linear.scatter [tilespmem:s7], [sflag:$0x2], $0x4000, $0x38;
	[tilespmem:$0x8C00] =	vst v63  }
0x1cb: {  	_ =	swait.ge [sflag:s3], $0x4000  }
0x1cc: {  	s15 =	sld [smem:$0x7D6]  }
0x1cd: {  	[sflag:s3] =	ssyncset.done $0x0  }
0x1ce: {  	s25 =	sld [smem:$0x7D7];
	[sflag:s3] =	ssyncadd.s32 $0xFFFFC000  }
0x1cf: {  	[tilespmem:s7], [sflag:$0x1] =	stream.indirect.gather [hbm4b:s4+s6], $0x10, s15, s6, $0xb8;
	[tilespmem:$0x8C00] =	vst v63  }
0x1d0: {  	s26 =	sld [smem:$0x7D8]  }
0x1d1: {  	[tilespmem:s14], [sflag:$0x1] =	stream.indirect.gather [hbm4b:s4+s6], $0x10, s25, s6, $0xb8;
	[tilespmem:$0x8C00] =	vst v63  }
0x1d2: {  	s25 =	sld [smem:$0x7D9]  }
0x1d3: {  	[tilespmem:s13], [sflag:$0x1] =	stream.indirect.gather [hbm4b:s4+s6], $0x10, s26, s6, $0xb8;
	[tilespmem:$0x8C00] =	vst v63  }
0x1d4: {  	s26 =	sld [smem:$0x7DA]  }
0x1d5: {  	[tilespmem:s12], [sflag:$0x1] =	stream.indirect.gather [hbm4b:s4+s6], $0x10, s25, s6, $0xb8;
	[tilespmem:$0x8C00] =	vst v63  }
0x1d6: {  	s25 =	sld [smem:$0x7DB]  }
0x1d7: {  	[tilespmem:s11], [sflag:$0x1] =	stream.indirect.gather [hbm4b:s4+s6], $0x10, s26, s6, $0xb8;
	[tilespmem:$0x8C00] =	vst v63  }
0x1d8: {  	s26 =	sld [smem:$0x7DC]  }
0x1d9: {  	[tilespmem:s10], [sflag:$0x1] =	stream.indirect.gather [hbm4b:s4+s6], $0x10, s25, s6, $0xb8;
	[tilespmem:$0x8C00] =	vst v63  }
0x1da: {  	s25 =	sld [smem:$0x7DD]  }
0x1db: {  	[tilespmem:s8], [sflag:$0x1] =	stream.indirect.gather [hbm4b:s4+s6], $0x10, s26, s6, $0xb8;
	[tilespmem:$0x8C00] =	vst v63  }
0x1dc: {  	_ = 	snop  }
0x1dd: {  	[tilespmem:s9], [sflag:$0x1] =	stream.indirect.gather [hbm4b:s4+s6], $0x10, s25, s6, $0xb8;
	[tilespmem:$0x8C00] =	vst v63  }
0x1de: {  	_ =	swait.ge [sflag:s5], $0x800  }
0x1df: {  	[sflag:s5] =	ssyncset.done $0x0  }
0x1e0: {  	[sflag:s5] =	ssyncadd.s32 $0xFFFFF800  }
0x1e1: {  	_ =	swait.ge [sflag:s5], $0x800  }
0x1e2: {  	[sflag:s5] =	ssyncset.done $0x0  }
0x1e3: {  	[sflag:s5] =	ssyncadd.s32 $0xFFFFF800  }
0x1e4: {  	_ =	swait.ge [sflag:s5], $0x800  }
0x1e5: {  	[sflag:s5] =	ssyncset.done $0x0  }
0x1e6: {  	[sflag:s5] =	ssyncadd.s32 $0xFFFFF800  }
0x1e7: {  	_ =	swait.ge [sflag:s5], $0x800  }
0x1e8: {  	[sflag:s5] =	ssyncset.done $0x0  }
0x1e9: {  	[sflag:s5] =	ssyncadd.s32 $0xFFFFF800  }
0x1ea: {  	_ =	swait.ge [sflag:s5], $0x800  }
0x1eb: {  	[sflag:s5] =	ssyncset.done $0x0  }
0x1ec: {  	[sflag:s5] =	ssyncadd.s32 $0xFFFFF800  }
0x1ed: {  	_ =	swait.ge [sflag:s5], $0x800  }
0x1ee: {  	[sflag:s5] =	ssyncset.done $0x0  }
0x1ef: {  	[sflag:s5] =	ssyncadd.s32 $0xFFFFF800  }
0x1f0: {  	_ =	swait.ge [sflag:s5], $0x800  }
0x1f1: {  	[sflag:s5] =	ssyncset.done $0x0  }
0x1f2: {  	[sflag:s5] =	ssyncadd.s32 $0xFFFFF800  }
0x1f3: {  	_ =	swait.ge [sflag:s5], $0x800  }
0x1f4: {  	[sflag:s5] =	ssyncset.done $0x0  }
0x1f5: {  	s26 =	rddreg [dreg:$0x13];
	[sflag:s5] =	ssyncadd.s32 $0xFFFFF800  }
0x1f6: {  	[hbm4b:s26+s2] =	stream.linear.scatter [tilespmem:s7], [sflag:$0x2], $0x4000, $0x38;
	[tilespmem:$0x8C00] =	vst v63  }
0x1f7: {  	_ =	swait.ge [sflag:s3], $0x4000  }
0x1f8: {  	s15 =	sld [smem:$0x7DE]  }
0x1f9: {  	[sflag:s3] =	ssyncset.done $0x0  }
0x1fa: {  	s25 =	sld [smem:$0x7DF];
	[sflag:s3] =	ssyncadd.s32 $0xFFFFC000  }
0x1fb: {  	[tilespmem:s7], [sflag:$0x1] =	stream.indirect.gather [hbm4b:s4+s6], $0x10, s15, s6, $0xb8;
	[tilespmem:$0x8C00] =	vst v63  }
0x1fc: {  	s26 =	sld [smem:$0x7E0]  }
0x1fd: {  	[tilespmem:s14], [sflag:$0x1] =	stream.indirect.gather [hbm4b:s4+s6], $0x10, s25, s6, $0xb8;
	[tilespmem:$0x8C00] =	vst v63  }
0x1fe: {  	s25 =	sld [smem:$0x7E1]  }
0x1ff: {  	[tilespmem:s13], [sflag:$0x1] =	stream.indirect.gather [hbm4b:s4+s6], $0x10, s26, s6, $0xb8;
	[tilespmem:$0x8C00] =	vst v63  }
0x200: {  	s26 =	sld [smem:$0x7E2]  }
0x201: {  	[tilespmem:s12], [sflag:$0x1] =	stream.indirect.gather [hbm4b:s4+s6], $0x10, s25, s6, $0xb8;
	[tilespmem:$0x8C00] =	vst v63  }
0x202: {  	s25 =	sld [smem:$0x7E3]  }
0x203: {  	[tilespmem:s11], [sflag:$0x1] =	stream.indirect.gather [hbm4b:s4+s6], $0x10, s26, s6, $0xb8;
	[tilespmem:$0x8C00] =	vst v63  }
0x204: {  	s26 =	sld [smem:$0x7E4]  }
0x205: {  	[tilespmem:s10], [sflag:$0x1] =	stream.indirect.gather [hbm4b:s4+s6], $0x10, s25, s6, $0xb8;
	[tilespmem:$0x8C00] =	vst v63  }
0x206: {  	s25 =	sld [smem:$0x7E5]  }
0x207: {  	[tilespmem:s8], [sflag:$0x1] =	stream.indirect.gather [hbm4b:s4+s6], $0x10, s26, s6, $0xb8;
	[tilespmem:$0x8C00] =	vst v63  }
0x208: {  	_ = 	snop  }
0x209: {  	[tilespmem:s9], [sflag:$0x1] =	stream.indirect.gather [hbm4b:s4+s6], $0x10, s25, s6, $0xb8;
	[tilespmem:$0x8C00] =	vst v63  }
0x20a: {  	_ =	swait.ge [sflag:s5], $0x800  }
0x20b: {  	[sflag:s5] =	ssyncset.done $0x0  }
0x20c: {  	[sflag:s5] =	ssyncadd.s32 $0xFFFFF800  }
0x20d: {  	_ =	swait.ge [sflag:s5], $0x800  }
0x20e: {  	[sflag:s5] =	ssyncset.done $0x0  }
0x20f: {  	[sflag:s5] =	ssyncadd.s32 $0xFFFFF800  }
0x210: {  	_ =	swait.ge [sflag:s5], $0x800  }
0x211: {  	[sflag:s5] =	ssyncset.done $0x0  }
0x212: {  	[sflag:s5] =	ssyncadd.s32 $0xFFFFF800  }
0x213: {  	_ =	swait.ge [sflag:s5], $0x800  }
0x214: {  	[sflag:s5] =	ssyncset.done $0x0  }
0x215: {  	[sflag:s5] =	ssyncadd.s32 $0xFFFFF800  }
0x216: {  	_ =	swait.ge [sflag:s5], $0x800  }
0x217: {  	[sflag:s5] =	ssyncset.done $0x0  }
0x218: {  	[sflag:s5] =	ssyncadd.s32 $0xFFFFF800  }
0x219: {  	_ =	swait.ge [sflag:s5], $0x800  }
0x21a: {  	[sflag:s5] =	ssyncset.done $0x0  }
0x21b: {  	[sflag:s5] =	ssyncadd.s32 $0xFFFFF800  }
0x21c: {  	_ =	swait.ge [sflag:s5], $0x800  }
0x21d: {  	[sflag:s5] =	ssyncset.done $0x0  }
0x21e: {  	[sflag:s5] =	ssyncadd.s32 $0xFFFFF800  }
0x21f: {  	_ =	swait.ge [sflag:s5], $0x800  }
0x220: {  	[sflag:s5] =	ssyncset.done $0x0  }
0x221: {  	s26 =	rddreg [dreg:$0x14];
	[sflag:s5] =	ssyncadd.s32 $0xFFFFF800  }
0x222: {  	[hbm4b:s26+s2] =	stream.linear.scatter [tilespmem:s7], [sflag:$0x2], $0x4000, $0x38;
	[tilespmem:$0x8C00] =	vst v63  }
0x223: {  	_ =	swait.ge [sflag:s3], $0x4000  }
0x224: {  	s15 =	sld [smem:$0x7E6]  }
0x225: {  	[sflag:s3] =	ssyncset.done $0x0  }
0x226: {  	s25 =	sld [smem:$0x7E7];
	[sflag:s3] =	ssyncadd.s32 $0xFFFFC000  }
0x227: {  	[tilespmem:s7], [sflag:$0x1] =	stream.indirect.gather [hbm4b:s4+s6], $0x10, s15, s6, $0xb8;
	[tilespmem:$0x8C00] =	vst v63  }
0x228: {  	s26 =	sld [smem:$0x7E8]  }
0x229: {  	[tilespmem:s14], [sflag:$0x1] =	stream.indirect.gather [hbm4b:s4+s6], $0x10, s25, s6, $0xb8;
	[tilespmem:$0x8C00] =	vst v63  }
0x22a: {  	s25 =	sld [smem:$0x7E9]  }
0x22b: {  	[tilespmem:s13], [sflag:$0x1] =	stream.indirect.gather [hbm4b:s4+s6], $0x10, s26, s6, $0xb8;
	[tilespmem:$0x8C00] =	vst v63  }
0x22c: {  	s26 =	sld [smem:$0x7EA]  }
0x22d: {  	[tilespmem:s12], [sflag:$0x1] =	stream.indirect.gather [hbm4b:s4+s6], $0x10, s25, s6, $0xb8;
	[tilespmem:$0x8C00] =	vst v63  }
0x22e: {  	s25 =	sld [smem:$0x7EB]  }
0x22f: {  	[tilespmem:s11], [sflag:$0x1] =	stream.indirect.gather [hbm4b:s4+s6], $0x10, s26, s6, $0xb8;
	[tilespmem:$0x8C00] =	vst v63  }
0x230: {  	s26 =	sld [smem:$0x7EC]  }
0x231: {  	[tilespmem:s10], [sflag:$0x1] =	stream.indirect.gather [hbm4b:s4+s6], $0x10, s25, s6, $0xb8;
	[tilespmem:$0x8C00] =	vst v63  }
0x232: {  	s25 =	sld [smem:$0x7ED]  }
0x233: {  	[tilespmem:s8], [sflag:$0x1] =	stream.indirect.gather [hbm4b:s4+s6], $0x10, s26, s6, $0xb8;
	[tilespmem:$0x8C00] =	vst v63  }
0x234: {  	_ = 	snop  }
0x235: {  	[tilespmem:s9], [sflag:$0x1] =	stream.indirect.gather [hbm4b:s4+s6], $0x10, s25, s6, $0xb8;
	[tilespmem:$0x8C00] =	vst v63  }
0x236: {  	_ =	swait.ge [sflag:s5], $0x800  }
0x237: {  	[sflag:s5] =	ssyncset.done $0x0  }
0x238: {  	[sflag:s5] =	ssyncadd.s32 $0xFFFFF800  }
0x239: {  	_ =	swait.ge [sflag:s5], $0x800  }
0x23a: {  	[sflag:s5] =	ssyncset.done $0x0  }
0x23b: {  	[sflag:s5] =	ssyncadd.s32 $0xFFFFF800  }
0x23c: {  	_ =	swait.ge [sflag:s5], $0x800  }
0x23d: {  	[sflag:s5] =	ssyncset.done $0x0  }
0x23e: {  	[sflag:s5] =	ssyncadd.s32 $0xFFFFF800  }
0x23f: {  	_ =	swait.ge [sflag:s5], $0x800  }
0x240: {  	[sflag:s5] =	ssyncset.done $0x0  }
0x241: {  	[sflag:s5] =	ssyncadd.s32 $0xFFFFF800  }
0x242: {  	_ =	swait.ge [sflag:s5], $0x800  }
0x243: {  	[sflag:s5] =	ssyncset.done $0x0  }
0x244: {  	[sflag:s5] =	ssyncadd.s32 $0xFFFFF800  }
0x245: {  	_ =	swait.ge [sflag:s5], $0x800  }
0x246: {  	[sflag:s5] =	ssyncset.done $0x0  }
0x247: {  	[sflag:s5] =	ssyncadd.s32 $0xFFFFF800  }
0x248: {  	_ =	swait.ge [sflag:s5], $0x800  }
0x249: {  	[sflag:s5] =	ssyncset.done $0x0  }
0x24a: {  	[sflag:s5] =	ssyncadd.s32 $0xFFFFF800  }
0x24b: {  	_ =	swait.ge [sflag:s5], $0x800  }
0x24c: {  	[sflag:s5] =	ssyncset.done $0x0  }
0x24d: {  	s26 =	rddreg [dreg:$0x15];
	[sflag:s5] =	ssyncadd.s32 $0xFFFFF800  }
0x24e: {  	[hbm4b:s26+s2] =	stream.linear.scatter [tilespmem:s7], [sflag:$0x2], $0x4000, $0x38;
	[tilespmem:$0x8C00] =	vst v63  }
0x24f: {  	_ =	swait.ge [sflag:s3], $0x4000  }
0x250: {  	s15 =	sld [smem:$0x7EE]  }
0x251: {  	[sflag:s3] =	ssyncset.done $0x0  }
0x252: {  	s25 =	sld [smem:$0x7EF];
	[sflag:s3] =	ssyncadd.s32 $0xFFFFC000  }
0x253: {  	[tilespmem:s7], [sflag:$0x1] =	stream.indirect.gather [hbm4b:s4+s6], $0x10, s15, s6, $0xb8;
	[tilespmem:$0x8C00] =	vst v63  }
0x254: {  	s26 =	sld [smem:$0x7F0]  }
0x255: {  	[tilespmem:s14], [sflag:$0x1] =	stream.indirect.gather [hbm4b:s4+s6], $0x10, s25, s6, $0xb8;
	[tilespmem:$0x8C00] =	vst v63  }
0x256: {  	s25 =	sld [smem:$0x7F1]  }
0x257: {  	[tilespmem:s13], [sflag:$0x1] =	stream.indirect.gather [hbm4b:s4+s6], $0x10, s26, s6, $0xb8;
	[tilespmem:$0x8C00] =	vst v63  }
0x258: {  	s26 =	sld [smem:$0x7F2]  }
0x259: {  	[tilespmem:s12], [sflag:$0x1] =	stream.indirect.gather [hbm4b:s4+s6], $0x10, s25, s6, $0xb8;
	[tilespmem:$0x8C00] =	vst v63  }
0x25a: {  	s25 =	sld [smem:$0x7F3]  }
0x25b: {  	[tilespmem:s11], [sflag:$0x1] =	stream.indirect.gather [hbm4b:s4+s6], $0x10, s26, s6, $0xb8;
	[tilespmem:$0x8C00] =	vst v63  }
0x25c: {  	s26 =	sld [smem:$0x7F4]  }
0x25d: {  	[tilespmem:s10], [sflag:$0x1] =	stream.indirect.gather [hbm4b:s4+s6], $0x10, s25, s6, $0xb8;
	[tilespmem:$0x8C00] =	vst v63  }
0x25e: {  	s25 =	sld [smem:$0x7F5]  }
0x25f: {  	[tilespmem:s8], [sflag:$0x1] =	stream.indirect.gather [hbm4b:s4+s6], $0x10, s26, s6, $0xb8;
	[tilespmem:$0x8C00] =	vst v63  }
0x260: {  	_ = 	snop  }
0x261: {  	[tilespmem:s9], [sflag:$0x1] =	stream.indirect.gather [hbm4b:s4+s6], $0x10, s25, s6, $0xb8;
	[tilespmem:$0x8C00] =	vst v63  }
0x262: {  	_ =	swait.ge [sflag:s5], $0x800  }
0x263: {  	[sflag:s5] =	ssyncset.done $0x0  }
0x264: {  	[sflag:s5] =	ssyncadd.s32 $0xFFFFF800  }
0x265: {  	_ =	swait.ge [sflag:s5], $0x800  }
0x266: {  	[sflag:s5] =	ssyncset.done $0x0  }
0x267: {  	[sflag:s5] =	ssyncadd.s32 $0xFFFFF800  }
0x268: {  	_ =	swait.ge [sflag:s5], $0x800  }
0x269: {  	[sflag:s5] =	ssyncset.done $0x0  }
0x26a: {  	[sflag:s5] =	ssyncadd.s32 $0xFFFFF800  }
0x26b: {  	_ =	swait.ge [sflag:s5], $0x800  }
0x26c: {  	[sflag:s5] =	ssyncset.done $0x0  }
0x26d: {  	[sflag:s5] =	ssyncadd.s32 $0xFFFFF800  }
0x26e: {  	_ =	swait.ge [sflag:s5], $0x800  }
0x26f: {  	[sflag:s5] =	ssyncset.done $0x0  }
0x270: {  	[sflag:s5] =	ssyncadd.s32 $0xFFFFF800  }
0x271: {  	_ =	swait.ge [sflag:s5], $0x800  }
0x272: {  	[sflag:s5] =	ssyncset.done $0x0  }
0x273: {  	[sflag:s5] =	ssyncadd.s32 $0xFFFFF800  }
0x274: {  	_ =	swait.ge [sflag:s5], $0x800  }
0x275: {  	[sflag:s5] =	ssyncset.done $0x0  }
0x276: {  	[sflag:s5] =	ssyncadd.s32 $0xFFFFF800  }
0x277: {  	_ =	swait.ge [sflag:s5], $0x800  }
0x278: {  	[sflag:s5] =	ssyncset.done $0x0  }
0x279: {  	s26 =	rddreg [dreg:$0x16];
	[sflag:s5] =	ssyncadd.s32 $0xFFFFF800  }
0x27a: {  	[hbm4b:s26+s2] =	stream.linear.scatter [tilespmem:s7], [sflag:$0x2], $0x4000, $0x38;
	[tilespmem:$0x8C00] =	vst v63  }
0x27b: {  	_ =	swait.ge [sflag:s3], $0x4000  }
0x27c: {  	s15 =	sld [smem:$0x7F6]  }
0x27d: {  	[sflag:s3] =	ssyncset.done $0x0  }
0x27e: {  	s25 =	sld [smem:$0x7F7];
	[sflag:s3] =	ssyncadd.s32 $0xFFFFC000  }
0x27f: {  	[tilespmem:s7], [sflag:$0x1] =	stream.indirect.gather [hbm4b:s4+s6], $0x10, s15, s6, $0xb8;
	[tilespmem:$0x8C00] =	vst v63  }
0x280: {  	s26 =	sld [smem:$0x7F8]  }
0x281: {  	[tilespmem:s14], [sflag:$0x1] =	stream.indirect.gather [hbm4b:s4+s6], $0x10, s25, s6, $0xb8;
	[tilespmem:$0x8C00] =	vst v63  }
0x282: {  	s25 =	sld [smem:$0x7F9]  }
0x283: {  	[tilespmem:s13], [sflag:$0x1] =	stream.indirect.gather [hbm4b:s4+s6], $0x10, s26, s6, $0xb8;
	[tilespmem:$0x8C00] =	vst v63  }
0x284: {  	s26 =	sld [smem:$0x7FA]  }
0x285: {  	[tilespmem:s12], [sflag:$0x1] =	stream.indirect.gather [hbm4b:s4+s6], $0x10, s25, s6, $0xb8;
	[tilespmem:$0x8C00] =	vst v63  }
0x286: {  	s25 =	sld [smem:$0x7FB]  }
0x287: {  	[tilespmem:s11], [sflag:$0x1] =	stream.indirect.gather [hbm4b:s4+s6], $0x10, s26, s6, $0xb8;
	[tilespmem:$0x8C00] =	vst v63  }
0x288: {  	s26 =	sld [smem:$0x7FC]  }
0x289: {  	[tilespmem:s10], [sflag:$0x1] =	stream.indirect.gather [hbm4b:s4+s6], $0x10, s25, s6, $0xb8;
	[tilespmem:$0x8C00] =	vst v63  }
0x28a: {  	s25 =	sld [smem:$0x7FD]  }
0x28b: {  	[tilespmem:s8], [sflag:$0x1] =	stream.indirect.gather [hbm4b:s4+s6], $0x10, s26, s6, $0xb8;
	[tilespmem:$0x8C00] =	vst v63  }
0x28c: {  	_ = 	snop  }
0x28d: {  	[tilespmem:s9], [sflag:$0x1] =	stream.indirect.gather [hbm4b:s4+s6], $0x10, s25, s6, $0xb8;
	[tilespmem:$0x8C00] =	vst v63  }
0x28e: {  	_ =	swait.ge [sflag:s5], $0x800  }
0x28f: {  	[sflag:s5] =	ssyncset.done $0x0  }
0x290: {  	[sflag:s5] =	ssyncadd.s32 $0xFFFFF800  }
0x291: {  	_ =	swait.ge [sflag:s5], $0x800  }
0x292: {  	[sflag:s5] =	ssyncset.done $0x0  }
0x293: {  	[sflag:s5] =	ssyncadd.s32 $0xFFFFF800  }
0x294: {  	_ =	swait.ge [sflag:s5], $0x800  }
0x295: {  	[sflag:s5] =	ssyncset.done $0x0  }
0x296: {  	[sflag:s5] =	ssyncadd.s32 $0xFFFFF800  }
0x297: {  	_ =	swait.ge [sflag:s5], $0x800  }
0x298: {  	[sflag:s5] =	ssyncset.done $0x0  }
0x299: {  	[sflag:s5] =	ssyncadd.s32 $0xFFFFF800  }
0x29a: {  	_ =	swait.ge [sflag:s5], $0x800  }
0x29b: {  	[sflag:s5] =	ssyncset.done $0x0  }
0x29c: {  	[sflag:s5] =	ssyncadd.s32 $0xFFFFF800  }
0x29d: {  	_ =	swait.ge [sflag:s5], $0x800  }
0x29e: {  	[sflag:s5] =	ssyncset.done $0x0  }
0x29f: {  	[sflag:s5] =	ssyncadd.s32 $0xFFFFF800  }
0x2a0: {  	_ =	swait.ge [sflag:s5], $0x800  }
0x2a1: {  	[sflag:s5] =	ssyncset.done $0x0  }
0x2a2: {  	p0 =	por $0x1, $0x1;
	s24 =	smov.u32 s0;
	[sflag:s5] =	ssyncadd.s32 $0xFFFFF800  }
0x2a3: {  	s29 =	simm.s32 $0x2880;
	p1 =	sne.s32 s24, $0x1;
	_ =	swait.ge [sflag:s5], $0x800  }
.Ltmp1:
0x2a4: {  	s0 =	sadd.s32 $0xFFFFFFFF, s24;
	[sflag:s5] =	ssyncset.done $0x0;
	(pc) =	sbr.rel @!p1 .LBB2_3-.Ltmp1, $4  }
0x2a5: {  	s28 =	simm.s32 $0x2B00;
	s26 =	rddreg [dreg:$0x17];
	[sflag:s5] =	ssyncadd.s32 $0xFFFFF800  }
0x2a6: {  	[hbm4b:s26+s2] =	stream.linear.scatter [tilespmem:s7], [sflag:$0x2], $0x4000, $0x38;
	[tilespmem:$0x8C00] =	vst v63  }
0x2a7: {  	s30 =	simm.s32 $0x2B80;
	s25 =	simm.s32 $0x2980;
	_ =	swait.ge [sflag:s3], $0x4000  }
0x2a8: {  	s26 =	simm.s32 $0x2A80;
	s15 =	rddreg [dreg:$0x5];
	[sflag:s3] =	ssyncset.done $0x0  }
.LBB2_4:
0x2a9: {  	[sflag:s3] =	ssyncadd.s32 $0xFFFFC000  }
0x2aa: {  	[tilespmem:s2], [sflag:$0x2] =	stream.linear.gather [hbm4b:s15+s2], $0x2800, $0x38;
	[tilespmem:$0x8C00] =	vst v63  }
0x2ab: {  	_ =	swait.ge [sflag:s3], $0x2800  }
0x2ac: {  	[sflag:s3] =	ssyncset.done $0x0  }
0x2ad: {  	s24 =	rddreg [dreg:$0x6];
	[sflag:s3] =	ssyncadd.s32 $0xFFFFD800  }
0x2ae: {  	[tilespmem:s22], [sflag:$0x2] =	stream.linear.gather [hbm4b:s24+s2], $0x200, $0x38;
	[tilespmem:$0x8C00] =	vst v63  }
0x2af: {  	_ =	swait.ge [sflag:s3], $0x200  }
0x2b0: {  	[sflag:s3] =	ssyncset.done $0x0  }
0x2b1: {  	s24 =	rddreg [dreg:$0x7];
	[sflag:s3] =	ssyncadd.s32 $0xFFFFFE00  }
0x2b2: {  	[tilespmem:s19], [sflag:$0x2] =	stream.linear.gather [hbm4b:s24+s2], $0x200, $0x38;
	[tilespmem:$0x8C00] =	vst v63  }
0x2b3: {  	_ =	swait.ge [sflag:s3], $0x200  }
0x2b4: {  	[sflag:s3] =	ssyncset.done $0x0  }
0x2b5: {  	[sflag:s3] =	ssyncadd.s32 $0xFFFFFE00  }
0x2b6: {  	[tilespmem:s17], [sflag:$0x1] =	stream.indirect.gather [hbm4b:s1+s6], $0x10, s22, s6, $0xb8;
	[tilespmem:$0x8C00] =	vst v63  }
0x2b7: {  	_ = 	snop  }
0x2b8: {  	[tilespmem:s20], [sflag:$0x1] =	stream.indirect.gather [hbm4b:s1+s6], $0x10, s29, s6, $0xb8;
	[tilespmem:$0x8C00] =	vst v63  }
0x2b9: {  	s24 =	simm.s32 $0x2900  }
0x2ba: {  	[tilespmem:s21], [sflag:$0x1] =	stream.indirect.gather [hbm4b:s1+s6], $0x10, s24, s6, $0xb8;
	[tilespmem:$0x8C00] =	vst v63  }
0x2bb: {  	_ = 	snop  }
0x2bc: {  	[tilespmem:s23], [sflag:$0x1] =	stream.indirect.gather [hbm4b:s1+s6], $0x10, s25, s6, $0xb8;
	[tilespmem:$0x8C00] =	vst v63  }
0x2bd: {  	_ =	swait.ge [sflag:s5], $0x800  }
0x2be: {  	[sflag:s5] =	ssyncset.done $0x0  }
0x2bf: {  	[sflag:s5] =	ssyncadd.s32 $0xFFFFF800  }
0x2c0: {  	_ =	swait.ge [sflag:s5], $0x800  }
0x2c1: {  	[sflag:s5] =	ssyncset.done $0x0  }
0x2c2: {  	[sflag:s5] =	ssyncadd.s32 $0xFFFFF800  }
0x2c3: {  	_ =	swait.ge [sflag:s5], $0x800  }
0x2c4: {  	[sflag:s5] =	ssyncset.done $0x0  }
0x2c5: {  	[sflag:s5] =	ssyncadd.s32 $0xFFFFF800  }
0x2c6: {  	_ =	swait.ge [sflag:s5], $0x800  }
0x2c7: {  	[sflag:s5] =	ssyncset.done $0x0  }
0x2c8: {  	s15 =	rddreg [dreg:$0x8];
	[sflag:s5] =	ssyncadd.s32 $0xFFFFF800  }
0x2c9: {  	[hbm4b:s15+s2] =	stream.linear.scatter [tilespmem:s17], [sflag:$0x2], $0x2000, $0x38;
	[tilespmem:$0x8C00] =	vst v63  }
0x2ca: {  	_ =	swait.ge [sflag:s3], $0x2000  }
0x2cb: {  	[sflag:s3] =	ssyncset.done $0x0  }
0x2cc: {  	[sflag:s3] =	ssyncadd.s32 $0xFFFFE000  }
0x2cd: {  	[tilespmem:s17], [sflag:$0x1] =	stream.indirect.gather [hbm4b:s31+s6], $0x10, s19, s6, $0xb8;
	[tilespmem:$0x8C00] =	vst v63  }
0x2ce: {  	_ = 	snop  }
0x2cf: {  	[tilespmem:s20], [sflag:$0x1] =	stream.indirect.gather [hbm4b:s31+s6], $0x10, s26, s6, $0xb8;
	[tilespmem:$0x8C00] =	vst v63  }
0x2d0: {  	_ = 	snop  }
0x2d1: {  	[tilespmem:s21], [sflag:$0x1] =	stream.indirect.gather [hbm4b:s31+s6], $0x10, s28, s6, $0xb8;
	[tilespmem:$0x8C00] =	vst v63  }
0x2d2: {  	_ = 	snop  }
0x2d3: {  	[tilespmem:s23], [sflag:$0x1] =	stream.indirect.gather [hbm4b:s31+s6], $0x10, s30, s6, $0xb8;
	[tilespmem:$0x8C00] =	vst v63  }
0x2d4: {  	_ =	swait.ge [sflag:s5], $0x800  }
0x2d5: {  	[sflag:s5] =	ssyncset.done $0x0  }
0x2d6: {  	[sflag:s5] =	ssyncadd.s32 $0xFFFFF800  }
0x2d7: {  	_ =	swait.ge [sflag:s5], $0x800  }
0x2d8: {  	[sflag:s5] =	ssyncset.done $0x0  }
0x2d9: {  	[sflag:s5] =	ssyncadd.s32 $0xFFFFF800  }
0x2da: {  	_ =	swait.ge [sflag:s5], $0x800  }
0x2db: {  	[sflag:s5] =	ssyncset.done $0x0  }
0x2dc: {  	[sflag:s5] =	ssyncadd.s32 $0xFFFFF800  }
0x2dd: {  	_ =	swait.ge [sflag:s5], $0x800  }
0x2de: {  	[sflag:s5] =	ssyncset.done $0x0  }
0x2df: {  	s15 =	rddreg [dreg:$0x9];
	[sflag:s5] =	ssyncadd.s32 $0xFFFFF800  }
0x2e0: {  	[hbm4b:s15+s2] =	stream.linear.scatter [tilespmem:s17], [sflag:$0x2], $0x2000, $0x38;
	[tilespmem:$0x8C00] =	vst v63  }
0x2e1: {  	_ =	swait.ge [sflag:s3], $0x2000  }
0x2e2: {  	[sflag:s3] =	ssyncset.done $0x0  }
0x2e3: {  	[sflag:s3] =	ssyncadd.s32 $0xFFFFE000  }
0x2e4: {  	[tilespmem:s17], [sflag:$0x1] =	stream.indirect.gather [hbm4b:s4+s6], $0x10, s19, s6, $0xb8;
	[tilespmem:$0x8C00] =	vst v63  }
0x2e5: {  	_ = 	snop  }
0x2e6: {  	[tilespmem:s20], [sflag:$0x1] =	stream.indirect.gather [hbm4b:s4+s6], $0x10, s26, s6, $0xb8;
	[tilespmem:$0x8C00] =	vst v63  }
0x2e7: {  	_ = 	snop  }
0x2e8: {  	[tilespmem:s21], [sflag:$0x1] =	stream.indirect.gather [hbm4b:s4+s6], $0x10, s28, s6, $0xb8;
	[tilespmem:$0x8C00] =	vst v63  }
0x2e9: {  	_ = 	snop  }
0x2ea: {  	[tilespmem:s23], [sflag:$0x1] =	stream.indirect.gather [hbm4b:s4+s6], $0x10, s30, s6, $0xb8;
	[tilespmem:$0x8C00] =	vst v63  }
0x2eb: {  	_ =	swait.ge [sflag:s5], $0x800  }
0x2ec: {  	[sflag:s5] =	ssyncset.done $0x0  }
0x2ed: {  	[sflag:s5] =	ssyncadd.s32 $0xFFFFF800  }
0x2ee: {  	_ =	swait.ge [sflag:s5], $0x800  }
0x2ef: {  	[sflag:s5] =	ssyncset.done $0x0  }
0x2f0: {  	[sflag:s5] =	ssyncadd.s32 $0xFFFFF800  }
0x2f1: {  	_ =	swait.ge [sflag:s5], $0x800  }
0x2f2: {  	[sflag:s5] =	ssyncset.done $0x0  }
0x2f3: {  	[sflag:s5] =	ssyncadd.s32 $0xFFFFF800  }
0x2f4: {  	_ =	swait.ge [sflag:s5], $0x800  }
0x2f5: {  	[sflag:s5] =	ssyncset.done $0x0  }
0x2f6: {  	s15 =	rddreg [dreg:$0xa];
	[sflag:s5] =	ssyncadd.s32 $0xFFFFF800  }
0x2f7: {  	[hbm4b:s15+s2] =	stream.linear.scatter [tilespmem:s17], [sflag:$0x2], $0x2000, $0x38;
	[tilespmem:$0x8C00] =	vst v63  }
0x2f8: {  	_ =	swait.ge [sflag:s3], $0x2000  }
0x2f9: {  	[sflag:s3] =	ssyncset.done $0x0  }
0x2fa: {  	s15 =	rddreg [dreg:$0xb];
	[sflag:s3] =	ssyncadd.s32 $0xFFFFE000  }
0x2fb: {  	[tilespmem:s22], [sflag:$0x2] =	stream.linear.gather [hbm4b:s15+s2], $0x200, $0x38;
	[tilespmem:$0x8C00] =	vst v63  }
0x2fc: {  	_ =	swait.ge [sflag:s3], $0x200  }
0x2fd: {  	[sflag:s3] =	ssyncset.done $0x0  }
0x2fe: {  	s15 =	rddreg [dreg:$0xc];
	[sflag:s3] =	ssyncadd.s32 $0xFFFFFE00  }
0x2ff: {  	[tilespmem:s19], [sflag:$0x2] =	stream.linear.gather [hbm4b:s15+s2], $0x200, $0x38;
	[tilespmem:$0x8C00] =	vst v63  }
0x300: {  	_ =	swait.ge [sflag:s3], $0x200  }
0x301: {  	[sflag:s3] =	ssyncset.done $0x0  }
0x302: {  	[sflag:s3] =	ssyncadd.s32 $0xFFFFFE00  }
0x303: {  	[tilespmem:s17], [sflag:$0x1] =	stream.indirect.gather [hbm4b:s18+s6], $0x10, s22, s6, $0xb8;
	[tilespmem:$0x8C00] =	vst v63  }
0x304: {  	_ = 	snop  }
0x305: {  	[tilespmem:s20], [sflag:$0x1] =	stream.indirect.gather [hbm4b:s18+s6], $0x10, s29, s6, $0xb8;
	[tilespmem:$0x8C00] =	vst v63  }
0x306: {  	_ = 	snop  }
0x307: {  	[tilespmem:s21], [sflag:$0x1] =	stream.indirect.gather [hbm4b:s18+s6], $0x10, s24, s6, $0xb8;
	[tilespmem:$0x8C00] =	vst v63  }
0x308: {  	_ = 	snop  }
0x309: {  	[tilespmem:s23], [sflag:$0x1] =	stream.indirect.gather [hbm4b:s18+s6], $0x10, s25, s6, $0xb8;
	[tilespmem:$0x8C00] =	vst v63  }
0x30a: {  	_ =	swait.ge [sflag:s5], $0x800  }
0x30b: {  	[sflag:s5] =	ssyncset.done $0x0  }
0x30c: {  	[sflag:s5] =	ssyncadd.s32 $0xFFFFF800  }
0x30d: {  	_ =	swait.ge [sflag:s5], $0x800  }
0x30e: {  	[sflag:s5] =	ssyncset.done $0x0  }
0x30f: {  	[sflag:s5] =	ssyncadd.s32 $0xFFFFF800  }
0x310: {  	_ =	swait.ge [sflag:s5], $0x800  }
0x311: {  	[sflag:s5] =	ssyncset.done $0x0  }
0x312: {  	[sflag:s5] =	ssyncadd.s32 $0xFFFFF800  }
0x313: {  	_ =	swait.ge [sflag:s5], $0x800  }
0x314: {  	[sflag:s5] =	ssyncset.done $0x0  }
0x315: {  	s24 =	rddreg [dreg:$0xd];
	[sflag:s5] =	ssyncadd.s32 $0xFFFFF800  }
0x316: {  	[hbm4b:s24+s2] =	stream.linear.scatter [tilespmem:s17], [sflag:$0x2], $0x2000, $0x38;
	[tilespmem:$0x8C00] =	vst v63  }
0x317: {  	_ =	swait.ge [sflag:s3], $0x2000  }
0x318: {  	[sflag:s3] =	ssyncset.done $0x0  }
0x319: {  	[sflag:s3] =	ssyncadd.s32 $0xFFFFE000  }
0x31a: {  	[tilespmem:s17], [sflag:$0x1] =	stream.indirect.gather [hbm4b:s16+s6], $0x10, s19, s6, $0xb8;
	[tilespmem:$0x8C00] =	vst v63  }
0x31b: {  	_ = 	snop  }
0x31c: {  	[tilespmem:s20], [sflag:$0x1] =	stream.indirect.gather [hbm4b:s16+s6], $0x10, s26, s6, $0xb8;
	[tilespmem:$0x8C00] =	vst v63  }
0x31d: {  	_ = 	snop  }
0x31e: {  	[tilespmem:s21], [sflag:$0x1] =	stream.indirect.gather [hbm4b:s16+s6], $0x10, s28, s6, $0xb8;
	[tilespmem:$0x8C00] =	vst v63  }
0x31f: {  	_ = 	snop  }
0x320: {  	[tilespmem:s23], [sflag:$0x1] =	stream.indirect.gather [hbm4b:s16+s6], $0x10, s30, s6, $0xb8;
	[tilespmem:$0x8C00] =	vst v63  }
0x321: {  	_ =	swait.ge [sflag:s5], $0x800  }
0x322: {  	[sflag:s5] =	ssyncset.done $0x0  }
0x323: {  	[sflag:s5] =	ssyncadd.s32 $0xFFFFF800  }
0x324: {  	_ =	swait.ge [sflag:s5], $0x800  }
0x325: {  	[sflag:s5] =	ssyncset.done $0x0  }
0x326: {  	[sflag:s5] =	ssyncadd.s32 $0xFFFFF800  }
0x327: {  	_ =	swait.ge [sflag:s5], $0x800  }
0x328: {  	[sflag:s5] =	ssyncset.done $0x0  }
0x329: {  	[sflag:s5] =	ssyncadd.s32 $0xFFFFF800  }
0x32a: {  	_ =	swait.ge [sflag:s5], $0x800  }
0x32b: {  	[sflag:s5] =	ssyncset.done $0x0  }
0x32c: {  	s24 =	rddreg [dreg:$0xe];
	[sflag:s5] =	ssyncadd.s32 $0xFFFFF800  }
0x32d: {  	[hbm4b:s24+s2] =	stream.linear.scatter [tilespmem:s17], [sflag:$0x2], $0x2000, $0x38;
	[tilespmem:$0x8C00] =	vst v63  }
0x32e: {  	_ =	swait.ge [sflag:s3], $0x2000  }
0x32f: {  	[sflag:s3] =	ssyncset.done $0x0  }
0x330: {  	[sflag:s3] =	ssyncadd.s32 $0xFFFFE000  }
0x331: {  	[tilespmem:s7], [sflag:$0x1] =	stream.indirect.gather [hbm4b:s4+s6], $0x10, s2, s6, $0xb8;
	[tilespmem:$0x8C00] =	vst v63  }
0x332: {  	_ = 	snop  }
0x333: {  	[tilespmem:s14], [sflag:$0x1] =	stream.indirect.gather [hbm4b:s4+s6], $0x10, s6, s6, $0xb8;
	[tilespmem:$0x8C00] =	vst v63  }
0x334: {  	s15 =	rddreg [dreg:$0x18]  }
0x335: {  	[tilespmem:s13], [sflag:$0x1] =	stream.indirect.gather [hbm4b:s4+s6], $0x10, s15, s6, $0xb8;
	[tilespmem:$0x8C00] =	vst v63  }
0x336: {  	s24 =	rddreg [dreg:$0x19]  }
0x337: {  	[tilespmem:s12], [sflag:$0x1] =	stream.indirect.gather [hbm4b:s4+s6], $0x10, s24, s6, $0xb8;
	[tilespmem:$0x8C00] =	vst v63  }
0x338: {  	s15 =	rddreg [dreg:$0x1a]  }
0x339: {  	[tilespmem:s11], [sflag:$0x1] =	stream.indirect.gather [hbm4b:s4+s6], $0x10, s15, s6, $0xb8;
	[tilespmem:$0x8C00] =	vst v63  }
0x33a: {  	s24 =	rddreg [dreg:$0x1b]  }
0x33b: {  	[tilespmem:s10], [sflag:$0x1] =	stream.indirect.gather [hbm4b:s4+s6], $0x10, s24, s6, $0xb8;
	[tilespmem:$0x8C00] =	vst v63  }
0x33c: {  	s15 =	rddreg [dreg:$0x1c]  }
0x33d: {  	[tilespmem:s8], [sflag:$0x1] =	stream.indirect.gather [hbm4b:s4+s6], $0x10, s15, s6, $0xb8;
	[tilespmem:$0x8C00] =	vst v63  }
0x33e: {  	s24 =	rddreg [dreg:$0x1d]  }
0x33f: {  	[tilespmem:s9], [sflag:$0x1] =	stream.indirect.gather [hbm4b:s4+s6], $0x10, s24, s6, $0xb8;
	[tilespmem:$0x8C00] =	vst v63  }
0x340: {  	_ =	swait.ge [sflag:s5], $0x800  }
0x341: {  	[sflag:s5] =	ssyncset.done $0x0  }
0x342: {  	[sflag:s5] =	ssyncadd.s32 $0xFFFFF800  }
0x343: {  	_ =	swait.ge [sflag:s5], $0x800  }
0x344: {  	[sflag:s5] =	ssyncset.done $0x0  }
0x345: {  	[sflag:s5] =	ssyncadd.s32 $0xFFFFF800  }
0x346: {  	_ =	swait.ge [sflag:s5], $0x800  }
0x347: {  	[sflag:s5] =	ssyncset.done $0x0  }
0x348: {  	[sflag:s5] =	ssyncadd.s32 $0xFFFFF800  }
0x349: {  	_ =	swait.ge [sflag:s5], $0x800  }
0x34a: {  	[sflag:s5] =	ssyncset.done $0x0  }
0x34b: {  	[sflag:s5] =	ssyncadd.s32 $0xFFFFF800  }
0x34c: {  	_ =	swait.ge [sflag:s5], $0x800  }
0x34d: {  	[sflag:s5] =	ssyncset.done $0x0  }
0x34e: {  	[sflag:s5] =	ssyncadd.s32 $0xFFFFF800  }
0x34f: {  	_ =	swait.ge [sflag:s5], $0x800  }
0x350: {  	[sflag:s5] =	ssyncset.done $0x0  }
0x351: {  	[sflag:s5] =	ssyncadd.s32 $0xFFFFF800  }
0x352: {  	_ =	swait.ge [sflag:s5], $0x800  }
0x353: {  	[sflag:s5] =	ssyncset.done $0x0  }
0x354: {  	[sflag:s5] =	ssyncadd.s32 $0xFFFFF800  }
0x355: {  	_ =	swait.ge [sflag:s5], $0x800  }
0x356: {  	s24 =	sld [smem:$0x7B7]  }
0x357: {  	[sflag:s5] =	ssyncset.done $0x0  }
0x358: {  	[sflag:s5] =	ssyncadd.s32 $0xFFFFF800  }
0x359: {  	[hbm4b:s24+s2] =	stream.linear.scatter [tilespmem:s7], [sflag:$0x2], $0x4000, $0x38;
	[tilespmem:$0x8C00] =	vst v63  }
0x35a: {  	_ =	swait.ge [sflag:s3], $0x4000  }
0x35b: {  	s15 =	rddreg [dreg:$0x1e];
	[sflag:s3] =	ssyncset.done $0x0  }
0x35c: {  	s24 =	rddreg [dreg:$0x1f];
	[sflag:s3] =	ssyncadd.s32 $0xFFFFC000  }
0x35d: {  	[tilespmem:s7], [sflag:$0x1] =	stream.indirect.gather [hbm4b:s4+s6], $0x10, s15, s6, $0xb8;
	[tilespmem:$0x8C00] =	vst v63  }
0x35e: {  	s15 =	sld [smem:$0x7B8]  }
0x35f: {  	[tilespmem:s14], [sflag:$0x1] =	stream.indirect.gather [hbm4b:s4+s6], $0x10, s24, s6, $0xb8;
	[tilespmem:$0x8C00] =	vst v63  }
0x360: {  	s24 =	sld [smem:$0x7B9]  }
0x361: {  	[tilespmem:s13], [sflag:$0x1] =	stream.indirect.gather [hbm4b:s4+s6], $0x10, s15, s6, $0xb8;
	[tilespmem:$0x8C00] =	vst v63  }
0x362: {  	s15 =	sld [smem:$0x7BA]  }
0x363: {  	[tilespmem:s12], [sflag:$0x1] =	stream.indirect.gather [hbm4b:s4+s6], $0x10, s24, s6, $0xb8;
	[tilespmem:$0x8C00] =	vst v63  }
0x364: {  	s24 =	sld [smem:$0x7BB]  }
0x365: {  	[tilespmem:s11], [sflag:$0x1] =	stream.indirect.gather [hbm4b:s4+s6], $0x10, s15, s6, $0xb8;
	[tilespmem:$0x8C00] =	vst v63  }
0x366: {  	s15 =	sld [smem:$0x7BC]  }
0x367: {  	[tilespmem:s10], [sflag:$0x1] =	stream.indirect.gather [hbm4b:s4+s6], $0x10, s24, s6, $0xb8;
	[tilespmem:$0x8C00] =	vst v63  }
0x368: {  	s24 =	sld [smem:$0x7BD]  }
0x369: {  	[tilespmem:s8], [sflag:$0x1] =	stream.indirect.gather [hbm4b:s4+s6], $0x10, s15, s6, $0xb8;
	[tilespmem:$0x8C00] =	vst v63  }
0x36a: {  	_ = 	snop  }
0x36b: {  	[tilespmem:s9], [sflag:$0x1] =	stream.indirect.gather [hbm4b:s4+s6], $0x10, s24, s6, $0xb8;
	[tilespmem:$0x8C00] =	vst v63  }
0x36c: {  	_ =	swait.ge [sflag:s5], $0x800  }
0x36d: {  	[sflag:s5] =	ssyncset.done $0x0  }
0x36e: {  	[sflag:s5] =	ssyncadd.s32 $0xFFFFF800  }
0x36f: {  	_ =	swait.ge [sflag:s5], $0x800  }
0x370: {  	[sflag:s5] =	ssyncset.done $0x0  }
0x371: {  	[sflag:s5] =	ssyncadd.s32 $0xFFFFF800  }
0x372: {  	_ =	swait.ge [sflag:s5], $0x800  }
0x373: {  	[sflag:s5] =	ssyncset.done $0x0  }
0x374: {  	[sflag:s5] =	ssyncadd.s32 $0xFFFFF800  }
0x375: {  	_ =	swait.ge [sflag:s5], $0x800  }
0x376: {  	[sflag:s5] =	ssyncset.done $0x0  }
0x377: {  	[sflag:s5] =	ssyncadd.s32 $0xFFFFF800  }
0x378: {  	_ =	swait.ge [sflag:s5], $0x800  }
0x379: {  	[sflag:s5] =	ssyncset.done $0x0  }
0x37a: {  	[sflag:s5] =	ssyncadd.s32 $0xFFFFF800  }
0x37b: {  	_ =	swait.ge [sflag:s5], $0x800  }
0x37c: {  	[sflag:s5] =	ssyncset.done $0x0  }
0x37d: {  	[sflag:s5] =	ssyncadd.s32 $0xFFFFF800  }
0x37e: {  	_ =	swait.ge [sflag:s5], $0x800  }
0x37f: {  	[sflag:s5] =	ssyncset.done $0x0  }
0x380: {  	[sflag:s5] =	ssyncadd.s32 $0xFFFFF800  }
0x381: {  	_ =	swait.ge [sflag:s5], $0x800  }
0x382: {  	[sflag:s5] =	ssyncset.done $0x0  }
0x383: {  	s24 =	rddreg [dreg:$0xf];
	[sflag:s5] =	ssyncadd.s32 $0xFFFFF800  }
0x384: {  	[hbm4b:s24+s2] =	stream.linear.scatter [tilespmem:s7], [sflag:$0x2], $0x4000, $0x38;
	[tilespmem:$0x8C00] =	vst v63  }
0x385: {  	_ =	swait.ge [sflag:s3], $0x4000  }
0x386: {  	s15 =	sld [smem:$0x7BE]  }
0x387: {  	[sflag:s3] =	ssyncset.done $0x0  }
0x388: {  	s24 =	sld [smem:$0x7BF];
	[sflag:s3] =	ssyncadd.s32 $0xFFFFC000  }
0x389: {  	[tilespmem:s7], [sflag:$0x1] =	stream.indirect.gather [hbm4b:s4+s6], $0x10, s15, s6, $0xb8;
	[tilespmem:$0x8C00] =	vst v63  }
0x38a: {  	s15 =	sld [smem:$0x7C0]  }
0x38b: {  	[tilespmem:s14], [sflag:$0x1] =	stream.indirect.gather [hbm4b:s4+s6], $0x10, s24, s6, $0xb8;
	[tilespmem:$0x8C00] =	vst v63  }
0x38c: {  	s24 =	sld [smem:$0x7C1]  }
0x38d: {  	[tilespmem:s13], [sflag:$0x1] =	stream.indirect.gather [hbm4b:s4+s6], $0x10, s15, s6, $0xb8;
	[tilespmem:$0x8C00] =	vst v63  }
0x38e: {  	s15 =	sld [smem:$0x7C2]  }
0x38f: {  	[tilespmem:s12], [sflag:$0x1] =	stream.indirect.gather [hbm4b:s4+s6], $0x10, s24, s6, $0xb8;
	[tilespmem:$0x8C00] =	vst v63  }
0x390: {  	s24 =	sld [smem:$0x7C3]  }
0x391: {  	[tilespmem:s11], [sflag:$0x1] =	stream.indirect.gather [hbm4b:s4+s6], $0x10, s15, s6, $0xb8;
	[tilespmem:$0x8C00] =	vst v63  }
0x392: {  	s15 =	sld [smem:$0x7C4]  }
0x393: {  	[tilespmem:s10], [sflag:$0x1] =	stream.indirect.gather [hbm4b:s4+s6], $0x10, s24, s6, $0xb8;
	[tilespmem:$0x8C00] =	vst v63  }
0x394: {  	s24 =	sld [smem:$0x7C5]  }
0x395: {  	[tilespmem:s8], [sflag:$0x1] =	stream.indirect.gather [hbm4b:s4+s6], $0x10, s15, s6, $0xb8;
	[tilespmem:$0x8C00] =	vst v63  }
0x396: {  	_ = 	snop  }
0x397: {  	[tilespmem:s9], [sflag:$0x1] =	stream.indirect.gather [hbm4b:s4+s6], $0x10, s24, s6, $0xb8;
	[tilespmem:$0x8C00] =	vst v63  }
0x398: {  	_ =	swait.ge [sflag:s5], $0x800  }
0x399: {  	[sflag:s5] =	ssyncset.done $0x0  }
0x39a: {  	[sflag:s5] =	ssyncadd.s32 $0xFFFFF800  }
0x39b: {  	_ =	swait.ge [sflag:s5], $0x800  }
0x39c: {  	[sflag:s5] =	ssyncset.done $0x0  }
0x39d: {  	[sflag:s5] =	ssyncadd.s32 $0xFFFFF800  }
0x39e: {  	_ =	swait.ge [sflag:s5], $0x800  }
0x39f: {  	[sflag:s5] =	ssyncset.done $0x0  }
0x3a0: {  	[sflag:s5] =	ssyncadd.s32 $0xFFFFF800  }
0x3a1: {  	_ =	swait.ge [sflag:s5], $0x800  }
0x3a2: {  	[sflag:s5] =	ssyncset.done $0x0  }
0x3a3: {  	[sflag:s5] =	ssyncadd.s32 $0xFFFFF800  }
0x3a4: {  	_ =	swait.ge [sflag:s5], $0x800  }
0x3a5: {  	[sflag:s5] =	ssyncset.done $0x0  }
0x3a6: {  	[sflag:s5] =	ssyncadd.s32 $0xFFFFF800  }
0x3a7: {  	_ =	swait.ge [sflag:s5], $0x800  }
0x3a8: {  	[sflag:s5] =	ssyncset.done $0x0  }
0x3a9: {  	[sflag:s5] =	ssyncadd.s32 $0xFFFFF800  }
0x3aa: {  	_ =	swait.ge [sflag:s5], $0x800  }
0x3ab: {  	[sflag:s5] =	ssyncset.done $0x0  }
0x3ac: {  	[sflag:s5] =	ssyncadd.s32 $0xFFFFF800  }
0x3ad: {  	_ =	swait.ge [sflag:s5], $0x800  }
0x3ae: {  	[sflag:s5] =	ssyncset.done $0x0  }
0x3af: {  	s24 =	rddreg [dreg:$0x10];
	[sflag:s5] =	ssyncadd.s32 $0xFFFFF800  }
0x3b0: {  	[hbm4b:s24+s2] =	stream.linear.scatter [tilespmem:s7], [sflag:$0x2], $0x4000, $0x38;
	[tilespmem:$0x8C00] =	vst v63  }
0x3b1: {  	_ =	swait.ge [sflag:s3], $0x4000  }
0x3b2: {  	s15 =	sld [smem:$0x7C6]  }
0x3b3: {  	[sflag:s3] =	ssyncset.done $0x0  }
0x3b4: {  	s24 =	sld [smem:$0x7C7];
	[sflag:s3] =	ssyncadd.s32 $0xFFFFC000  }
0x3b5: {  	[tilespmem:s7], [sflag:$0x1] =	stream.indirect.gather [hbm4b:s4+s6], $0x10, s15, s6, $0xb8;
	[tilespmem:$0x8C00] =	vst v63  }
0x3b6: {  	s15 =	sld [smem:$0x7C8]  }
0x3b7: {  	[tilespmem:s14], [sflag:$0x1] =	stream.indirect.gather [hbm4b:s4+s6], $0x10, s24, s6, $0xb8;
	[tilespmem:$0x8C00] =	vst v63  }
0x3b8: {  	s24 =	sld [smem:$0x7C9]  }
0x3b9: {  	[tilespmem:s13], [sflag:$0x1] =	stream.indirect.gather [hbm4b:s4+s6], $0x10, s15, s6, $0xb8;
	[tilespmem:$0x8C00] =	vst v63  }
0x3ba: {  	s15 =	sld [smem:$0x7CA]  }
0x3bb: {  	[tilespmem:s12], [sflag:$0x1] =	stream.indirect.gather [hbm4b:s4+s6], $0x10, s24, s6, $0xb8;
	[tilespmem:$0x8C00] =	vst v63  }
0x3bc: {  	s24 =	sld [smem:$0x7CB]  }
0x3bd: {  	[tilespmem:s11], [sflag:$0x1] =	stream.indirect.gather [hbm4b:s4+s6], $0x10, s15, s6, $0xb8;
	[tilespmem:$0x8C00] =	vst v63  }
0x3be: {  	s15 =	sld [smem:$0x7CC]  }
0x3bf: {  	[tilespmem:s10], [sflag:$0x1] =	stream.indirect.gather [hbm4b:s4+s6], $0x10, s24, s6, $0xb8;
	[tilespmem:$0x8C00] =	vst v63  }
0x3c0: {  	s24 =	sld [smem:$0x7CD]  }
0x3c1: {  	[tilespmem:s8], [sflag:$0x1] =	stream.indirect.gather [hbm4b:s4+s6], $0x10, s15, s6, $0xb8;
	[tilespmem:$0x8C00] =	vst v63  }
0x3c2: {  	_ = 	snop  }
0x3c3: {  	[tilespmem:s9], [sflag:$0x1] =	stream.indirect.gather [hbm4b:s4+s6], $0x10, s24, s6, $0xb8;
	[tilespmem:$0x8C00] =	vst v63  }
0x3c4: {  	_ =	swait.ge [sflag:s5], $0x800  }
0x3c5: {  	[sflag:s5] =	ssyncset.done $0x0  }
0x3c6: {  	[sflag:s5] =	ssyncadd.s32 $0xFFFFF800  }
0x3c7: {  	_ =	swait.ge [sflag:s5], $0x800  }
0x3c8: {  	[sflag:s5] =	ssyncset.done $0x0  }
0x3c9: {  	[sflag:s5] =	ssyncadd.s32 $0xFFFFF800  }
0x3ca: {  	_ =	swait.ge [sflag:s5], $0x800  }
0x3cb: {  	[sflag:s5] =	ssyncset.done $0x0  }
0x3cc: {  	[sflag:s5] =	ssyncadd.s32 $0xFFFFF800  }
0x3cd: {  	_ =	swait.ge [sflag:s5], $0x800  }
0x3ce: {  	[sflag:s5] =	ssyncset.done $0x0  }
0x3cf: {  	[sflag:s5] =	ssyncadd.s32 $0xFFFFF800  }
0x3d0: {  	_ =	swait.ge [sflag:s5], $0x800  }
0x3d1: {  	[sflag:s5] =	ssyncset.done $0x0  }
0x3d2: {  	[sflag:s5] =	ssyncadd.s32 $0xFFFFF800  }
0x3d3: {  	_ =	swait.ge [sflag:s5], $0x800  }
0x3d4: {  	[sflag:s5] =	ssyncset.done $0x0  }
0x3d5: {  	[sflag:s5] =	ssyncadd.s32 $0xFFFFF800  }
0x3d6: {  	_ =	swait.ge [sflag:s5], $0x800  }
0x3d7: {  	[sflag:s5] =	ssyncset.done $0x0  }
0x3d8: {  	[sflag:s5] =	ssyncadd.s32 $0xFFFFF800  }
0x3d9: {  	_ =	swait.ge [sflag:s5], $0x800  }
0x3da: {  	[sflag:s5] =	ssyncset.done $0x0  }
0x3db: {  	s24 =	rddreg [dreg:$0x11];
	[sflag:s5] =	ssyncadd.s32 $0xFFFFF800  }
0x3dc: {  	[hbm4b:s24+s2] =	stream.linear.scatter [tilespmem:s7], [sflag:$0x2], $0x4000, $0x38;
	[tilespmem:$0x8C00] =	vst v63  }
0x3dd: {  	_ =	swait.ge [sflag:s3], $0x4000  }
0x3de: {  	s15 =	sld [smem:$0x7CE]  }
0x3df: {  	[sflag:s3] =	ssyncset.done $0x0  }
0x3e0: {  	s24 =	sld [smem:$0x7CF];
	[sflag:s3] =	ssyncadd.s32 $0xFFFFC000  }
0x3e1: {  	[tilespmem:s7], [sflag:$0x1] =	stream.indirect.gather [hbm4b:s4+s6], $0x10, s15, s6, $0xb8;
	[tilespmem:$0x8C00] =	vst v63  }
0x3e2: {  	s15 =	sld [smem:$0x7D0]  }
0x3e3: {  	[tilespmem:s14], [sflag:$0x1] =	stream.indirect.gather [hbm4b:s4+s6], $0x10, s24, s6, $0xb8;
	[tilespmem:$0x8C00] =	vst v63  }
0x3e4: {  	s24 =	sld [smem:$0x7D1]  }
0x3e5: {  	[tilespmem:s13], [sflag:$0x1] =	stream.indirect.gather [hbm4b:s4+s6], $0x10, s15, s6, $0xb8;
	[tilespmem:$0x8C00] =	vst v63  }
0x3e6: {  	s15 =	sld [smem:$0x7D2]  }
0x3e7: {  	[tilespmem:s12], [sflag:$0x1] =	stream.indirect.gather [hbm4b:s4+s6], $0x10, s24, s6, $0xb8;
	[tilespmem:$0x8C00] =	vst v63  }
0x3e8: {  	s24 =	sld [smem:$0x7D3]  }
0x3e9: {  	[tilespmem:s11], [sflag:$0x1] =	stream.indirect.gather [hbm4b:s4+s6], $0x10, s15, s6, $0xb8;
	[tilespmem:$0x8C00] =	vst v63  }
0x3ea: {  	s15 =	sld [smem:$0x7D4]  }
0x3eb: {  	[tilespmem:s10], [sflag:$0x1] =	stream.indirect.gather [hbm4b:s4+s6], $0x10, s24, s6, $0xb8;
	[tilespmem:$0x8C00] =	vst v63  }
0x3ec: {  	s24 =	sld [smem:$0x7D5]  }
0x3ed: {  	[tilespmem:s8], [sflag:$0x1] =	stream.indirect.gather [hbm4b:s4+s6], $0x10, s15, s6, $0xb8;
	[tilespmem:$0x8C00] =	vst v63  }
0x3ee: {  	_ = 	snop  }
0x3ef: {  	[tilespmem:s9], [sflag:$0x1] =	stream.indirect.gather [hbm4b:s4+s6], $0x10, s24, s6, $0xb8;
	[tilespmem:$0x8C00] =	vst v63  }
0x3f0: {  	_ =	swait.ge [sflag:s5], $0x800  }
0x3f1: {  	[sflag:s5] =	ssyncset.done $0x0  }
0x3f2: {  	[sflag:s5] =	ssyncadd.s32 $0xFFFFF800  }
0x3f3: {  	_ =	swait.ge [sflag:s5], $0x800  }
0x3f4: {  	[sflag:s5] =	ssyncset.done $0x0  }
0x3f5: {  	[sflag:s5] =	ssyncadd.s32 $0xFFFFF800  }
0x3f6: {  	_ =	swait.ge [sflag:s5], $0x800  }
0x3f7: {  	[sflag:s5] =	ssyncset.done $0x0  }
0x3f8: {  	[sflag:s5] =	ssyncadd.s32 $0xFFFFF800  }
0x3f9: {  	_ =	swait.ge [sflag:s5], $0x800  }
0x3fa: {  	[sflag:s5] =	ssyncset.done $0x0  }
0x3fb: {  	[sflag:s5] =	ssyncadd.s32 $0xFFFFF800  }
0x3fc: {  	_ =	swait.ge [sflag:s5], $0x800  }
0x3fd: {  	[sflag:s5] =	ssyncset.done $0x0  }
0x3fe: {  	[sflag:s5] =	ssyncadd.s32 $0xFFFFF800  }
0x3ff: {  	_ =	swait.ge [sflag:s5], $0x800  }
0x400: {  	[sflag:s5] =	ssyncset.done $0x0  }
0x401: {  	[sflag:s5] =	ssyncadd.s32 $0xFFFFF800  }
0x402: {  	_ =	swait.ge [sflag:s5], $0x800  }
0x403: {  	[sflag:s5] =	ssyncset.done $0x0  }
0x404: {  	[sflag:s5] =	ssyncadd.s32 $0xFFFFF800  }
0x405: {  	_ =	swait.ge [sflag:s5], $0x800  }
0x406: {  	[sflag:s5] =	ssyncset.done $0x0  }
0x407: {  	s24 =	rddreg [dreg:$0x12];
	[sflag:s5] =	ssyncadd.s32 $0xFFFFF800  }
0x408: {  	[hbm4b:s24+s2] =	stream.linear.scatter [tilespmem:s7], [sflag:$0x2], $0x4000, $0x38;
	[tilespmem:$0x8C00] =	vst v63  }
0x409: {  	_ =	swait.ge [sflag:s3], $0x4000  }
0x40a: {  	s15 =	sld [smem:$0x7D6]  }
0x40b: {  	[sflag:s3] =	ssyncset.done $0x0  }
0x40c: {  	s24 =	sld [smem:$0x7D7];
	[sflag:s3] =	ssyncadd.s32 $0xFFFFC000  }
0x40d: {  	[tilespmem:s7], [sflag:$0x1] =	stream.indirect.gather [hbm4b:s4+s6], $0x10, s15, s6, $0xb8;
	[tilespmem:$0x8C00] =	vst v63  }
0x40e: {  	s15 =	sld [smem:$0x7D8]  }
0x40f: {  	[tilespmem:s14], [sflag:$0x1] =	stream.indirect.gather [hbm4b:s4+s6], $0x10, s24, s6, $0xb8;
	[tilespmem:$0x8C00] =	vst v63  }
0x410: {  	s24 =	sld [smem:$0x7D9]  }
0x411: {  	[tilespmem:s13], [sflag:$0x1] =	stream.indirect.gather [hbm4b:s4+s6], $0x10, s15, s6, $0xb8;
	[tilespmem:$0x8C00] =	vst v63  }
0x412: {  	s15 =	sld [smem:$0x7DA]  }
0x413: {  	[tilespmem:s12], [sflag:$0x1] =	stream.indirect.gather [hbm4b:s4+s6], $0x10, s24, s6, $0xb8;
	[tilespmem:$0x8C00] =	vst v63  }
0x414: {  	s24 =	sld [smem:$0x7DB]  }
0x415: {  	[tilespmem:s11], [sflag:$0x1] =	stream.indirect.gather [hbm4b:s4+s6], $0x10, s15, s6, $0xb8;
	[tilespmem:$0x8C00] =	vst v63  }
0x416: {  	s15 =	sld [smem:$0x7DC]  }
0x417: {  	[tilespmem:s10], [sflag:$0x1] =	stream.indirect.gather [hbm4b:s4+s6], $0x10, s24, s6, $0xb8;
	[tilespmem:$0x8C00] =	vst v63  }
0x418: {  	s24 =	sld [smem:$0x7DD]  }
0x419: {  	[tilespmem:s8], [sflag:$0x1] =	stream.indirect.gather [hbm4b:s4+s6], $0x10, s15, s6, $0xb8;
	[tilespmem:$0x8C00] =	vst v63  }
0x41a: {  	_ = 	snop  }
0x41b: {  	[tilespmem:s9], [sflag:$0x1] =	stream.indirect.gather [hbm4b:s4+s6], $0x10, s24, s6, $0xb8;
	[tilespmem:$0x8C00] =	vst v63  }
0x41c: {  	_ =	swait.ge [sflag:s5], $0x800  }
0x41d: {  	[sflag:s5] =	ssyncset.done $0x0  }
0x41e: {  	[sflag:s5] =	ssyncadd.s32 $0xFFFFF800  }
0x41f: {  	_ =	swait.ge [sflag:s5], $0x800  }
0x420: {  	[sflag:s5] =	ssyncset.done $0x0  }
0x421: {  	[sflag:s5] =	ssyncadd.s32 $0xFFFFF800  }
0x422: {  	_ =	swait.ge [sflag:s5], $0x800  }
0x423: {  	[sflag:s5] =	ssyncset.done $0x0  }
0x424: {  	[sflag:s5] =	ssyncadd.s32 $0xFFFFF800  }
0x425: {  	_ =	swait.ge [sflag:s5], $0x800  }
0x426: {  	[sflag:s5] =	ssyncset.done $0x0  }
0x427: {  	[sflag:s5] =	ssyncadd.s32 $0xFFFFF800  }
0x428: {  	_ =	swait.ge [sflag:s5], $0x800  }
0x429: {  	[sflag:s5] =	ssyncset.done $0x0  }
0x42a: {  	[sflag:s5] =	ssyncadd.s32 $0xFFFFF800  }
0x42b: {  	_ =	swait.ge [sflag:s5], $0x800  }
0x42c: {  	[sflag:s5] =	ssyncset.done $0x0  }
0x42d: {  	[sflag:s5] =	ssyncadd.s32 $0xFFFFF800  }
0x42e: {  	_ =	swait.ge [sflag:s5], $0x800  }
0x42f: {  	[sflag:s5] =	ssyncset.done $0x0  }
0x430: {  	[sflag:s5] =	ssyncadd.s32 $0xFFFFF800  }
0x431: {  	_ =	swait.ge [sflag:s5], $0x800  }
0x432: {  	[sflag:s5] =	ssyncset.done $0x0  }
0x433: {  	s24 =	rddreg [dreg:$0x13];
	[sflag:s5] =	ssyncadd.s32 $0xFFFFF800  }
0x434: {  	[hbm4b:s24+s2] =	stream.linear.scatter [tilespmem:s7], [sflag:$0x2], $0x4000, $0x38;
	[tilespmem:$0x8C00] =	vst v63  }
0x435: {  	_ =	swait.ge [sflag:s3], $0x4000  }
0x436: {  	s15 =	sld [smem:$0x7DE]  }
0x437: {  	[sflag:s3] =	ssyncset.done $0x0  }
0x438: {  	s24 =	sld [smem:$0x7DF];
	[sflag:s3] =	ssyncadd.s32 $0xFFFFC000  }
0x439: {  	[tilespmem:s7], [sflag:$0x1] =	stream.indirect.gather [hbm4b:s4+s6], $0x10, s15, s6, $0xb8;
	[tilespmem:$0x8C00] =	vst v63  }
0x43a: {  	s15 =	sld [smem:$0x7E0]  }
0x43b: {  	[tilespmem:s14], [sflag:$0x1] =	stream.indirect.gather [hbm4b:s4+s6], $0x10, s24, s6, $0xb8;
	[tilespmem:$0x8C00] =	vst v63  }
0x43c: {  	s24 =	sld [smem:$0x7E1]  }
0x43d: {  	[tilespmem:s13], [sflag:$0x1] =	stream.indirect.gather [hbm4b:s4+s6], $0x10, s15, s6, $0xb8;
	[tilespmem:$0x8C00] =	vst v63  }
0x43e: {  	s15 =	sld [smem:$0x7E2]  }
0x43f: {  	[tilespmem:s12], [sflag:$0x1] =	stream.indirect.gather [hbm4b:s4+s6], $0x10, s24, s6, $0xb8;
	[tilespmem:$0x8C00] =	vst v63  }
0x440: {  	s24 =	sld [smem:$0x7E3]  }
0x441: {  	[tilespmem:s11], [sflag:$0x1] =	stream.indirect.gather [hbm4b:s4+s6], $0x10, s15, s6, $0xb8;
	[tilespmem:$0x8C00] =	vst v63  }
0x442: {  	s15 =	sld [smem:$0x7E4]  }
0x443: {  	[tilespmem:s10], [sflag:$0x1] =	stream.indirect.gather [hbm4b:s4+s6], $0x10, s24, s6, $0xb8;
	[tilespmem:$0x8C00] =	vst v63  }
0x444: {  	s24 =	sld [smem:$0x7E5]  }
0x445: {  	[tilespmem:s8], [sflag:$0x1] =	stream.indirect.gather [hbm4b:s4+s6], $0x10, s15, s6, $0xb8;
	[tilespmem:$0x8C00] =	vst v63  }
0x446: {  	_ = 	snop  }
0x447: {  	[tilespmem:s9], [sflag:$0x1] =	stream.indirect.gather [hbm4b:s4+s6], $0x10, s24, s6, $0xb8;
	[tilespmem:$0x8C00] =	vst v63  }
0x448: {  	_ =	swait.ge [sflag:s5], $0x800  }
0x449: {  	[sflag:s5] =	ssyncset.done $0x0  }
0x44a: {  	[sflag:s5] =	ssyncadd.s32 $0xFFFFF800  }
0x44b: {  	_ =	swait.ge [sflag:s5], $0x800  }
0x44c: {  	[sflag:s5] =	ssyncset.done $0x0  }
0x44d: {  	[sflag:s5] =	ssyncadd.s32 $0xFFFFF800  }
0x44e: {  	_ =	swait.ge [sflag:s5], $0x800  }
0x44f: {  	[sflag:s5] =	ssyncset.done $0x0  }
0x450: {  	[sflag:s5] =	ssyncadd.s32 $0xFFFFF800  }
0x451: {  	_ =	swait.ge [sflag:s5], $0x800  }
0x452: {  	[sflag:s5] =	ssyncset.done $0x0  }
0x453: {  	[sflag:s5] =	ssyncadd.s32 $0xFFFFF800  }
0x454: {  	_ =	swait.ge [sflag:s5], $0x800  }
0x455: {  	[sflag:s5] =	ssyncset.done $0x0  }
0x456: {  	[sflag:s5] =	ssyncadd.s32 $0xFFFFF800  }
0x457: {  	_ =	swait.ge [sflag:s5], $0x800  }
0x458: {  	[sflag:s5] =	ssyncset.done $0x0  }
0x459: {  	[sflag:s5] =	ssyncadd.s32 $0xFFFFF800  }
0x45a: {  	_ =	swait.ge [sflag:s5], $0x800  }
0x45b: {  	[sflag:s5] =	ssyncset.done $0x0  }
0x45c: {  	[sflag:s5] =	ssyncadd.s32 $0xFFFFF800  }
0x45d: {  	_ =	swait.ge [sflag:s5], $0x800  }
0x45e: {  	[sflag:s5] =	ssyncset.done $0x0  }
0x45f: {  	s24 =	rddreg [dreg:$0x14];
	[sflag:s5] =	ssyncadd.s32 $0xFFFFF800  }
0x460: {  	[hbm4b:s24+s2] =	stream.linear.scatter [tilespmem:s7], [sflag:$0x2], $0x4000, $0x38;
	[tilespmem:$0x8C00] =	vst v63  }
0x461: {  	_ =	swait.ge [sflag:s3], $0x4000  }
0x462: {  	s15 =	sld [smem:$0x7E6]  }
0x463: {  	[sflag:s3] =	ssyncset.done $0x0  }
0x464: {  	s24 =	sld [smem:$0x7E7];
	[sflag:s3] =	ssyncadd.s32 $0xFFFFC000  }
0x465: {  	[tilespmem:s7], [sflag:$0x1] =	stream.indirect.gather [hbm4b:s4+s6], $0x10, s15, s6, $0xb8;
	[tilespmem:$0x8C00] =	vst v63  }
0x466: {  	s15 =	sld [smem:$0x7E8]  }
0x467: {  	[tilespmem:s14], [sflag:$0x1] =	stream.indirect.gather [hbm4b:s4+s6], $0x10, s24, s6, $0xb8;
	[tilespmem:$0x8C00] =	vst v63  }
0x468: {  	s24 =	sld [smem:$0x7E9]  }
0x469: {  	[tilespmem:s13], [sflag:$0x1] =	stream.indirect.gather [hbm4b:s4+s6], $0x10, s15, s6, $0xb8;
	[tilespmem:$0x8C00] =	vst v63  }
0x46a: {  	s15 =	sld [smem:$0x7EA]  }
0x46b: {  	[tilespmem:s12], [sflag:$0x1] =	stream.indirect.gather [hbm4b:s4+s6], $0x10, s24, s6, $0xb8;
	[tilespmem:$0x8C00] =	vst v63  }
0x46c: {  	s24 =	sld [smem:$0x7EB]  }
0x46d: {  	[tilespmem:s11], [sflag:$0x1] =	stream.indirect.gather [hbm4b:s4+s6], $0x10, s15, s6, $0xb8;
	[tilespmem:$0x8C00] =	vst v63  }
0x46e: {  	s15 =	sld [smem:$0x7EC]  }
0x46f: {  	[tilespmem:s10], [sflag:$0x1] =	stream.indirect.gather [hbm4b:s4+s6], $0x10, s24, s6, $0xb8;
	[tilespmem:$0x8C00] =	vst v63  }
0x470: {  	s24 =	sld [smem:$0x7ED]  }
0x471: {  	[tilespmem:s8], [sflag:$0x1] =	stream.indirect.gather [hbm4b:s4+s6], $0x10, s15, s6, $0xb8;
	[tilespmem:$0x8C00] =	vst v63  }
0x472: {  	_ = 	snop  }
0x473: {  	[tilespmem:s9], [sflag:$0x1] =	stream.indirect.gather [hbm4b:s4+s6], $0x10, s24, s6, $0xb8;
	[tilespmem:$0x8C00] =	vst v63  }
0x474: {  	_ =	swait.ge [sflag:s5], $0x800  }
0x475: {  	[sflag:s5] =	ssyncset.done $0x0  }
0x476: {  	[sflag:s5] =	ssyncadd.s32 $0xFFFFF800  }
0x477: {  	_ =	swait.ge [sflag:s5], $0x800  }
0x478: {  	[sflag:s5] =	ssyncset.done $0x0  }
0x479: {  	[sflag:s5] =	ssyncadd.s32 $0xFFFFF800  }
0x47a: {  	_ =	swait.ge [sflag:s5], $0x800  }
0x47b: {  	[sflag:s5] =	ssyncset.done $0x0  }
0x47c: {  	[sflag:s5] =	ssyncadd.s32 $0xFFFFF800  }
0x47d: {  	_ =	swait.ge [sflag:s5], $0x800  }
0x47e: {  	[sflag:s5] =	ssyncset.done $0x0  }
0x47f: {  	[sflag:s5] =	ssyncadd.s32 $0xFFFFF800  }
0x480: {  	_ =	swait.ge [sflag:s5], $0x800  }
0x481: {  	[sflag:s5] =	ssyncset.done $0x0  }
0x482: {  	[sflag:s5] =	ssyncadd.s32 $0xFFFFF800  }
0x483: {  	_ =	swait.ge [sflag:s5], $0x800  }
0x484: {  	[sflag:s5] =	ssyncset.done $0x0  }
0x485: {  	[sflag:s5] =	ssyncadd.s32 $0xFFFFF800  }
0x486: {  	_ =	swait.ge [sflag:s5], $0x800  }
0x487: {  	[sflag:s5] =	ssyncset.done $0x0  }
0x488: {  	[sflag:s5] =	ssyncadd.s32 $0xFFFFF800  }
0x489: {  	_ =	swait.ge [sflag:s5], $0x800  }
0x48a: {  	[sflag:s5] =	ssyncset.done $0x0  }
0x48b: {  	s24 =	rddreg [dreg:$0x15];
	[sflag:s5] =	ssyncadd.s32 $0xFFFFF800  }
0x48c: {  	[hbm4b:s24+s2] =	stream.linear.scatter [tilespmem:s7], [sflag:$0x2], $0x4000, $0x38;
	[tilespmem:$0x8C00] =	vst v63  }
0x48d: {  	_ =	swait.ge [sflag:s3], $0x4000  }
0x48e: {  	s15 =	sld [smem:$0x7EE]  }
0x48f: {  	[sflag:s3] =	ssyncset.done $0x0  }
0x490: {  	s24 =	sld [smem:$0x7EF];
	[sflag:s3] =	ssyncadd.s32 $0xFFFFC000  }
0x491: {  	[tilespmem:s7], [sflag:$0x1] =	stream.indirect.gather [hbm4b:s4+s6], $0x10, s15, s6, $0xb8;
	[tilespmem:$0x8C00] =	vst v63  }
0x492: {  	s15 =	sld [smem:$0x7F0]  }
0x493: {  	[tilespmem:s14], [sflag:$0x1] =	stream.indirect.gather [hbm4b:s4+s6], $0x10, s24, s6, $0xb8;
	[tilespmem:$0x8C00] =	vst v63  }
0x494: {  	s24 =	sld [smem:$0x7F1]  }
0x495: {  	[tilespmem:s13], [sflag:$0x1] =	stream.indirect.gather [hbm4b:s4+s6], $0x10, s15, s6, $0xb8;
	[tilespmem:$0x8C00] =	vst v63  }
0x496: {  	s15 =	sld [smem:$0x7F2]  }
0x497: {  	[tilespmem:s12], [sflag:$0x1] =	stream.indirect.gather [hbm4b:s4+s6], $0x10, s24, s6, $0xb8;
	[tilespmem:$0x8C00] =	vst v63  }
0x498: {  	s24 =	sld [smem:$0x7F3]  }
0x499: {  	[tilespmem:s11], [sflag:$0x1] =	stream.indirect.gather [hbm4b:s4+s6], $0x10, s15, s6, $0xb8;
	[tilespmem:$0x8C00] =	vst v63  }
0x49a: {  	s15 =	sld [smem:$0x7F4]  }
0x49b: {  	[tilespmem:s10], [sflag:$0x1] =	stream.indirect.gather [hbm4b:s4+s6], $0x10, s24, s6, $0xb8;
	[tilespmem:$0x8C00] =	vst v63  }
0x49c: {  	s24 =	sld [smem:$0x7F5]  }
0x49d: {  	[tilespmem:s8], [sflag:$0x1] =	stream.indirect.gather [hbm4b:s4+s6], $0x10, s15, s6, $0xb8;
	[tilespmem:$0x8C00] =	vst v63  }
0x49e: {  	_ = 	snop  }
0x49f: {  	[tilespmem:s9], [sflag:$0x1] =	stream.indirect.gather [hbm4b:s4+s6], $0x10, s24, s6, $0xb8;
	[tilespmem:$0x8C00] =	vst v63  }
0x4a0: {  	_ =	swait.ge [sflag:s5], $0x800  }
0x4a1: {  	[sflag:s5] =	ssyncset.done $0x0  }
0x4a2: {  	[sflag:s5] =	ssyncadd.s32 $0xFFFFF800  }
0x4a3: {  	_ =	swait.ge [sflag:s5], $0x800  }
0x4a4: {  	[sflag:s5] =	ssyncset.done $0x0  }
0x4a5: {  	[sflag:s5] =	ssyncadd.s32 $0xFFFFF800  }
0x4a6: {  	_ =	swait.ge [sflag:s5], $0x800  }
0x4a7: {  	[sflag:s5] =	ssyncset.done $0x0  }
0x4a8: {  	[sflag:s5] =	ssyncadd.s32 $0xFFFFF800  }
0x4a9: {  	_ =	swait.ge [sflag:s5], $0x800  }
0x4aa: {  	[sflag:s5] =	ssyncset.done $0x0  }
0x4ab: {  	[sflag:s5] =	ssyncadd.s32 $0xFFFFF800  }
0x4ac: {  	_ =	swait.ge [sflag:s5], $0x800  }
0x4ad: {  	[sflag:s5] =	ssyncset.done $0x0  }
0x4ae: {  	[sflag:s5] =	ssyncadd.s32 $0xFFFFF800  }
0x4af: {  	_ =	swait.ge [sflag:s5], $0x800  }
0x4b0: {  	[sflag:s5] =	ssyncset.done $0x0  }
0x4b1: {  	[sflag:s5] =	ssyncadd.s32 $0xFFFFF800  }
0x4b2: {  	_ =	swait.ge [sflag:s5], $0x800  }
0x4b3: {  	[sflag:s5] =	ssyncset.done $0x0  }
0x4b4: {  	[sflag:s5] =	ssyncadd.s32 $0xFFFFF800  }
0x4b5: {  	_ =	swait.ge [sflag:s5], $0x800  }
0x4b6: {  	[sflag:s5] =	ssyncset.done $0x0  }
0x4b7: {  	s24 =	rddreg [dreg:$0x16];
	[sflag:s5] =	ssyncadd.s32 $0xFFFFF800  }
0x4b8: {  	[hbm4b:s24+s2] =	stream.linear.scatter [tilespmem:s7], [sflag:$0x2], $0x4000, $0x38;
	[tilespmem:$0x8C00] =	vst v63  }
0x4b9: {  	_ =	swait.ge [sflag:s3], $0x4000  }
0x4ba: {  	s15 =	sld [smem:$0x7F6]  }
0x4bb: {  	[sflag:s3] =	ssyncset.done $0x0  }
0x4bc: {  	s24 =	sld [smem:$0x7F7];
	[sflag:s3] =	ssyncadd.s32 $0xFFFFC000  }
0x4bd: {  	[tilespmem:s7], [sflag:$0x1] =	stream.indirect.gather [hbm4b:s4+s6], $0x10, s15, s6, $0xb8;
	[tilespmem:$0x8C00] =	vst v63  }
0x4be: {  	s15 =	sld [smem:$0x7F8]  }
0x4bf: {  	[tilespmem:s14], [sflag:$0x1] =	stream.indirect.gather [hbm4b:s4+s6], $0x10, s24, s6, $0xb8;
	[tilespmem:$0x8C00] =	vst v63  }
0x4c0: {  	s24 =	sld [smem:$0x7F9]  }
0x4c1: {  	[tilespmem:s13], [sflag:$0x1] =	stream.indirect.gather [hbm4b:s4+s6], $0x10, s15, s6, $0xb8;
	[tilespmem:$0x8C00] =	vst v63  }
0x4c2: {  	s15 =	sld [smem:$0x7FA]  }
0x4c3: {  	[tilespmem:s12], [sflag:$0x1] =	stream.indirect.gather [hbm4b:s4+s6], $0x10, s24, s6, $0xb8;
	[tilespmem:$0x8C00] =	vst v63  }
0x4c4: {  	s24 =	sld [smem:$0x7FB]  }
0x4c5: {  	[tilespmem:s11], [sflag:$0x1] =	stream.indirect.gather [hbm4b:s4+s6], $0x10, s15, s6, $0xb8;
	[tilespmem:$0x8C00] =	vst v63  }
0x4c6: {  	s15 =	sld [smem:$0x7FC]  }
0x4c7: {  	[tilespmem:s10], [sflag:$0x1] =	stream.indirect.gather [hbm4b:s4+s6], $0x10, s24, s6, $0xb8;
	[tilespmem:$0x8C00] =	vst v63  }
0x4c8: {  	s24 =	sld [smem:$0x7FD]  }
0x4c9: {  	[tilespmem:s8], [sflag:$0x1] =	stream.indirect.gather [hbm4b:s4+s6], $0x10, s15, s6, $0xb8;
	[tilespmem:$0x8C00] =	vst v63  }
0x4ca: {  	_ = 	snop  }
0x4cb: {  	[tilespmem:s9], [sflag:$0x1] =	stream.indirect.gather [hbm4b:s4+s6], $0x10, s24, s6, $0xb8;
	[tilespmem:$0x8C00] =	vst v63  }
0x4cc: {  	_ =	swait.ge [sflag:s5], $0x800  }
0x4cd: {  	[sflag:s5] =	ssyncset.done $0x0  }
0x4ce: {  	[sflag:s5] =	ssyncadd.s32 $0xFFFFF800  }
0x4cf: {  	_ =	swait.ge [sflag:s5], $0x800  }
0x4d0: {  	[sflag:s5] =	ssyncset.done $0x0  }
0x4d1: {  	[sflag:s5] =	ssyncadd.s32 $0xFFFFF800  }
0x4d2: {  	_ =	swait.ge [sflag:s5], $0x800  }
0x4d3: {  	[sflag:s5] =	ssyncset.done $0x0  }
0x4d4: {  	[sflag:s5] =	ssyncadd.s32 $0xFFFFF800  }
0x4d5: {  	_ =	swait.ge [sflag:s5], $0x800  }
0x4d6: {  	[sflag:s5] =	ssyncset.done $0x0  }
0x4d7: {  	[sflag:s5] =	ssyncadd.s32 $0xFFFFF800  }
0x4d8: {  	_ =	swait.ge [sflag:s5], $0x800  }
0x4d9: {  	[sflag:s5] =	ssyncset.done $0x0  }
0x4da: {  	[sflag:s5] =	ssyncadd.s32 $0xFFFFF800  }
0x4db: {  	_ =	swait.ge [sflag:s5], $0x800  }
0x4dc: {  	[sflag:s5] =	ssyncset.done $0x0  }
0x4dd: {  	[sflag:s5] =	ssyncadd.s32 $0xFFFFF800  }
0x4de: {  	_ =	swait.ge [sflag:s5], $0x800  }
0x4df: {  	[sflag:s5] =	ssyncset.done $0x0  }
0x4e0: {  	[sflag:s5] =	ssyncadd.s32 $0xFFFFF800  }
0x4e1: {  	p1 =	sne.s32 s0, $0x1;
	_ =	swait.ge [sflag:s5], $0x800  }
.Ltmp2:
0x4e2: {  	[sflag:s5] =	ssyncset.done $0x0;
	(pc) =	sbr.rel @p1 .LBB2_4-.Ltmp2, $4  }
0x4e3: {  	s24 =	rddreg [dreg:$0x17];
	[sflag:s5] =	ssyncadd.s32 $0xFFFFF800  }
0x4e4: {  	[hbm4b:s24+s2] =	stream.linear.scatter [tilespmem:s7], [sflag:$0x2], $0x4000, $0x38;
	[tilespmem:$0x8C00] =	vst v63  }
0x4e5: {  	_ =	swait.ge [sflag:s3], $0x4000  }
0x4e6: {  	s0 =	sadd.s32 $0xFFFFFFFF, s0;
	s15 =	rddreg [dreg:$0x5];
	[sflag:s3] =	ssyncset.done $0x0  }
0x4e7: {  	s24 =	sld [smem:$0x7B7];
	s29 =	simm.s32 $0x2900;
	s25 =	simm.s32 $0x2980  }
0x4e8: {  	s26 =	simm.s32 $0x2A80;
	s28 =	simm.s32 $0x2B00;
	s30 =	simm.s32 $0x2B80  }
.LBB2_6:
0x4e9: {  	[sflag:s3] =	ssyncadd.s32 @p0 $0xFFFFC000  }
0x4ea: {  	[tilespmem:s2], [sflag:$0x2] =	stream.linear.gather [hbm4b:s15+s2], $0x2800, $0x38;
	[tilespmem:$0x8C00] =	vst v63  }
0x4eb: {  	_ =	swait.ge [sflag:s3], $0x2800  }
0x4ec: {  	[sflag:s3] =	ssyncset.done $0x0  }
0x4ed: {  	s0 =	rddreg [dreg:$0x6];
	[sflag:s3] =	ssyncadd.s32 $0xFFFFD800  }
0x4ee: {  	[tilespmem:s22], [sflag:$0x2] =	stream.linear.gather [hbm4b:s0+s2], $0x200, $0x38;
	[tilespmem:$0x8C00] =	vst v63  }
0x4ef: {  	_ =	swait.ge [sflag:s3], $0x200  }
0x4f0: {  	[sflag:s3] =	ssyncset.done $0x0  }
0x4f1: {  	s15 =	rddreg [dreg:$0x7];
	[sflag:s3] =	ssyncadd.s32 $0xFFFFFE00  }
0x4f2: {  	[tilespmem:s19], [sflag:$0x2] =	stream.linear.gather [hbm4b:s15+s2], $0x200, $0x38;
	[tilespmem:$0x8C00] =	vst v63  }
0x4f3: {  	_ =	swait.ge [sflag:s3], $0x200  }
0x4f4: {  	[sflag:s3] =	ssyncset.done $0x0  }
0x4f5: {  	[sflag:s3] =	ssyncadd.s32 $0xFFFFFE00  }
0x4f6: {  	[tilespmem:s17], [sflag:$0x1] =	stream.indirect.gather [hbm4b:s1+s6], $0x10, s22, s6, $0xb8;
	[tilespmem:$0x8C00] =	vst v63  }
0x4f7: {  	s15 =	simm.s32 $0x2880  }
0x4f8: {  	[tilespmem:s20], [sflag:$0x1] =	stream.indirect.gather [hbm4b:s1+s6], $0x10, s15, s6, $0xb8;
	[tilespmem:$0x8C00] =	vst v63  }
0x4f9: {  	_ = 	snop  }
0x4fa: {  	[tilespmem:s21], [sflag:$0x1] =	stream.indirect.gather [hbm4b:s1+s6], $0x10, s29, s6, $0xb8;
	[tilespmem:$0x8C00] =	vst v63  }
0x4fb: {  	_ = 	snop  }
0x4fc: {  	[tilespmem:s23], [sflag:$0x1] =	stream.indirect.gather [hbm4b:s1+s6], $0x10, s25, s6, $0xb8;
	[tilespmem:$0x8C00] =	vst v63  }
0x4fd: {  	_ =	swait.ge [sflag:s5], $0x800  }
0x4fe: {  	[sflag:s5] =	ssyncset.done $0x0  }
0x4ff: {  	[sflag:s5] =	ssyncadd.s32 $0xFFFFF800  }
0x500: {  	_ =	swait.ge [sflag:s5], $0x800  }
0x501: {  	[sflag:s5] =	ssyncset.done $0x0  }
0x502: {  	[sflag:s5] =	ssyncadd.s32 $0xFFFFF800  }
0x503: {  	_ =	swait.ge [sflag:s5], $0x800  }
0x504: {  	[sflag:s5] =	ssyncset.done $0x0  }
0x505: {  	[sflag:s5] =	ssyncadd.s32 $0xFFFFF800  }
0x506: {  	_ =	swait.ge [sflag:s5], $0x800  }
0x507: {  	[sflag:s5] =	ssyncset.done $0x0  }
0x508: {  	s1 =	rddreg [dreg:$0x8];
	[sflag:s5] =	ssyncadd.s32 $0xFFFFF800  }
0x509: {  	[hbm4b:s1+s2] =	stream.linear.scatter [tilespmem:s17], [sflag:$0x2], $0x2000, $0x38;
	[tilespmem:$0x8C00] =	vst v63  }
0x50a: {  	_ =	swait.ge [sflag:s3], $0x2000  }
0x50b: {  	[sflag:s3] =	ssyncset.done $0x0  }
0x50c: {  	[sflag:s3] =	ssyncadd.s32 $0xFFFFE000  }
0x50d: {  	[tilespmem:s17], [sflag:$0x1] =	stream.indirect.gather [hbm4b:s31+s6], $0x10, s19, s6, $0xb8;
	[tilespmem:$0x8C00] =	vst v63  }
0x50e: {  	_ = 	snop  }
0x50f: {  	[tilespmem:s20], [sflag:$0x1] =	stream.indirect.gather [hbm4b:s31+s6], $0x10, s26, s6, $0xb8;
	[tilespmem:$0x8C00] =	vst v63  }
0x510: {  	_ = 	snop  }
0x511: {  	[tilespmem:s21], [sflag:$0x1] =	stream.indirect.gather [hbm4b:s31+s6], $0x10, s28, s6, $0xb8;
	[tilespmem:$0x8C00] =	vst v63  }
0x512: {  	_ = 	snop  }
0x513: {  	[tilespmem:s23], [sflag:$0x1] =	stream.indirect.gather [hbm4b:s31+s6], $0x10, s30, s6, $0xb8;
	[tilespmem:$0x8C00] =	vst v63  }
0x514: {  	_ =	swait.ge [sflag:s5], $0x800  }
0x515: {  	[sflag:s5] =	ssyncset.done $0x0  }
0x516: {  	[sflag:s5] =	ssyncadd.s32 $0xFFFFF800  }
0x517: {  	_ =	swait.ge [sflag:s5], $0x800  }
0x518: {  	[sflag:s5] =	ssyncset.done $0x0  }
0x519: {  	[sflag:s5] =	ssyncadd.s32 $0xFFFFF800  }
0x51a: {  	_ =	swait.ge [sflag:s5], $0x800  }
0x51b: {  	[sflag:s5] =	ssyncset.done $0x0  }
0x51c: {  	[sflag:s5] =	ssyncadd.s32 $0xFFFFF800  }
0x51d: {  	_ =	swait.ge [sflag:s5], $0x800  }
0x51e: {  	[sflag:s5] =	ssyncset.done $0x0  }
0x51f: {  	s31 =	rddreg [dreg:$0x9];
	[sflag:s5] =	ssyncadd.s32 $0xFFFFF800  }
0x520: {  	[hbm4b:s31+s2] =	stream.linear.scatter [tilespmem:s17], [sflag:$0x2], $0x2000, $0x38;
	[tilespmem:$0x8C00] =	vst v63  }
0x521: {  	_ =	swait.ge [sflag:s3], $0x2000  }
0x522: {  	[sflag:s3] =	ssyncset.done $0x0  }
0x523: {  	[sflag:s3] =	ssyncadd.s32 $0xFFFFE000  }
0x524: {  	[tilespmem:s17], [sflag:$0x1] =	stream.indirect.gather [hbm4b:s4+s6], $0x10, s19, s6, $0xb8;
	[tilespmem:$0x8C00] =	vst v63  }
0x525: {  	_ = 	snop  }
0x526: {  	[tilespmem:s20], [sflag:$0x1] =	stream.indirect.gather [hbm4b:s4+s6], $0x10, s26, s6, $0xb8;
	[tilespmem:$0x8C00] =	vst v63  }
0x527: {  	_ = 	snop  }
0x528: {  	[tilespmem:s21], [sflag:$0x1] =	stream.indirect.gather [hbm4b:s4+s6], $0x10, s28, s6, $0xb8;
	[tilespmem:$0x8C00] =	vst v63  }
0x529: {  	_ = 	snop  }
0x52a: {  	[tilespmem:s23], [sflag:$0x1] =	stream.indirect.gather [hbm4b:s4+s6], $0x10, s30, s6, $0xb8;
	[tilespmem:$0x8C00] =	vst v63  }
0x52b: {  	_ =	swait.ge [sflag:s5], $0x800  }
0x52c: {  	[sflag:s5] =	ssyncset.done $0x0  }
0x52d: {  	[sflag:s5] =	ssyncadd.s32 $0xFFFFF800  }
0x52e: {  	_ =	swait.ge [sflag:s5], $0x800  }
0x52f: {  	[sflag:s5] =	ssyncset.done $0x0  }
0x530: {  	[sflag:s5] =	ssyncadd.s32 $0xFFFFF800  }
0x531: {  	_ =	swait.ge [sflag:s5], $0x800  }
0x532: {  	[sflag:s5] =	ssyncset.done $0x0  }
0x533: {  	[sflag:s5] =	ssyncadd.s32 $0xFFFFF800  }
0x534: {  	_ =	swait.ge [sflag:s5], $0x800  }
0x535: {  	[sflag:s5] =	ssyncset.done $0x0  }
0x536: {  	s1 =	rddreg [dreg:$0xa];
	[sflag:s5] =	ssyncadd.s32 $0xFFFFF800  }
0x537: {  	[hbm4b:s1+s2] =	stream.linear.scatter [tilespmem:s17], [sflag:$0x2], $0x2000, $0x38;
	[tilespmem:$0x8C00] =	vst v63  }
0x538: {  	_ =	swait.ge [sflag:s3], $0x2000  }
0x539: {  	[sflag:s3] =	ssyncset.done $0x0  }
0x53a: {  	s31 =	rddreg [dreg:$0xb];
	[sflag:s3] =	ssyncadd.s32 $0xFFFFE000  }
0x53b: {  	[tilespmem:s22], [sflag:$0x2] =	stream.linear.gather [hbm4b:s31+s2], $0x200, $0x38;
	[tilespmem:$0x8C00] =	vst v63  }
0x53c: {  	_ =	swait.ge [sflag:s3], $0x200  }
0x53d: {  	[sflag:s3] =	ssyncset.done $0x0  }
0x53e: {  	s1 =	rddreg [dreg:$0xc];
	[sflag:s3] =	ssyncadd.s32 $0xFFFFFE00  }
0x53f: {  	[tilespmem:s19], [sflag:$0x2] =	stream.linear.gather [hbm4b:s1+s2], $0x200, $0x38;
	[tilespmem:$0x8C00] =	vst v63  }
0x540: {  	_ =	swait.ge [sflag:s3], $0x200  }
0x541: {  	[sflag:s3] =	ssyncset.done $0x0  }
0x542: {  	[sflag:s3] =	ssyncadd.s32 $0xFFFFFE00  }
0x543: {  	[tilespmem:s17], [sflag:$0x1] =	stream.indirect.gather [hbm4b:s18+s6], $0x10, s22, s6, $0xb8;
	[tilespmem:$0x8C00] =	vst v63  }
0x544: {  	_ = 	snop  }
0x545: {  	[tilespmem:s20], [sflag:$0x1] =	stream.indirect.gather [hbm4b:s18+s6], $0x10, s15, s6, $0xb8;
	[tilespmem:$0x8C00] =	vst v63  }
0x546: {  	_ = 	snop  }
0x547: {  	[tilespmem:s21], [sflag:$0x1] =	stream.indirect.gather [hbm4b:s18+s6], $0x10, s29, s6, $0xb8;
	[tilespmem:$0x8C00] =	vst v63  }
0x548: {  	_ = 	snop  }
0x549: {  	[tilespmem:s23], [sflag:$0x1] =	stream.indirect.gather [hbm4b:s18+s6], $0x10, s25, s6, $0xb8;
	[tilespmem:$0x8C00] =	vst v63  }
0x54a: {  	_ =	swait.ge [sflag:s5], $0x800  }
0x54b: {  	[sflag:s5] =	ssyncset.done $0x0  }
0x54c: {  	[sflag:s5] =	ssyncadd.s32 $0xFFFFF800  }
0x54d: {  	_ =	swait.ge [sflag:s5], $0x800  }
0x54e: {  	[sflag:s5] =	ssyncset.done $0x0  }
0x54f: {  	[sflag:s5] =	ssyncadd.s32 $0xFFFFF800  }
0x550: {  	_ =	swait.ge [sflag:s5], $0x800  }
0x551: {  	[sflag:s5] =	ssyncset.done $0x0  }
0x552: {  	[sflag:s5] =	ssyncadd.s32 $0xFFFFF800  }
0x553: {  	_ =	swait.ge [sflag:s5], $0x800  }
0x554: {  	[sflag:s5] =	ssyncset.done $0x0  }
0x555: {  	s22 =	rddreg [dreg:$0xd];
	[sflag:s5] =	ssyncadd.s32 $0xFFFFF800  }
0x556: {  	[hbm4b:s22+s2] =	stream.linear.scatter [tilespmem:s17], [sflag:$0x2], $0x2000, $0x38;
	[tilespmem:$0x8C00] =	vst v63  }
0x557: {  	_ =	swait.ge [sflag:s3], $0x2000  }
0x558: {  	[sflag:s3] =	ssyncset.done $0x0  }
0x559: {  	[sflag:s3] =	ssyncadd.s32 $0xFFFFE000  }
0x55a: {  	[tilespmem:s17], [sflag:$0x1] =	stream.indirect.gather [hbm4b:s16+s6], $0x10, s19, s6, $0xb8;
	[tilespmem:$0x8C00] =	vst v63  }
0x55b: {  	_ = 	snop  }
0x55c: {  	[tilespmem:s20], [sflag:$0x1] =	stream.indirect.gather [hbm4b:s16+s6], $0x10, s26, s6, $0xb8;
	[tilespmem:$0x8C00] =	vst v63  }
0x55d: {  	_ = 	snop  }
0x55e: {  	[tilespmem:s21], [sflag:$0x1] =	stream.indirect.gather [hbm4b:s16+s6], $0x10, s28, s6, $0xb8;
	[tilespmem:$0x8C00] =	vst v63  }
0x55f: {  	_ = 	snop  }
0x560: {  	[tilespmem:s23], [sflag:$0x1] =	stream.indirect.gather [hbm4b:s16+s6], $0x10, s30, s6, $0xb8;
	[tilespmem:$0x8C00] =	vst v63  }
0x561: {  	_ =	swait.ge [sflag:s5], $0x800  }
0x562: {  	[sflag:s5] =	ssyncset.done $0x0  }
0x563: {  	[sflag:s5] =	ssyncadd.s32 $0xFFFFF800  }
0x564: {  	_ =	swait.ge [sflag:s5], $0x800  }
0x565: {  	[sflag:s5] =	ssyncset.done $0x0  }
0x566: {  	[sflag:s5] =	ssyncadd.s32 $0xFFFFF800  }
0x567: {  	_ =	swait.ge [sflag:s5], $0x800  }
0x568: {  	[sflag:s5] =	ssyncset.done $0x0  }
0x569: {  	[sflag:s5] =	ssyncadd.s32 $0xFFFFF800  }
0x56a: {  	_ =	swait.ge [sflag:s5], $0x800  }
0x56b: {  	[sflag:s5] =	ssyncset.done $0x0  }
0x56c: {  	s23 =	rddreg [dreg:$0xe];
	[sflag:s5] =	ssyncadd.s32 $0xFFFFF800  }
0x56d: {  	[hbm4b:s23+s2] =	stream.linear.scatter [tilespmem:s17], [sflag:$0x2], $0x2000, $0x38;
	[tilespmem:$0x8C00] =	vst v63  }
0x56e: {  	_ =	swait.ge [sflag:s3], $0x2000  }
0x56f: {  	[sflag:s3] =	ssyncset.done $0x0  }
0x570: {  	[sflag:s3] =	ssyncadd.s32 $0xFFFFE000  }
0x571: {  	[tilespmem:s7], [sflag:$0x1] =	stream.indirect.gather [hbm4b:s4+s6], $0x10, s2, s6, $0xb8;
	[tilespmem:$0x8C00] =	vst v63  }
0x572: {  	_ = 	snop  }
0x573: {  	[tilespmem:s14], [sflag:$0x1] =	stream.indirect.gather [hbm4b:s4+s6], $0x10, s6, s6, $0xb8;
	[tilespmem:$0x8C00] =	vst v63  }
0x574: {  	s25 =	rddreg [dreg:$0x18]  }
0x575: {  	[tilespmem:s13], [sflag:$0x1] =	stream.indirect.gather [hbm4b:s4+s6], $0x10, s25, s6, $0xb8;
	[tilespmem:$0x8C00] =	vst v63  }
0x576: {  	s26 =	rddreg [dreg:$0x19]  }
0x577: {  	[tilespmem:s12], [sflag:$0x1] =	stream.indirect.gather [hbm4b:s4+s6], $0x10, s26, s6, $0xb8;
	[tilespmem:$0x8C00] =	vst v63  }
0x578: {  	s28 =	rddreg [dreg:$0x1a]  }
0x579: {  	[tilespmem:s11], [sflag:$0x1] =	stream.indirect.gather [hbm4b:s4+s6], $0x10, s28, s6, $0xb8;
	[tilespmem:$0x8C00] =	vst v63  }
0x57a: {  	s29 =	rddreg [dreg:$0x1b]  }
0x57b: {  	[tilespmem:s10], [sflag:$0x1] =	stream.indirect.gather [hbm4b:s4+s6], $0x10, s29, s6, $0xb8;
	[tilespmem:$0x8C00] =	vst v63  }
0x57c: {  	s30 =	rddreg [dreg:$0x1c]  }
0x57d: {  	[tilespmem:s8], [sflag:$0x1] =	stream.indirect.gather [hbm4b:s4+s6], $0x10, s30, s6, $0xb8;
	[tilespmem:$0x8C00] =	vst v63  }
0x57e: {  	s31 =	rddreg [dreg:$0x1d]  }
0x57f: {  	[tilespmem:s9], [sflag:$0x1] =	stream.indirect.gather [hbm4b:s4+s6], $0x10, s31, s6, $0xb8;
	[tilespmem:$0x8C00] =	vst v63  }
0x580: {  	_ =	swait.ge [sflag:s5], $0x800  }
0x581: {  	[sflag:s5] =	ssyncset.done $0x0  }
0x582: {  	[sflag:s5] =	ssyncadd.s32 $0xFFFFF800  }
0x583: {  	_ =	swait.ge [sflag:s5], $0x800  }
0x584: {  	[sflag:s5] =	ssyncset.done $0x0  }
0x585: {  	[sflag:s5] =	ssyncadd.s32 $0xFFFFF800  }
0x586: {  	_ =	swait.ge [sflag:s5], $0x800  }
0x587: {  	[sflag:s5] =	ssyncset.done $0x0  }
0x588: {  	[sflag:s5] =	ssyncadd.s32 $0xFFFFF800  }
0x589: {  	_ =	swait.ge [sflag:s5], $0x800  }
0x58a: {  	[sflag:s5] =	ssyncset.done $0x0  }
0x58b: {  	[sflag:s5] =	ssyncadd.s32 $0xFFFFF800  }
0x58c: {  	_ =	swait.ge [sflag:s5], $0x800  }
0x58d: {  	[sflag:s5] =	ssyncset.done $0x0  }
0x58e: {  	[sflag:s5] =	ssyncadd.s32 $0xFFFFF800  }
0x58f: {  	_ =	swait.ge [sflag:s5], $0x800  }
0x590: {  	[sflag:s5] =	ssyncset.done $0x0  }
0x591: {  	[sflag:s5] =	ssyncadd.s32 $0xFFFFF800  }
0x592: {  	_ =	swait.ge [sflag:s5], $0x800  }
0x593: {  	[sflag:s5] =	ssyncset.done $0x0  }
0x594: {  	[sflag:s5] =	ssyncadd.s32 $0xFFFFF800  }
0x595: {  	_ =	swait.ge [sflag:s5], $0x800  }
0x596: {  	[sflag:s5] =	ssyncset.done $0x0  }
0x597: {  	[sflag:s5] =	ssyncadd.s32 $0xFFFFF800  }
0x598: {  	[hbm4b:s24+s2] =	stream.linear.scatter [tilespmem:s7], [sflag:$0x2], $0x4000, $0x38;
	[tilespmem:$0x8C00] =	vst v63  }
0x599: {  	_ =	swait.ge [sflag:s3], $0x4000  }
0x59a: {  	s1 =	rddreg [dreg:$0x1e];
	[sflag:s3] =	ssyncset.done $0x0  }
0x59b: {  	s15 =	rddreg [dreg:$0x1f];
	[sflag:s3] =	ssyncadd.s32 $0xFFFFC000  }
0x59c: {  	[tilespmem:s7], [sflag:$0x1] =	stream.indirect.gather [hbm4b:s4+s6], $0x10, s1, s6, $0xb8;
	[tilespmem:$0x8C00] =	vst v63  }
0x59d: {  	s16 =	sld [smem:$0x7B8]  }
0x59e: {  	[tilespmem:s14], [sflag:$0x1] =	stream.indirect.gather [hbm4b:s4+s6], $0x10, s15, s6, $0xb8;
	[tilespmem:$0x8C00] =	vst v63  }
0x59f: {  	s17 =	sld [smem:$0x7B9]  }
0x5a0: {  	[tilespmem:s13], [sflag:$0x1] =	stream.indirect.gather [hbm4b:s4+s6], $0x10, s16, s6, $0xb8;
	[tilespmem:$0x8C00] =	vst v63  }
0x5a1: {  	s18 =	sld [smem:$0x7BA]  }
0x5a2: {  	[tilespmem:s12], [sflag:$0x1] =	stream.indirect.gather [hbm4b:s4+s6], $0x10, s17, s6, $0xb8;
	[tilespmem:$0x8C00] =	vst v63  }
0x5a3: {  	s19 =	sld [smem:$0x7BB]  }
0x5a4: {  	[tilespmem:s11], [sflag:$0x1] =	stream.indirect.gather [hbm4b:s4+s6], $0x10, s18, s6, $0xb8;
	[tilespmem:$0x8C00] =	vst v63  }
0x5a5: {  	s20 =	sld [smem:$0x7BC]  }
0x5a6: {  	[tilespmem:s10], [sflag:$0x1] =	stream.indirect.gather [hbm4b:s4+s6], $0x10, s19, s6, $0xb8;
	[tilespmem:$0x8C00] =	vst v63  }
0x5a7: {  	s21 =	sld [smem:$0x7BD]  }
0x5a8: {  	[tilespmem:s8], [sflag:$0x1] =	stream.indirect.gather [hbm4b:s4+s6], $0x10, s20, s6, $0xb8;
	[tilespmem:$0x8C00] =	vst v63  }
0x5a9: {  	_ = 	snop  }
0x5aa: {  	[tilespmem:s9], [sflag:$0x1] =	stream.indirect.gather [hbm4b:s4+s6], $0x10, s21, s6, $0xb8;
	[tilespmem:$0x8C00] =	vst v63  }
0x5ab: {  	_ =	swait.ge [sflag:s5], $0x800  }
0x5ac: {  	[sflag:s5] =	ssyncset.done $0x0  }
0x5ad: {  	[sflag:s5] =	ssyncadd.s32 $0xFFFFF800  }
0x5ae: {  	_ =	swait.ge [sflag:s5], $0x800  }
0x5af: {  	[sflag:s5] =	ssyncset.done $0x0  }
0x5b0: {  	[sflag:s5] =	ssyncadd.s32 $0xFFFFF800  }
0x5b1: {  	_ =	swait.ge [sflag:s5], $0x800  }
0x5b2: {  	[sflag:s5] =	ssyncset.done $0x0  }
0x5b3: {  	[sflag:s5] =	ssyncadd.s32 $0xFFFFF800  }
0x5b4: {  	_ =	swait.ge [sflag:s5], $0x800  }
0x5b5: {  	[sflag:s5] =	ssyncset.done $0x0  }
0x5b6: {  	[sflag:s5] =	ssyncadd.s32 $0xFFFFF800  }
0x5b7: {  	_ =	swait.ge [sflag:s5], $0x800  }
0x5b8: {  	[sflag:s5] =	ssyncset.done $0x0  }
0x5b9: {  	[sflag:s5] =	ssyncadd.s32 $0xFFFFF800  }
0x5ba: {  	_ =	swait.ge [sflag:s5], $0x800  }
0x5bb: {  	[sflag:s5] =	ssyncset.done $0x0  }
0x5bc: {  	[sflag:s5] =	ssyncadd.s32 $0xFFFFF800  }
0x5bd: {  	_ =	swait.ge [sflag:s5], $0x800  }
0x5be: {  	[sflag:s5] =	ssyncset.done $0x0  }
0x5bf: {  	[sflag:s5] =	ssyncadd.s32 $0xFFFFF800  }
0x5c0: {  	_ =	swait.ge [sflag:s5], $0x800  }
0x5c1: {  	[sflag:s5] =	ssyncset.done $0x0  }
0x5c2: {  	s22 =	rddreg [dreg:$0xf];
	[sflag:s5] =	ssyncadd.s32 $0xFFFFF800  }
0x5c3: {  	[hbm4b:s22+s2] =	stream.linear.scatter [tilespmem:s7], [sflag:$0x2], $0x4000, $0x38;
	[tilespmem:$0x8C00] =	vst v63  }
0x5c4: {  	_ =	swait.ge [sflag:s3], $0x4000  }
0x5c5: {  	s23 =	sld [smem:$0x7BE]  }
0x5c6: {  	[sflag:s3] =	ssyncset.done $0x0  }
0x5c7: {  	s24 =	sld [smem:$0x7BF];
	[sflag:s3] =	ssyncadd.s32 $0xFFFFC000  }
0x5c8: {  	[tilespmem:s7], [sflag:$0x1] =	stream.indirect.gather [hbm4b:s4+s6], $0x10, s23, s6, $0xb8;
	[tilespmem:$0x8C00] =	vst v63  }
0x5c9: {  	s25 =	sld [smem:$0x7C0]  }
0x5ca: {  	[tilespmem:s14], [sflag:$0x1] =	stream.indirect.gather [hbm4b:s4+s6], $0x10, s24, s6, $0xb8;
	[tilespmem:$0x8C00] =	vst v63  }
0x5cb: {  	s26 =	sld [smem:$0x7C1]  }
0x5cc: {  	[tilespmem:s13], [sflag:$0x1] =	stream.indirect.gather [hbm4b:s4+s6], $0x10, s25, s6, $0xb8;
	[tilespmem:$0x8C00] =	vst v63  }
0x5cd: {  	s28 =	sld [smem:$0x7C2]  }
0x5ce: {  	[tilespmem:s12], [sflag:$0x1] =	stream.indirect.gather [hbm4b:s4+s6], $0x10, s26, s6, $0xb8;
	[tilespmem:$0x8C00] =	vst v63  }
0x5cf: {  	s29 =	sld [smem:$0x7C3]  }
0x5d0: {  	[tilespmem:s11], [sflag:$0x1] =	stream.indirect.gather [hbm4b:s4+s6], $0x10, s28, s6, $0xb8;
	[tilespmem:$0x8C00] =	vst v63  }
0x5d1: {  	s30 =	sld [smem:$0x7C4]  }
0x5d2: {  	[tilespmem:s10], [sflag:$0x1] =	stream.indirect.gather [hbm4b:s4+s6], $0x10, s29, s6, $0xb8;
	[tilespmem:$0x8C00] =	vst v63  }
0x5d3: {  	s31 =	sld [smem:$0x7C5]  }
0x5d4: {  	[tilespmem:s8], [sflag:$0x1] =	stream.indirect.gather [hbm4b:s4+s6], $0x10, s30, s6, $0xb8;
	[tilespmem:$0x8C00] =	vst v63  }
0x5d5: {  	_ = 	snop  }
0x5d6: {  	[tilespmem:s9], [sflag:$0x1] =	stream.indirect.gather [hbm4b:s4+s6], $0x10, s31, s6, $0xb8;
	[tilespmem:$0x8C00] =	vst v63  }
0x5d7: {  	_ =	swait.ge [sflag:s5], $0x800  }
0x5d8: {  	[sflag:s5] =	ssyncset.done $0x0  }
0x5d9: {  	[sflag:s5] =	ssyncadd.s32 $0xFFFFF800  }
0x5da: {  	_ =	swait.ge [sflag:s5], $0x800  }
0x5db: {  	[sflag:s5] =	ssyncset.done $0x0  }
0x5dc: {  	[sflag:s5] =	ssyncadd.s32 $0xFFFFF800  }
0x5dd: {  	_ =	swait.ge [sflag:s5], $0x800  }
0x5de: {  	[sflag:s5] =	ssyncset.done $0x0  }
0x5df: {  	[sflag:s5] =	ssyncadd.s32 $0xFFFFF800  }
0x5e0: {  	_ =	swait.ge [sflag:s5], $0x800  }
0x5e1: {  	[sflag:s5] =	ssyncset.done $0x0  }
0x5e2: {  	[sflag:s5] =	ssyncadd.s32 $0xFFFFF800  }
0x5e3: {  	_ =	swait.ge [sflag:s5], $0x800  }
0x5e4: {  	[sflag:s5] =	ssyncset.done $0x0  }
0x5e5: {  	[sflag:s5] =	ssyncadd.s32 $0xFFFFF800  }
0x5e6: {  	_ =	swait.ge [sflag:s5], $0x800  }
0x5e7: {  	[sflag:s5] =	ssyncset.done $0x0  }
0x5e8: {  	[sflag:s5] =	ssyncadd.s32 $0xFFFFF800  }
0x5e9: {  	_ =	swait.ge [sflag:s5], $0x800  }
0x5ea: {  	[sflag:s5] =	ssyncset.done $0x0  }
0x5eb: {  	[sflag:s5] =	ssyncadd.s32 $0xFFFFF800  }
0x5ec: {  	_ =	swait.ge [sflag:s5], $0x800  }
0x5ed: {  	[sflag:s5] =	ssyncset.done $0x0  }
0x5ee: {  	s1 =	rddreg [dreg:$0x10];
	[sflag:s5] =	ssyncadd.s32 $0xFFFFF800  }
0x5ef: {  	[hbm4b:s1+s2] =	stream.linear.scatter [tilespmem:s7], [sflag:$0x2], $0x4000, $0x38;
	[tilespmem:$0x8C00] =	vst v63  }
0x5f0: {  	_ =	swait.ge [sflag:s3], $0x4000  }
0x5f1: {  	s15 =	sld [smem:$0x7C6]  }
0x5f2: {  	[sflag:s3] =	ssyncset.done $0x0  }
0x5f3: {  	s16 =	sld [smem:$0x7C7];
	[sflag:s3] =	ssyncadd.s32 $0xFFFFC000  }
0x5f4: {  	[tilespmem:s7], [sflag:$0x1] =	stream.indirect.gather [hbm4b:s4+s6], $0x10, s15, s6, $0xb8;
	[tilespmem:$0x8C00] =	vst v63  }
0x5f5: {  	s17 =	sld [smem:$0x7C8]  }
0x5f6: {  	[tilespmem:s14], [sflag:$0x1] =	stream.indirect.gather [hbm4b:s4+s6], $0x10, s16, s6, $0xb8;
	[tilespmem:$0x8C00] =	vst v63  }
0x5f7: {  	s18 =	sld [smem:$0x7C9]  }
0x5f8: {  	[tilespmem:s13], [sflag:$0x1] =	stream.indirect.gather [hbm4b:s4+s6], $0x10, s17, s6, $0xb8;
	[tilespmem:$0x8C00] =	vst v63  }
0x5f9: {  	s19 =	sld [smem:$0x7CA]  }
0x5fa: {  	[tilespmem:s12], [sflag:$0x1] =	stream.indirect.gather [hbm4b:s4+s6], $0x10, s18, s6, $0xb8;
	[tilespmem:$0x8C00] =	vst v63  }
0x5fb: {  	s20 =	sld [smem:$0x7CB]  }
0x5fc: {  	[tilespmem:s11], [sflag:$0x1] =	stream.indirect.gather [hbm4b:s4+s6], $0x10, s19, s6, $0xb8;
	[tilespmem:$0x8C00] =	vst v63  }
0x5fd: {  	s21 =	sld [smem:$0x7CC]  }
0x5fe: {  	[tilespmem:s10], [sflag:$0x1] =	stream.indirect.gather [hbm4b:s4+s6], $0x10, s20, s6, $0xb8;
	[tilespmem:$0x8C00] =	vst v63  }
0x5ff: {  	s22 =	sld [smem:$0x7CD]  }
0x600: {  	[tilespmem:s8], [sflag:$0x1] =	stream.indirect.gather [hbm4b:s4+s6], $0x10, s21, s6, $0xb8;
	[tilespmem:$0x8C00] =	vst v63  }
0x601: {  	_ = 	snop  }
0x602: {  	[tilespmem:s9], [sflag:$0x1] =	stream.indirect.gather [hbm4b:s4+s6], $0x10, s22, s6, $0xb8;
	[tilespmem:$0x8C00] =	vst v63  }
0x603: {  	_ =	swait.ge [sflag:s5], $0x800  }
0x604: {  	[sflag:s5] =	ssyncset.done $0x0  }
0x605: {  	[sflag:s5] =	ssyncadd.s32 $0xFFFFF800  }
0x606: {  	_ =	swait.ge [sflag:s5], $0x800  }
0x607: {  	[sflag:s5] =	ssyncset.done $0x0  }
0x608: {  	[sflag:s5] =	ssyncadd.s32 $0xFFFFF800  }
0x609: {  	_ =	swait.ge [sflag:s5], $0x800  }
0x60a: {  	[sflag:s5] =	ssyncset.done $0x0  }
0x60b: {  	[sflag:s5] =	ssyncadd.s32 $0xFFFFF800  }
0x60c: {  	_ =	swait.ge [sflag:s5], $0x800  }
0x60d: {  	[sflag:s5] =	ssyncset.done $0x0  }
0x60e: {  	[sflag:s5] =	ssyncadd.s32 $0xFFFFF800  }
0x60f: {  	_ =	swait.ge [sflag:s5], $0x800  }
0x610: {  	[sflag:s5] =	ssyncset.done $0x0  }
0x611: {  	[sflag:s5] =	ssyncadd.s32 $0xFFFFF800  }
0x612: {  	_ =	swait.ge [sflag:s5], $0x800  }
0x613: {  	[sflag:s5] =	ssyncset.done $0x0  }
0x614: {  	[sflag:s5] =	ssyncadd.s32 $0xFFFFF800  }
0x615: {  	_ =	swait.ge [sflag:s5], $0x800  }
0x616: {  	[sflag:s5] =	ssyncset.done $0x0  }
0x617: {  	[sflag:s5] =	ssyncadd.s32 $0xFFFFF800  }
0x618: {  	_ =	swait.ge [sflag:s5], $0x800  }
0x619: {  	[sflag:s5] =	ssyncset.done $0x0  }
0x61a: {  	s23 =	rddreg [dreg:$0x11];
	[sflag:s5] =	ssyncadd.s32 $0xFFFFF800  }
0x61b: {  	[hbm4b:s23+s2] =	stream.linear.scatter [tilespmem:s7], [sflag:$0x2], $0x4000, $0x38;
	[tilespmem:$0x8C00] =	vst v63  }
0x61c: {  	_ =	swait.ge [sflag:s3], $0x4000  }
0x61d: {  	s24 =	sld [smem:$0x7CE]  }
0x61e: {  	[sflag:s3] =	ssyncset.done $0x0  }
0x61f: {  	s25 =	sld [smem:$0x7CF];
	[sflag:s3] =	ssyncadd.s32 $0xFFFFC000  }
0x620: {  	[tilespmem:s7], [sflag:$0x1] =	stream.indirect.gather [hbm4b:s4+s6], $0x10, s24, s6, $0xb8;
	[tilespmem:$0x8C00] =	vst v63  }
0x621: {  	s26 =	sld [smem:$0x7D0]  }
0x622: {  	[tilespmem:s14], [sflag:$0x1] =	stream.indirect.gather [hbm4b:s4+s6], $0x10, s25, s6, $0xb8;
	[tilespmem:$0x8C00] =	vst v63  }
0x623: {  	s28 =	sld [smem:$0x7D1]  }
0x624: {  	[tilespmem:s13], [sflag:$0x1] =	stream.indirect.gather [hbm4b:s4+s6], $0x10, s26, s6, $0xb8;
	[tilespmem:$0x8C00] =	vst v63  }
0x625: {  	s29 =	sld [smem:$0x7D2]  }
0x626: {  	[tilespmem:s12], [sflag:$0x1] =	stream.indirect.gather [hbm4b:s4+s6], $0x10, s28, s6, $0xb8;
	[tilespmem:$0x8C00] =	vst v63  }
0x627: {  	s30 =	sld [smem:$0x7D3]  }
0x628: {  	[tilespmem:s11], [sflag:$0x1] =	stream.indirect.gather [hbm4b:s4+s6], $0x10, s29, s6, $0xb8;
	[tilespmem:$0x8C00] =	vst v63  }
0x629: {  	s31 =	sld [smem:$0x7D4]  }
0x62a: {  	[tilespmem:s10], [sflag:$0x1] =	stream.indirect.gather [hbm4b:s4+s6], $0x10, s30, s6, $0xb8;
	[tilespmem:$0x8C00] =	vst v63  }
0x62b: {  	s15 =	sld [smem:$0x7D5]  }
0x62c: {  	[tilespmem:s8], [sflag:$0x1] =	stream.indirect.gather [hbm4b:s4+s6], $0x10, s31, s6, $0xb8;
	[tilespmem:$0x8C00] =	vst v63  }
0x62d: {  	_ = 	snop  }
0x62e: {  	[tilespmem:s9], [sflag:$0x1] =	stream.indirect.gather [hbm4b:s4+s6], $0x10, s15, s6, $0xb8;
	[tilespmem:$0x8C00] =	vst v63  }
0x62f: {  	_ =	swait.ge [sflag:s5], $0x800  }
0x630: {  	[sflag:s5] =	ssyncset.done $0x0  }
0x631: {  	[sflag:s5] =	ssyncadd.s32 $0xFFFFF800  }
0x632: {  	_ =	swait.ge [sflag:s5], $0x800  }
0x633: {  	[sflag:s5] =	ssyncset.done $0x0  }
0x634: {  	[sflag:s5] =	ssyncadd.s32 $0xFFFFF800  }
0x635: {  	_ =	swait.ge [sflag:s5], $0x800  }
0x636: {  	[sflag:s5] =	ssyncset.done $0x0  }
0x637: {  	[sflag:s5] =	ssyncadd.s32 $0xFFFFF800  }
0x638: {  	_ =	swait.ge [sflag:s5], $0x800  }
0x639: {  	[sflag:s5] =	ssyncset.done $0x0  }
0x63a: {  	[sflag:s5] =	ssyncadd.s32 $0xFFFFF800  }
0x63b: {  	_ =	swait.ge [sflag:s5], $0x800  }
0x63c: {  	[sflag:s5] =	ssyncset.done $0x0  }
0x63d: {  	[sflag:s5] =	ssyncadd.s32 $0xFFFFF800  }
0x63e: {  	_ =	swait.ge [sflag:s5], $0x800  }
0x63f: {  	[sflag:s5] =	ssyncset.done $0x0  }
0x640: {  	[sflag:s5] =	ssyncadd.s32 $0xFFFFF800  }
0x641: {  	_ =	swait.ge [sflag:s5], $0x800  }
0x642: {  	[sflag:s5] =	ssyncset.done $0x0  }
0x643: {  	[sflag:s5] =	ssyncadd.s32 $0xFFFFF800  }
0x644: {  	_ =	swait.ge [sflag:s5], $0x800  }
0x645: {  	[sflag:s5] =	ssyncset.done $0x0  }
0x646: {  	s16 =	rddreg [dreg:$0x12];
	[sflag:s5] =	ssyncadd.s32 $0xFFFFF800  }
0x647: {  	[hbm4b:s16+s2] =	stream.linear.scatter [tilespmem:s7], [sflag:$0x2], $0x4000, $0x38;
	[tilespmem:$0x8C00] =	vst v63  }
0x648: {  	_ =	swait.ge [sflag:s3], $0x4000  }
0x649: {  	s17 =	sld [smem:$0x7D6]  }
0x64a: {  	[sflag:s3] =	ssyncset.done $0x0  }
0x64b: {  	s18 =	sld [smem:$0x7D7];
	[sflag:s3] =	ssyncadd.s32 $0xFFFFC000  }
0x64c: {  	[tilespmem:s7], [sflag:$0x1] =	stream.indirect.gather [hbm4b:s4+s6], $0x10, s17, s6, $0xb8;
	[tilespmem:$0x8C00] =	vst v63  }
0x64d: {  	s19 =	sld [smem:$0x7D8]  }
0x64e: {  	[tilespmem:s14], [sflag:$0x1] =	stream.indirect.gather [hbm4b:s4+s6], $0x10, s18, s6, $0xb8;
	[tilespmem:$0x8C00] =	vst v63  }
0x64f: {  	s20 =	sld [smem:$0x7D9]  }
0x650: {  	[tilespmem:s13], [sflag:$0x1] =	stream.indirect.gather [hbm4b:s4+s6], $0x10, s19, s6, $0xb8;
	[tilespmem:$0x8C00] =	vst v63  }
0x651: {  	s21 =	sld [smem:$0x7DA]  }
0x652: {  	[tilespmem:s12], [sflag:$0x1] =	stream.indirect.gather [hbm4b:s4+s6], $0x10, s20, s6, $0xb8;
	[tilespmem:$0x8C00] =	vst v63  }
0x653: {  	s22 =	sld [smem:$0x7DB]  }
0x654: {  	[tilespmem:s11], [sflag:$0x1] =	stream.indirect.gather [hbm4b:s4+s6], $0x10, s21, s6, $0xb8;
	[tilespmem:$0x8C00] =	vst v63  }
0x655: {  	s23 =	sld [smem:$0x7DC]  }
0x656: {  	[tilespmem:s10], [sflag:$0x1] =	stream.indirect.gather [hbm4b:s4+s6], $0x10, s22, s6, $0xb8;
	[tilespmem:$0x8C00] =	vst v63  }
0x657: {  	s24 =	sld [smem:$0x7DD]  }
0x658: {  	[tilespmem:s8], [sflag:$0x1] =	stream.indirect.gather [hbm4b:s4+s6], $0x10, s23, s6, $0xb8;
	[tilespmem:$0x8C00] =	vst v63  }
0x659: {  	_ = 	snop  }
0x65a: {  	[tilespmem:s9], [sflag:$0x1] =	stream.indirect.gather [hbm4b:s4+s6], $0x10, s24, s6, $0xb8;
	[tilespmem:$0x8C00] =	vst v63  }
0x65b: {  	_ =	swait.ge [sflag:s5], $0x800  }
0x65c: {  	[sflag:s5] =	ssyncset.done $0x0  }
0x65d: {  	[sflag:s5] =	ssyncadd.s32 $0xFFFFF800  }
0x65e: {  	_ =	swait.ge [sflag:s5], $0x800  }
0x65f: {  	[sflag:s5] =	ssyncset.done $0x0  }
0x660: {  	[sflag:s5] =	ssyncadd.s32 $0xFFFFF800  }
0x661: {  	_ =	swait.ge [sflag:s5], $0x800  }
0x662: {  	[sflag:s5] =	ssyncset.done $0x0  }
0x663: {  	[sflag:s5] =	ssyncadd.s32 $0xFFFFF800  }
0x664: {  	_ =	swait.ge [sflag:s5], $0x800  }
0x665: {  	[sflag:s5] =	ssyncset.done $0x0  }
0x666: {  	[sflag:s5] =	ssyncadd.s32 $0xFFFFF800  }
0x667: {  	_ =	swait.ge [sflag:s5], $0x800  }
0x668: {  	[sflag:s5] =	ssyncset.done $0x0  }
0x669: {  	[sflag:s5] =	ssyncadd.s32 $0xFFFFF800  }
0x66a: {  	_ =	swait.ge [sflag:s5], $0x800  }
0x66b: {  	[sflag:s5] =	ssyncset.done $0x0  }
0x66c: {  	[sflag:s5] =	ssyncadd.s32 $0xFFFFF800  }
0x66d: {  	_ =	swait.ge [sflag:s5], $0x800  }
0x66e: {  	[sflag:s5] =	ssyncset.done $0x0  }
0x66f: {  	[sflag:s5] =	ssyncadd.s32 $0xFFFFF800  }
0x670: {  	_ =	swait.ge [sflag:s5], $0x800  }
0x671: {  	[sflag:s5] =	ssyncset.done $0x0  }
0x672: {  	s25 =	rddreg [dreg:$0x13];
	[sflag:s5] =	ssyncadd.s32 $0xFFFFF800  }
0x673: {  	[hbm4b:s25+s2] =	stream.linear.scatter [tilespmem:s7], [sflag:$0x2], $0x4000, $0x38;
	[tilespmem:$0x8C00] =	vst v63  }
0x674: {  	_ =	swait.ge [sflag:s3], $0x4000  }
0x675: {  	s26 =	sld [smem:$0x7DE]  }
0x676: {  	[sflag:s3] =	ssyncset.done $0x0  }
0x677: {  	s28 =	sld [smem:$0x7DF];
	[sflag:s3] =	ssyncadd.s32 $0xFFFFC000  }
0x678: {  	[tilespmem:s7], [sflag:$0x1] =	stream.indirect.gather [hbm4b:s4+s6], $0x10, s26, s6, $0xb8;
	[tilespmem:$0x8C00] =	vst v63  }
0x679: {  	s29 =	sld [smem:$0x7E0]  }
0x67a: {  	[tilespmem:s14], [sflag:$0x1] =	stream.indirect.gather [hbm4b:s4+s6], $0x10, s28, s6, $0xb8;
	[tilespmem:$0x8C00] =	vst v63  }
0x67b: {  	s30 =	sld [smem:$0x7E1]  }
0x67c: {  	[tilespmem:s13], [sflag:$0x1] =	stream.indirect.gather [hbm4b:s4+s6], $0x10, s29, s6, $0xb8;
	[tilespmem:$0x8C00] =	vst v63  }
0x67d: {  	s31 =	sld [smem:$0x7E2]  }
0x67e: {  	[tilespmem:s12], [sflag:$0x1] =	stream.indirect.gather [hbm4b:s4+s6], $0x10, s30, s6, $0xb8;
	[tilespmem:$0x8C00] =	vst v63  }
0x67f: {  	s15 =	sld [smem:$0x7E3]  }
0x680: {  	[tilespmem:s11], [sflag:$0x1] =	stream.indirect.gather [hbm4b:s4+s6], $0x10, s31, s6, $0xb8;
	[tilespmem:$0x8C00] =	vst v63  }
0x681: {  	s16 =	sld [smem:$0x7E4]  }
0x682: {  	[tilespmem:s10], [sflag:$0x1] =	stream.indirect.gather [hbm4b:s4+s6], $0x10, s15, s6, $0xb8;
	[tilespmem:$0x8C00] =	vst v63  }
0x683: {  	s17 =	sld [smem:$0x7E5]  }
0x684: {  	[tilespmem:s8], [sflag:$0x1] =	stream.indirect.gather [hbm4b:s4+s6], $0x10, s16, s6, $0xb8;
	[tilespmem:$0x8C00] =	vst v63  }
0x685: {  	_ = 	snop  }
0x686: {  	[tilespmem:s9], [sflag:$0x1] =	stream.indirect.gather [hbm4b:s4+s6], $0x10, s17, s6, $0xb8;
	[tilespmem:$0x8C00] =	vst v63  }
0x687: {  	_ =	swait.ge [sflag:s5], $0x800  }
0x688: {  	[sflag:s5] =	ssyncset.done $0x0  }
0x689: {  	[sflag:s5] =	ssyncadd.s32 $0xFFFFF800  }
0x68a: {  	_ =	swait.ge [sflag:s5], $0x800  }
0x68b: {  	[sflag:s5] =	ssyncset.done $0x0  }
0x68c: {  	[sflag:s5] =	ssyncadd.s32 $0xFFFFF800  }
0x68d: {  	_ =	swait.ge [sflag:s5], $0x800  }
0x68e: {  	[sflag:s5] =	ssyncset.done $0x0  }
0x68f: {  	[sflag:s5] =	ssyncadd.s32 $0xFFFFF800  }
0x690: {  	_ =	swait.ge [sflag:s5], $0x800  }
0x691: {  	[sflag:s5] =	ssyncset.done $0x0  }
0x692: {  	[sflag:s5] =	ssyncadd.s32 $0xFFFFF800  }
0x693: {  	_ =	swait.ge [sflag:s5], $0x800  }
0x694: {  	[sflag:s5] =	ssyncset.done $0x0  }
0x695: {  	[sflag:s5] =	ssyncadd.s32 $0xFFFFF800  }
0x696: {  	_ =	swait.ge [sflag:s5], $0x800  }
0x697: {  	[sflag:s5] =	ssyncset.done $0x0  }
0x698: {  	[sflag:s5] =	ssyncadd.s32 $0xFFFFF800  }
0x699: {  	_ =	swait.ge [sflag:s5], $0x800  }
0x69a: {  	[sflag:s5] =	ssyncset.done $0x0  }
0x69b: {  	[sflag:s5] =	ssyncadd.s32 $0xFFFFF800  }
0x69c: {  	_ =	swait.ge [sflag:s5], $0x800  }
0x69d: {  	[sflag:s5] =	ssyncset.done $0x0  }
0x69e: {  	s18 =	rddreg [dreg:$0x14];
	[sflag:s5] =	ssyncadd.s32 $0xFFFFF800  }
0x69f: {  	[hbm4b:s18+s2] =	stream.linear.scatter [tilespmem:s7], [sflag:$0x2], $0x4000, $0x38;
	[tilespmem:$0x8C00] =	vst v63  }
0x6a0: {  	_ =	swait.ge [sflag:s3], $0x4000  }
0x6a1: {  	s19 =	sld [smem:$0x7E6]  }
0x6a2: {  	[sflag:s3] =	ssyncset.done $0x0  }
0x6a3: {  	s20 =	sld [smem:$0x7E7];
	[sflag:s3] =	ssyncadd.s32 $0xFFFFC000  }
0x6a4: {  	[tilespmem:s7], [sflag:$0x1] =	stream.indirect.gather [hbm4b:s4+s6], $0x10, s19, s6, $0xb8;
	[tilespmem:$0x8C00] =	vst v63  }
0x6a5: {  	s21 =	sld [smem:$0x7E8]  }
0x6a6: {  	[tilespmem:s14], [sflag:$0x1] =	stream.indirect.gather [hbm4b:s4+s6], $0x10, s20, s6, $0xb8;
	[tilespmem:$0x8C00] =	vst v63  }
0x6a7: {  	s22 =	sld [smem:$0x7E9]  }
0x6a8: {  	[tilespmem:s13], [sflag:$0x1] =	stream.indirect.gather [hbm4b:s4+s6], $0x10, s21, s6, $0xb8;
	[tilespmem:$0x8C00] =	vst v63  }
0x6a9: {  	s23 =	sld [smem:$0x7EA]  }
0x6aa: {  	[tilespmem:s12], [sflag:$0x1] =	stream.indirect.gather [hbm4b:s4+s6], $0x10, s22, s6, $0xb8;
	[tilespmem:$0x8C00] =	vst v63  }
0x6ab: {  	s24 =	sld [smem:$0x7EB]  }
0x6ac: {  	[tilespmem:s11], [sflag:$0x1] =	stream.indirect.gather [hbm4b:s4+s6], $0x10, s23, s6, $0xb8;
	[tilespmem:$0x8C00] =	vst v63  }
0x6ad: {  	s25 =	sld [smem:$0x7EC]  }
0x6ae: {  	[tilespmem:s10], [sflag:$0x1] =	stream.indirect.gather [hbm4b:s4+s6], $0x10, s24, s6, $0xb8;
	[tilespmem:$0x8C00] =	vst v63  }
0x6af: {  	s26 =	sld [smem:$0x7ED]  }
0x6b0: {  	[tilespmem:s8], [sflag:$0x1] =	stream.indirect.gather [hbm4b:s4+s6], $0x10, s25, s6, $0xb8;
	[tilespmem:$0x8C00] =	vst v63  }
0x6b1: {  	_ = 	snop  }
0x6b2: {  	[tilespmem:s9], [sflag:$0x1] =	stream.indirect.gather [hbm4b:s4+s6], $0x10, s26, s6, $0xb8;
	[tilespmem:$0x8C00] =	vst v63  }
0x6b3: {  	_ =	swait.ge [sflag:s5], $0x800  }
0x6b4: {  	[sflag:s5] =	ssyncset.done $0x0  }
0x6b5: {  	[sflag:s5] =	ssyncadd.s32 $0xFFFFF800  }
0x6b6: {  	_ =	swait.ge [sflag:s5], $0x800  }
0x6b7: {  	[sflag:s5] =	ssyncset.done $0x0  }
0x6b8: {  	[sflag:s5] =	ssyncadd.s32 $0xFFFFF800  }
0x6b9: {  	_ =	swait.ge [sflag:s5], $0x800  }
0x6ba: {  	[sflag:s5] =	ssyncset.done $0x0  }
0x6bb: {  	[sflag:s5] =	ssyncadd.s32 $0xFFFFF800  }
0x6bc: {  	_ =	swait.ge [sflag:s5], $0x800  }
0x6bd: {  	[sflag:s5] =	ssyncset.done $0x0  }
0x6be: {  	[sflag:s5] =	ssyncadd.s32 $0xFFFFF800  }
0x6bf: {  	_ =	swait.ge [sflag:s5], $0x800  }
0x6c0: {  	[sflag:s5] =	ssyncset.done $0x0  }
0x6c1: {  	[sflag:s5] =	ssyncadd.s32 $0xFFFFF800  }
0x6c2: {  	_ =	swait.ge [sflag:s5], $0x800  }
0x6c3: {  	[sflag:s5] =	ssyncset.done $0x0  }
0x6c4: {  	[sflag:s5] =	ssyncadd.s32 $0xFFFFF800  }
0x6c5: {  	_ =	swait.ge [sflag:s5], $0x800  }
0x6c6: {  	[sflag:s5] =	ssyncset.done $0x0  }
0x6c7: {  	[sflag:s5] =	ssyncadd.s32 $0xFFFFF800  }
0x6c8: {  	_ =	swait.ge [sflag:s5], $0x800  }
0x6c9: {  	[sflag:s5] =	ssyncset.done $0x0  }
0x6ca: {  	s28 =	rddreg [dreg:$0x15];
	[sflag:s5] =	ssyncadd.s32 $0xFFFFF800  }
0x6cb: {  	[hbm4b:s28+s2] =	stream.linear.scatter [tilespmem:s7], [sflag:$0x2], $0x4000, $0x38;
	[tilespmem:$0x8C00] =	vst v63  }
0x6cc: {  	_ =	swait.ge [sflag:s3], $0x4000  }
0x6cd: {  	s29 =	sld [smem:$0x7EE]  }
0x6ce: {  	[sflag:s3] =	ssyncset.done $0x0  }
0x6cf: {  	s30 =	sld [smem:$0x7EF];
	[sflag:s3] =	ssyncadd.s32 $0xFFFFC000  }
0x6d0: {  	[tilespmem:s7], [sflag:$0x1] =	stream.indirect.gather [hbm4b:s4+s6], $0x10, s29, s6, $0xb8;
	[tilespmem:$0x8C00] =	vst v63  }
0x6d1: {  	s31 =	sld [smem:$0x7F0]  }
0x6d2: {  	[tilespmem:s14], [sflag:$0x1] =	stream.indirect.gather [hbm4b:s4+s6], $0x10, s30, s6, $0xb8;
	[tilespmem:$0x8C00] =	vst v63  }
0x6d3: {  	s15 =	sld [smem:$0x7F1]  }
0x6d4: {  	[tilespmem:s13], [sflag:$0x1] =	stream.indirect.gather [hbm4b:s4+s6], $0x10, s31, s6, $0xb8;
	[tilespmem:$0x8C00] =	vst v63  }
0x6d5: {  	s16 =	sld [smem:$0x7F2]  }
0x6d6: {  	[tilespmem:s12], [sflag:$0x1] =	stream.indirect.gather [hbm4b:s4+s6], $0x10, s15, s6, $0xb8;
	[tilespmem:$0x8C00] =	vst v63  }
0x6d7: {  	s17 =	sld [smem:$0x7F3]  }
0x6d8: {  	[tilespmem:s11], [sflag:$0x1] =	stream.indirect.gather [hbm4b:s4+s6], $0x10, s16, s6, $0xb8;
	[tilespmem:$0x8C00] =	vst v63  }
0x6d9: {  	s18 =	sld [smem:$0x7F4]  }
0x6da: {  	[tilespmem:s10], [sflag:$0x1] =	stream.indirect.gather [hbm4b:s4+s6], $0x10, s17, s6, $0xb8;
	[tilespmem:$0x8C00] =	vst v63  }
0x6db: {  	s19 =	sld [smem:$0x7F5]  }
0x6dc: {  	[tilespmem:s8], [sflag:$0x1] =	stream.indirect.gather [hbm4b:s4+s6], $0x10, s18, s6, $0xb8;
	[tilespmem:$0x8C00] =	vst v63  }
0x6dd: {  	_ = 	snop  }
0x6de: {  	[tilespmem:s9], [sflag:$0x1] =	stream.indirect.gather [hbm4b:s4+s6], $0x10, s19, s6, $0xb8;
	[tilespmem:$0x8C00] =	vst v63  }
0x6df: {  	_ =	swait.ge [sflag:s5], $0x800  }
0x6e0: {  	[sflag:s5] =	ssyncset.done $0x0  }
0x6e1: {  	[sflag:s5] =	ssyncadd.s32 $0xFFFFF800  }
0x6e2: {  	_ =	swait.ge [sflag:s5], $0x800  }
0x6e3: {  	[sflag:s5] =	ssyncset.done $0x0  }
0x6e4: {  	[sflag:s5] =	ssyncadd.s32 $0xFFFFF800  }
0x6e5: {  	_ =	swait.ge [sflag:s5], $0x800  }
0x6e6: {  	[sflag:s5] =	ssyncset.done $0x0  }
0x6e7: {  	[sflag:s5] =	ssyncadd.s32 $0xFFFFF800  }
0x6e8: {  	_ =	swait.ge [sflag:s5], $0x800  }
0x6e9: {  	[sflag:s5] =	ssyncset.done $0x0  }
0x6ea: {  	[sflag:s5] =	ssyncadd.s32 $0xFFFFF800  }
0x6eb: {  	_ =	swait.ge [sflag:s5], $0x800  }
0x6ec: {  	[sflag:s5] =	ssyncset.done $0x0  }
0x6ed: {  	[sflag:s5] =	ssyncadd.s32 $0xFFFFF800  }
0x6ee: {  	_ =	swait.ge [sflag:s5], $0x800  }
0x6ef: {  	[sflag:s5] =	ssyncset.done $0x0  }
0x6f0: {  	[sflag:s5] =	ssyncadd.s32 $0xFFFFF800  }
0x6f1: {  	_ =	swait.ge [sflag:s5], $0x800  }
0x6f2: {  	[sflag:s5] =	ssyncset.done $0x0  }
0x6f3: {  	[sflag:s5] =	ssyncadd.s32 $0xFFFFF800  }
0x6f4: {  	_ =	swait.ge [sflag:s5], $0x800  }
0x6f5: {  	[sflag:s5] =	ssyncset.done $0x0  }
0x6f6: {  	s20 =	rddreg [dreg:$0x16];
	[sflag:s5] =	ssyncadd.s32 $0xFFFFF800  }
0x6f7: {  	[hbm4b:s20+s2] =	stream.linear.scatter [tilespmem:s7], [sflag:$0x2], $0x4000, $0x38;
	[tilespmem:$0x8C00] =	vst v63  }
0x6f8: {  	_ =	swait.ge [sflag:s3], $0x4000  }
0x6f9: {  	s21 =	sld [smem:$0x7F6]  }
0x6fa: {  	[sflag:s3] =	ssyncset.done $0x0  }
0x6fb: {  	s22 =	sld [smem:$0x7F7];
	[sflag:s3] =	ssyncadd.s32 $0xFFFFC000  }
0x6fc: {  	[tilespmem:s7], [sflag:$0x1] =	stream.indirect.gather [hbm4b:s4+s6], $0x10, s21, s6, $0xb8;
	[tilespmem:$0x8C00] =	vst v63  }
0x6fd: {  	s23 =	sld [smem:$0x7F8]  }
0x6fe: {  	[tilespmem:s14], [sflag:$0x1] =	stream.indirect.gather [hbm4b:s4+s6], $0x10, s22, s6, $0xb8;
	[tilespmem:$0x8C00] =	vst v63  }
0x6ff: {  	s24 =	sld [smem:$0x7F9]  }
0x700: {  	[tilespmem:s13], [sflag:$0x1] =	stream.indirect.gather [hbm4b:s4+s6], $0x10, s23, s6, $0xb8;
	[tilespmem:$0x8C00] =	vst v63  }
0x701: {  	s25 =	sld [smem:$0x7FA]  }
0x702: {  	[tilespmem:s12], [sflag:$0x1] =	stream.indirect.gather [hbm4b:s4+s6], $0x10, s24, s6, $0xb8;
	[tilespmem:$0x8C00] =	vst v63  }
0x703: {  	s26 =	sld [smem:$0x7FB]  }
0x704: {  	[tilespmem:s11], [sflag:$0x1] =	stream.indirect.gather [hbm4b:s4+s6], $0x10, s25, s6, $0xb8;
	[tilespmem:$0x8C00] =	vst v63  }
0x705: {  	s28 =	sld [smem:$0x7FC]  }
0x706: {  	[tilespmem:s10], [sflag:$0x1] =	stream.indirect.gather [hbm4b:s4+s6], $0x10, s26, s6, $0xb8;
	[tilespmem:$0x8C00] =	vst v63  }
0x707: {  	s29 =	sld [smem:$0x7FD]  }
0x708: {  	[tilespmem:s8], [sflag:$0x1] =	stream.indirect.gather [hbm4b:s4+s6], $0x10, s28, s6, $0xb8;
	[tilespmem:$0x8C00] =	vst v63  }
0x709: {  	_ = 	snop  }
0x70a: {  	[tilespmem:s9], [sflag:$0x1] =	stream.indirect.gather [hbm4b:s4+s6], $0x10, s29, s6, $0xb8;
	[tilespmem:$0x8C00] =	vst v63  }
0x70b: {  	_ =	swait.ge [sflag:s5], $0x800  }
0x70c: {  	[sflag:s5] =	ssyncset.done $0x0  }
0x70d: {  	[sflag:s5] =	ssyncadd.s32 $0xFFFFF800  }
0x70e: {  	_ =	swait.ge [sflag:s5], $0x800  }
0x70f: {  	[sflag:s5] =	ssyncset.done $0x0  }
0x710: {  	[sflag:s5] =	ssyncadd.s32 $0xFFFFF800  }
0x711: {  	_ =	swait.ge [sflag:s5], $0x800  }
0x712: {  	[sflag:s5] =	ssyncset.done $0x0  }
0x713: {  	[sflag:s5] =	ssyncadd.s32 $0xFFFFF800  }
0x714: {  	_ =	swait.ge [sflag:s5], $0x800  }
0x715: {  	[sflag:s5] =	ssyncset.done $0x0  }
0x716: {  	[sflag:s5] =	ssyncadd.s32 $0xFFFFF800  }
0x717: {  	_ =	swait.ge [sflag:s5], $0x800  }
0x718: {  	[sflag:s5] =	ssyncset.done $0x0  }
0x719: {  	[sflag:s5] =	ssyncadd.s32 $0xFFFFF800  }
0x71a: {  	_ =	swait.ge [sflag:s5], $0x800  }
0x71b: {  	[sflag:s5] =	ssyncset.done $0x0  }
0x71c: {  	[sflag:s5] =	ssyncadd.s32 $0xFFFFF800  }
0x71d: {  	_ =	swait.ge [sflag:s5], $0x800  }
0x71e: {  	[sflag:s5] =	ssyncset.done $0x0  }
0x71f: {  	[sflag:s5] =	ssyncadd.s32 $0xFFFFF800  }
0x720: {  	_ =	swait.ge [sflag:s5], $0x800  }
0x721: {  	[sflag:s5] =	ssyncset.done $0x0  }
0x722: {  	s30 =	rddreg [dreg:$0x17];
	[sflag:s5] =	ssyncadd.s32 $0xFFFFF800  }
0x723: {  	[hbm4b:s30+s2] =	stream.linear.scatter [tilespmem:s7], [sflag:$0x2], $0x4000, $0x38;
	[tilespmem:$0x8C00] =	vst v63  }
0x724: {  	_ =	swait.ge [sflag:s3], $0x4000  }
0x725: {  	[sflag:s3] =	ssyncset.done $0x0  }
0x726: {  	[sflag:s3] =	ssyncadd.s32 $0xFFFFC000  }
0x727: {  	_ =	sfence.sel $0x180000  }
0x728: {  	[bflag:$0x0] =	sbarrier.arrive $0xFFFF  }
0x729: {  	_ =	strace $0x90000047  }
0x72a: {  	s31 =	stileid.u32;
	[bflag:$0x2] =	sbarrier.arrive $0xFFFF  }
0x72b: {  	p0 =	sne.s32 s31, $0x0;
	s0 =	rddreg [dreg:$0x4]  }
0x72c: {  	s0 =	sadd.s32 @!p0 $0x100000, s0  }
0x72d: {  	[sflag:s0] =	ssyncadd.tile.s32 @!p0 $0x1;
	_ =	shalt  }
.LBB2_1:
.Ltmp3:
0x72e: {  	(pc) =	sbr.rel .LBB2_6-.Ltmp3, $2  }
0x72f: {  	_ =	sdelay $0x2  }
0x730: {  	s24 =	sld [smem:$0x7B7]  }
.LBB2_3:
.Ltmp4:
0x731: {  	(pc) =	sbr.rel .LBB2_6-.Ltmp4, $3  }
0x732: {  	_ =	sdelay $0x1  }
0x733: {  	s24 =	sld [smem:$0x7B7];
	s29 =	simm.s32 $0x2900;
	s25 =	simm.s32 $0x2980  }
0x734: {  	s26 =	simm.s32 $0x2A80;
	s28 =	simm.s32 $0x2B00;
	s30 =	simm.s32 $0x2B80  }
.Lfunc_end2:
_tile_overlayer_lowered:
.L_overlay_start_2:
0x735: {  	(tag) =	ssettag $0x2  }
0x736: {  	s0 =	rddreg [dreg:$0x0];
	s2 =	stileid.u32  }
0x737: {  	s1 =	rddreg [dreg:$0x1];
	p0 =	sne.s32 s2, $0x0  }
0x738: {  	s3 =	rddreg [dreg:$0x2];
	[bflag:$0x3] =	sbarrier.arrive $0xFFFF;
	s2 =	simm.s32 @!p0 $0x1C02  }
0x739: {  	[timem:s3], [sflag:s2] =	dma.local @!p0 [hbm:s0], s1  }
0x73a: {  	s0 =	simm.s32 @!p0 $0x2  }
0x73b: {  	_ =	swait.ge @!p0 [sflag:s0], s1  }
0x73c: {  	s1 =	ssub.s32 @!p0 $0x0, s1;
	[sflag:s0] =	ssyncset.done @!p0 $0x0  }
0x73d: {  	[sflag:s0] =	ssyncadd.s32 @!p0 s1  }
0x73e: {  	[bflag:$0x3] =	sbarrier.arrive $0xFFFF  }
0x73f: {  	_ =	shalt  }

</sc_bundles>
